<compile_context>
chip_gen: v7x
topology: tpu7x:2x2x1
jax: 0.10.2.dev20260603
libtpu: 0.0.44.dev20260713+nightly
codegen_flags: <defaults>
</compile_context>

<pallas_src>
import jax
import jax.numpy as jnp
from jax import lax
from jax.experimental import pallas as pl
from jax.experimental.pallas import tpu as pltpu
from jax.experimental.pallas import tpu_sc as plsc

NC = 2
NS = 16
NW = NC * NS
LANES = 16

W = 20
E = 128
N_UNITS = 1024 * 20 + 1024
UNITS_PER_WORKER = N_UNITS // NW
CHUNK = 6
N_CHUNKS = UNITS_PER_WORKER // CHUNK
ROWS = CHUNK * W
HALF_CHUNKS = N_CHUNKS // 2
STAGE_UNITS = HALF_CHUNKS * CHUNK
NBUF = 4
IDX_PER_WORKER = N_CHUNKS * ROWS


def _wsum_body(idx_hbm, pos_hbm, table_hbm, out_hbm, idx_v, pos_v, rows_all,
               stage_v, gsem0, gsem1, gsem2, gsem3, osem):
    gsems = [gsem0, gsem1, gsem2, gsem3]
    cid = lax.axis_index("c")
    sid = lax.axis_index("s")
    wid = sid * NC + cid
    pltpu.sync_copy(idx_hbm.at[pl.ds(wid * IDX_PER_WORKER, IDX_PER_WORKER)],
                    idx_v)
    pltpu.sync_copy(pos_hbm, pos_v)
    base = wid * UNITS_PER_WORKER * E

    def gather_start(c, k):
        pltpu.async_copy(table_hbm.at[idx_v.at[pl.ds(c * ROWS, ROWS)]],
                         rows_all.at[k], gsems[k])

    def gather_wait(c, k):
        pltpu.make_async_copy(table_hbm.at[idx_v.at[pl.ds(c * ROWS, ROWS)]],
                              rows_all.at[k], gsems[k]).wait()

    def compute(c, k):
        slot = lax.rem(c, HALF_CHUNKS) * CHUNK
        for j in range(E // LANES):
            col = pl.ds(j * LANES, LANES)

            def w_body(w, accs):
                pv = pos_v[w, col]
                return tuple(accs[s] + rows_all[k, s * W + w, col] * pv
                             for s in range(CHUNK))

            zero = jnp.zeros((LANES,), jnp.float32)
            accs = lax.fori_loop(0, W, w_body,
                                 tuple(zero for _ in range(CHUNK)))
            for s in range(CHUNK):
                stage_v[pl.ds((slot + s) * E + j * LANES, LANES)] = accs[s]

    def group_body(g, carry):
        for k in range(NBUF):
            gather_start(NBUF * g + k, k)
        for k in range(NBUF):
            gather_wait(NBUF * g + k, k)

        @pl.when(g == HALF_CHUNKS // NBUF)
        def _():
            pltpu.make_async_copy(
                stage_v, out_hbm.at[pl.ds(base, STAGE_UNITS * E)],
                osem).wait()

        for k in range(NBUF):
            c = NBUF * g + k
            compute(c, k)

            if k == NBUF - 1:
                @pl.when(c == HALF_CHUNKS - 1)
                def _():
                    pltpu.async_copy(
                        stage_v, out_hbm.at[pl.ds(base, STAGE_UNITS * E)],
                        osem)

                @pl.when(c == N_CHUNKS - 1)
                def _():
                    pltpu.sync_copy(
                        stage_v,
                        out_hbm.at[pl.ds(base + STAGE_UNITS * E,
                                         STAGE_UNITS * E)])
        return carry

    lax.fori_loop(0, N_CHUNKS // NBUF, group_body, 0)


@jax.jit
def _run(idx_all, pos, table):
    mesh = plsc.VectorSubcoreMesh(core_axis_name="c", subcore_axis_name="s",
                                  num_cores=NC, num_subcores=NS)
    k = pl.kernel(
        _wsum_body,
        out_type=jax.ShapeDtypeStruct((N_UNITS * E,), jnp.float32),
        mesh=mesh,
        scratch_types=[
            pltpu.VMEM((IDX_PER_WORKER,), jnp.int32),
            pltpu.VMEM((W, E), jnp.float32),
            pltpu.VMEM((NBUF, ROWS, E), jnp.float32),
            pltpu.VMEM((STAGE_UNITS * E,), jnp.float32),
            pltpu.SemaphoreType.DMA,
            pltpu.SemaphoreType.DMA,
            pltpu.SemaphoreType.DMA,
            pltpu.SemaphoreType.DMA,
            pltpu.SemaphoreType.DMA,
        ],
    )
    return k(idx_all, pos, table)


def kernel(story, query, word_table, pos_embed):
    b, s, w = story.shape
    idx_all = jnp.concatenate(
        [story.reshape(b * s, w), query], axis=0).reshape(-1)
    out = _run(idx_all, pos_embed[:w], word_table)
    out = out.reshape(N_UNITS, E)
    sentence_sum = out[:b * s].reshape(b, s, E)
    query_sum = out[b * s:]
    return sentence_sum, query_sum

# --- scband reference (transcript-rebuilt; emitter-appended) ---
"""Pipeline reference for scband-input-module-6640019440394 (READ-ONLY COPY).

The authoritative reference and input builder live on the scoring server;
editing this copy changes nothing except your own understanding.
"""

import jax, jax.numpy as jnp
import numpy as np

VOCAB = 100000
EMBED = 128
MAX_SEQ = 20
INIT_LIMIT = 0.1
BATCH = 1024
N_SENT = 20
N_WORD = 20


def setup_inputs(seed: int = 0) -> dict:
    key = jax.random.key(seed)
    k1, k2, k3 = jax.random.split(key, 3)
    story = jax.random.randint(k1, (BATCH, N_SENT, N_WORD), 0, VOCAB, dtype=jnp.int64 if jax.config.jax_enable_x64 else jnp.int32).astype(jnp.int32)
    query = jax.random.randint(k2, (BATCH, N_WORD), 0, VOCAB).astype(jnp.int32)
    word_table = jax.random.uniform(k3, (VOCAB, EMBED), minval=-INIT_LIMIT, maxval=INIT_LIMIT, dtype=jnp.float32)
    pos_embed = jnp.ones((MAX_SEQ, EMBED), dtype=jnp.float32) / float(MAX_SEQ)
    return {"story": story, "query": query, "word_table": word_table, "pos_embed": pos_embed}


def reference(story, query, word_table, pos_embed):
    # word_embed lookup: [B, S, W, E]
    sentence_embed = jnp.take(word_table, story, axis=0)
    w = sentence_embed.shape[2]
    # position-weighted sum over words: einsum('bswe,we->bse')
    sentence_sum = jnp.einsum('bswe,we->bse', sentence_embed, pos_embed[:w])
    # query lookup: [B, W, E]
    query_embed = jnp.take(word_table, query, axis=0)
    qw = query_embed.shape[1]
    query_sum = jnp.einsum('bwe,we->be', query_embed, pos_embed[:qw])
    return (sentence_sum, query_sum)

if __name__ == "__main__":
    import jax
    _d = setup_inputs()
    print(jax.jit(kernel)(*tuple(_d.values())))

</pallas_src>

<mosaic_0001>
#map = affine_map<(d0, d1) -> (0)>
#map1 = affine_map<(d0, d1) -> (0, 0)>
module attributes {stable_mosaic.version = 14 : i64} {
  func.func @_wsum_body(%arg0: i32, %arg1: i32, %arg2: memref<430080xi32, #tpu.memory_space<hbm>>, %arg3: memref<20x128xf32, #tpu.memory_space<hbm>>, %arg4: memref<100000x128xf32, #tpu.memory_space<hbm>>, %arg5: memref<2752512xf32, #tpu.memory_space<hbm>>, %arg6: memref<13440xi32, #tpu.memory_space<vmem>>, %arg7: memref<20x128xf32, #tpu.memory_space<vmem>>, %arg8: memref<4x120x128xf32, #tpu.memory_space<vmem>>, %arg9: memref<43008xf32, #tpu.memory_space<vmem>>, %arg10: memref<!tpu.dma_semaphore, #tpu.memory_space<semaphore_mem>>, %arg11: memref<!tpu.dma_semaphore, #tpu.memory_space<semaphore_mem>>, %arg12: memref<!tpu.dma_semaphore, #tpu.memory_space<semaphore_mem>>, %arg13: memref<!tpu.dma_semaphore, #tpu.memory_space<semaphore_mem>>, %arg14: memref<!tpu.dma_semaphore, #tpu.memory_space<semaphore_mem>>) attributes {dimension_semantics = [#tpu.dimension_semantics<core_parallel>, #tpu.dimension_semantics<subcore_parallel>], iteration_bounds = array<i64: 2, 16>, scalar_prefetch = 0 : i64, scratch_operands = 9 : i64, tpu.core_type = #tpu.core_type<sc_vector_subcore>, window_params = [{transform_indices = #map}, {transform_indices = #map1}, {transform_indices = #map1}, {transform_indices = #map}]} {
    %mul3A = arith.constant 2 : i32
    %mul3A_0 = arith.muli %arg1, %mul3A : i32
    %add3A = arith.addi %mul3A_0, %arg0 : i32
    %mul3A_1 = arith.constant 13440 : i32
    %mul3A_2 = arith.muli %add3A, %mul3A_1 : i32
    "tpu.region"() ({
      %run_scoped3A = tpu.sem_alloc : memref<!tpu.dma_semaphore, #tpu.memory_space<semaphore_mem>>
      %dma_start3A = tpu.memref_slice %arg2[%mul3A_2] : memref<430080xi32, #tpu.memory_space<hbm>> -> memref<13440xi32, #tpu.memory_space<hbm>>
      %dma_start3A_12 = tpu.memref_slice %arg2[%mul3A_2] : memref<430080xi32, #tpu.memory_space<hbm>> -> memref<13440xi32, #tpu.memory_space<hbm>>
      tpu.enqueue_dma source(%dma_start3A_12 : memref<13440xi32, #tpu.memory_space<hbm>>) target(%arg6 : memref<13440xi32, #tpu.memory_space<vmem>>) target_semaphore(%run_scoped3A : memref<!tpu.dma_semaphore, #tpu.memory_space<semaphore_mem>>)
      %dma_wait3A = tpu.memref_slice %arg2[%mul3A_2] : memref<430080xi32, #tpu.memory_space<hbm>> -> memref<13440xi32, #tpu.memory_space<hbm>>
      %dma_wait3A_13 = tpu.memref_slice %arg2[%mul3A_2] : memref<430080xi32, #tpu.memory_space<hbm>> -> memref<13440xi32, #tpu.memory_space<hbm>>
      tpu.wait_dma2 semaphore(%run_scoped3A : memref<!tpu.dma_semaphore, #tpu.memory_space<semaphore_mem>>) src(%dma_wait3A_13 : memref<13440xi32, #tpu.memory_space<hbm>>) dst(%arg6 : memref<13440xi32, #tpu.memory_space<vmem>>)
      tpu.yield
    }) : () -> ()
    "tpu.region"() ({
      %run_scoped3A = tpu.sem_alloc : memref<!tpu.dma_semaphore, #tpu.memory_space<semaphore_mem>>
      tpu.enqueue_dma source(%arg3 : memref<20x128xf32, #tpu.memory_space<hbm>>) target(%arg7 : memref<20x128xf32, #tpu.memory_space<vmem>>) target_semaphore(%run_scoped3A : memref<!tpu.dma_semaphore, #tpu.memory_space<semaphore_mem>>)
      tpu.wait_dma2 semaphore(%run_scoped3A : memref<!tpu.dma_semaphore, #tpu.memory_space<semaphore_mem>>) src(%arg3 : memref<20x128xf32, #tpu.memory_space<hbm>>) dst(%arg7 : memref<20x128xf32, #tpu.memory_space<vmem>>)
      tpu.yield
    }) : () -> ()
    %mul3A_3 = arith.constant 672 : i32
    %mul3A_4 = arith.muli %add3A, %mul3A_3 : i32
    %mul3A_5 = arith.constant 128 : i32
    %mul3A_6 = arith.muli %mul3A_4, %mul3A_5 : i32
    %scan3A = arith.constant 0 : i32
    %scan3A_7 = arith.constant 0 : i32
    %scan3A_8 = arith.constant 28 : i32
    %scan3A_9 = arith.addi %scan3A_7, %scan3A_8 : i32
    %scan3A_10 = arith.constant 1 : i32
    scf.for %scan3A_12 = %scan3A_7 to %scan3A_9 step %scan3A_10  : i32 {
      %mul3A_13 = arith.constant 4 : i32
      %mul3A_14 = arith.muli %mul3A_13, %scan3A_12 : i32
      %add3A_15 = arith.constant 0 : i32
      %add3A_16 = arith.addi %mul3A_14, %add3A_15 : i32
      %mul3A_17 = arith.constant 120 : i32
      %mul3A_18 = arith.muli %add3A_16, %mul3A_17 : i32
      %dma_start3A = arith.constant 0 : i32
      %dma_start3A_19 = arith.constant 0 : i32
      %dma_start3A_20 = arith.constant 0 : i32
      %dma_start3A_21 = tpu.memref_slice %arg8[%dma_start3A, %dma_start3A_19, %dma_start3A_20] : memref<4x120x128xf32, #tpu.memory_space<vmem>> -> memref<1x120x128xf32, #tpu.memory_space<vmem>>
      %dma_start3A_22 = tpu.memref_squeeze %dma_start3A_21 : memref<1x120x128xf32, #tpu.memory_space<vmem>> -> memref<120x128xf32, #tpu.memory_space<vmem>>
      %dma_start3A_23 = tpu.memref_slice %arg6[%mul3A_18] : memref<13440xi32, #tpu.memory_space<vmem>> -> memref<120xi32, #tpu.memory_space<vmem>>
      %dma_start3A_24 = arith.constant 0 : i32
      %dma_start3A_25 = arith.constant 0 : i32
      %dma_start3A_26 = tpu.memref_slice %arg4[%dma_start3A_24, %dma_start3A_25] : memref<100000x128xf32, #tpu.memory_space<hbm>> -> memref<100000x128xf32, #tpu.memory_space<hbm>>
      tpu.enqueue_indirect_dma source(%dma_start3A_26 : memref<100000x128xf32, #tpu.memory_space<hbm>>) target(%dma_start3A_22 : memref<120x128xf32, #tpu.memory_space<vmem>>) offsets(%dma_start3A_23 : memref<120xi32, #tpu.memory_space<vmem>>) semaphore(%arg10 : memref<!tpu.dma_semaphore, #tpu.memory_space<semaphore_mem>>)
      %mul3A_27 = arith.constant 4 : i32
      %mul3A_28 = arith.muli %mul3A_27, %scan3A_12 : i32
      %add3A_29 = arith.constant 1 : i32
      %add3A_30 = arith.addi %mul3A_28, %add3A_29 : i32
      %mul3A_31 = arith.constant 120 : i32
      %mul3A_32 = arith.muli %add3A_30, %mul3A_31 : i32
      %dma_start3A_33 = arith.constant 1 : i32
      %dma_start3A_34 = arith.constant 0 : i32
      %dma_start3A_35 = arith.constant 0 : i32
      %dma_start3A_36 = tpu.memref_slice %arg8[%dma_start3A_33, %dma_start3A_34, %dma_start3A_35] : memref<4x120x128xf32, #tpu.memory_space<vmem>> -> memref<1x120x128xf32, #tpu.memory_space<vmem>>
      %dma_start3A_37 = tpu.memref_squeeze %dma_start3A_36 : memref<1x120x128xf32, #tpu.memory_space<vmem>> -> memref<120x128xf32, #tpu.memory_space<vmem>>
      %dma_start3A_38 = tpu.memref_slice %arg6[%mul3A_32] : memref<13440xi32, #tpu.memory_space<vmem>> -> memref<120xi32, #tpu.memory_space<vmem>>
      %dma_start3A_39 = arith.constant 0 : i32
      %dma_start3A_40 = arith.constant 0 : i32
      %dma_start3A_41 = tpu.memref_slice %arg4[%dma_start3A_39, %dma_start3A_40] : memref<100000x128xf32, #tpu.memory_space<hbm>> -> memref<100000x128xf32, #tpu.memory_space<hbm>>
      tpu.enqueue_indirect_dma source(%dma_start3A_41 : memref<100000x128xf32, #tpu.memory_space<hbm>>) target(%dma_start3A_37 : memref<120x128xf32, #tpu.memory_space<vmem>>) offsets(%dma_start3A_38 : memref<120xi32, #tpu.memory_space<vmem>>) semaphore(%arg11 : memref<!tpu.dma_semaphore, #tpu.memory_space<semaphore_mem>>)
      %mul3A_42 = arith.constant 4 : i32
      %mul3A_43 = arith.muli %mul3A_42, %scan3A_12 : i32
      %add3A_44 = arith.constant 2 : i32
      %add3A_45 = arith.addi %mul3A_43, %add3A_44 : i32
      %mul3A_46 = arith.constant 120 : i32
      %mul3A_47 = arith.muli %add3A_45, %mul3A_46 : i32
      %dma_start3A_48 = arith.constant 2 : i32
      %dma_start3A_49 = arith.constant 0 : i32
      %dma_start3A_50 = arith.constant 0 : i32
      %dma_start3A_51 = tpu.memref_slice %arg8[%dma_start3A_48, %dma_start3A_49, %dma_start3A_50] : memref<4x120x128xf32, #tpu.memory_space<vmem>> -> memref<1x120x128xf32, #tpu.memory_space<vmem>>
      %dma_start3A_52 = tpu.memref_squeeze %dma_start3A_51 : memref<1x120x128xf32, #tpu.memory_space<vmem>> -> memref<120x128xf32, #tpu.memory_space<vmem>>
      %dma_start3A_53 = tpu.memref_slice %arg6[%mul3A_47] : memref<13440xi32, #tpu.memory_space<vmem>> -> memref<120xi32, #tpu.memory_space<vmem>>
      %dma_start3A_54 = arith.constant 0 : i32
      %dma_start3A_55 = arith.constant 0 : i32
      %dma_start3A_56 = tpu.memref_slice %arg4[%dma_start3A_54, %dma_start3A_55] : memref<100000x128xf32, #tpu.memory_space<hbm>> -> memref<100000x128xf32, #tpu.memory_space<hbm>>
      tpu.enqueue_indirect_dma source(%dma_start3A_56 : memref<100000x128xf32, #tpu.memory_space<hbm>>) target(%dma_start3A_52 : memref<120x128xf32, #tpu.memory_space<vmem>>) offsets(%dma_start3A_53 : memref<120xi32, #tpu.memory_space<vmem>>) semaphore(%arg12 : memref<!tpu.dma_semaphore, #tpu.memory_space<semaphore_mem>>)
      %mul3A_57 = arith.constant 4 : i32
      %mul3A_58 = arith.muli %mul3A_57, %scan3A_12 : i32
      %add3A_59 = arith.constant 3 : i32
      %add3A_60 = arith.addi %mul3A_58, %add3A_59 : i32
      %mul3A_61 = arith.constant 120 : i32
      %mul3A_62 = arith.muli %add3A_60, %mul3A_61 : i32
      %dma_start3A_63 = arith.constant 3 : i32
      %dma_start3A_64 = arith.constant 0 : i32
      %dma_start3A_65 = arith.constant 0 : i32
      %dma_start3A_66 = tpu.memref_slice %arg8[%dma_start3A_63, %dma_start3A_64, %dma_start3A_65] : memref<4x120x128xf32, #tpu.memory_space<vmem>> -> memref<1x120x128xf32, #tpu.memory_space<vmem>>
      %dma_start3A_67 = tpu.memref_squeeze %dma_start3A_66 : memref<1x120x128xf32, #tpu.memory_space<vmem>> -> memref<120x128xf32, #tpu.memory_space<vmem>>
      %dma_start3A_68 = tpu.memref_slice %arg6[%mul3A_62] : memref<13440xi32, #tpu.memory_space<vmem>> -> memref<120xi32, #tpu.memory_space<vmem>>
      %dma_start3A_69 = arith.constant 0 : i32
      %dma_start3A_70 = arith.constant 0 : i32
      %dma_start3A_71 = tpu.memref_slice %arg4[%dma_start3A_69, %dma_start3A_70] : memref<100000x128xf32, #tpu.memory_space<hbm>> -> memref<100000x128xf32, #tpu.memory_space<hbm>>
      tpu.enqueue_indirect_dma source(%dma_start3A_71 : memref<100000x128xf32, #tpu.memory_space<hbm>>) target(%dma_start3A_67 : memref<120x128xf32, #tpu.memory_space<vmem>>) offsets(%dma_start3A_68 : memref<120xi32, #tpu.memory_space<vmem>>) semaphore(%arg13 : memref<!tpu.dma_semaphore, #tpu.memory_space<semaphore_mem>>)
      %mul3A_72 = arith.constant 4 : i32
      %mul3A_73 = arith.muli %mul3A_72, %scan3A_12 : i32
      %add3A_74 = arith.constant 0 : i32
      %add3A_75 = arith.addi %mul3A_73, %add3A_74 : i32
      %mul3A_76 = arith.constant 120 : i32
      %mul3A_77 = arith.muli %add3A_75, %mul3A_76 : i32
      %dma_wait3A = arith.constant 0 : i32
      %dma_wait3A_78 = arith.constant 0 : i32
      %dma_wait3A_79 = arith.constant 0 : i32
      %dma_wait3A_80 = tpu.memref_slice %arg8[%dma_wait3A, %dma_wait3A_78, %dma_wait3A_79] : memref<4x120x128xf32, #tpu.memory_space<vmem>> -> memref<1x120x128xf32, #tpu.memory_space<vmem>>
      %dma_wait3A_81 = tpu.memref_squeeze %dma_wait3A_80 : memref<1x120x128xf32, #tpu.memory_space<vmem>> -> memref<120x128xf32, #tpu.memory_space<vmem>>
      %dma_wait3A_82 = tpu.memref_slice %arg6[%mul3A_77] : memref<13440xi32, #tpu.memory_space<vmem>> -> memref<120xi32, #tpu.memory_space<vmem>>
      %dma_wait3A_83 = arith.constant 0 : i32
      %dma_wait3A_84 = arith.constant 0 : i32
      %dma_wait3A_85 = tpu.memref_slice %arg4[%dma_wait3A_83, %dma_wait3A_84] : memref<100000x128xf32, #tpu.memory_space<hbm>> -> memref<100000x128xf32, #tpu.memory_space<hbm>>
      tpu.wait_indirect_dma semaphore(%arg10 : memref<!tpu.dma_semaphore, #tpu.memory_space<semaphore_mem>>) src(%dma_wait3A_85 : memref<100000x128xf32, #tpu.memory_space<hbm>>) dst(%dma_wait3A_81 : memref<120x128xf32, #tpu.memory_space<vmem>>)
      %mul3A_86 = arith.constant 4 : i32
      %mul3A_87 = arith.muli %mul3A_86, %scan3A_12 : i32
      %add3A_88 = arith.constant 1 : i32
      %add3A_89 = arith.addi %mul3A_87, %add3A_88 : i32
      %mul3A_90 = arith.constant 120 : i32
      %mul3A_91 = arith.muli %add3A_89, %mul3A_90 : i32
      %dma_wait3A_92 = arith.constant 1 : i32
      %dma_wait3A_93 = arith.constant 0 : i32
      %dma_wait3A_94 = arith.constant 0 : i32
      %dma_wait3A_95 = tpu.memref_slice %arg8[%dma_wait3A_92, %dma_wait3A_93, %dma_wait3A_94] : memref<4x120x128xf32, #tpu.memory_space<vmem>> -> memref<1x120x128xf32, #tpu.memory_space<vmem>>
      %dma_wait3A_96 = tpu.memref_squeeze %dma_wait3A_95 : memref<1x120x128xf32, #tpu.memory_space<vmem>> -> memref<120x128xf32, #tpu.memory_space<vmem>>
      %dma_wait3A_97 = tpu.memref_slice %arg6[%mul3A_91] : memref<13440xi32, #tpu.memory_space<vmem>> -> memref<120xi32, #tpu.memory_space<vmem>>
      %dma_wait3A_98 = arith.constant 0 : i32
      %dma_wait3A_99 = arith.constant 0 : i32
      %dma_wait3A_100 = tpu.memref_slice %arg4[%dma_wait3A_98, %dma_wait3A_99] : memref<100000x128xf32, #tpu.memory_space<hbm>> -> memref<100000x128xf32, #tpu.memory_space<hbm>>
      tpu.wait_indirect_dma semaphore(%arg11 : memref<!tpu.dma_semaphore, #tpu.memory_space<semaphore_mem>>) src(%dma_wait3A_100 : memref<100000x128xf32, #tpu.memory_space<hbm>>) dst(%dma_wait3A_96 : memref<120x128xf32, #tpu.memory_space<vmem>>)
      %mul3A_101 = arith.constant 4 : i32
      %mul3A_102 = arith.muli %mul3A_101, %scan3A_12 : i32
      %add3A_103 = arith.constant 2 : i32
      %add3A_104 = arith.addi %mul3A_102, %add3A_103 : i32
      %mul3A_105 = arith.constant 120 : i32
      %mul3A_106 = arith.muli %add3A_104, %mul3A_105 : i32
      %dma_wait3A_107 = arith.constant 2 : i32
      %dma_wait3A_108 = arith.constant 0 : i32
      %dma_wait3A_109 = arith.constant 0 : i32
      %dma_wait3A_110 = tpu.memref_slice %arg8[%dma_wait3A_107, %dma_wait3A_108, %dma_wait3A_109] : memref<4x120x128xf32, #tpu.memory_space<vmem>> -> memref<1x120x128xf32, #tpu.memory_space<vmem>>
      %dma_wait3A_111 = tpu.memref_squeeze %dma_wait3A_110 : memref<1x120x128xf32, #tpu.memory_space<vmem>> -> memref<120x128xf32, #tpu.memory_space<vmem>>
      %dma_wait3A_112 = tpu.memref_slice %arg6[%mul3A_106] : memref<13440xi32, #tpu.memory_space<vmem>> -> memref<120xi32, #tpu.memory_space<vmem>>
      %dma_wait3A_113 = arith.constant 0 : i32
      %dma_wait3A_114 = arith.constant 0 : i32
      %dma_wait3A_115 = tpu.memref_slice %arg4[%dma_wait3A_113, %dma_wait3A_114] : memref<100000x128xf32, #tpu.memory_space<hbm>> -> memref<100000x128xf32, #tpu.memory_space<hbm>>
      tpu.wait_indirect_dma semaphore(%arg12 : memref<!tpu.dma_semaphore, #tpu.memory_space<semaphore_mem>>) src(%dma_wait3A_115 : memref<100000x128xf32, #tpu.memory_space<hbm>>) dst(%dma_wait3A_111 : memref<120x128xf32, #tpu.memory_space<vmem>>)
      %mul3A_116 = arith.constant 4 : i32
      %mul3A_117 = arith.muli %mul3A_116, %scan3A_12 : i32
      %add3A_118 = arith.constant 3 : i32
      %add3A_119 = arith.addi %mul3A_117, %add3A_118 : i32
      %mul3A_120 = arith.constant 120 : i32
      %mul3A_121 = arith.muli %add3A_119, %mul3A_120 : i32
      %dma_wait3A_122 = arith.constant 3 : i32
      %dma_wait3A_123 = arith.constant 0 : i32
      %dma_wait3A_124 = arith.constant 0 : i32
      %dma_wait3A_125 = tpu.memref_slice %arg8[%dma_wait3A_122, %dma_wait3A_123, %dma_wait3A_124] : memref<4x120x128xf32, #tpu.memory_space<vmem>> -> memref<1x120x128xf32, #tpu.memory_space<vmem>>
      %dma_wait3A_126 = tpu.memref_squeeze %dma_wait3A_125 : memref<1x120x128xf32, #tpu.memory_space<vmem>> -> memref<120x128xf32, #tpu.memory_space<vmem>>
      %dma_wait3A_127 = tpu.memref_slice %arg6[%mul3A_121] : memref<13440xi32, #tpu.memory_space<vmem>> -> memref<120xi32, #tpu.memory_space<vmem>>
      %dma_wait3A_128 = arith.constant 0 : i32
      %dma_wait3A_129 = arith.constant 0 : i32
      %dma_wait3A_130 = tpu.memref_slice %arg4[%dma_wait3A_128, %dma_wait3A_129] : memref<100000x128xf32, #tpu.memory_space<hbm>> -> memref<100000x128xf32, #tpu.memory_space<hbm>>
      tpu.wait_indirect_dma semaphore(%arg13 : memref<!tpu.dma_semaphore, #tpu.memory_space<semaphore_mem>>) src(%dma_wait3A_130 : memref<100000x128xf32, #tpu.memory_space<hbm>>) dst(%dma_wait3A_126 : memref<120x128xf32, #tpu.memory_space<vmem>>)
      %eq3A = arith.constant 14 : i32
      %eq3A_131 = arith.cmpi eq, %scan3A_12, %eq3A : i32
      %convert_element_type3A = arith.extui %eq3A_131 : i1 to i32
      %cond3A = arith.constant 0 : i32
      %cond3A_132 = arith.cmpi ne, %convert_element_type3A, %cond3A : i32
      scf.if %cond3A_132 {
        %dma_wait3A_2348 = tpu.memref_slice %arg5[%mul3A_6] : memref<2752512xf32, #tpu.memory_space<hbm>> -> memref<43008xf32, #tpu.memory_space<hbm>>
        %dma_wait3A_2349 = tpu.memref_slice %arg5[%mul3A_6] : memref<2752512xf32, #tpu.memory_space<hbm>> -> memref<43008xf32, #tpu.memory_space<hbm>>
        tpu.wait_dma2 semaphore(%arg14 : memref<!tpu.dma_semaphore, #tpu.memory_space<semaphore_mem>>) src(%arg9 : memref<43008xf32, #tpu.memory_space<vmem>>) dst(%dma_wait3A_2349 : memref<43008xf32, #tpu.memory_space<hbm>>)
      } else {
      }
      %mul3A_133 = arith.constant 4 : i32
      %mul3A_134 = arith.muli %mul3A_133, %scan3A_12 : i32
      %add3A_135 = arith.constant 0 : i32
      %add3A_136 = arith.addi %mul3A_134, %add3A_135 : i32
      %rem3A = arith.constant 56 : i32
      %rem3A_137 = arith.remsi %add3A_136, %rem3A : i32
      %mul3A_138 = arith.constant 6 : i32
      %mul3A_139 = arith.muli %rem3A_137, %mul3A_138 : i32
      %broadcast_in_dim3A = arith.constant 0.000000e+00 : f32
      %broadcast_in_dim3A_140 = vector.broadcast %broadcast_in_dim3A : f32 to vector<16xf32>
      %scan3A_141 = arith.constant 0 : i32
      %scan3A_142 = arith.constant 20 : i32
      %scan3A_143 = arith.addi %scan3A_141, %scan3A_142 : i32
      %scan3A_144 = arith.constant 1 : i32
      %scan3A_145:6 = scf.for %scan3A_2348 = %scan3A_141 to %scan3A_143 step %scan3A_144 iter_args(%scan3A_2349 = %broadcast_in_dim3A_140, %scan3A_2350 = %broadcast_in_dim3A_140, %scan3A_2351 = %broadcast_in_dim3A_140, %scan3A_2352 = %broadcast_in_dim3A_140, %scan3A_2353 = %broadcast_in_dim3A_140, %scan3A_2354 = %broadcast_in_dim3A_140) -> (vector<16xf32>, vector<16xf32>, vector<16xf32>, vector<16xf32>, vector<16xf32>, vector<16xf32>)  : i32 {
        %get3A = arith.index_cast %scan3A_2348 : i32 to index
        %get3A_2355 = arith.constant 0 : index
        %get3A_2356 = tpu.vector_load %arg7[%get3A, %get3A_2355] {strides = array<i32>} : memref<20x128xf32, #tpu.memory_space<vmem>>, vector<1x16xf32>,
        %get3A_2357 = vector.shape_cast %get3A_2356 : vector<1x16xf32> to vector<16xf32>
        %add3A_2358 = arith.constant 0 : i32
        %add3A_2359 = arith.addi %add3A_2358, %scan3A_2348 : i32
        %get3A_2360 = arith.constant 0 : i32
        %get3A_2361 = arith.index_cast %get3A_2360 : i32 to index
        %get3A_2362 = arith.index_cast %add3A_2359 : i32 to index
        %get3A_2363 = arith.constant 0 : index
        %get3A_2364 = tpu.vector_load %arg8[%get3A_2361, %get3A_2362, %get3A_2363] {strides = array<i32>} : memref<4x120x128xf32, #tpu.memory_space<vmem>>, vector<1x1x16xf32>,
        %get3A_2365 = vector.shape_cast %get3A_2364 : vector<1x1x16xf32> to vector<16xf32>
        %mul3A_2366 = arith.mulf %get3A_2365, %get3A_2357 : vector<16xf32>
        %add3A_2367 = arith.addf %scan3A_2349, %mul3A_2366 : vector<16xf32>
        %add3A_2368 = arith.constant 20 : i32
        %add3A_2369 = arith.addi %add3A_2368, %scan3A_2348 : i32
        %get3A_2370 = arith.constant 0 : i32
        %get3A_2371 = arith.index_cast %get3A_2370 : i32 to index
        %get3A_2372 = arith.index_cast %add3A_2369 : i32 to index
        %get3A_2373 = arith.constant 0 : index
        %get3A_2374 = tpu.vector_load %arg8[%get3A_2371, %get3A_2372, %get3A_2373] {strides = array<i32>} : memref<4x120x128xf32, #tpu.memory_space<vmem>>, vector<1x1x16xf32>,
        %get3A_2375 = vector.shape_cast %get3A_2374 : vector<1x1x16xf32> to vector<16xf32>
        %mul3A_2376 = arith.mulf %get3A_2375, %get3A_2357 : vector<16xf32>
        %add3A_2377 = arith.addf %scan3A_2350, %mul3A_2376 : vector<16xf32>
        %add3A_2378 = arith.constant 40 : i32
        %add3A_2379 = arith.addi %add3A_2378, %scan3A_2348 : i32
        %get3A_2380 = arith.constant 0 : i32
        %get3A_2381 = arith.index_cast %get3A_2380 : i32 to index
        %get3A_2382 = arith.index_cast %add3A_2379 : i32 to index
        %get3A_2383 = arith.constant 0 : index
        %get3A_2384 = tpu.vector_load %arg8[%get3A_2381, %get3A_2382, %get3A_2383] {strides = array<i32>} : memref<4x120x128xf32, #tpu.memory_space<vmem>>, vector<1x1x16xf32>,
        %get3A_2385 = vector.shape_cast %get3A_2384 : vector<1x1x16xf32> to vector<16xf32>
        %mul3A_2386 = arith.mulf %get3A_2385, %get3A_2357 : vector<16xf32>
        %add3A_2387 = arith.addf %scan3A_2351, %mul3A_2386 : vector<16xf32>
        %add3A_2388 = arith.constant 60 : i32
        %add3A_2389 = arith.addi %add3A_2388, %scan3A_2348 : i32
        %get3A_2390 = arith.constant 0 : i32
        %get3A_2391 = arith.index_cast %get3A_2390 : i32 to index
        %get3A_2392 = arith.index_cast %add3A_2389 : i32 to index
        %get3A_2393 = arith.constant 0 : index
        %get3A_2394 = tpu.vector_load %arg8[%get3A_2391, %get3A_2392, %get3A_2393] {strides = array<i32>} : memref<4x120x128xf32, #tpu.memory_space<vmem>>, vector<1x1x16xf32>,
        %get3A_2395 = vector.shape_cast %get3A_2394 : vector<1x1x16xf32> to vector<16xf32>
        %mul3A_2396 = arith.mulf %get3A_2395, %get3A_2357 : vector<16xf32>
        %add3A_2397 = arith.addf %scan3A_2352, %mul3A_2396 : vector<16xf32>
        %add3A_2398 = arith.constant 80 : i32
        %add3A_2399 = arith.addi %add3A_2398, %scan3A_2348 : i32
        %get3A_2400 = arith.constant 0 : i32
        %get3A_2401 = arith.index_cast %get3A_2400 : i32 to index
        %get3A_2402 = arith.index_cast %add3A_2399 : i32 to index
        %get3A_2403 = arith.constant 0 : index
        %get3A_2404 = tpu.vector_load %arg8[%get3A_2401, %get3A_2402, %get3A_2403] {strides = array<i32>} : memref<4x120x128xf32, #tpu.memory_space<vmem>>, vector<1x1x16xf32>,
        %get3A_2405 = vector.shape_cast %get3A_2404 : vector<1x1x16xf32> to vector<16xf32>
        %mul3A_2406 = arith.mulf %get3A_2405, %get3A_2357 : vector<16xf32>
        %add3A_2407 = arith.addf %scan3A_2353, %mul3A_2406 : vector<16xf32>
        %add3A_2408 = arith.constant 100 : i32
        %add3A_2409 = arith.addi %add3A_2408, %scan3A_2348 : i32
        %get3A_2410 = arith.constant 0 : i32
        %get3A_2411 = arith.index_cast %get3A_2410 : i32 to index
        %get3A_2412 = arith.index_cast %add3A_2409 : i32 to index
        %get3A_2413 = arith.constant 0 : index
        %get3A_2414 = tpu.vector_load %arg8[%get3A_2411, %get3A_2412, %get3A_2413] {strides = array<i32>} : memref<4x120x128xf32, #tpu.memory_space<vmem>>, vector<1x1x16xf32>,
        %get3A_2415 = vector.shape_cast %get3A_2414 : vector<1x1x16xf32> to vector<16xf32>
        %mul3A_2416 = arith.mulf %get3A_2415, %get3A_2357 : vector<16xf32>
        %add3A_2417 = arith.addf %scan3A_2354, %mul3A_2416 : vector<16xf32>
        scf.yield %add3A_2367, %add3A_2377, %add3A_2387, %add3A_2397, %add3A_2407, %add3A_2417 : vector<16xf32>, vector<16xf32>, vector<16xf32>, vector<16xf32>, vector<16xf32>, vector<16xf32>
      }
      %scan3A_146 = arith.constant 20 : i32
      %add3A_147 = arith.constant 0 : i32
      %add3A_148 = arith.addi %mul3A_139, %add3A_147 : i32
      %mul3A_149 = arith.constant 128 : i32
      %mul3A_150 = arith.muli %add3A_148, %mul3A_149 : i32
      %add3A_151 = arith.constant 0 : i32
      %add3A_152 = arith.addi %mul3A_150, %add3A_151 : i32
      %swap3A = arith.index_cast %add3A_152 : i32 to index
      %swap3A_153 = tpu.vector_load %arg9[%swap3A] {strides = array<i32>} : memref<43008xf32, #tpu.memory_space<vmem>>, vector<16xf32>,
      %swap3A_154 = vector.shape_cast %swap3A_153 : vector<16xf32> to vector<16xf32>
      %swap3A_155 = vector.shape_cast %scan3A_145#0 : vector<16xf32> to vector<16xf32>
      tpu.vector_store %arg9[%swap3A], %swap3A_155 {strides = array<i32>} : memref<43008xf32, #tpu.memory_space<vmem>>, vector<16xf32>,
      %add3A_156 = arith.constant 1 : i32
      %add3A_157 = arith.addi %mul3A_139, %add3A_156 : i32
      %mul3A_158 = arith.constant 128 : i32
      %mul3A_159 = arith.muli %add3A_157, %mul3A_158 : i32
      %add3A_160 = arith.constant 0 : i32
      %add3A_161 = arith.addi %mul3A_159, %add3A_160 : i32
      %swap3A_162 = arith.index_cast %add3A_161 : i32 to index
      %swap3A_163 = tpu.vector_load %arg9[%swap3A_162] {strides = array<i32>} : memref<43008xf32, #tpu.memory_space<vmem>>, vector<16xf32>,
      %swap3A_164 = vector.shape_cast %swap3A_163 : vector<16xf32> to vector<16xf32>
      %swap3A_165 = vector.shape_cast %scan3A_145#1 : vector<16xf32> to vector<16xf32>
      tpu.vector_store %arg9[%swap3A_162], %swap3A_165 {strides = array<i32>} : memref<43008xf32, #tpu.memory_space<vmem>>, vector<16xf32>,
      %add3A_166 = arith.constant 2 : i32
      %add3A_167 = arith.addi %mul3A_139, %add3A_166 : i32
      %mul3A_168 = arith.constant 128 : i32
      %mul3A_169 = arith.muli %add3A_167, %mul3A_168 : i32
      %add3A_170 = arith.constant 0 : i32
      %add3A_171 = arith.addi %mul3A_169, %add3A_170 : i32
      %swap3A_172 = arith.index_cast %add3A_171 : i32 to index
      %swap3A_173 = tpu.vector_load %arg9[%swap3A_172] {strides = array<i32>} : memref<43008xf32, #tpu.memory_space<vmem>>, vector<16xf32>,
      %swap3A_174 = vector.shape_cast %swap3A_173 : vector<16xf32> to vector<16xf32>
      %swap3A_175 = vector.shape_cast %scan3A_145#2 : vector<16xf32> to vector<16xf32>
      tpu.vector_store %arg9[%swap3A_172], %swap3A_175 {strides = array<i32>} : memref<43008xf32, #tpu.memory_space<vmem>>, vector<16xf32>,
      %add3A_176 = arith.constant 3 : i32
      %add3A_177 = arith.addi %mul3A_139, %add3A_176 : i32
      %mul3A_178 = arith.constant 128 : i32
      %mul3A_179 = arith.muli %add3A_177, %mul3A_178 : i32
      %add3A_180 = arith.constant 0 : i32
      %add3A_181 = arith.addi %mul3A_179, %add3A_180 : i32
      %swap3A_182 = arith.index_cast %add3A_181 : i32 to index
      %swap3A_183 = tpu.vector_load %arg9[%swap3A_182] {strides = array<i32>} : memref<43008xf32, #tpu.memory_space<vmem>>, vector<16xf32>,
      %swap3A_184 = vector.shape_cast %swap3A_183 : vector<16xf32> to vector<16xf32>
      %swap3A_185 = vector.shape_cast %scan3A_145#3 : vector<16xf32> to vector<16xf32>
      tpu.vector_store %arg9[%swap3A_182], %swap3A_185 {strides = array<i32>} : memref<43008xf32, #tpu.memory_space<vmem>>, vector<16xf32>,
      %add3A_186 = arith.constant 4 : i32
      %add3A_187 = arith.addi %mul3A_139, %add3A_186 : i32
      %mul3A_188 = arith.constant 128 : i32
      %mul3A_189 = arith.muli %add3A_187, %mul3A_188 : i32
      %add3A_190 = arith.constant 0 : i32
      %add3A_191 = arith.addi %mul3A_189, %add3A_190 : i32
      %swap3A_192 = arith.index_cast %add3A_191 : i32 to index
      %swap3A_193 = tpu.vector_load %arg9[%swap3A_192] {strides = array<i32>} : memref<43008xf32, #tpu.memory_space<vmem>>, vector<16xf32>,
      %swap3A_194 = vector.shape_cast %swap3A_193 : vector<16xf32> to vector<16xf32>
      %swap3A_195 = vector.shape_cast %scan3A_145#4 : vector<16xf32> to vector<16xf32>
      tpu.vector_store %arg9[%swap3A_192], %swap3A_195 {strides = array<i32>} : memref<43008xf32, #tpu.memory_space<vmem>>, vector<16xf32>,
      %add3A_196 = arith.constant 5 : i32
      %add3A_197 = arith.addi %mul3A_139, %add3A_196 : i32
      %mul3A_198 = arith.constant 128 : i32
      %mul3A_199 = arith.muli %add3A_197, %mul3A_198 : i32
      %add3A_200 = arith.constant 0 : i32
      %add3A_201 = arith.addi %mul3A_199, %add3A_200 : i32
      %swap3A_202 = arith.index_cast %add3A_201 : i32 to index
      %swap3A_203 = tpu.vector_load %arg9[%swap3A_202] {strides = array<i32>} : memref<43008xf32, #tpu.memory_space<vmem>>, vector<16xf32>,
      %swap3A_204 = vector.shape_cast %swap3A_203 : vector<16xf32> to vector<16xf32>
      %swap3A_205 = vector.shape_cast %scan3A_145#5 : vector<16xf32> to vector<16xf32>
      tpu.vector_store %arg9[%swap3A_202], %swap3A_205 {strides = array<i32>} : memref<43008xf32, #tpu.memory_space<vmem>>, vector<16xf32>,
      %broadcast_in_dim3A_206 = arith.constant 0.000000e+00 : f32
      %broadcast_in_dim3A_207 = vector.broadcast %broadcast_in_dim3A_206 : f32 to vector<16xf32>
      %scan3A_208 = arith.constant 0 : i32
      %scan3A_209 = arith.constant 20 : i32
      %scan3A_210 = arith.addi %scan3A_208, %scan3A_209 : i32
      %scan3A_211 = arith.constant 1 : i32
      %scan3A_212:6 = scf.for %scan3A_2348 = %scan3A_208 to %scan3A_210 step %scan3A_211 iter_args(%scan3A_2349 = %broadcast_in_dim3A_207, %scan3A_2350 = %broadcast_in_dim3A_207, %scan3A_2351 = %broadcast_in_dim3A_207, %scan3A_2352 = %broadcast_in_dim3A_207, %scan3A_2353 = %broadcast_in_dim3A_207, %scan3A_2354 = %broadcast_in_dim3A_207) -> (vector<16xf32>, vector<16xf32>, vector<16xf32>, vector<16xf32>, vector<16xf32>, vector<16xf32>)  : i32 {
        %get3A = arith.index_cast %scan3A_2348 : i32 to index
        %get3A_2355 = arith.constant 16 : index
        %get3A_2356 = tpu.vector_load %arg7[%get3A, %get3A_2355] {strides = array<i32>} : memref<20x128xf32, #tpu.memory_space<vmem>>, vector<1x16xf32>,
        %get3A_2357 = vector.shape_cast %get3A_2356 : vector<1x16xf32> to vector<16xf32>
        %add3A_2358 = arith.constant 0 : i32
        %add3A_2359 = arith.addi %add3A_2358, %scan3A_2348 : i32
        %get3A_2360 = arith.constant 0 : i32
        %get3A_2361 = arith.index_cast %get3A_2360 : i32 to index
        %get3A_2362 = arith.index_cast %add3A_2359 : i32 to index
        %get3A_2363 = arith.constant 16 : index
        %get3A_2364 = tpu.vector_load %arg8[%get3A_2361, %get3A_2362, %get3A_2363] {strides = array<i32>} : memref<4x120x128xf32, #tpu.memory_space<vmem>>, vector<1x1x16xf32>,
        %get3A_2365 = vector.shape_cast %get3A_2364 : vector<1x1x16xf32> to vector<16xf32>
        %mul3A_2366 = arith.mulf %get3A_2365, %get3A_2357 : vector<16xf32>
        %add3A_2367 = arith.addf %scan3A_2349, %mul3A_2366 : vector<16xf32>
        %add3A_2368 = arith.constant 20 : i32
        %add3A_2369 = arith.addi %add3A_2368, %scan3A_2348 : i32
        %get3A_2370 = arith.constant 0 : i32
        %get3A_2371 = arith.index_cast %get3A_2370 : i32 to index
        %get3A_2372 = arith.index_cast %add3A_2369 : i32 to index
        %get3A_2373 = arith.constant 16 : index
        %get3A_2374 = tpu.vector_load %arg8[%get3A_2371, %get3A_2372, %get3A_2373] {strides = array<i32>} : memref<4x120x128xf32, #tpu.memory_space<vmem>>, vector<1x1x16xf32>,
        %get3A_2375 = vector.shape_cast %get3A_2374 : vector<1x1x16xf32> to vector<16xf32>
        %mul3A_2376 = arith.mulf %get3A_2375, %get3A_2357 : vector<16xf32>
        %add3A_2377 = arith.addf %scan3A_2350, %mul3A_2376 : vector<16xf32>
        %add3A_2378 = arith.constant 40 : i32
        %add3A_2379 = arith.addi %add3A_2378, %scan3A_2348 : i32
        %get3A_2380 = arith.constant 0 : i32
        %get3A_2381 = arith.index_cast %get3A_2380 : i32 to index
        %get3A_2382 = arith.index_cast %add3A_2379 : i32 to index
        %get3A_2383 = arith.constant 16 : index
        %get3A_2384 = tpu.vector_load %arg8[%get3A_2381, %get3A_2382, %get3A_2383] {strides = array<i32>} : memref<4x120x128xf32, #tpu.memory_space<vmem>>, vector<1x1x16xf32>,
        %get3A_2385 = vector.shape_cast %get3A_2384 : vector<1x1x16xf32> to vector<16xf32>
        %mul3A_2386 = arith.mulf %get3A_2385, %get3A_2357 : vector<16xf32>
        %add3A_2387 = arith.addf %scan3A_2351, %mul3A_2386 : vector<16xf32>
        %add3A_2388 = arith.constant 60 : i32
        %add3A_2389 = arith.addi %add3A_2388, %scan3A_2348 : i32
        %get3A_2390 = arith.constant 0 : i32
        %get3A_2391 = arith.index_cast %get3A_2390 : i32 to index
        %get3A_2392 = arith.index_cast %add3A_2389 : i32 to index
        %get3A_2393 = arith.constant 16 : index
        %get3A_2394 = tpu.vector_load %arg8[%get3A_2391, %get3A_2392, %get3A_2393] {strides = array<i32>} : memref<4x120x128xf32, #tpu.memory_space<vmem>>, vector<1x1x16xf32>,
        %get3A_2395 = vector.shape_cast %get3A_2394 : vector<1x1x16xf32> to vector<16xf32>
        %mul3A_2396 = arith.mulf %get3A_2395, %get3A_2357 : vector<16xf32>
        %add3A_2397 = arith.addf %scan3A_2352, %mul3A_2396 : vector<16xf32>
        %add3A_2398 = arith.constant 80 : i32
        %add3A_2399 = arith.addi %add3A_2398, %scan3A_2348 : i32
        %get3A_2400 = arith.constant 0 : i32
        %get3A_2401 = arith.index_cast %get3A_2400 : i32 to index
        %get3A_2402 = arith.index_cast %add3A_2399 : i32 to index
        %get3A_2403 = arith.constant 16 : index
        %get3A_2404 = tpu.vector_load %arg8[%get3A_2401, %get3A_2402, %get3A_2403] {strides = array<i32>} : memref<4x120x128xf32, #tpu.memory_space<vmem>>, vector<1x1x16xf32>,
        %get3A_2405 = vector.shape_cast %get3A_2404 : vector<1x1x16xf32> to vector<16xf32>
        %mul3A_2406 = arith.mulf %get3A_2405, %get3A_2357 : vector<16xf32>
        %add3A_2407 = arith.addf %scan3A_2353, %mul3A_2406 : vector<16xf32>
        %add3A_2408 = arith.constant 100 : i32
        %add3A_2409 = arith.addi %add3A_2408, %scan3A_2348 : i32
        %get3A_2410 = arith.constant 0 : i32
        %get3A_2411 = arith.index_cast %get3A_2410 : i32 to index
        %get3A_2412 = arith.index_cast %add3A_2409 : i32 to index
        %get3A_2413 = arith.constant 16 : index
        %get3A_2414 = tpu.vector_load %arg8[%get3A_2411, %get3A_2412, %get3A_2413] {strides = array<i32>} : memref<4x120x128xf32, #tpu.memory_space<vmem>>, vector<1x1x16xf32>,
        %get3A_2415 = vector.shape_cast %get3A_2414 : vector<1x1x16xf32> to vector<16xf32>
        %mul3A_2416 = arith.mulf %get3A_2415, %get3A_2357 : vector<16xf32>
        %add3A_2417 = arith.addf %scan3A_2354, %mul3A_2416 : vector<16xf32>
        scf.yield %add3A_2367, %add3A_2377, %add3A_2387, %add3A_2397, %add3A_2407, %add3A_2417 : vector<16xf32>, vector<16xf32>, vector<16xf32>, vector<16xf32>, vector<16xf32>, vector<16xf32>
      }
      %scan3A_213 = arith.constant 20 : i32
      %add3A_214 = arith.constant 0 : i32
      %add3A_215 = arith.addi %mul3A_139, %add3A_214 : i32
      %mul3A_216 = arith.constant 128 : i32
      %mul3A_217 = arith.muli %add3A_215, %mul3A_216 : i32
      %add3A_218 = arith.constant 16 : i32
      %add3A_219 = arith.addi %mul3A_217, %add3A_218 : i32
      %swap3A_220 = arith.index_cast %add3A_219 : i32 to index
      %swap3A_221 = tpu.vector_load %arg9[%swap3A_220] {strides = array<i32>} : memref<43008xf32, #tpu.memory_space<vmem>>, vector<16xf32>,
      %swap3A_222 = vector.shape_cast %swap3A_221 : vector<16xf32> to vector<16xf32>
      %swap3A_223 = vector.shape_cast %scan3A_212#0 : vector<16xf32> to vector<16xf32>
      tpu.vector_store %arg9[%swap3A_220], %swap3A_223 {strides = array<i32>} : memref<43008xf32, #tpu.memory_space<vmem>>, vector<16xf32>,
      %add3A_224 = arith.constant 1 : i32
      %add3A_225 = arith.addi %mul3A_139, %add3A_224 : i32
      %mul3A_226 = arith.constant 128 : i32
      %mul3A_227 = arith.muli %add3A_225, %mul3A_226 : i32
      %add3A_228 = arith.constant 16 : i32
      %add3A_229 = arith.addi %mul3A_227, %add3A_228 : i32
      %swap3A_230 = arith.index_cast %add3A_229 : i32 to index
      %swap3A_231 = tpu.vector_load %arg9[%swap3A_230] {strides = array<i32>} : memref<43008xf32, #tpu.memory_space<vmem>>, vector<16xf32>,
      %swap3A_232 = vector.shape_cast %swap3A_231 : vector<16xf32> to vector<16xf32>
      %swap3A_233 = vector.shape_cast %scan3A_212#1 : vector<16xf32> to vector<16xf32>
      tpu.vector_store %arg9[%swap3A_230], %swap3A_233 {strides = array<i32>} : memref<43008xf32, #tpu.memory_space<vmem>>, vector<16xf32>,
      %add3A_234 = arith.constant 2 : i32
      %add3A_235 = arith.addi %mul3A_139, %add3A_234 : i32
      %mul3A_236 = arith.constant 128 : i32
      %mul3A_237 = arith.muli %add3A_235, %mul3A_236 : i32
      %add3A_238 = arith.constant 16 : i32
      %add3A_239 = arith.addi %mul3A_237, %add3A_238 : i32
      %swap3A_240 = arith.index_cast %add3A_239 : i32 to index
      %swap3A_241 = tpu.vector_load %arg9[%swap3A_240] {strides = array<i32>} : memref<43008xf32, #tpu.memory_space<vmem>>, vector<16xf32>,
      %swap3A_242 = vector.shape_cast %swap3A_241 : vector<16xf32> to vector<16xf32>
      %swap3A_243 = vector.shape_cast %scan3A_212#2 : vector<16xf32> to vector<16xf32>
      tpu.vector_store %arg9[%swap3A_240], %swap3A_243 {strides = array<i32>} : memref<43008xf32, #tpu.memory_space<vmem>>, vector<16xf32>,
      %add3A_244 = arith.constant 3 : i32
      %add3A_245 = arith.addi %mul3A_139, %add3A_244 : i32
      %mul3A_246 = arith.constant 128 : i32
      %mul3A_247 = arith.muli %add3A_245, %mul3A_246 : i32
      %add3A_248 = arith.constant 16 : i32
      %add3A_249 = arith.addi %mul3A_247, %add3A_248 : i32
      %swap3A_250 = arith.index_cast %add3A_249 : i32 to index
      %swap3A_251 = tpu.vector_load %arg9[%swap3A_250] {strides = array<i32>} : memref<43008xf32, #tpu.memory_space<vmem>>, vector<16xf32>,
      %swap3A_252 = vector.shape_cast %swap3A_251 : vector<16xf32> to vector<16xf32>
      %swap3A_253 = vector.shape_cast %scan3A_212#3 : vector<16xf32> to vector<16xf32>
      tpu.vector_store %arg9[%swap3A_250], %swap3A_253 {strides = array<i32>} : memref<43008xf32, #tpu.memory_space<vmem>>, vector<16xf32>,
      %add3A_254 = arith.constant 4 : i32
      %add3A_255 = arith.addi %mul3A_139, %add3A_254 : i32
      %mul3A_256 = arith.constant 128 : i32
      %mul3A_257 = arith.muli %add3A_255, %mul3A_256 : i32
      %add3A_258 = arith.constant 16 : i32
      %add3A_259 = arith.addi %mul3A_257, %add3A_258 : i32
      %swap3A_260 = arith.index_cast %add3A_259 : i32 to index
      %swap3A_261 = tpu.vector_load %arg9[%swap3A_260] {strides = array<i32>} : memref<43008xf32, #tpu.memory_space<vmem>>, vector<16xf32>,
      %swap3A_262 = vector.shape_cast %swap3A_261 : vector<16xf32> to vector<16xf32>
      %swap3A_263 = vector.shape_cast %scan3A_212#4 : vector<16xf32> to vector<16xf32>
      tpu.vector_store %arg9[%swap3A_260], %swap3A_263 {strides = array<i32>} : memref<43008xf32, #tpu.memory_space<vmem>>, vector<16xf32>,
      %add3A_264 = arith.constant 5 : i32
      %add3A_265 = arith.addi %mul3A_139, %add3A_264 : i32
      %mul3A_266 = arith.constant 128 : i32
      %mul3A_267 = arith.muli %add3A_265, %mul3A_266 : i32
      %add3A_268 = arith.constant 16 : i32
      %add3A_269 = arith.addi %mul3A_267, %add3A_268 : i32
      %swap3A_270 = arith.index_cast %add3A_269 : i32 to index
      %swap3A_271 = tpu.vector_load %arg9[%swap3A_270] {strides = array<i32>} : memref<43008xf32, #tpu.memory_space<vmem>>, vector<16xf32>,
      %swap3A_272 = vector.shape_cast %swap3A_271 : vector<16xf32> to vector<16xf32>
      %swap3A_273 = vector.shape_cast %scan3A_212#5 : vector<16xf32> to vector<16xf32>
      tpu.vector_store %arg9[%swap3A_270], %swap3A_273 {strides = array<i32>} : memref<43008xf32, #tpu.memory_space<vmem>>, vector<16xf32>,
      %broadcast_in_dim3A_274 = arith.constant 0.000000e+00 : f32
      %broadcast_in_dim3A_275 = vector.broadcast %broadcast_in_dim3A_274 : f32 to vector<16xf32>
      %scan3A_276 = arith.constant 0 : i32
      %scan3A_277 = arith.constant 20 : i32
      %scan3A_278 = arith.addi %scan3A_276, %scan3A_277 : i32
      %scan3A_279 = arith.constant 1 : i32
      %scan3A_280:6 = scf.for %scan3A_2348 = %scan3A_276 to %scan3A_278 step %scan3A_279 iter_args(%scan3A_2349 = %broadcast_in_dim3A_275, %scan3A_2350 = %broadcast_in_dim3A_275, %scan3A_2351 = %broadcast_in_dim3A_275, %scan3A_2352 = %broadcast_in_dim3A_275, %scan3A_2353 = %broadcast_in_dim3A_275, %scan3A_2354 = %broadcast_in_dim3A_275) -> (vector<16xf32>, vector<16xf32>, vector<16xf32>, vector<16xf32>, vector<16xf32>, vector<16xf32>)  : i32 {
        %get3A = arith.index_cast %scan3A_2348 : i32 to index
        %get3A_2355 = arith.constant 32 : index
        %get3A_2356 = tpu.vector_load %arg7[%get3A, %get3A_2355] {strides = array<i32>} : memref<20x128xf32, #tpu.memory_space<vmem>>, vector<1x16xf32>,
        %get3A_2357 = vector.shape_cast %get3A_2356 : vector<1x16xf32> to vector<16xf32>
        %add3A_2358 = arith.constant 0 : i32
        %add3A_2359 = arith.addi %add3A_2358, %scan3A_2348 : i32
        %get3A_2360 = arith.constant 0 : i32
        %get3A_2361 = arith.index_cast %get3A_2360 : i32 to index
        %get3A_2362 = arith.index_cast %add3A_2359 : i32 to index
        %get3A_2363 = arith.constant 32 : index
        %get3A_2364 = tpu.vector_load %arg8[%get3A_2361, %get3A_2362, %get3A_2363] {strides = array<i32>} : memref<4x120x128xf32, #tpu.memory_space<vmem>>, vector<1x1x16xf32>,
        %get3A_2365 = vector.shape_cast %get3A_2364 : vector<1x1x16xf32> to vector<16xf32>
        %mul3A_2366 = arith.mulf %get3A_2365, %get3A_2357 : vector<16xf32>
        %add3A_2367 = arith.addf %scan3A_2349, %mul3A_2366 : vector<16xf32>
        %add3A_2368 = arith.constant 20 : i32
        %add3A_2369 = arith.addi %add3A_2368, %scan3A_2348 : i32
        %get3A_2370 = arith.constant 0 : i32
        %get3A_2371 = arith.index_cast %get3A_2370 : i32 to index
        %get3A_2372 = arith.index_cast %add3A_2369 : i32 to index
        %get3A_2373 = arith.constant 32 : index
        %get3A_2374 = tpu.vector_load %arg8[%get3A_2371, %get3A_2372, %get3A_2373] {strides = array<i32>} : memref<4x120x128xf32, #tpu.memory_space<vmem>>, vector<1x1x16xf32>,
        %get3A_2375 = vector.shape_cast %get3A_2374 : vector<1x1x16xf32> to vector<16xf32>
        %mul3A_2376 = arith.mulf %get3A_2375, %get3A_2357 : vector<16xf32>
        %add3A_2377 = arith.addf %scan3A_2350, %mul3A_2376 : vector<16xf32>
        %add3A_2378 = arith.constant 40 : i32
        %add3A_2379 = arith.addi %add3A_2378, %scan3A_2348 : i32
        %get3A_2380 = arith.constant 0 : i32
        %get3A_2381 = arith.index_cast %get3A_2380 : i32 to index
        %get3A_2382 = arith.index_cast %add3A_2379 : i32 to index
        %get3A_2383 = arith.constant 32 : index
        %get3A_2384 = tpu.vector_load %arg8[%get3A_2381, %get3A_2382, %get3A_2383] {strides = array<i32>} : memref<4x120x128xf32, #tpu.memory_space<vmem>>, vector<1x1x16xf32>,
        %get3A_2385 = vector.shape_cast %get3A_2384 : vector<1x1x16xf32> to vector<16xf32>
        %mul3A_2386 = arith.mulf %get3A_2385, %get3A_2357 : vector<16xf32>
        %add3A_2387 = arith.addf %scan3A_2351, %mul3A_2386 : vector<16xf32>
        %add3A_2388 = arith.constant 60 : i32
        %add3A_2389 = arith.addi %add3A_2388, %scan3A_2348 : i32
        %get3A_2390 = arith.constant 0 : i32
        %get3A_2391 = arith.index_cast %get3A_2390 : i32 to index
        %get3A_2392 = arith.index_cast %add3A_2389 : i32 to index
        %get3A_2393 = arith.constant 32 : index
        %get3A_2394 = tpu.vector_load %arg8[%get3A_2391, %get3A_2392, %get3A_2393] {strides = array<i32>} : memref<4x120x128xf32, #tpu.memory_space<vmem>>, vector<1x1x16xf32>,
        %get3A_2395 = vector.shape_cast %get3A_2394 : vector<1x1x16xf32> to vector<16xf32>
        %mul3A_2396 = arith.mulf %get3A_2395, %get3A_2357 : vector<16xf32>
        %add3A_2397 = arith.addf %scan3A_2352, %mul3A_2396 : vector<16xf32>
        %add3A_2398 = arith.constant 80 : i32
        %add3A_2399 = arith.addi %add3A_2398, %scan3A_2348 : i32
        %get3A_2400 = arith.constant 0 : i32
        %get3A_2401 = arith.index_cast %get3A_2400 : i32 to index
        %get3A_2402 = arith.index_cast %add3A_2399 : i32 to index
        %get3A_2403 = arith.constant 32 : index
        %get3A_2404 = tpu.vector_load %arg8[%get3A_2401, %get3A_2402, %get3A_2403] {strides = array<i32>} : memref<4x120x128xf32, #tpu.memory_space<vmem>>, vector<1x1x16xf32>,
        %get3A_2405 = vector.shape_cast %get3A_2404 : vector<1x1x16xf32> to vector<16xf32>
        %mul3A_2406 = arith.mulf %get3A_2405, %get3A_2357 : vector<16xf32>
        %add3A_2407 = arith.addf %scan3A_2353, %mul3A_2406 : vector<16xf32>
        %add3A_2408 = arith.constant 100 : i32
        %add3A_2409 = arith.addi %add3A_2408, %scan3A_2348 : i32
        %get3A_2410 = arith.constant 0 : i32
        %get3A_2411 = arith.index_cast %get3A_2410 : i32 to index
        %get3A_2412 = arith.index_cast %add3A_2409 : i32 to index
        %get3A_2413 = arith.constant 32 : index
        %get3A_2414 = tpu.vector_load %arg8[%get3A_2411, %get3A_2412, %get3A_2413] {strides = array<i32>} : memref<4x120x128xf32, #tpu.memory_space<vmem>>, vector<1x1x16xf32>,
        %get3A_2415 = vector.shape_cast %get3A_2414 : vector<1x1x16xf32> to vector<16xf32>
        %mul3A_2416 = arith.mulf %get3A_2415, %get3A_2357 : vector<16xf32>
        %add3A_2417 = arith.addf %scan3A_2354, %mul3A_2416 : vector<16xf32>
        scf.yield %add3A_2367, %add3A_2377, %add3A_2387, %add3A_2397, %add3A_2407, %add3A_2417 : vector<16xf32>, vector<16xf32>, vector<16xf32>, vector<16xf32>, vector<16xf32>, vector<16xf32>
      }
      %scan3A_281 = arith.constant 20 : i32
      %add3A_282 = arith.constant 0 : i32
      %add3A_283 = arith.addi %mul3A_139, %add3A_282 : i32
      %mul3A_284 = arith.constant 128 : i32
      %mul3A_285 = arith.muli %add3A_283, %mul3A_284 : i32
      %add3A_286 = arith.constant 32 : i32
      %add3A_287 = arith.addi %mul3A_285, %add3A_286 : i32
      %swap3A_288 = arith.index_cast %add3A_287 : i32 to index
      %swap3A_289 = tpu.vector_load %arg9[%swap3A_288] {strides = array<i32>} : memref<43008xf32, #tpu.memory_space<vmem>>, vector<16xf32>,
      %swap3A_290 = vector.shape_cast %swap3A_289 : vector<16xf32> to vector<16xf32>
      %swap3A_291 = vector.shape_cast %scan3A_280#0 : vector<16xf32> to vector<16xf32>
      tpu.vector_store %arg9[%swap3A_288], %swap3A_291 {strides = array<i32>} : memref<43008xf32, #tpu.memory_space<vmem>>, vector<16xf32>,
      %add3A_292 = arith.constant 1 : i32
      %add3A_293 = arith.addi %mul3A_139, %add3A_292 : i32
      %mul3A_294 = arith.constant 128 : i32
      %mul3A_295 = arith.muli %add3A_293, %mul3A_294 : i32
      %add3A_296 = arith.constant 32 : i32
      %add3A_297 = arith.addi %mul3A_295, %add3A_296 : i32
      %swap3A_298 = arith.index_cast %add3A_297 : i32 to index
      %swap3A_299 = tpu.vector_load %arg9[%swap3A_298] {strides = array<i32>} : memref<43008xf32, #tpu.memory_space<vmem>>, vector<16xf32>,
      %swap3A_300 = vector.shape_cast %swap3A_299 : vector<16xf32> to vector<16xf32>
      %swap3A_301 = vector.shape_cast %scan3A_280#1 : vector<16xf32> to vector<16xf32>
      tpu.vector_store %arg9[%swap3A_298], %swap3A_301 {strides = array<i32>} : memref<43008xf32, #tpu.memory_space<vmem>>, vector<16xf32>,
      %add3A_302 = arith.constant 2 : i32
      %add3A_303 = arith.addi %mul3A_139, %add3A_302 : i32
      %mul3A_304 = arith.constant 128 : i32
      %mul3A_305 = arith.muli %add3A_303, %mul3A_304 : i32
      %add3A_306 = arith.constant 32 : i32
      %add3A_307 = arith.addi %mul3A_305, %add3A_306 : i32
      %swap3A_308 = arith.index_cast %add3A_307 : i32 to index
      %swap3A_309 = tpu.vector_load %arg9[%swap3A_308] {strides = array<i32>} : memref<43008xf32, #tpu.memory_space<vmem>>, vector<16xf32>,
      %swap3A_310 = vector.shape_cast %swap3A_309 : vector<16xf32> to vector<16xf32>
      %swap3A_311 = vector.shape_cast %scan3A_280#2 : vector<16xf32> to vector<16xf32>
      tpu.vector_store %arg9[%swap3A_308], %swap3A_311 {strides = array<i32>} : memref<43008xf32, #tpu.memory_space<vmem>>, vector<16xf32>,
      %add3A_312 = arith.constant 3 : i32
      %add3A_313 = arith.addi %mul3A_139, %add3A_312 : i32
      %mul3A_314 = arith.constant 128 : i32
      %mul3A_315 = arith.muli %add3A_313, %mul3A_314 : i32
      %add3A_316 = arith.constant 32 : i32
      %add3A_317 = arith.addi %mul3A_315, %add3A_316 : i32
      %swap3A_318 = arith.index_cast %add3A_317 : i32 to index
      %swap3A_319 = tpu.vector_load %arg9[%swap3A_318] {strides = array<i32>} : memref<43008xf32, #tpu.memory_space<vmem>>, vector<16xf32>,
      %swap3A_320 = vector.shape_cast %swap3A_319 : vector<16xf32> to vector<16xf32>
      %swap3A_321 = vector.shape_cast %scan3A_280#3 : vector<16xf32> to vector<16xf32>
      tpu.vector_store %arg9[%swap3A_318], %swap3A_321 {strides = array<i32>} : memref<43008xf32, #tpu.memory_space<vmem>>, vector<16xf32>,
      %add3A_322 = arith.constant 4 : i32
      %add3A_323 = arith.addi %mul3A_139, %add3A_322 : i32
      %mul3A_324 = arith.constant 128 : i32
      %mul3A_325 = arith.muli %add3A_323, %mul3A_324 : i32
      %add3A_326 = arith.constant 32 : i32
      %add3A_327 = arith.addi %mul3A_325, %add3A_326 : i32
      %swap3A_328 = arith.index_cast %add3A_327 : i32 to index
      %swap3A_329 = tpu.vector_load %arg9[%swap3A_328] {strides = array<i32>} : memref<43008xf32, #tpu.memory_space<vmem>>, vector<16xf32>,
      %swap3A_330 = vector.shape_cast %swap3A_329 : vector<16xf32> to vector<16xf32>
      %swap3A_331 = vector.shape_cast %scan3A_280#4 : vector<16xf32> to vector<16xf32>
      tpu.vector_store %arg9[%swap3A_328], %swap3A_331 {strides = array<i32>} : memref<43008xf32, #tpu.memory_space<vmem>>, vector<16xf32>,
      %add3A_332 = arith.constant 5 : i32
      %add3A_333 = arith.addi %mul3A_139, %add3A_332 : i32
      %mul3A_334 = arith.constant 128 : i32
      %mul3A_335 = arith.muli %add3A_333, %mul3A_334 : i32
      %add3A_336 = arith.constant 32 : i32
      %add3A_337 = arith.addi %mul3A_335, %add3A_336 : i32
      %swap3A_338 = arith.index_cast %add3A_337 : i32 to index
      %swap3A_339 = tpu.vector_load %arg9[%swap3A_338] {strides = array<i32>} : memref<43008xf32, #tpu.memory_space<vmem>>, vector<16xf32>,
      %swap3A_340 = vector.shape_cast %swap3A_339 : vector<16xf32> to vector<16xf32>
      %swap3A_341 = vector.shape_cast %scan3A_280#5 : vector<16xf32> to vector<16xf32>
      tpu.vector_store %arg9[%swap3A_338], %swap3A_341 {strides = array<i32>} : memref<43008xf32, #tpu.memory_space<vmem>>, vector<16xf32>,
      %broadcast_in_dim3A_342 = arith.constant 0.000000e+00 : f32
      %broadcast_in_dim3A_343 = vector.broadcast %broadcast_in_dim3A_342 : f32 to vector<16xf32>
      %scan3A_344 = arith.constant 0 : i32
      %scan3A_345 = arith.constant 20 : i32
      %scan3A_346 = arith.addi %scan3A_344, %scan3A_345 : i32
      %scan3A_347 = arith.constant 1 : i32
      %scan3A_348:6 = scf.for %scan3A_2348 = %scan3A_344 to %scan3A_346 step %scan3A_347 iter_args(%scan3A_2349 = %broadcast_in_dim3A_343, %scan3A_2350 = %broadcast_in_dim3A_343, %scan3A_2351 = %broadcast_in_dim3A_343, %scan3A_2352 = %broadcast_in_dim3A_343, %scan3A_2353 = %broadcast_in_dim3A_343, %scan3A_2354 = %broadcast_in_dim3A_343) -> (vector<16xf32>, vector<16xf32>, vector<16xf32>, vector<16xf32>, vector<16xf32>, vector<16xf32>)  : i32 {
        %get3A = arith.index_cast %scan3A_2348 : i32 to index
        %get3A_2355 = arith.constant 48 : index
        %get3A_2356 = tpu.vector_load %arg7[%get3A, %get3A_2355] {strides = array<i32>} : memref<20x128xf32, #tpu.memory_space<vmem>>, vector<1x16xf32>,
        %get3A_2357 = vector.shape_cast %get3A_2356 : vector<1x16xf32> to vector<16xf32>
        %add3A_2358 = arith.constant 0 : i32
        %add3A_2359 = arith.addi %add3A_2358, %scan3A_2348 : i32
        %get3A_2360 = arith.constant 0 : i32
        %get3A_2361 = arith.index_cast %get3A_2360 : i32 to index
        %get3A_2362 = arith.index_cast %add3A_2359 : i32 to index
        %get3A_2363 = arith.constant 48 : index
        %get3A_2364 = tpu.vector_load %arg8[%get3A_2361, %get3A_2362, %get3A_2363] {strides = array<i32>} : memref<4x120x128xf32, #tpu.memory_space<vmem>>, vector<1x1x16xf32>,
        %get3A_2365 = vector.shape_cast %get3A_2364 : vector<1x1x16xf32> to vector<16xf32>
        %mul3A_2366 = arith.mulf %get3A_2365, %get3A_2357 : vector<16xf32>
        %add3A_2367 = arith.addf %scan3A_2349, %mul3A_2366 : vector<16xf32>
        %add3A_2368 = arith.constant 20 : i32
        %add3A_2369 = arith.addi %add3A_2368, %scan3A_2348 : i32
        %get3A_2370 = arith.constant 0 : i32
        %get3A_2371 = arith.index_cast %get3A_2370 : i32 to index
        %get3A_2372 = arith.index_cast %add3A_2369 : i32 to index
        %get3A_2373 = arith.constant 48 : index
        %get3A_2374 = tpu.vector_load %arg8[%get3A_2371, %get3A_2372, %get3A_2373] {strides = array<i32>} : memref<4x120x128xf32, #tpu.memory_space<vmem>>, vector<1x1x16xf32>,
        %get3A_2375 = vector.shape_cast %get3A_2374 : vector<1x1x16xf32> to vector<16xf32>
        %mul3A_2376 = arith.mulf %get3A_2375, %get3A_2357 : vector<16xf32>
        %add3A_2377 = arith.addf %scan3A_2350, %mul3A_2376 : vector<16xf32>
        %add3A_2378 = arith.constant 40 : i32
        %add3A_2379 = arith.addi %add3A_2378, %scan3A_2348 : i32
        %get3A_2380 = arith.constant 0 : i32
        %get3A_2381 = arith.index_cast %get3A_2380 : i32 to index
        %get3A_2382 = arith.index_cast %add3A_2379 : i32 to index
        %get3A_2383 = arith.constant 48 : index
        %get3A_2384 = tpu.vector_load %arg8[%get3A_2381, %get3A_2382, %get3A_2383] {strides = array<i32>} : memref<4x120x128xf32, #tpu.memory_space<vmem>>, vector<1x1x16xf32>,
        %get3A_2385 = vector.shape_cast %get3A_2384 : vector<1x1x16xf32> to vector<16xf32>
        %mul3A_2386 = arith.mulf %get3A_2385, %get3A_2357 : vector<16xf32>
        %add3A_2387 = arith.addf %scan3A_2351, %mul3A_2386 : vector<16xf32>
        %add3A_2388 = arith.constant 60 : i32
        %add3A_2389 = arith.addi %add3A_2388, %scan3A_2348 : i32
        %get3A_2390 = arith.constant 0 : i32
        %get3A_2391 = arith.index_cast %get3A_2390 : i32 to index
        %get3A_2392 = arith.index_cast %add3A_2389 : i32 to index
        %get3A_2393 = arith.constant 48 : index
        %get3A_2394 = tpu.vector_load %arg8[%get3A_2391, %get3A_2392, %get3A_2393] {strides = array<i32>} : memref<4x120x128xf32, #tpu.memory_space<vmem>>, vector<1x1x16xf32>,
        %get3A_2395 = vector.shape_cast %get3A_2394 : vector<1x1x16xf32> to vector<16xf32>
        %mul3A_2396 = arith.mulf %get3A_2395, %get3A_2357 : vector<16xf32>
        %add3A_2397 = arith.addf %scan3A_2352, %mul3A_2396 : vector<16xf32>
        %add3A_2398 = arith.constant 80 : i32
        %add3A_2399 = arith.addi %add3A_2398, %scan3A_2348 : i32
        %get3A_2400 = arith.constant 0 : i32
        %get3A_2401 = arith.index_cast %get3A_2400 : i32 to index
        %get3A_2402 = arith.index_cast %add3A_2399 : i32 to index
        %get3A_2403 = arith.constant 48 : index
        %get3A_2404 = tpu.vector_load %arg8[%get3A_2401, %get3A_2402, %get3A_2403] {strides = array<i32>} : memref<4x120x128xf32, #tpu.memory_space<vmem>>, vector<1x1x16xf32>,
        %get3A_2405 = vector.shape_cast %get3A_2404 : vector<1x1x16xf32> to vector<16xf32>
        %mul3A_2406 = arith.mulf %get3A_2405, %get3A_2357 : vector<16xf32>
        %add3A_2407 = arith.addf %scan3A_2353, %mul3A_2406 : vector<16xf32>
        %add3A_2408 = arith.constant 100 : i32
        %add3A_2409 = arith.addi %add3A_2408, %scan3A_2348 : i32
        %get3A_2410 = arith.constant 0 : i32
        %get3A_2411 = arith.index_cast %get3A_2410 : i32 to index
        %get3A_2412 = arith.index_cast %add3A_2409 : i32 to index
        %get3A_2413 = arith.constant 48 : index
        %get3A_2414 = tpu.vector_load %arg8[%get3A_2411, %get3A_2412, %get3A_2413] {strides = array<i32>} : memref<4x120x128xf32, #tpu.memory_space<vmem>>, vector<1x1x16xf32>,
        %get3A_2415 = vector.shape_cast %get3A_2414 : vector<1x1x16xf32> to vector<16xf32>
        %mul3A_2416 = arith.mulf %get3A_2415, %get3A_2357 : vector<16xf32>
        %add3A_2417 = arith.addf %scan3A_2354, %mul3A_2416 : vector<16xf32>
        scf.yield %add3A_2367, %add3A_2377, %add3A_2387, %add3A_2397, %add3A_2407, %add3A_2417 : vector<16xf32>, vector<16xf32>, vector<16xf32>, vector<16xf32>, vector<16xf32>, vector<16xf32>
      }
      %scan3A_349 = arith.constant 20 : i32
      %add3A_350 = arith.constant 0 : i32
      %add3A_351 = arith.addi %mul3A_139, %add3A_350 : i32
      %mul3A_352 = arith.constant 128 : i32
      %mul3A_353 = arith.muli %add3A_351, %mul3A_352 : i32
      %add3A_354 = arith.constant 48 : i32
      %add3A_355 = arith.addi %mul3A_353, %add3A_354 : i32
      %swap3A_356 = arith.index_cast %add3A_355 : i32 to index
      %swap3A_357 = tpu.vector_load %arg9[%swap3A_356] {strides = array<i32>} : memref<43008xf32, #tpu.memory_space<vmem>>, vector<16xf32>,
      %swap3A_358 = vector.shape_cast %swap3A_357 : vector<16xf32> to vector<16xf32>
      %swap3A_359 = vector.shape_cast %scan3A_348#0 : vector<16xf32> to vector<16xf32>
      tpu.vector_store %arg9[%swap3A_356], %swap3A_359 {strides = array<i32>} : memref<43008xf32, #tpu.memory_space<vmem>>, vector<16xf32>,
      %add3A_360 = arith.constant 1 : i32
      %add3A_361 = arith.addi %mul3A_139, %add3A_360 : i32
      %mul3A_362 = arith.constant 128 : i32
      %mul3A_363 = arith.muli %add3A_361, %mul3A_362 : i32
      %add3A_364 = arith.constant 48 : i32
      %add3A_365 = arith.addi %mul3A_363, %add3A_364 : i32
      %swap3A_366 = arith.index_cast %add3A_365 : i32 to index
      %swap3A_367 = tpu.vector_load %arg9[%swap3A_366] {strides = array<i32>} : memref<43008xf32, #tpu.memory_space<vmem>>, vector<16xf32>,
      %swap3A_368 = vector.shape_cast %swap3A_367 : vector<16xf32> to vector<16xf32>
      %swap3A_369 = vector.shape_cast %scan3A_348#1 : vector<16xf32> to vector<16xf32>
      tpu.vector_store %arg9[%swap3A_366], %swap3A_369 {strides = array<i32>} : memref<43008xf32, #tpu.memory_space<vmem>>, vector<16xf32>,
      %add3A_370 = arith.constant 2 : i32
      %add3A_371 = arith.addi %mul3A_139, %add3A_370 : i32
      %mul3A_372 = arith.constant 128 : i32
      %mul3A_373 = arith.muli %add3A_371, %mul3A_372 : i32
      %add3A_374 = arith.constant 48 : i32
      %add3A_375 = arith.addi %mul3A_373, %add3A_374 : i32
      %swap3A_376 = arith.index_cast %add3A_375 : i32 to index
      %swap3A_377 = tpu.vector_load %arg9[%swap3A_376] {strides = array<i32>} : memref<43008xf32, #tpu.memory_space<vmem>>, vector<16xf32>,
      %swap3A_378 = vector.shape_cast %swap3A_377 : vector<16xf32> to vector<16xf32>
      %swap3A_379 = vector.shape_cast %scan3A_348#2 : vector<16xf32> to vector<16xf32>
      tpu.vector_store %arg9[%swap3A_376], %swap3A_379 {strides = array<i32>} : memref<43008xf32, #tpu.memory_space<vmem>>, vector<16xf32>,
      %add3A_380 = arith.constant 3 : i32
      %add3A_381 = arith.addi %mul3A_139, %add3A_380 : i32
      %mul3A_382 = arith.constant 128 : i32
      %mul3A_383 = arith.muli %add3A_381, %mul3A_382 : i32
      %add3A_384 = arith.constant 48 : i32
      %add3A_385 = arith.addi %mul3A_383, %add3A_384 : i32
      %swap3A_386 = arith.index_cast %add3A_385 : i32 to index
      %swap3A_387 = tpu.vector_load %arg9[%swap3A_386] {strides = array<i32>} : memref<43008xf32, #tpu.memory_space<vmem>>, vector<16xf32>,
      %swap3A_388 = vector.shape_cast %swap3A_387 : vector<16xf32> to vector<16xf32>
      %swap3A_389 = vector.shape_cast %scan3A_348#3 : vector<16xf32> to vector<16xf32>
      tpu.vector_store %arg9[%swap3A_386], %swap3A_389 {strides = array<i32>} : memref<43008xf32, #tpu.memory_space<vmem>>, vector<16xf32>,
      %add3A_390 = arith.constant 4 : i32
      %add3A_391 = arith.addi %mul3A_139, %add3A_390 : i32
      %mul3A_392 = arith.constant 128 : i32
      %mul3A_393 = arith.muli %add3A_391, %mul3A_392 : i32
      %add3A_394 = arith.constant 48 : i32
      %add3A_395 = arith.addi %mul3A_393, %add3A_394 : i32
      %swap3A_396 = arith.index_cast %add3A_395 : i32 to index
      %swap3A_397 = tpu.vector_load %arg9[%swap3A_396] {strides = array<i32>} : memref<43008xf32, #tpu.memory_space<vmem>>, vector<16xf32>,
      %swap3A_398 = vector.shape_cast %swap3A_397 : vector<16xf32> to vector<16xf32>
      %swap3A_399 = vector.shape_cast %scan3A_348#4 : vector<16xf32> to vector<16xf32>
      tpu.vector_store %arg9[%swap3A_396], %swap3A_399 {strides = array<i32>} : memref<43008xf32, #tpu.memory_space<vmem>>, vector<16xf32>,
      %add3A_400 = arith.constant 5 : i32
      %add3A_401 = arith.addi %mul3A_139, %add3A_400 : i32
      %mul3A_402 = arith.constant 128 : i32
      %mul3A_403 = arith.muli %add3A_401, %mul3A_402 : i32
      %add3A_404 = arith.constant 48 : i32
      %add3A_405 = arith.addi %mul3A_403, %add3A_404 : i32
      %swap3A_406 = arith.index_cast %add3A_405 : i32 to index
      %swap3A_407 = tpu.vector_load %arg9[%swap3A_406] {strides = array<i32>} : memref<43008xf32, #tpu.memory_space<vmem>>, vector<16xf32>,
      %swap3A_408 = vector.shape_cast %swap3A_407 : vector<16xf32> to vector<16xf32>
      %swap3A_409 = vector.shape_cast %scan3A_348#5 : vector<16xf32> to vector<16xf32>
      tpu.vector_store %arg9[%swap3A_406], %swap3A_409 {strides = array<i32>} : memref<43008xf32, #tpu.memory_space<vmem>>, vector<16xf32>,
      %broadcast_in_dim3A_410 = arith.constant 0.000000e+00 : f32
      %broadcast_in_dim3A_411 = vector.broadcast %broadcast_in_dim3A_410 : f32 to vector<16xf32>
      %scan3A_412 = arith.constant 0 : i32
      %scan3A_413 = arith.constant 20 : i32
      %scan3A_414 = arith.addi %scan3A_412, %scan3A_413 : i32
      %scan3A_415 = arith.constant 1 : i32
      %scan3A_416:6 = scf.for %scan3A_2348 = %scan3A_412 to %scan3A_414 step %scan3A_415 iter_args(%scan3A_2349 = %broadcast_in_dim3A_411, %scan3A_2350 = %broadcast_in_dim3A_411, %scan3A_2351 = %broadcast_in_dim3A_411, %scan3A_2352 = %broadcast_in_dim3A_411, %scan3A_2353 = %broadcast_in_dim3A_411, %scan3A_2354 = %broadcast_in_dim3A_411) -> (vector<16xf32>, vector<16xf32>, vector<16xf32>, vector<16xf32>, vector<16xf32>, vector<16xf32>)  : i32 {
        %get3A = arith.index_cast %scan3A_2348 : i32 to index
        %get3A_2355 = arith.constant 64 : index
        %get3A_2356 = tpu.vector_load %arg7[%get3A, %get3A_2355] {strides = array<i32>} : memref<20x128xf32, #tpu.memory_space<vmem>>, vector<1x16xf32>,
        %get3A_2357 = vector.shape_cast %get3A_2356 : vector<1x16xf32> to vector<16xf32>
        %add3A_2358 = arith.constant 0 : i32
        %add3A_2359 = arith.addi %add3A_2358, %scan3A_2348 : i32
        %get3A_2360 = arith.constant 0 : i32
        %get3A_2361 = arith.index_cast %get3A_2360 : i32 to index
        %get3A_2362 = arith.index_cast %add3A_2359 : i32 to index
        %get3A_2363 = arith.constant 64 : index
        %get3A_2364 = tpu.vector_load %arg8[%get3A_2361, %get3A_2362, %get3A_2363] {strides = array<i32>} : memref<4x120x128xf32, #tpu.memory_space<vmem>>, vector<1x1x16xf32>,
        %get3A_2365 = vector.shape_cast %get3A_2364 : vector<1x1x16xf32> to vector<16xf32>
        %mul3A_2366 = arith.mulf %get3A_2365, %get3A_2357 : vector<16xf32>
        %add3A_2367 = arith.addf %scan3A_2349, %mul3A_2366 : vector<16xf32>
        %add3A_2368 = arith.constant 20 : i32
        %add3A_2369 = arith.addi %add3A_2368, %scan3A_2348 : i32
        %get3A_2370 = arith.constant 0 : i32
        %get3A_2371 = arith.index_cast %get3A_2370 : i32 to index
        %get3A_2372 = arith.index_cast %add3A_2369 : i32 to index
        %get3A_2373 = arith.constant 64 : index
        %get3A_2374 = tpu.vector_load %arg8[%get3A_2371, %get3A_2372, %get3A_2373] {strides = array<i32>} : memref<4x120x128xf32, #tpu.memory_space<vmem>>, vector<1x1x16xf32>,
        %get3A_2375 = vector.shape_cast %get3A_2374 : vector<1x1x16xf32> to vector<16xf32>
        %mul3A_2376 = arith.mulf %get3A_2375, %get3A_2357 : vector<16xf32>
        %add3A_2377 = arith.addf %scan3A_2350, %mul3A_2376 : vector<16xf32>
        %add3A_2378 = arith.constant 40 : i32
        %add3A_2379 = arith.addi %add3A_2378, %scan3A_2348 : i32
        %get3A_2380 = arith.constant 0 : i32
        %get3A_2381 = arith.index_cast %get3A_2380 : i32 to index
        %get3A_2382 = arith.index_cast %add3A_2379 : i32 to index
        %get3A_2383 = arith.constant 64 : index
        %get3A_2384 = tpu.vector_load %arg8[%get3A_2381, %get3A_2382, %get3A_2383] {strides = array<i32>} : memref<4x120x128xf32, #tpu.memory_space<vmem>>, vector<1x1x16xf32>,
        %get3A_2385 = vector.shape_cast %get3A_2384 : vector<1x1x16xf32> to vector<16xf32>
        %mul3A_2386 = arith.mulf %get3A_2385, %get3A_2357 : vector<16xf32>
        %add3A_2387 = arith.addf %scan3A_2351, %mul3A_2386 : vector<16xf32>
        %add3A_2388 = arith.constant 60 : i32
        %add3A_2389 = arith.addi %add3A_2388, %scan3A_2348 : i32
        %get3A_2390 = arith.constant 0 : i32
        %get3A_2391 = arith.index_cast %get3A_2390 : i32 to index
        %get3A_2392 = arith.index_cast %add3A_2389 : i32 to index
        %get3A_2393 = arith.constant 64 : index
        %get3A_2394 = tpu.vector_load %arg8[%get3A_2391, %get3A_2392, %get3A_2393] {strides = array<i32>} : memref<4x120x128xf32, #tpu.memory_space<vmem>>, vector<1x1x16xf32>,
        %get3A_2395 = vector.shape_cast %get3A_2394 : vector<1x1x16xf32> to vector<16xf32>
        %mul3A_2396 = arith.mulf %get3A_2395, %get3A_2357 : vector<16xf32>
        %add3A_2397 = arith.addf %scan3A_2352, %mul3A_2396 : vector<16xf32>
        %add3A_2398 = arith.constant 80 : i32
        %add3A_2399 = arith.addi %add3A_2398, %scan3A_2348 : i32
        %get3A_2400 = arith.constant 0 : i32
        %get3A_2401 = arith.index_cast %get3A_2400 : i32 to index
        %get3A_2402 = arith.index_cast %add3A_2399 : i32 to index
        %get3A_2403 = arith.constant 64 : index
        %get3A_2404 = tpu.vector_load %arg8[%get3A_2401, %get3A_2402, %get3A_2403] {strides = array<i32>} : memref<4x120x128xf32, #tpu.memory_space<vmem>>, vector<1x1x16xf32>,
        %get3A_2405 = vector.shape_cast %get3A_2404 : vector<1x1x16xf32> to vector<16xf32>
        %mul3A_2406 = arith.mulf %get3A_2405, %get3A_2357 : vector<16xf32>
        %add3A_2407 = arith.addf %scan3A_2353, %mul3A_2406 : vector<16xf32>
        %add3A_2408 = arith.constant 100 : i32
        %add3A_2409 = arith.addi %add3A_2408, %scan3A_2348 : i32
        %get3A_2410 = arith.constant 0 : i32
        %get3A_2411 = arith.index_cast %get3A_2410 : i32 to index
        %get3A_2412 = arith.index_cast %add3A_2409 : i32 to index
        %get3A_2413 = arith.constant 64 : index
        %get3A_2414 = tpu.vector_load %arg8[%get3A_2411, %get3A_2412, %get3A_2413] {strides = array<i32>} : memref<4x120x128xf32, #tpu.memory_space<vmem>>, vector<1x1x16xf32>,
        %get3A_2415 = vector.shape_cast %get3A_2414 : vector<1x1x16xf32> to vector<16xf32>
        %mul3A_2416 = arith.mulf %get3A_2415, %get3A_2357 : vector<16xf32>
        %add3A_2417 = arith.addf %scan3A_2354, %mul3A_2416 : vector<16xf32>
        scf.yield %add3A_2367, %add3A_2377, %add3A_2387, %add3A_2397, %add3A_2407, %add3A_2417 : vector<16xf32>, vector<16xf32>, vector<16xf32>, vector<16xf32>, vector<16xf32>, vector<16xf32>
      }
      %scan3A_417 = arith.constant 20 : i32
      %add3A_418 = arith.constant 0 : i32
      %add3A_419 = arith.addi %mul3A_139, %add3A_418 : i32
      %mul3A_420 = arith.constant 128 : i32
      %mul3A_421 = arith.muli %add3A_419, %mul3A_420 : i32
      %add3A_422 = arith.constant 64 : i32
      %add3A_423 = arith.addi %mul3A_421, %add3A_422 : i32
      %swap3A_424 = arith.index_cast %add3A_423 : i32 to index
      %swap3A_425 = tpu.vector_load %arg9[%swap3A_424] {strides = array<i32>} : memref<43008xf32, #tpu.memory_space<vmem>>, vector<16xf32>,
      %swap3A_426 = vector.shape_cast %swap3A_425 : vector<16xf32> to vector<16xf32>
      %swap3A_427 = vector.shape_cast %scan3A_416#0 : vector<16xf32> to vector<16xf32>
      tpu.vector_store %arg9[%swap3A_424], %swap3A_427 {strides = array<i32>} : memref<43008xf32, #tpu.memory_space<vmem>>, vector<16xf32>,
      %add3A_428 = arith.constant 1 : i32
      %add3A_429 = arith.addi %mul3A_139, %add3A_428 : i32
      %mul3A_430 = arith.constant 128 : i32
      %mul3A_431 = arith.muli %add3A_429, %mul3A_430 : i32
      %add3A_432 = arith.constant 64 : i32
      %add3A_433 = arith.addi %mul3A_431, %add3A_432 : i32
      %swap3A_434 = arith.index_cast %add3A_433 : i32 to index
      %swap3A_435 = tpu.vector_load %arg9[%swap3A_434] {strides = array<i32>} : memref<43008xf32, #tpu.memory_space<vmem>>, vector<16xf32>,
      %swap3A_436 = vector.shape_cast %swap3A_435 : vector<16xf32> to vector<16xf32>
      %swap3A_437 = vector.shape_cast %scan3A_416#1 : vector<16xf32> to vector<16xf32>
      tpu.vector_store %arg9[%swap3A_434], %swap3A_437 {strides = array<i32>} : memref<43008xf32, #tpu.memory_space<vmem>>, vector<16xf32>,
      %add3A_438 = arith.constant 2 : i32
      %add3A_439 = arith.addi %mul3A_139, %add3A_438 : i32
      %mul3A_440 = arith.constant 128 : i32
      %mul3A_441 = arith.muli %add3A_439, %mul3A_440 : i32
      %add3A_442 = arith.constant 64 : i32
      %add3A_443 = arith.addi %mul3A_441, %add3A_442 : i32
      %swap3A_444 = arith.index_cast %add3A_443 : i32 to index
      %swap3A_445 = tpu.vector_load %arg9[%swap3A_444] {strides = array<i32>} : memref<43008xf32, #tpu.memory_space<vmem>>, vector<16xf32>,
      %swap3A_446 = vector.shape_cast %swap3A_445 : vector<16xf32> to vector<16xf32>
      %swap3A_447 = vector.shape_cast %scan3A_416#2 : vector<16xf32> to vector<16xf32>
      tpu.vector_store %arg9[%swap3A_444], %swap3A_447 {strides = array<i32>} : memref<43008xf32, #tpu.memory_space<vmem>>, vector<16xf32>,
      %add3A_448 = arith.constant 3 : i32
      %add3A_449 = arith.addi %mul3A_139, %add3A_448 : i32
      %mul3A_450 = arith.constant 128 : i32
      %mul3A_451 = arith.muli %add3A_449, %mul3A_450 : i32
      %add3A_452 = arith.constant 64 : i32
      %add3A_453 = arith.addi %mul3A_451, %add3A_452 : i32
      %swap3A_454 = arith.index_cast %add3A_453 : i32 to index
      %swap3A_455 = tpu.vector_load %arg9[%swap3A_454] {strides = array<i32>} : memref<43008xf32, #tpu.memory_space<vmem>>, vector<16xf32>,
      %swap3A_456 = vector.shape_cast %swap3A_455 : vector<16xf32> to vector<16xf32>
      %swap3A_457 = vector.shape_cast %scan3A_416#3 : vector<16xf32> to vector<16xf32>
      tpu.vector_store %arg9[%swap3A_454], %swap3A_457 {strides = array<i32>} : memref<43008xf32, #tpu.memory_space<vmem>>, vector<16xf32>,
      %add3A_458 = arith.constant 4 : i32
      %add3A_459 = arith.addi %mul3A_139, %add3A_458 : i32
      %mul3A_460 = arith.constant 128 : i32
      %mul3A_461 = arith.muli %add3A_459, %mul3A_460 : i32
      %add3A_462 = arith.constant 64 : i32
      %add3A_463 = arith.addi %mul3A_461, %add3A_462 : i32
      %swap3A_464 = arith.index_cast %add3A_463 : i32 to index
      %swap3A_465 = tpu.vector_load %arg9[%swap3A_464] {strides = array<i32>} : memref<43008xf32, #tpu.memory_space<vmem>>, vector<16xf32>,
      %swap3A_466 = vector.shape_cast %swap3A_465 : vector<16xf32> to vector<16xf32>
      %swap3A_467 = vector.shape_cast %scan3A_416#4 : vector<16xf32> to vector<16xf32>
      tpu.vector_store %arg9[%swap3A_464], %swap3A_467 {strides = array<i32>} : memref<43008xf32, #tpu.memory_space<vmem>>, vector<16xf32>,
      %add3A_468 = arith.constant 5 : i32
      %add3A_469 = arith.addi %mul3A_139, %add3A_468 : i32
      %mul3A_470 = arith.constant 128 : i32
      %mul3A_471 = arith.muli %add3A_469, %mul3A_470 : i32
      %add3A_472 = arith.constant 64 : i32
      %add3A_473 = arith.addi %mul3A_471, %add3A_472 : i32
      %swap3A_474 = arith.index_cast %add3A_473 : i32 to index
      %swap3A_475 = tpu.vector_load %arg9[%swap3A_474] {strides = array<i32>} : memref<43008xf32, #tpu.memory_space<vmem>>, vector<16xf32>,
      %swap3A_476 = vector.shape_cast %swap3A_475 : vector<16xf32> to vector<16xf32>
      %swap3A_477 = vector.shape_cast %scan3A_416#5 : vector<16xf32> to vector<16xf32>
      tpu.vector_store %arg9[%swap3A_474], %swap3A_477 {strides = array<i32>} : memref<43008xf32, #tpu.memory_space<vmem>>, vector<16xf32>,
      %broadcast_in_dim3A_478 = arith.constant 0.000000e+00 : f32
      %broadcast_in_dim3A_479 = vector.broadcast %broadcast_in_dim3A_478 : f32 to vector<16xf32>
      %scan3A_480 = arith.constant 0 : i32
      %scan3A_481 = arith.constant 20 : i32
      %scan3A_482 = arith.addi %scan3A_480, %scan3A_481 : i32
      %scan3A_483 = arith.constant 1 : i32
      %scan3A_484:6 = scf.for %scan3A_2348 = %scan3A_480 to %scan3A_482 step %scan3A_483 iter_args(%scan3A_2349 = %broadcast_in_dim3A_479, %scan3A_2350 = %broadcast_in_dim3A_479, %scan3A_2351 = %broadcast_in_dim3A_479, %scan3A_2352 = %broadcast_in_dim3A_479, %scan3A_2353 = %broadcast_in_dim3A_479, %scan3A_2354 = %broadcast_in_dim3A_479) -> (vector<16xf32>, vector<16xf32>, vector<16xf32>, vector<16xf32>, vector<16xf32>, vector<16xf32>)  : i32 {
        %get3A = arith.index_cast %scan3A_2348 : i32 to index
        %get3A_2355 = arith.constant 80 : index
        %get3A_2356 = tpu.vector_load %arg7[%get3A, %get3A_2355] {strides = array<i32>} : memref<20x128xf32, #tpu.memory_space<vmem>>, vector<1x16xf32>,
        %get3A_2357 = vector.shape_cast %get3A_2356 : vector<1x16xf32> to vector<16xf32>
        %add3A_2358 = arith.constant 0 : i32
        %add3A_2359 = arith.addi %add3A_2358, %scan3A_2348 : i32
        %get3A_2360 = arith.constant 0 : i32
        %get3A_2361 = arith.index_cast %get3A_2360 : i32 to index
        %get3A_2362 = arith.index_cast %add3A_2359 : i32 to index
        %get3A_2363 = arith.constant 80 : index
        %get3A_2364 = tpu.vector_load %arg8[%get3A_2361, %get3A_2362, %get3A_2363] {strides = array<i32>} : memref<4x120x128xf32, #tpu.memory_space<vmem>>, vector<1x1x16xf32>,
        %get3A_2365 = vector.shape_cast %get3A_2364 : vector<1x1x16xf32> to vector<16xf32>
        %mul3A_2366 = arith.mulf %get3A_2365, %get3A_2357 : vector<16xf32>
        %add3A_2367 = arith.addf %scan3A_2349, %mul3A_2366 : vector<16xf32>
        %add3A_2368 = arith.constant 20 : i32
        %add3A_2369 = arith.addi %add3A_2368, %scan3A_2348 : i32
        %get3A_2370 = arith.constant 0 : i32
        %get3A_2371 = arith.index_cast %get3A_2370 : i32 to index
        %get3A_2372 = arith.index_cast %add3A_2369 : i32 to index
        %get3A_2373 = arith.constant 80 : index
        %get3A_2374 = tpu.vector_load %arg8[%get3A_2371, %get3A_2372, %get3A_2373] {strides = array<i32>} : memref<4x120x128xf32, #tpu.memory_space<vmem>>, vector<1x1x16xf32>,
        %get3A_2375 = vector.shape_cast %get3A_2374 : vector<1x1x16xf32> to vector<16xf32>
        %mul3A_2376 = arith.mulf %get3A_2375, %get3A_2357 : vector<16xf32>
        %add3A_2377 = arith.addf %scan3A_2350, %mul3A_2376 : vector<16xf32>
        %add3A_2378 = arith.constant 40 : i32
        %add3A_2379 = arith.addi %add3A_2378, %scan3A_2348 : i32
        %get3A_2380 = arith.constant 0 : i32
        %get3A_2381 = arith.index_cast %get3A_2380 : i32 to index
        %get3A_2382 = arith.index_cast %add3A_2379 : i32 to index
        %get3A_2383 = arith.constant 80 : index
        %get3A_2384 = tpu.vector_load %arg8[%get3A_2381, %get3A_2382, %get3A_2383] {strides = array<i32>} : memref<4x120x128xf32, #tpu.memory_space<vmem>>, vector<1x1x16xf32>,
        %get3A_2385 = vector.shape_cast %get3A_2384 : vector<1x1x16xf32> to vector<16xf32>
        %mul3A_2386 = arith.mulf %get3A_2385, %get3A_2357 : vector<16xf32>
        %add3A_2387 = arith.addf %scan3A_2351, %mul3A_2386 : vector<16xf32>
        %add3A_2388 = arith.constant 60 : i32
        %add3A_2389 = arith.addi %add3A_2388, %scan3A_2348 : i32
        %get3A_2390 = arith.constant 0 : i32
        %get3A_2391 = arith.index_cast %get3A_2390 : i32 to index
        %get3A_2392 = arith.index_cast %add3A_2389 : i32 to index
        %get3A_2393 = arith.constant 80 : index
        %get3A_2394 = tpu.vector_load %arg8[%get3A_2391, %get3A_2392, %get3A_2393] {strides = array<i32>} : memref<4x120x128xf32, #tpu.memory_space<vmem>>, vector<1x1x16xf32>,
        %get3A_2395 = vector.shape_cast %get3A_2394 : vector<1x1x16xf32> to vector<16xf32>
        %mul3A_2396 = arith.mulf %get3A_2395, %get3A_2357 : vector<16xf32>
        %add3A_2397 = arith.addf %scan3A_2352, %mul3A_2396 : vector<16xf32>
        %add3A_2398 = arith.constant 80 : i32
        %add3A_2399 = arith.addi %add3A_2398, %scan3A_2348 : i32
        %get3A_2400 = arith.constant 0 : i32
        %get3A_2401 = arith.index_cast %get3A_2400 : i32 to index
        %get3A_2402 = arith.index_cast %add3A_2399 : i32 to index
        %get3A_2403 = arith.constant 80 : index
        %get3A_2404 = tpu.vector_load %arg8[%get3A_2401, %get3A_2402, %get3A_2403] {strides = array<i32>} : memref<4x120x128xf32, #tpu.memory_space<vmem>>, vector<1x1x16xf32>,
        %get3A_2405 = vector.shape_cast %get3A_2404 : vector<1x1x16xf32> to vector<16xf32>
        %mul3A_2406 = arith.mulf %get3A_2405, %get3A_2357 : vector<16xf32>
        %add3A_2407 = arith.addf %scan3A_2353, %mul3A_2406 : vector<16xf32>
        %add3A_2408 = arith.constant 100 : i32
        %add3A_2409 = arith.addi %add3A_2408, %scan3A_2348 : i32
        %get3A_2410 = arith.constant 0 : i32
        %get3A_2411 = arith.index_cast %get3A_2410 : i32 to index
        %get3A_2412 = arith.index_cast %add3A_2409 : i32 to index
        %get3A_2413 = arith.constant 80 : index
        %get3A_2414 = tpu.vector_load %arg8[%get3A_2411, %get3A_2412, %get3A_2413] {strides = array<i32>} : memref<4x120x128xf32, #tpu.memory_space<vmem>>, vector<1x1x16xf32>,
        %get3A_2415 = vector.shape_cast %get3A_2414 : vector<1x1x16xf32> to vector<16xf32>
        %mul3A_2416 = arith.mulf %get3A_2415, %get3A_2357 : vector<16xf32>
        %add3A_2417 = arith.addf %scan3A_2354, %mul3A_2416 : vector<16xf32>
        scf.yield %add3A_2367, %add3A_2377, %add3A_2387, %add3A_2397, %add3A_2407, %add3A_2417 : vector<16xf32>, vector<16xf32>, vector<16xf32>, vector<16xf32>, vector<16xf32>, vector<16xf32>
      }
      %scan3A_485 = arith.constant 20 : i32
      %add3A_486 = arith.constant 0 : i32
      %add3A_487 = arith.addi %mul3A_139, %add3A_486 : i32
      %mul3A_488 = arith.constant 128 : i32
      %mul3A_489 = arith.muli %add3A_487, %mul3A_488 : i32
      %add3A_490 = arith.constant 80 : i32
      %add3A_491 = arith.addi %mul3A_489, %add3A_490 : i32
      %swap3A_492 = arith.index_cast %add3A_491 : i32 to index
      %swap3A_493 = tpu.vector_load %arg9[%swap3A_492] {strides = array<i32>} : memref<43008xf32, #tpu.memory_space<vmem>>, vector<16xf32>,
      %swap3A_494 = vector.shape_cast %swap3A_493 : vector<16xf32> to vector<16xf32>
      %swap3A_495 = vector.shape_cast %scan3A_484#0 : vector<16xf32> to vector<16xf32>
      tpu.vector_store %arg9[%swap3A_492], %swap3A_495 {strides = array<i32>} : memref<43008xf32, #tpu.memory_space<vmem>>, vector<16xf32>,
      %add3A_496 = arith.constant 1 : i32
      %add3A_497 = arith.addi %mul3A_139, %add3A_496 : i32
      %mul3A_498 = arith.constant 128 : i32
      %mul3A_499 = arith.muli %add3A_497, %mul3A_498 : i32
      %add3A_500 = arith.constant 80 : i32
      %add3A_501 = arith.addi %mul3A_499, %add3A_500 : i32
      %swap3A_502 = arith.index_cast %add3A_501 : i32 to index
      %swap3A_503 = tpu.vector_load %arg9[%swap3A_502] {strides = array<i32>} : memref<43008xf32, #tpu.memory_space<vmem>>, vector<16xf32>,
      %swap3A_504 = vector.shape_cast %swap3A_503 : vector<16xf32> to vector<16xf32>
      %swap3A_505 = vector.shape_cast %scan3A_484#1 : vector<16xf32> to vector<16xf32>
      tpu.vector_store %arg9[%swap3A_502], %swap3A_505 {strides = array<i32>} : memref<43008xf32, #tpu.memory_space<vmem>>, vector<16xf32>,
      %add3A_506 = arith.constant 2 : i32
      %add3A_507 = arith.addi %mul3A_139, %add3A_506 : i32
      %mul3A_508 = arith.constant 128 : i32
      %mul3A_509 = arith.muli %add3A_507, %mul3A_508 : i32
      %add3A_510 = arith.constant 80 : i32
      %add3A_511 = arith.addi %mul3A_509, %add3A_510 : i32
      %swap3A_512 = arith.index_cast %add3A_511 : i32 to index
      %swap3A_513 = tpu.vector_load %arg9[%swap3A_512] {strides = array<i32>} : memref<43008xf32, #tpu.memory_space<vmem>>, vector<16xf32>,
      %swap3A_514 = vector.shape_cast %swap3A_513 : vector<16xf32> to vector<16xf32>
      %swap3A_515 = vector.shape_cast %scan3A_484#2 : vector<16xf32> to vector<16xf32>
      tpu.vector_store %arg9[%swap3A_512], %swap3A_515 {strides = array<i32>} : memref<43008xf32, #tpu.memory_space<vmem>>, vector<16xf32>,
      %add3A_516 = arith.constant 3 : i32
      %add3A_517 = arith.addi %mul3A_139, %add3A_516 : i32
      %mul3A_518 = arith.constant 128 : i32
      %mul3A_519 = arith.muli %add3A_517, %mul3A_518 : i32
      %add3A_520 = arith.constant 80 : i32
      %add3A_521 = arith.addi %mul3A_519, %add3A_520 : i32
      %swap3A_522 = arith.index_cast %add3A_521 : i32 to index
      %swap3A_523 = tpu.vector_load %arg9[%swap3A_522] {strides = array<i32>} : memref<43008xf32, #tpu.memory_space<vmem>>, vector<16xf32>,
      %swap3A_524 = vector.shape_cast %swap3A_523 : vector<16xf32> to vector<16xf32>
      %swap3A_525 = vector.shape_cast %scan3A_484#3 : vector<16xf32> to vector<16xf32>
      tpu.vector_store %arg9[%swap3A_522], %swap3A_525 {strides = array<i32>} : memref<43008xf32, #tpu.memory_space<vmem>>, vector<16xf32>,
      %add3A_526 = arith.constant 4 : i32
      %add3A_527 = arith.addi %mul3A_139, %add3A_526 : i32
      %mul3A_528 = arith.constant 128 : i32
      %mul3A_529 = arith.muli %add3A_527, %mul3A_528 : i32
      %add3A_530 = arith.constant 80 : i32
      %add3A_531 = arith.addi %mul3A_529, %add3A_530 : i32
      %swap3A_532 = arith.index_cast %add3A_531 : i32 to index
      %swap3A_533 = tpu.vector_load %arg9[%swap3A_532] {strides = array<i32>} : memref<43008xf32, #tpu.memory_space<vmem>>, vector<16xf32>,
      %swap3A_534 = vector.shape_cast %swap3A_533 : vector<16xf32> to vector<16xf32>
      %swap3A_535 = vector.shape_cast %scan3A_484#4 : vector<16xf32> to vector<16xf32>
      tpu.vector_store %arg9[%swap3A_532], %swap3A_535 {strides = array<i32>} : memref<43008xf32, #tpu.memory_space<vmem>>, vector<16xf32>,
      %add3A_536 = arith.constant 5 : i32
      %add3A_537 = arith.addi %mul3A_139, %add3A_536 : i32
      %mul3A_538 = arith.constant 128 : i32
      %mul3A_539 = arith.muli %add3A_537, %mul3A_538 : i32
      %add3A_540 = arith.constant 80 : i32
      %add3A_541 = arith.addi %mul3A_539, %add3A_540 : i32
      %swap3A_542 = arith.index_cast %add3A_541 : i32 to index
      %swap3A_543 = tpu.vector_load %arg9[%swap3A_542] {strides = array<i32>} : memref<43008xf32, #tpu.memory_space<vmem>>, vector<16xf32>,
      %swap3A_544 = vector.shape_cast %swap3A_543 : vector<16xf32> to vector<16xf32>
      %swap3A_545 = vector.shape_cast %scan3A_484#5 : vector<16xf32> to vector<16xf32>
      tpu.vector_store %arg9[%swap3A_542], %swap3A_545 {strides = array<i32>} : memref<43008xf32, #tpu.memory_space<vmem>>, vector<16xf32>,
      %broadcast_in_dim3A_546 = arith.constant 0.000000e+00 : f32
      %broadcast_in_dim3A_547 = vector.broadcast %broadcast_in_dim3A_546 : f32 to vector<16xf32>
      %scan3A_548 = arith.constant 0 : i32
      %scan3A_549 = arith.constant 20 : i32
      %scan3A_550 = arith.addi %scan3A_548, %scan3A_549 : i32
      %scan3A_551 = arith.constant 1 : i32
      %scan3A_552:6 = scf.for %scan3A_2348 = %scan3A_548 to %scan3A_550 step %scan3A_551 iter_args(%scan3A_2349 = %broadcast_in_dim3A_547, %scan3A_2350 = %broadcast_in_dim3A_547, %scan3A_2351 = %broadcast_in_dim3A_547, %scan3A_2352 = %broadcast_in_dim3A_547, %scan3A_2353 = %broadcast_in_dim3A_547, %scan3A_2354 = %broadcast_in_dim3A_547) -> (vector<16xf32>, vector<16xf32>, vector<16xf32>, vector<16xf32>, vector<16xf32>, vector<16xf32>)  : i32 {
        %get3A = arith.index_cast %scan3A_2348 : i32 to index
        %get3A_2355 = arith.constant 96 : index
        %get3A_2356 = tpu.vector_load %arg7[%get3A, %get3A_2355] {strides = array<i32>} : memref<20x128xf32, #tpu.memory_space<vmem>>, vector<1x16xf32>,
        %get3A_2357 = vector.shape_cast %get3A_2356 : vector<1x16xf32> to vector<16xf32>
        %add3A_2358 = arith.constant 0 : i32
        %add3A_2359 = arith.addi %add3A_2358, %scan3A_2348 : i32
        %get3A_2360 = arith.constant 0 : i32
        %get3A_2361 = arith.index_cast %get3A_2360 : i32 to index
        %get3A_2362 = arith.index_cast %add3A_2359 : i32 to index
        %get3A_2363 = arith.constant 96 : index
        %get3A_2364 = tpu.vector_load %arg8[%get3A_2361, %get3A_2362, %get3A_2363] {strides = array<i32>} : memref<4x120x128xf32, #tpu.memory_space<vmem>>, vector<1x1x16xf32>,
        %get3A_2365 = vector.shape_cast %get3A_2364 : vector<1x1x16xf32> to vector<16xf32>
        %mul3A_2366 = arith.mulf %get3A_2365, %get3A_2357 : vector<16xf32>
        %add3A_2367 = arith.addf %scan3A_2349, %mul3A_2366 : vector<16xf32>
        %add3A_2368 = arith.constant 20 : i32
        %add3A_2369 = arith.addi %add3A_2368, %scan3A_2348 : i32
        %get3A_2370 = arith.constant 0 : i32
        %get3A_2371 = arith.index_cast %get3A_2370 : i32 to index
        %get3A_2372 = arith.index_cast %add3A_2369 : i32 to index
        %get3A_2373 = arith.constant 96 : index
        %get3A_2374 = tpu.vector_load %arg8[%get3A_2371, %get3A_2372, %get3A_2373] {strides = array<i32>} : memref<4x120x128xf32, #tpu.memory_space<vmem>>, vector<1x1x16xf32>,
        %get3A_2375 = vector.shape_cast %get3A_2374 : vector<1x1x16xf32> to vector<16xf32>
        %mul3A_2376 = arith.mulf %get3A_2375, %get3A_2357 : vector<16xf32>
        %add3A_2377 = arith.addf %scan3A_2350, %mul3A_2376 : vector<16xf32>
        %add3A_2378 = arith.constant 40 : i32
        %add3A_2379 = arith.addi %add3A_2378, %scan3A_2348 : i32
        %get3A_2380 = arith.constant 0 : i32
        %get3A_2381 = arith.index_cast %get3A_2380 : i32 to index
        %get3A_2382 = arith.index_cast %add3A_2379 : i32 to index
        %get3A_2383 = arith.constant 96 : index
        %get3A_2384 = tpu.vector_load %arg8[%get3A_2381, %get3A_2382, %get3A_2383] {strides = array<i32>} : memref<4x120x128xf32, #tpu.memory_space<vmem>>, vector<1x1x16xf32>,
        %get3A_2385 = vector.shape_cast %get3A_2384 : vector<1x1x16xf32> to vector<16xf32>
        %mul3A_2386 = arith.mulf %get3A_2385, %get3A_2357 : vector<16xf32>
        %add3A_2387 = arith.addf %scan3A_2351, %mul3A_2386 : vector<16xf32>
        %add3A_2388 = arith.constant 60 : i32
        %add3A_2389 = arith.addi %add3A_2388, %scan3A_2348 : i32
        %get3A_2390 = arith.constant 0 : i32
        %get3A_2391 = arith.index_cast %get3A_2390 : i32 to index
        %get3A_2392 = arith.index_cast %add3A_2389 : i32 to index
        %get3A_2393 = arith.constant 96 : index
        %get3A_2394 = tpu.vector_load %arg8[%get3A_2391, %get3A_2392, %get3A_2393] {strides = array<i32>} : memref<4x120x128xf32, #tpu.memory_space<vmem>>, vector<1x1x16xf32>,
        %get3A_2395 = vector.shape_cast %get3A_2394 : vector<1x1x16xf32> to vector<16xf32>
        %mul3A_2396 = arith.mulf %get3A_2395, %get3A_2357 : vector<16xf32>
        %add3A_2397 = arith.addf %scan3A_2352, %mul3A_2396 : vector<16xf32>
        %add3A_2398 = arith.constant 80 : i32
        %add3A_2399 = arith.addi %add3A_2398, %scan3A_2348 : i32
        %get3A_2400 = arith.constant 0 : i32
        %get3A_2401 = arith.index_cast %get3A_2400 : i32 to index
        %get3A_2402 = arith.index_cast %add3A_2399 : i32 to index
        %get3A_2403 = arith.constant 96 : index
        %get3A_2404 = tpu.vector_load %arg8[%get3A_2401, %get3A_2402, %get3A_2403] {strides = array<i32>} : memref<4x120x128xf32, #tpu.memory_space<vmem>>, vector<1x1x16xf32>,
        %get3A_2405 = vector.shape_cast %get3A_2404 : vector<1x1x16xf32> to vector<16xf32>
        %mul3A_2406 = arith.mulf %get3A_2405, %get3A_2357 : vector<16xf32>
        %add3A_2407 = arith.addf %scan3A_2353, %mul3A_2406 : vector<16xf32>
        %add3A_2408 = arith.constant 100 : i32
        %add3A_2409 = arith.addi %add3A_2408, %scan3A_2348 : i32
        %get3A_2410 = arith.constant 0 : i32
        %get3A_2411 = arith.index_cast %get3A_2410 : i32 to index
        %get3A_2412 = arith.index_cast %add3A_2409 : i32 to index
        %get3A_2413 = arith.constant 96 : index
        %get3A_2414 = tpu.vector_load %arg8[%get3A_2411, %get3A_2412, %get3A_2413] {strides = array<i32>} : memref<4x120x128xf32, #tpu.memory_space<vmem>>, vector<1x1x16xf32>,
        %get3A_2415 = vector.shape_cast %get3A_2414 : vector<1x1x16xf32> to vector<16xf32>
        %mul3A_2416 = arith.mulf %get3A_2415, %get3A_2357 : vector<16xf32>
        %add3A_2417 = arith.addf %scan3A_2354, %mul3A_2416 : vector<16xf32>
        scf.yield %add3A_2367, %add3A_2377, %add3A_2387, %add3A_2397, %add3A_2407, %add3A_2417 : vector<16xf32>, vector<16xf32>, vector<16xf32>, vector<16xf32>, vector<16xf32>, vector<16xf32>
      }
      %scan3A_553 = arith.constant 20 : i32
      %add3A_554 = arith.constant 0 : i32
      %add3A_555 = arith.addi %mul3A_139, %add3A_554 : i32
      %mul3A_556 = arith.constant 128 : i32
      %mul3A_557 = arith.muli %add3A_555, %mul3A_556 : i32
      %add3A_558 = arith.constant 96 : i32
      %add3A_559 = arith.addi %mul3A_557, %add3A_558 : i32
      %swap3A_560 = arith.index_cast %add3A_559 : i32 to index
      %swap3A_561 = tpu.vector_load %arg9[%swap3A_560] {strides = array<i32>} : memref<43008xf32, #tpu.memory_space<vmem>>, vector<16xf32>,
      %swap3A_562 = vector.shape_cast %swap3A_561 : vector<16xf32> to vector<16xf32>
      %swap3A_563 = vector.shape_cast %scan3A_552#0 : vector<16xf32> to vector<16xf32>
      tpu.vector_store %arg9[%swap3A_560], %swap3A_563 {strides = array<i32>} : memref<43008xf32, #tpu.memory_space<vmem>>, vector<16xf32>,
      %add3A_564 = arith.constant 1 : i32
      %add3A_565 = arith.addi %mul3A_139, %add3A_564 : i32
      %mul3A_566 = arith.constant 128 : i32
      %mul3A_567 = arith.muli %add3A_565, %mul3A_566 : i32
      %add3A_568 = arith.constant 96 : i32
      %add3A_569 = arith.addi %mul3A_567, %add3A_568 : i32
      %swap3A_570 = arith.index_cast %add3A_569 : i32 to index
      %swap3A_571 = tpu.vector_load %arg9[%swap3A_570] {strides = array<i32>} : memref<43008xf32, #tpu.memory_space<vmem>>, vector<16xf32>,
      %swap3A_572 = vector.shape_cast %swap3A_571 : vector<16xf32> to vector<16xf32>
      %swap3A_573 = vector.shape_cast %scan3A_552#1 : vector<16xf32> to vector<16xf32>
      tpu.vector_store %arg9[%swap3A_570], %swap3A_573 {strides = array<i32>} : memref<43008xf32, #tpu.memory_space<vmem>>, vector<16xf32>,
      %add3A_574 = arith.constant 2 : i32
      %add3A_575 = arith.addi %mul3A_139, %add3A_574 : i32
      %mul3A_576 = arith.constant 128 : i32
      %mul3A_577 = arith.muli %add3A_575, %mul3A_576 : i32
      %add3A_578 = arith.constant 96 : i32
      %add3A_579 = arith.addi %mul3A_577, %add3A_578 : i32
      %swap3A_580 = arith.index_cast %add3A_579 : i32 to index
      %swap3A_581 = tpu.vector_load %arg9[%swap3A_580] {strides = array<i32>} : memref<43008xf32, #tpu.memory_space<vmem>>, vector<16xf32>,
      %swap3A_582 = vector.shape_cast %swap3A_581 : vector<16xf32> to vector<16xf32>
      %swap3A_583 = vector.shape_cast %scan3A_552#2 : vector<16xf32> to vector<16xf32>
      tpu.vector_store %arg9[%swap3A_580], %swap3A_583 {strides = array<i32>} : memref<43008xf32, #tpu.memory_space<vmem>>, vector<16xf32>,
      %add3A_584 = arith.constant 3 : i32
      %add3A_585 = arith.addi %mul3A_139, %add3A_584 : i32
      %mul3A_586 = arith.constant 128 : i32
      %mul3A_587 = arith.muli %add3A_585, %mul3A_586 : i32
      %add3A_588 = arith.constant 96 : i32
      %add3A_589 = arith.addi %mul3A_587, %add3A_588 : i32
      %swap3A_590 = arith.index_cast %add3A_589 : i32 to index
      %swap3A_591 = tpu.vector_load %arg9[%swap3A_590] {strides = array<i32>} : memref<43008xf32, #tpu.memory_space<vmem>>, vector<16xf32>,
      %swap3A_592 = vector.shape_cast %swap3A_591 : vector<16xf32> to vector<16xf32>
      %swap3A_593 = vector.shape_cast %scan3A_552#3 : vector<16xf32> to vector<16xf32>
      tpu.vector_store %arg9[%swap3A_590], %swap3A_593 {strides = array<i32>} : memref<43008xf32, #tpu.memory_space<vmem>>, vector<16xf32>,
      %add3A_594 = arith.constant 4 : i32
      %add3A_595 = arith.addi %mul3A_139, %add3A_594 : i32
      %mul3A_596 = arith.constant 128 : i32
      %mul3A_597 = arith.muli %add3A_595, %mul3A_596 : i32
      %add3A_598 = arith.constant 96 : i32
      %add3A_599 = arith.addi %mul3A_597, %add3A_598 : i32
      %swap3A_600 = arith.index_cast %add3A_599 : i32 to index
      %swap3A_601 = tpu.vector_load %arg9[%swap3A_600] {strides = array<i32>} : memref<43008xf32, #tpu.memory_space<vmem>>, vector<16xf32>,
      %swap3A_602 = vector.shape_cast %swap3A_601 : vector<16xf32> to vector<16xf32>
      %swap3A_603 = vector.shape_cast %scan3A_552#4 : vector<16xf32> to vector<16xf32>
      tpu.vector_store %arg9[%swap3A_600], %swap3A_603 {strides = array<i32>} : memref<43008xf32, #tpu.memory_space<vmem>>, vector<16xf32>,
      %add3A_604 = arith.constant 5 : i32
      %add3A_605 = arith.addi %mul3A_139, %add3A_604 : i32
      %mul3A_606 = arith.constant 128 : i32
      %mul3A_607 = arith.muli %add3A_605, %mul3A_606 : i32
      %add3A_608 = arith.constant 96 : i32
      %add3A_609 = arith.addi %mul3A_607, %add3A_608 : i32
      %swap3A_610 = arith.index_cast %add3A_609 : i32 to index
      %swap3A_611 = tpu.vector_load %arg9[%swap3A_610] {strides = array<i32>} : memref<43008xf32, #tpu.memory_space<vmem>>, vector<16xf32>,
      %swap3A_612 = vector.shape_cast %swap3A_611 : vector<16xf32> to vector<16xf32>
      %swap3A_613 = vector.shape_cast %scan3A_552#5 : vector<16xf32> to vector<16xf32>
      tpu.vector_store %arg9[%swap3A_610], %swap3A_613 {strides = array<i32>} : memref<43008xf32, #tpu.memory_space<vmem>>, vector<16xf32>,
      %broadcast_in_dim3A_614 = arith.constant 0.000000e+00 : f32
      %broadcast_in_dim3A_615 = vector.broadcast %broadcast_in_dim3A_614 : f32 to vector<16xf32>
      %scan3A_616 = arith.constant 0 : i32
      %scan3A_617 = arith.constant 20 : i32
      %scan3A_618 = arith.addi %scan3A_616, %scan3A_617 : i32
      %scan3A_619 = arith.constant 1 : i32
      %scan3A_620:6 = scf.for %scan3A_2348 = %scan3A_616 to %scan3A_618 step %scan3A_619 iter_args(%scan3A_2349 = %broadcast_in_dim3A_615, %scan3A_2350 = %broadcast_in_dim3A_615, %scan3A_2351 = %broadcast_in_dim3A_615, %scan3A_2352 = %broadcast_in_dim3A_615, %scan3A_2353 = %broadcast_in_dim3A_615, %scan3A_2354 = %broadcast_in_dim3A_615) -> (vector<16xf32>, vector<16xf32>, vector<16xf32>, vector<16xf32>, vector<16xf32>, vector<16xf32>)  : i32 {
        %get3A = arith.index_cast %scan3A_2348 : i32 to index
        %get3A_2355 = arith.constant 112 : index
        %get3A_2356 = tpu.vector_load %arg7[%get3A, %get3A_2355] {strides = array<i32>} : memref<20x128xf32, #tpu.memory_space<vmem>>, vector<1x16xf32>,
        %get3A_2357 = vector.shape_cast %get3A_2356 : vector<1x16xf32> to vector<16xf32>
        %add3A_2358 = arith.constant 0 : i32
        %add3A_2359 = arith.addi %add3A_2358, %scan3A_2348 : i32
        %get3A_2360 = arith.constant 0 : i32
        %get3A_2361 = arith.index_cast %get3A_2360 : i32 to index
        %get3A_2362 = arith.index_cast %add3A_2359 : i32 to index
        %get3A_2363 = arith.constant 112 : index
        %get3A_2364 = tpu.vector_load %arg8[%get3A_2361, %get3A_2362, %get3A_2363] {strides = array<i32>} : memref<4x120x128xf32, #tpu.memory_space<vmem>>, vector<1x1x16xf32>,
        %get3A_2365 = vector.shape_cast %get3A_2364 : vector<1x1x16xf32> to vector<16xf32>
        %mul3A_2366 = arith.mulf %get3A_2365, %get3A_2357 : vector<16xf32>
        %add3A_2367 = arith.addf %scan3A_2349, %mul3A_2366 : vector<16xf32>
        %add3A_2368 = arith.constant 20 : i32
        %add3A_2369 = arith.addi %add3A_2368, %scan3A_2348 : i32
        %get3A_2370 = arith.constant 0 : i32
        %get3A_2371 = arith.index_cast %get3A_2370 : i32 to index
        %get3A_2372 = arith.index_cast %add3A_2369 : i32 to index
        %get3A_2373 = arith.constant 112 : index
        %get3A_2374 = tpu.vector_load %arg8[%get3A_2371, %get3A_2372, %get3A_2373] {strides = array<i32>} : memref<4x120x128xf32, #tpu.memory_space<vmem>>, vector<1x1x16xf32>,
        %get3A_2375 = vector.shape_cast %get3A_2374 : vector<1x1x16xf32> to vector<16xf32>
        %mul3A_2376 = arith.mulf %get3A_2375, %get3A_2357 : vector<16xf32>
        %add3A_2377 = arith.addf %scan3A_2350, %mul3A_2376 : vector<16xf32>
        %add3A_2378 = arith.constant 40 : i32
        %add3A_2379 = arith.addi %add3A_2378, %scan3A_2348 : i32
        %get3A_2380 = arith.constant 0 : i32
        %get3A_2381 = arith.index_cast %get3A_2380 : i32 to index
        %get3A_2382 = arith.index_cast %add3A_2379 : i32 to index
        %get3A_2383 = arith.constant 112 : index
        %get3A_2384 = tpu.vector_load %arg8[%get3A_2381, %get3A_2382, %get3A_2383] {strides = array<i32>} : memref<4x120x128xf32, #tpu.memory_space<vmem>>, vector<1x1x16xf32>,
        %get3A_2385 = vector.shape_cast %get3A_2384 : vector<1x1x16xf32> to vector<16xf32>
        %mul3A_2386 = arith.mulf %get3A_2385, %get3A_2357 : vector<16xf32>
        %add3A_2387 = arith.addf %scan3A_2351, %mul3A_2386 : vector<16xf32>
        %add3A_2388 = arith.constant 60 : i32
        %add3A_2389 = arith.addi %add3A_2388, %scan3A_2348 : i32
        %get3A_2390 = arith.constant 0 : i32
        %get3A_2391 = arith.index_cast %get3A_2390 : i32 to index
        %get3A_2392 = arith.index_cast %add3A_2389 : i32 to index
        %get3A_2393 = arith.constant 112 : index
        %get3A_2394 = tpu.vector_load %arg8[%get3A_2391, %get3A_2392, %get3A_2393] {strides = array<i32>} : memref<4x120x128xf32, #tpu.memory_space<vmem>>, vector<1x1x16xf32>,
        %get3A_2395 = vector.shape_cast %get3A_2394 : vector<1x1x16xf32> to vector<16xf32>
        %mul3A_2396 = arith.mulf %get3A_2395, %get3A_2357 : vector<16xf32>
        %add3A_2397 = arith.addf %scan3A_2352, %mul3A_2396 : vector<16xf32>
        %add3A_2398 = arith.constant 80 : i32
        %add3A_2399 = arith.addi %add3A_2398, %scan3A_2348 : i32
        %get3A_2400 = arith.constant 0 : i32
        %get3A_2401 = arith.index_cast %get3A_2400 : i32 to index
        %get3A_2402 = arith.index_cast %add3A_2399 : i32 to index
        %get3A_2403 = arith.constant 112 : index
        %get3A_2404 = tpu.vector_load %arg8[%get3A_2401, %get3A_2402, %get3A_2403] {strides = array<i32>} : memref<4x120x128xf32, #tpu.memory_space<vmem>>, vector<1x1x16xf32>,
        %get3A_2405 = vector.shape_cast %get3A_2404 : vector<1x1x16xf32> to vector<16xf32>
        %mul3A_2406 = arith.mulf %get3A_2405, %get3A_2357 : vector<16xf32>
        %add3A_2407 = arith.addf %scan3A_2353, %mul3A_2406 : vector<16xf32>
        %add3A_2408 = arith.constant 100 : i32
        %add3A_2409 = arith.addi %add3A_2408, %scan3A_2348 : i32
        %get3A_2410 = arith.constant 0 : i32
        %get3A_2411 = arith.index_cast %get3A_2410 : i32 to index
        %get3A_2412 = arith.index_cast %add3A_2409 : i32 to index
        %get3A_2413 = arith.constant 112 : index
        %get3A_2414 = tpu.vector_load %arg8[%get3A_2411, %get3A_2412, %get3A_2413] {strides = array<i32>} : memref<4x120x128xf32, #tpu.memory_space<vmem>>, vector<1x1x16xf32>,
        %get3A_2415 = vector.shape_cast %get3A_2414 : vector<1x1x16xf32> to vector<16xf32>
        %mul3A_2416 = arith.mulf %get3A_2415, %get3A_2357 : vector<16xf32>
        %add3A_2417 = arith.addf %scan3A_2354, %mul3A_2416 : vector<16xf32>
        scf.yield %add3A_2367, %add3A_2377, %add3A_2387, %add3A_2397, %add3A_2407, %add3A_2417 : vector<16xf32>, vector<16xf32>, vector<16xf32>, vector<16xf32>, vector<16xf32>, vector<16xf32>
      }
      %scan3A_621 = arith.constant 20 : i32
      %add3A_622 = arith.constant 0 : i32
      %add3A_623 = arith.addi %mul3A_139, %add3A_622 : i32
      %mul3A_624 = arith.constant 128 : i32
      %mul3A_625 = arith.muli %add3A_623, %mul3A_624 : i32
      %add3A_626 = arith.constant 112 : i32
      %add3A_627 = arith.addi %mul3A_625, %add3A_626 : i32
      %swap3A_628 = arith.index_cast %add3A_627 : i32 to index
      %swap3A_629 = tpu.vector_load %arg9[%swap3A_628] {strides = array<i32>} : memref<43008xf32, #tpu.memory_space<vmem>>, vector<16xf32>,
      %swap3A_630 = vector.shape_cast %swap3A_629 : vector<16xf32> to vector<16xf32>
      %swap3A_631 = vector.shape_cast %scan3A_620#0 : vector<16xf32> to vector<16xf32>
      tpu.vector_store %arg9[%swap3A_628], %swap3A_631 {strides = array<i32>} : memref<43008xf32, #tpu.memory_space<vmem>>, vector<16xf32>,
      %add3A_632 = arith.constant 1 : i32
      %add3A_633 = arith.addi %mul3A_139, %add3A_632 : i32
      %mul3A_634 = arith.constant 128 : i32
      %mul3A_635 = arith.muli %add3A_633, %mul3A_634 : i32
      %add3A_636 = arith.constant 112 : i32
      %add3A_637 = arith.addi %mul3A_635, %add3A_636 : i32
      %swap3A_638 = arith.index_cast %add3A_637 : i32 to index
      %swap3A_639 = tpu.vector_load %arg9[%swap3A_638] {strides = array<i32>} : memref<43008xf32, #tpu.memory_space<vmem>>, vector<16xf32>,
      %swap3A_640 = vector.shape_cast %swap3A_639 : vector<16xf32> to vector<16xf32>
      %swap3A_641 = vector.shape_cast %scan3A_620#1 : vector<16xf32> to vector<16xf32>
      tpu.vector_store %arg9[%swap3A_638], %swap3A_641 {strides = array<i32>} : memref<43008xf32, #tpu.memory_space<vmem>>, vector<16xf32>,
      %add3A_642 = arith.constant 2 : i32
      %add3A_643 = arith.addi %mul3A_139, %add3A_642 : i32
      %mul3A_644 = arith.constant 128 : i32
      %mul3A_645 = arith.muli %add3A_643, %mul3A_644 : i32
      %add3A_646 = arith.constant 112 : i32
      %add3A_647 = arith.addi %mul3A_645, %add3A_646 : i32
      %swap3A_648 = arith.index_cast %add3A_647 : i32 to index
      %swap3A_649 = tpu.vector_load %arg9[%swap3A_648] {strides = array<i32>} : memref<43008xf32, #tpu.memory_space<vmem>>, vector<16xf32>,
      %swap3A_650 = vector.shape_cast %swap3A_649 : vector<16xf32> to vector<16xf32>
      %swap3A_651 = vector.shape_cast %scan3A_620#2 : vector<16xf32> to vector<16xf32>
      tpu.vector_store %arg9[%swap3A_648], %swap3A_651 {strides = array<i32>} : memref<43008xf32, #tpu.memory_space<vmem>>, vector<16xf32>,
      %add3A_652 = arith.constant 3 : i32
      %add3A_653 = arith.addi %mul3A_139, %add3A_652 : i32
      %mul3A_654 = arith.constant 128 : i32
      %mul3A_655 = arith.muli %add3A_653, %mul3A_654 : i32
      %add3A_656 = arith.constant 112 : i32
      %add3A_657 = arith.addi %mul3A_655, %add3A_656 : i32
      %swap3A_658 = arith.index_cast %add3A_657 : i32 to index
      %swap3A_659 = tpu.vector_load %arg9[%swap3A_658] {strides = array<i32>} : memref<43008xf32, #tpu.memory_space<vmem>>, vector<16xf32>,
      %swap3A_660 = vector.shape_cast %swap3A_659 : vector<16xf32> to vector<16xf32>
      %swap3A_661 = vector.shape_cast %scan3A_620#3 : vector<16xf32> to vector<16xf32>
      tpu.vector_store %arg9[%swap3A_658], %swap3A_661 {strides = array<i32>} : memref<43008xf32, #tpu.memory_space<vmem>>, vector<16xf32>,
      %add3A_662 = arith.constant 4 : i32
      %add3A_663 = arith.addi %mul3A_139, %add3A_662 : i32
      %mul3A_664 = arith.constant 128 : i32
      %mul3A_665 = arith.muli %add3A_663, %mul3A_664 : i32
      %add3A_666 = arith.constant 112 : i32
      %add3A_667 = arith.addi %mul3A_665, %add3A_666 : i32
      %swap3A_668 = arith.index_cast %add3A_667 : i32 to index
      %swap3A_669 = tpu.vector_load %arg9[%swap3A_668] {strides = array<i32>} : memref<43008xf32, #tpu.memory_space<vmem>>, vector<16xf32>,
      %swap3A_670 = vector.shape_cast %swap3A_669 : vector<16xf32> to vector<16xf32>
      %swap3A_671 = vector.shape_cast %scan3A_620#4 : vector<16xf32> to vector<16xf32>
      tpu.vector_store %arg9[%swap3A_668], %swap3A_671 {strides = array<i32>} : memref<43008xf32, #tpu.memory_space<vmem>>, vector<16xf32>,
      %add3A_672 = arith.constant 5 : i32
      %add3A_673 = arith.addi %mul3A_139, %add3A_672 : i32
      %mul3A_674 = arith.constant 128 : i32
      %mul3A_675 = arith.muli %add3A_673, %mul3A_674 : i32
      %add3A_676 = arith.constant 112 : i32
      %add3A_677 = arith.addi %mul3A_675, %add3A_676 : i32
      %swap3A_678 = arith.index_cast %add3A_677 : i32 to index
      %swap3A_679 = tpu.vector_load %arg9[%swap3A_678] {strides = array<i32>} : memref<43008xf32, #tpu.memory_space<vmem>>, vector<16xf32>,
      %swap3A_680 = vector.shape_cast %swap3A_679 : vector<16xf32> to vector<16xf32>
      %swap3A_681 = vector.shape_cast %scan3A_620#5 : vector<16xf32> to vector<16xf32>
      tpu.vector_store %arg9[%swap3A_678], %swap3A_681 {strides = array<i32>} : memref<43008xf32, #tpu.memory_space<vmem>>, vector<16xf32>,
      %mul3A_682 = arith.constant 4 : i32
      %mul3A_683 = arith.muli %mul3A_682, %scan3A_12 : i32
      %add3A_684 = arith.constant 1 : i32
      %add3A_685 = arith.addi %mul3A_683, %add3A_684 : i32
      %rem3A_686 = arith.constant 56 : i32
      %rem3A_687 = arith.remsi %add3A_685, %rem3A_686 : i32
      %mul3A_688 = arith.constant 6 : i32
      %mul3A_689 = arith.muli %rem3A_687, %mul3A_688 : i32
      %broadcast_in_dim3A_690 = arith.constant 0.000000e+00 : f32
      %broadcast_in_dim3A_691 = vector.broadcast %broadcast_in_dim3A_690 : f32 to vector<16xf32>
      %scan3A_692 = arith.constant 0 : i32
      %scan3A_693 = arith.constant 20 : i32
      %scan3A_694 = arith.addi %scan3A_692, %scan3A_693 : i32
      %scan3A_695 = arith.constant 1 : i32
      %scan3A_696:6 = scf.for %scan3A_2348 = %scan3A_692 to %scan3A_694 step %scan3A_695 iter_args(%scan3A_2349 = %broadcast_in_dim3A_691, %scan3A_2350 = %broadcast_in_dim3A_691, %scan3A_2351 = %broadcast_in_dim3A_691, %scan3A_2352 = %broadcast_in_dim3A_691, %scan3A_2353 = %broadcast_in_dim3A_691, %scan3A_2354 = %broadcast_in_dim3A_691) -> (vector<16xf32>, vector<16xf32>, vector<16xf32>, vector<16xf32>, vector<16xf32>, vector<16xf32>)  : i32 {
        %get3A = arith.index_cast %scan3A_2348 : i32 to index
        %get3A_2355 = arith.constant 0 : index
        %get3A_2356 = tpu.vector_load %arg7[%get3A, %get3A_2355] {strides = array<i32>} : memref<20x128xf32, #tpu.memory_space<vmem>>, vector<1x16xf32>,
        %get3A_2357 = vector.shape_cast %get3A_2356 : vector<1x16xf32> to vector<16xf32>
        %add3A_2358 = arith.constant 0 : i32
        %add3A_2359 = arith.addi %add3A_2358, %scan3A_2348 : i32
        %get3A_2360 = arith.constant 1 : i32
        %get3A_2361 = arith.index_cast %get3A_2360 : i32 to index
        %get3A_2362 = arith.index_cast %add3A_2359 : i32 to index
        %get3A_2363 = arith.constant 0 : index
        %get3A_2364 = tpu.vector_load %arg8[%get3A_2361, %get3A_2362, %get3A_2363] {strides = array<i32>} : memref<4x120x128xf32, #tpu.memory_space<vmem>>, vector<1x1x16xf32>,
        %get3A_2365 = vector.shape_cast %get3A_2364 : vector<1x1x16xf32> to vector<16xf32>
        %mul3A_2366 = arith.mulf %get3A_2365, %get3A_2357 : vector<16xf32>
        %add3A_2367 = arith.addf %scan3A_2349, %mul3A_2366 : vector<16xf32>
        %add3A_2368 = arith.constant 20 : i32
        %add3A_2369 = arith.addi %add3A_2368, %scan3A_2348 : i32
        %get3A_2370 = arith.constant 1 : i32
        %get3A_2371 = arith.index_cast %get3A_2370 : i32 to index
        %get3A_2372 = arith.index_cast %add3A_2369 : i32 to index
        %get3A_2373 = arith.constant 0 : index
        %get3A_2374 = tpu.vector_load %arg8[%get3A_2371, %get3A_2372, %get3A_2373] {strides = array<i32>} : memref<4x120x128xf32, #tpu.memory_space<vmem>>, vector<1x1x16xf32>,
        %get3A_2375 = vector.shape_cast %get3A_2374 : vector<1x1x16xf32> to vector<16xf32>
        %mul3A_2376 = arith.mulf %get3A_2375, %get3A_2357 : vector<16xf32>
        %add3A_2377 = arith.addf %scan3A_2350, %mul3A_2376 : vector<16xf32>
        %add3A_2378 = arith.constant 40 : i32
        %add3A_2379 = arith.addi %add3A_2378, %scan3A_2348 : i32
        %get3A_2380 = arith.constant 1 : i32
        %get3A_2381 = arith.index_cast %get3A_2380 : i32 to index
        %get3A_2382 = arith.index_cast %add3A_2379 : i32 to index
        %get3A_2383 = arith.constant 0 : index
        %get3A_2384 = tpu.vector_load %arg8[%get3A_2381, %get3A_2382, %get3A_2383] {strides = array<i32>} : memref<4x120x128xf32, #tpu.memory_space<vmem>>, vector<1x1x16xf32>,
        %get3A_2385 = vector.shape_cast %get3A_2384 : vector<1x1x16xf32> to vector<16xf32>
        %mul3A_2386 = arith.mulf %get3A_2385, %get3A_2357 : vector<16xf32>
        %add3A_2387 = arith.addf %scan3A_2351, %mul3A_2386 : vector<16xf32>
        %add3A_2388 = arith.constant 60 : i32
        %add3A_2389 = arith.addi %add3A_2388, %scan3A_2348 : i32
        %get3A_2390 = arith.constant 1 : i32
        %get3A_2391 = arith.index_cast %get3A_2390 : i32 to index
        %get3A_2392 = arith.index_cast %add3A_2389 : i32 to index
        %get3A_2393 = arith.constant 0 : index
        %get3A_2394 = tpu.vector_load %arg8[%get3A_2391, %get3A_2392, %get3A_2393] {strides = array<i32>} : memref<4x120x128xf32, #tpu.memory_space<vmem>>, vector<1x1x16xf32>,
        %get3A_2395 = vector.shape_cast %get3A_2394 : vector<1x1x16xf32> to vector<16xf32>
        %mul3A_2396 = arith.mulf %get3A_2395, %get3A_2357 : vector<16xf32>
        %add3A_2397 = arith.addf %scan3A_2352, %mul3A_2396 : vector<16xf32>
        %add3A_2398 = arith.constant 80 : i32
        %add3A_2399 = arith.addi %add3A_2398, %scan3A_2348 : i32
        %get3A_2400 = arith.constant 1 : i32
        %get3A_2401 = arith.index_cast %get3A_2400 : i32 to index
        %get3A_2402 = arith.index_cast %add3A_2399 : i32 to index
        %get3A_2403 = arith.constant 0 : index
        %get3A_2404 = tpu.vector_load %arg8[%get3A_2401, %get3A_2402, %get3A_2403] {strides = array<i32>} : memref<4x120x128xf32, #tpu.memory_space<vmem>>, vector<1x1x16xf32>,
        %get3A_2405 = vector.shape_cast %get3A_2404 : vector<1x1x16xf32> to vector<16xf32>
        %mul3A_2406 = arith.mulf %get3A_2405, %get3A_2357 : vector<16xf32>
        %add3A_2407 = arith.addf %scan3A_2353, %mul3A_2406 : vector<16xf32>
        %add3A_2408 = arith.constant 100 : i32
        %add3A_2409 = arith.addi %add3A_2408, %scan3A_2348 : i32
        %get3A_2410 = arith.constant 1 : i32
        %get3A_2411 = arith.index_cast %get3A_2410 : i32 to index
        %get3A_2412 = arith.index_cast %add3A_2409 : i32 to index
        %get3A_2413 = arith.constant 0 : index
        %get3A_2414 = tpu.vector_load %arg8[%get3A_2411, %get3A_2412, %get3A_2413] {strides = array<i32>} : memref<4x120x128xf32, #tpu.memory_space<vmem>>, vector<1x1x16xf32>,
        %get3A_2415 = vector.shape_cast %get3A_2414 : vector<1x1x16xf32> to vector<16xf32>
        %mul3A_2416 = arith.mulf %get3A_2415, %get3A_2357 : vector<16xf32>
        %add3A_2417 = arith.addf %scan3A_2354, %mul3A_2416 : vector<16xf32>
        scf.yield %add3A_2367, %add3A_2377, %add3A_2387, %add3A_2397, %add3A_2407, %add3A_2417 : vector<16xf32>, vector<16xf32>, vector<16xf32>, vector<16xf32>, vector<16xf32>, vector<16xf32>
      }
      %scan3A_697 = arith.constant 20 : i32
      %add3A_698 = arith.constant 0 : i32
      %add3A_699 = arith.addi %mul3A_689, %add3A_698 : i32
      %mul3A_700 = arith.constant 128 : i32
      %mul3A_701 = arith.muli %add3A_699, %mul3A_700 : i32
      %add3A_702 = arith.constant 0 : i32
      %add3A_703 = arith.addi %mul3A_701, %add3A_702 : i32
      %swap3A_704 = arith.index_cast %add3A_703 : i32 to index
      %swap3A_705 = tpu.vector_load %arg9[%swap3A_704] {strides = array<i32>} : memref<43008xf32, #tpu.memory_space<vmem>>, vector<16xf32>,
      %swap3A_706 = vector.shape_cast %swap3A_705 : vector<16xf32> to vector<16xf32>
      %swap3A_707 = vector.shape_cast %scan3A_696#0 : vector<16xf32> to vector<16xf32>
      tpu.vector_store %arg9[%swap3A_704], %swap3A_707 {strides = array<i32>} : memref<43008xf32, #tpu.memory_space<vmem>>, vector<16xf32>,
      %add3A_708 = arith.constant 1 : i32
      %add3A_709 = arith.addi %mul3A_689, %add3A_708 : i32
      %mul3A_710 = arith.constant 128 : i32
      %mul3A_711 = arith.muli %add3A_709, %mul3A_710 : i32
      %add3A_712 = arith.constant 0 : i32
      %add3A_713 = arith.addi %mul3A_711, %add3A_712 : i32
      %swap3A_714 = arith.index_cast %add3A_713 : i32 to index
      %swap3A_715 = tpu.vector_load %arg9[%swap3A_714] {strides = array<i32>} : memref<43008xf32, #tpu.memory_space<vmem>>, vector<16xf32>,
      %swap3A_716 = vector.shape_cast %swap3A_715 : vector<16xf32> to vector<16xf32>
      %swap3A_717 = vector.shape_cast %scan3A_696#1 : vector<16xf32> to vector<16xf32>
      tpu.vector_store %arg9[%swap3A_714], %swap3A_717 {strides = array<i32>} : memref<43008xf32, #tpu.memory_space<vmem>>, vector<16xf32>,
      %add3A_718 = arith.constant 2 : i32
      %add3A_719 = arith.addi %mul3A_689, %add3A_718 : i32
      %mul3A_720 = arith.constant 128 : i32
      %mul3A_721 = arith.muli %add3A_719, %mul3A_720 : i32
      %add3A_722 = arith.constant 0 : i32
      %add3A_723 = arith.addi %mul3A_721, %add3A_722 : i32
      %swap3A_724 = arith.index_cast %add3A_723 : i32 to index
      %swap3A_725 = tpu.vector_load %arg9[%swap3A_724] {strides = array<i32>} : memref<43008xf32, #tpu.memory_space<vmem>>, vector<16xf32>,
      %swap3A_726 = vector.shape_cast %swap3A_725 : vector<16xf32> to vector<16xf32>
      %swap3A_727 = vector.shape_cast %scan3A_696#2 : vector<16xf32> to vector<16xf32>
      tpu.vector_store %arg9[%swap3A_724], %swap3A_727 {strides = array<i32>} : memref<43008xf32, #tpu.memory_space<vmem>>, vector<16xf32>,
      %add3A_728 = arith.constant 3 : i32
      %add3A_729 = arith.addi %mul3A_689, %add3A_728 : i32
      %mul3A_730 = arith.constant 128 : i32
      %mul3A_731 = arith.muli %add3A_729, %mul3A_730 : i32
      %add3A_732 = arith.constant 0 : i32
      %add3A_733 = arith.addi %mul3A_731, %add3A_732 : i32
      %swap3A_734 = arith.index_cast %add3A_733 : i32 to index
      %swap3A_735 = tpu.vector_load %arg9[%swap3A_734] {strides = array<i32>} : memref<43008xf32, #tpu.memory_space<vmem>>, vector<16xf32>,
      %swap3A_736 = vector.shape_cast %swap3A_735 : vector<16xf32> to vector<16xf32>
      %swap3A_737 = vector.shape_cast %scan3A_696#3 : vector<16xf32> to vector<16xf32>
      tpu.vector_store %arg9[%swap3A_734], %swap3A_737 {strides = array<i32>} : memref<43008xf32, #tpu.memory_space<vmem>>, vector<16xf32>,
      %add3A_738 = arith.constant 4 : i32
      %add3A_739 = arith.addi %mul3A_689, %add3A_738 : i32
      %mul3A_740 = arith.constant 128 : i32
      %mul3A_741 = arith.muli %add3A_739, %mul3A_740 : i32
      %add3A_742 = arith.constant 0 : i32
      %add3A_743 = arith.addi %mul3A_741, %add3A_742 : i32
      %swap3A_744 = arith.index_cast %add3A_743 : i32 to index
      %swap3A_745 = tpu.vector_load %arg9[%swap3A_744] {strides = array<i32>} : memref<43008xf32, #tpu.memory_space<vmem>>, vector<16xf32>,
      %swap3A_746 = vector.shape_cast %swap3A_745 : vector<16xf32> to vector<16xf32>
      %swap3A_747 = vector.shape_cast %scan3A_696#4 : vector<16xf32> to vector<16xf32>
      tpu.vector_store %arg9[%swap3A_744], %swap3A_747 {strides = array<i32>} : memref<43008xf32, #tpu.memory_space<vmem>>, vector<16xf32>,
      %add3A_748 = arith.constant 5 : i32
      %add3A_749 = arith.addi %mul3A_689, %add3A_748 : i32
      %mul3A_750 = arith.constant 128 : i32
      %mul3A_751 = arith.muli %add3A_749, %mul3A_750 : i32
      %add3A_752 = arith.constant 0 : i32
      %add3A_753 = arith.addi %mul3A_751, %add3A_752 : i32
      %swap3A_754 = arith.index_cast %add3A_753 : i32 to index
      %swap3A_755 = tpu.vector_load %arg9[%swap3A_754] {strides = array<i32>} : memref<43008xf32, #tpu.memory_space<vmem>>, vector<16xf32>,
      %swap3A_756 = vector.shape_cast %swap3A_755 : vector<16xf32> to vector<16xf32>
      %swap3A_757 = vector.shape_cast %scan3A_696#5 : vector<16xf32> to vector<16xf32>
      tpu.vector_store %arg9[%swap3A_754], %swap3A_757 {strides = array<i32>} : memref<43008xf32, #tpu.memory_space<vmem>>, vector<16xf32>,
      %broadcast_in_dim3A_758 = arith.constant 0.000000e+00 : f32
      %broadcast_in_dim3A_759 = vector.broadcast %broadcast_in_dim3A_758 : f32 to vector<16xf32>
      %scan3A_760 = arith.constant 0 : i32
      %scan3A_761 = arith.constant 20 : i32
      %scan3A_762 = arith.addi %scan3A_760, %scan3A_761 : i32
      %scan3A_763 = arith.constant 1 : i32
      %scan3A_764:6 = scf.for %scan3A_2348 = %scan3A_760 to %scan3A_762 step %scan3A_763 iter_args(%scan3A_2349 = %broadcast_in_dim3A_759, %scan3A_2350 = %broadcast_in_dim3A_759, %scan3A_2351 = %broadcast_in_dim3A_759, %scan3A_2352 = %broadcast_in_dim3A_759, %scan3A_2353 = %broadcast_in_dim3A_759, %scan3A_2354 = %broadcast_in_dim3A_759) -> (vector<16xf32>, vector<16xf32>, vector<16xf32>, vector<16xf32>, vector<16xf32>, vector<16xf32>)  : i32 {
        %get3A = arith.index_cast %scan3A_2348 : i32 to index
        %get3A_2355 = arith.constant 16 : index
        %get3A_2356 = tpu.vector_load %arg7[%get3A, %get3A_2355] {strides = array<i32>} : memref<20x128xf32, #tpu.memory_space<vmem>>, vector<1x16xf32>,
        %get3A_2357 = vector.shape_cast %get3A_2356 : vector<1x16xf32> to vector<16xf32>
        %add3A_2358 = arith.constant 0 : i32
        %add3A_2359 = arith.addi %add3A_2358, %scan3A_2348 : i32
        %get3A_2360 = arith.constant 1 : i32
        %get3A_2361 = arith.index_cast %get3A_2360 : i32 to index
        %get3A_2362 = arith.index_cast %add3A_2359 : i32 to index
        %get3A_2363 = arith.constant 16 : index
        %get3A_2364 = tpu.vector_load %arg8[%get3A_2361, %get3A_2362, %get3A_2363] {strides = array<i32>} : memref<4x120x128xf32, #tpu.memory_space<vmem>>, vector<1x1x16xf32>,
        %get3A_2365 = vector.shape_cast %get3A_2364 : vector<1x1x16xf32> to vector<16xf32>
        %mul3A_2366 = arith.mulf %get3A_2365, %get3A_2357 : vector<16xf32>
        %add3A_2367 = arith.addf %scan3A_2349, %mul3A_2366 : vector<16xf32>
        %add3A_2368 = arith.constant 20 : i32
        %add3A_2369 = arith.addi %add3A_2368, %scan3A_2348 : i32
        %get3A_2370 = arith.constant 1 : i32
        %get3A_2371 = arith.index_cast %get3A_2370 : i32 to index
        %get3A_2372 = arith.index_cast %add3A_2369 : i32 to index
        %get3A_2373 = arith.constant 16 : index
        %get3A_2374 = tpu.vector_load %arg8[%get3A_2371, %get3A_2372, %get3A_2373] {strides = array<i32>} : memref<4x120x128xf32, #tpu.memory_space<vmem>>, vector<1x1x16xf32>,
        %get3A_2375 = vector.shape_cast %get3A_2374 : vector<1x1x16xf32> to vector<16xf32>
        %mul3A_2376 = arith.mulf %get3A_2375, %get3A_2357 : vector<16xf32>
        %add3A_2377 = arith.addf %scan3A_2350, %mul3A_2376 : vector<16xf32>
        %add3A_2378 = arith.constant 40 : i32
        %add3A_2379 = arith.addi %add3A_2378, %scan3A_2348 : i32
        %get3A_2380 = arith.constant 1 : i32
        %get3A_2381 = arith.index_cast %get3A_2380 : i32 to index
        %get3A_2382 = arith.index_cast %add3A_2379 : i32 to index
        %get3A_2383 = arith.constant 16 : index
        %get3A_2384 = tpu.vector_load %arg8[%get3A_2381, %get3A_2382, %get3A_2383] {strides = array<i32>} : memref<4x120x128xf32, #tpu.memory_space<vmem>>, vector<1x1x16xf32>,
        %get3A_2385 = vector.shape_cast %get3A_2384 : vector<1x1x16xf32> to vector<16xf32>
        %mul3A_2386 = arith.mulf %get3A_2385, %get3A_2357 : vector<16xf32>
        %add3A_2387 = arith.addf %scan3A_2351, %mul3A_2386 : vector<16xf32>
        %add3A_2388 = arith.constant 60 : i32
        %add3A_2389 = arith.addi %add3A_2388, %scan3A_2348 : i32
        %get3A_2390 = arith.constant 1 : i32
        %get3A_2391 = arith.index_cast %get3A_2390 : i32 to index
        %get3A_2392 = arith.index_cast %add3A_2389 : i32 to index
        %get3A_2393 = arith.constant 16 : index
        %get3A_2394 = tpu.vector_load %arg8[%get3A_2391, %get3A_2392, %get3A_2393] {strides = array<i32>} : memref<4x120x128xf32, #tpu.memory_space<vmem>>, vector<1x1x16xf32>,
        %get3A_2395 = vector.shape_cast %get3A_2394 : vector<1x1x16xf32> to vector<16xf32>
        %mul3A_2396 = arith.mulf %get3A_2395, %get3A_2357 : vector<16xf32>
        %add3A_2397 = arith.addf %scan3A_2352, %mul3A_2396 : vector<16xf32>
        %add3A_2398 = arith.constant 80 : i32
        %add3A_2399 = arith.addi %add3A_2398, %scan3A_2348 : i32
        %get3A_2400 = arith.constant 1 : i32
        %get3A_2401 = arith.index_cast %get3A_2400 : i32 to index
        %get3A_2402 = arith.index_cast %add3A_2399 : i32 to index
        %get3A_2403 = arith.constant 16 : index
        %get3A_2404 = tpu.vector_load %arg8[%get3A_2401, %get3A_2402, %get3A_2403] {strides = array<i32>} : memref<4x120x128xf32, #tpu.memory_space<vmem>>, vector<1x1x16xf32>,
        %get3A_2405 = vector.shape_cast %get3A_2404 : vector<1x1x16xf32> to vector<16xf32>
        %mul3A_2406 = arith.mulf %get3A_2405, %get3A_2357 : vector<16xf32>
        %add3A_2407 = arith.addf %scan3A_2353, %mul3A_2406 : vector<16xf32>
        %add3A_2408 = arith.constant 100 : i32
        %add3A_2409 = arith.addi %add3A_2408, %scan3A_2348 : i32
        %get3A_2410 = arith.constant 1 : i32
        %get3A_2411 = arith.index_cast %get3A_2410 : i32 to index
        %get3A_2412 = arith.index_cast %add3A_2409 : i32 to index
        %get3A_2413 = arith.constant 16 : index
        %get3A_2414 = tpu.vector_load %arg8[%get3A_2411, %get3A_2412, %get3A_2413] {strides = array<i32>} : memref<4x120x128xf32, #tpu.memory_space<vmem>>, vector<1x1x16xf32>,
        %get3A_2415 = vector.shape_cast %get3A_2414 : vector<1x1x16xf32> to vector<16xf32>
        %mul3A_2416 = arith.mulf %get3A_2415, %get3A_2357 : vector<16xf32>
        %add3A_2417 = arith.addf %scan3A_2354, %mul3A_2416 : vector<16xf32>
        scf.yield %add3A_2367, %add3A_2377, %add3A_2387, %add3A_2397, %add3A_2407, %add3A_2417 : vector<16xf32>, vector<16xf32>, vector<16xf32>, vector<16xf32>, vector<16xf32>, vector<16xf32>
      }
      %scan3A_765 = arith.constant 20 : i32
      %add3A_766 = arith.constant 0 : i32
      %add3A_767 = arith.addi %mul3A_689, %add3A_766 : i32
      %mul3A_768 = arith.constant 128 : i32
      %mul3A_769 = arith.muli %add3A_767, %mul3A_768 : i32
      %add3A_770 = arith.constant 16 : i32
      %add3A_771 = arith.addi %mul3A_769, %add3A_770 : i32
      %swap3A_772 = arith.index_cast %add3A_771 : i32 to index
      %swap3A_773 = tpu.vector_load %arg9[%swap3A_772] {strides = array<i32>} : memref<43008xf32, #tpu.memory_space<vmem>>, vector<16xf32>,
      %swap3A_774 = vector.shape_cast %swap3A_773 : vector<16xf32> to vector<16xf32>
      %swap3A_775 = vector.shape_cast %scan3A_764#0 : vector<16xf32> to vector<16xf32>
      tpu.vector_store %arg9[%swap3A_772], %swap3A_775 {strides = array<i32>} : memref<43008xf32, #tpu.memory_space<vmem>>, vector<16xf32>,
      %add3A_776 = arith.constant 1 : i32
      %add3A_777 = arith.addi %mul3A_689, %add3A_776 : i32
      %mul3A_778 = arith.constant 128 : i32
      %mul3A_779 = arith.muli %add3A_777, %mul3A_778 : i32
      %add3A_780 = arith.constant 16 : i32
      %add3A_781 = arith.addi %mul3A_779, %add3A_780 : i32
      %swap3A_782 = arith.index_cast %add3A_781 : i32 to index
      %swap3A_783 = tpu.vector_load %arg9[%swap3A_782] {strides = array<i32>} : memref<43008xf32, #tpu.memory_space<vmem>>, vector<16xf32>,
      %swap3A_784 = vector.shape_cast %swap3A_783 : vector<16xf32> to vector<16xf32>
      %swap3A_785 = vector.shape_cast %scan3A_764#1 : vector<16xf32> to vector<16xf32>
      tpu.vector_store %arg9[%swap3A_782], %swap3A_785 {strides = array<i32>} : memref<43008xf32, #tpu.memory_space<vmem>>, vector<16xf32>,
      %add3A_786 = arith.constant 2 : i32
      %add3A_787 = arith.addi %mul3A_689, %add3A_786 : i32
      %mul3A_788 = arith.constant 128 : i32
      %mul3A_789 = arith.muli %add3A_787, %mul3A_788 : i32
      %add3A_790 = arith.constant 16 : i32
      %add3A_791 = arith.addi %mul3A_789, %add3A_790 : i32
      %swap3A_792 = arith.index_cast %add3A_791 : i32 to index
      %swap3A_793 = tpu.vector_load %arg9[%swap3A_792] {strides = array<i32>} : memref<43008xf32, #tpu.memory_space<vmem>>, vector<16xf32>,
      %swap3A_794 = vector.shape_cast %swap3A_793 : vector<16xf32> to vector<16xf32>
      %swap3A_795 = vector.shape_cast %scan3A_764#2 : vector<16xf32> to vector<16xf32>
      tpu.vector_store %arg9[%swap3A_792], %swap3A_795 {strides = array<i32>} : memref<43008xf32, #tpu.memory_space<vmem>>, vector<16xf32>,
      %add3A_796 = arith.constant 3 : i32
      %add3A_797 = arith.addi %mul3A_689, %add3A_796 : i32
      %mul3A_798 = arith.constant 128 : i32
      %mul3A_799 = arith.muli %add3A_797, %mul3A_798 : i32
      %add3A_800 = arith.constant 16 : i32
      %add3A_801 = arith.addi %mul3A_799, %add3A_800 : i32
      %swap3A_802 = arith.index_cast %add3A_801 : i32 to index
      %swap3A_803 = tpu.vector_load %arg9[%swap3A_802] {strides = array<i32>} : memref<43008xf32, #tpu.memory_space<vmem>>, vector<16xf32>,
      %swap3A_804 = vector.shape_cast %swap3A_803 : vector<16xf32> to vector<16xf32>
      %swap3A_805 = vector.shape_cast %scan3A_764#3 : vector<16xf32> to vector<16xf32>
      tpu.vector_store %arg9[%swap3A_802], %swap3A_805 {strides = array<i32>} : memref<43008xf32, #tpu.memory_space<vmem>>, vector<16xf32>,
      %add3A_806 = arith.constant 4 : i32
      %add3A_807 = arith.addi %mul3A_689, %add3A_806 : i32
      %mul3A_808 = arith.constant 128 : i32
      %mul3A_809 = arith.muli %add3A_807, %mul3A_808 : i32
      %add3A_810 = arith.constant 16 : i32
      %add3A_811 = arith.addi %mul3A_809, %add3A_810 : i32
      %swap3A_812 = arith.index_cast %add3A_811 : i32 to index
      %swap3A_813 = tpu.vector_load %arg9[%swap3A_812] {strides = array<i32>} : memref<43008xf32, #tpu.memory_space<vmem>>, vector<16xf32>,
      %swap3A_814 = vector.shape_cast %swap3A_813 : vector<16xf32> to vector<16xf32>
      %swap3A_815 = vector.shape_cast %scan3A_764#4 : vector<16xf32> to vector<16xf32>
      tpu.vector_store %arg9[%swap3A_812], %swap3A_815 {strides = array<i32>} : memref<43008xf32, #tpu.memory_space<vmem>>, vector<16xf32>,
      %add3A_816 = arith.constant 5 : i32
      %add3A_817 = arith.addi %mul3A_689, %add3A_816 : i32
      %mul3A_818 = arith.constant 128 : i32
      %mul3A_819 = arith.muli %add3A_817, %mul3A_818 : i32
      %add3A_820 = arith.constant 16 : i32
      %add3A_821 = arith.addi %mul3A_819, %add3A_820 : i32
      %swap3A_822 = arith.index_cast %add3A_821 : i32 to index
      %swap3A_823 = tpu.vector_load %arg9[%swap3A_822] {strides = array<i32>} : memref<43008xf32, #tpu.memory_space<vmem>>, vector<16xf32>,
      %swap3A_824 = vector.shape_cast %swap3A_823 : vector<16xf32> to vector<16xf32>
      %swap3A_825 = vector.shape_cast %scan3A_764#5 : vector<16xf32> to vector<16xf32>
      tpu.vector_store %arg9[%swap3A_822], %swap3A_825 {strides = array<i32>} : memref<43008xf32, #tpu.memory_space<vmem>>, vector<16xf32>,
      %broadcast_in_dim3A_826 = arith.constant 0.000000e+00 : f32
      %broadcast_in_dim3A_827 = vector.broadcast %broadcast_in_dim3A_826 : f32 to vector<16xf32>
      %scan3A_828 = arith.constant 0 : i32
      %scan3A_829 = arith.constant 20 : i32
      %scan3A_830 = arith.addi %scan3A_828, %scan3A_829 : i32
      %scan3A_831 = arith.constant 1 : i32
      %scan3A_832:6 = scf.for %scan3A_2348 = %scan3A_828 to %scan3A_830 step %scan3A_831 iter_args(%scan3A_2349 = %broadcast_in_dim3A_827, %scan3A_2350 = %broadcast_in_dim3A_827, %scan3A_2351 = %broadcast_in_dim3A_827, %scan3A_2352 = %broadcast_in_dim3A_827, %scan3A_2353 = %broadcast_in_dim3A_827, %scan3A_2354 = %broadcast_in_dim3A_827) -> (vector<16xf32>, vector<16xf32>, vector<16xf32>, vector<16xf32>, vector<16xf32>, vector<16xf32>)  : i32 {
        %get3A = arith.index_cast %scan3A_2348 : i32 to index
        %get3A_2355 = arith.constant 32 : index
        %get3A_2356 = tpu.vector_load %arg7[%get3A, %get3A_2355] {strides = array<i32>} : memref<20x128xf32, #tpu.memory_space<vmem>>, vector<1x16xf32>,
        %get3A_2357 = vector.shape_cast %get3A_2356 : vector<1x16xf32> to vector<16xf32>
        %add3A_2358 = arith.constant 0 : i32
        %add3A_2359 = arith.addi %add3A_2358, %scan3A_2348 : i32
        %get3A_2360 = arith.constant 1 : i32
        %get3A_2361 = arith.index_cast %get3A_2360 : i32 to index
        %get3A_2362 = arith.index_cast %add3A_2359 : i32 to index
        %get3A_2363 = arith.constant 32 : index
        %get3A_2364 = tpu.vector_load %arg8[%get3A_2361, %get3A_2362, %get3A_2363] {strides = array<i32>} : memref<4x120x128xf32, #tpu.memory_space<vmem>>, vector<1x1x16xf32>,
        %get3A_2365 = vector.shape_cast %get3A_2364 : vector<1x1x16xf32> to vector<16xf32>
        %mul3A_2366 = arith.mulf %get3A_2365, %get3A_2357 : vector<16xf32>
        %add3A_2367 = arith.addf %scan3A_2349, %mul3A_2366 : vector<16xf32>
        %add3A_2368 = arith.constant 20 : i32
        %add3A_2369 = arith.addi %add3A_2368, %scan3A_2348 : i32
        %get3A_2370 = arith.constant 1 : i32
        %get3A_2371 = arith.index_cast %get3A_2370 : i32 to index
        %get3A_2372 = arith.index_cast %add3A_2369 : i32 to index
        %get3A_2373 = arith.constant 32 : index
        %get3A_2374 = tpu.vector_load %arg8[%get3A_2371, %get3A_2372, %get3A_2373] {strides = array<i32>} : memref<4x120x128xf32, #tpu.memory_space<vmem>>, vector<1x1x16xf32>,
        %get3A_2375 = vector.shape_cast %get3A_2374 : vector<1x1x16xf32> to vector<16xf32>
        %mul3A_2376 = arith.mulf %get3A_2375, %get3A_2357 : vector<16xf32>
        %add3A_2377 = arith.addf %scan3A_2350, %mul3A_2376 : vector<16xf32>
        %add3A_2378 = arith.constant 40 : i32
        %add3A_2379 = arith.addi %add3A_2378, %scan3A_2348 : i32
        %get3A_2380 = arith.constant 1 : i32
        %get3A_2381 = arith.index_cast %get3A_2380 : i32 to index
        %get3A_2382 = arith.index_cast %add3A_2379 : i32 to index
        %get3A_2383 = arith.constant 32 : index
        %get3A_2384 = tpu.vector_load %arg8[%get3A_2381, %get3A_2382, %get3A_2383] {strides = array<i32>} : memref<4x120x128xf32, #tpu.memory_space<vmem>>, vector<1x1x16xf32>,
        %get3A_2385 = vector.shape_cast %get3A_2384 : vector<1x1x16xf32> to vector<16xf32>
        %mul3A_2386 = arith.mulf %get3A_2385, %get3A_2357 : vector<16xf32>
        %add3A_2387 = arith.addf %scan3A_2351, %mul3A_2386 : vector<16xf32>
        %add3A_2388 = arith.constant 60 : i32
        %add3A_2389 = arith.addi %add3A_2388, %scan3A_2348 : i32
        %get3A_2390 = arith.constant 1 : i32
        %get3A_2391 = arith.index_cast %get3A_2390 : i32 to index
        %get3A_2392 = arith.index_cast %add3A_2389 : i32 to index
        %get3A_2393 = arith.constant 32 : index
        %get3A_2394 = tpu.vector_load %arg8[%get3A_2391, %get3A_2392, %get3A_2393] {strides = array<i32>} : memref<4x120x128xf32, #tpu.memory_space<vmem>>, vector<1x1x16xf32>,
        %get3A_2395 = vector.shape_cast %get3A_2394 : vector<1x1x16xf32> to vector<16xf32>
        %mul3A_2396 = arith.mulf %get3A_2395, %get3A_2357 : vector<16xf32>
        %add3A_2397 = arith.addf %scan3A_2352, %mul3A_2396 : vector<16xf32>
        %add3A_2398 = arith.constant 80 : i32
        %add3A_2399 = arith.addi %add3A_2398, %scan3A_2348 : i32
        %get3A_2400 = arith.constant 1 : i32
        %get3A_2401 = arith.index_cast %get3A_2400 : i32 to index
        %get3A_2402 = arith.index_cast %add3A_2399 : i32 to index
        %get3A_2403 = arith.constant 32 : index
        %get3A_2404 = tpu.vector_load %arg8[%get3A_2401, %get3A_2402, %get3A_2403] {strides = array<i32>} : memref<4x120x128xf32, #tpu.memory_space<vmem>>, vector<1x1x16xf32>,
        %get3A_2405 = vector.shape_cast %get3A_2404 : vector<1x1x16xf32> to vector<16xf32>
        %mul3A_2406 = arith.mulf %get3A_2405, %get3A_2357 : vector<16xf32>
        %add3A_2407 = arith.addf %scan3A_2353, %mul3A_2406 : vector<16xf32>
        %add3A_2408 = arith.constant 100 : i32
        %add3A_2409 = arith.addi %add3A_2408, %scan3A_2348 : i32
        %get3A_2410 = arith.constant 1 : i32
        %get3A_2411 = arith.index_cast %get3A_2410 : i32 to index
        %get3A_2412 = arith.index_cast %add3A_2409 : i32 to index
        %get3A_2413 = arith.constant 32 : index
        %get3A_2414 = tpu.vector_load %arg8[%get3A_2411, %get3A_2412, %get3A_2413] {strides = array<i32>} : memref<4x120x128xf32, #tpu.memory_space<vmem>>, vector<1x1x16xf32>,
        %get3A_2415 = vector.shape_cast %get3A_2414 : vector<1x1x16xf32> to vector<16xf32>
        %mul3A_2416 = arith.mulf %get3A_2415, %get3A_2357 : vector<16xf32>
        %add3A_2417 = arith.addf %scan3A_2354, %mul3A_2416 : vector<16xf32>
        scf.yield %add3A_2367, %add3A_2377, %add3A_2387, %add3A_2397, %add3A_2407, %add3A_2417 : vector<16xf32>, vector<16xf32>, vector<16xf32>, vector<16xf32>, vector<16xf32>, vector<16xf32>
      }
      %scan3A_833 = arith.constant 20 : i32
      %add3A_834 = arith.constant 0 : i32
      %add3A_835 = arith.addi %mul3A_689, %add3A_834 : i32
      %mul3A_836 = arith.constant 128 : i32
      %mul3A_837 = arith.muli %add3A_835, %mul3A_836 : i32
      %add3A_838 = arith.constant 32 : i32
      %add3A_839 = arith.addi %mul3A_837, %add3A_838 : i32
      %swap3A_840 = arith.index_cast %add3A_839 : i32 to index
      %swap3A_841 = tpu.vector_load %arg9[%swap3A_840] {strides = array<i32>} : memref<43008xf32, #tpu.memory_space<vmem>>, vector<16xf32>,
      %swap3A_842 = vector.shape_cast %swap3A_841 : vector<16xf32> to vector<16xf32>
      %swap3A_843 = vector.shape_cast %scan3A_832#0 : vector<16xf32> to vector<16xf32>
      tpu.vector_store %arg9[%swap3A_840], %swap3A_843 {strides = array<i32>} : memref<43008xf32, #tpu.memory_space<vmem>>, vector<16xf32>,
      %add3A_844 = arith.constant 1 : i32
      %add3A_845 = arith.addi %mul3A_689, %add3A_844 : i32
      %mul3A_846 = arith.constant 128 : i32
      %mul3A_847 = arith.muli %add3A_845, %mul3A_846 : i32
      %add3A_848 = arith.constant 32 : i32
      %add3A_849 = arith.addi %mul3A_847, %add3A_848 : i32
      %swap3A_850 = arith.index_cast %add3A_849 : i32 to index
      %swap3A_851 = tpu.vector_load %arg9[%swap3A_850] {strides = array<i32>} : memref<43008xf32, #tpu.memory_space<vmem>>, vector<16xf32>,
      %swap3A_852 = vector.shape_cast %swap3A_851 : vector<16xf32> to vector<16xf32>
      %swap3A_853 = vector.shape_cast %scan3A_832#1 : vector<16xf32> to vector<16xf32>
      tpu.vector_store %arg9[%swap3A_850], %swap3A_853 {strides = array<i32>} : memref<43008xf32, #tpu.memory_space<vmem>>, vector<16xf32>,
      %add3A_854 = arith.constant 2 : i32
      %add3A_855 = arith.addi %mul3A_689, %add3A_854 : i32
      %mul3A_856 = arith.constant 128 : i32
      %mul3A_857 = arith.muli %add3A_855, %mul3A_856 : i32
      %add3A_858 = arith.constant 32 : i32
      %add3A_859 = arith.addi %mul3A_857, %add3A_858 : i32
      %swap3A_860 = arith.index_cast %add3A_859 : i32 to index
      %swap3A_861 = tpu.vector_load %arg9[%swap3A_860] {strides = array<i32>} : memref<43008xf32, #tpu.memory_space<vmem>>, vector<16xf32>,
      %swap3A_862 = vector.shape_cast %swap3A_861 : vector<16xf32> to vector<16xf32>
      %swap3A_863 = vector.shape_cast %scan3A_832#2 : vector<16xf32> to vector<16xf32>
      tpu.vector_store %arg9[%swap3A_860], %swap3A_863 {strides = array<i32>} : memref<43008xf32, #tpu.memory_space<vmem>>, vector<16xf32>,
      %add3A_864 = arith.constant 3 : i32
      %add3A_865 = arith.addi %mul3A_689, %add3A_864 : i32
      %mul3A_866 = arith.constant 128 : i32
      %mul3A_867 = arith.muli %add3A_865, %mul3A_866 : i32
      %add3A_868 = arith.constant 32 : i32
      %add3A_869 = arith.addi %mul3A_867, %add3A_868 : i32
      %swap3A_870 = arith.index_cast %add3A_869 : i32 to index
      %swap3A_871 = tpu.vector_load %arg9[%swap3A_870] {strides = array<i32>} : memref<43008xf32, #tpu.memory_space<vmem>>, vector<16xf32>,
      %swap3A_872 = vector.shape_cast %swap3A_871 : vector<16xf32> to vector<16xf32>
      %swap3A_873 = vector.shape_cast %scan3A_832#3 : vector<16xf32> to vector<16xf32>
      tpu.vector_store %arg9[%swap3A_870], %swap3A_873 {strides = array<i32>} : memref<43008xf32, #tpu.memory_space<vmem>>, vector<16xf32>,
      %add3A_874 = arith.constant 4 : i32
      %add3A_875 = arith.addi %mul3A_689, %add3A_874 : i32
      %mul3A_876 = arith.constant 128 : i32
      %mul3A_877 = arith.muli %add3A_875, %mul3A_876 : i32
      %add3A_878 = arith.constant 32 : i32
      %add3A_879 = arith.addi %mul3A_877, %add3A_878 : i32
      %swap3A_880 = arith.index_cast %add3A_879 : i32 to index
      %swap3A_881 = tpu.vector_load %arg9[%swap3A_880] {strides = array<i32>} : memref<43008xf32, #tpu.memory_space<vmem>>, vector<16xf32>,
      %swap3A_882 = vector.shape_cast %swap3A_881 : vector<16xf32> to vector<16xf32>
      %swap3A_883 = vector.shape_cast %scan3A_832#4 : vector<16xf32> to vector<16xf32>
      tpu.vector_store %arg9[%swap3A_880], %swap3A_883 {strides = array<i32>} : memref<43008xf32, #tpu.memory_space<vmem>>, vector<16xf32>,
      %add3A_884 = arith.constant 5 : i32
      %add3A_885 = arith.addi %mul3A_689, %add3A_884 : i32
      %mul3A_886 = arith.constant 128 : i32
      %mul3A_887 = arith.muli %add3A_885, %mul3A_886 : i32
      %add3A_888 = arith.constant 32 : i32
      %add3A_889 = arith.addi %mul3A_887, %add3A_888 : i32
      %swap3A_890 = arith.index_cast %add3A_889 : i32 to index
      %swap3A_891 = tpu.vector_load %arg9[%swap3A_890] {strides = array<i32>} : memref<43008xf32, #tpu.memory_space<vmem>>, vector<16xf32>,
      %swap3A_892 = vector.shape_cast %swap3A_891 : vector<16xf32> to vector<16xf32>
      %swap3A_893 = vector.shape_cast %scan3A_832#5 : vector<16xf32> to vector<16xf32>
      tpu.vector_store %arg9[%swap3A_890], %swap3A_893 {strides = array<i32>} : memref<43008xf32, #tpu.memory_space<vmem>>, vector<16xf32>,
      %broadcast_in_dim3A_894 = arith.constant 0.000000e+00 : f32
      %broadcast_in_dim3A_895 = vector.broadcast %broadcast_in_dim3A_894 : f32 to vector<16xf32>
      %scan3A_896 = arith.constant 0 : i32
      %scan3A_897 = arith.constant 20 : i32
      %scan3A_898 = arith.addi %scan3A_896, %scan3A_897 : i32
      %scan3A_899 = arith.constant 1 : i32
      %scan3A_900:6 = scf.for %scan3A_2348 = %scan3A_896 to %scan3A_898 step %scan3A_899 iter_args(%scan3A_2349 = %broadcast_in_dim3A_895, %scan3A_2350 = %broadcast_in_dim3A_895, %scan3A_2351 = %broadcast_in_dim3A_895, %scan3A_2352 = %broadcast_in_dim3A_895, %scan3A_2353 = %broadcast_in_dim3A_895, %scan3A_2354 = %broadcast_in_dim3A_895) -> (vector<16xf32>, vector<16xf32>, vector<16xf32>, vector<16xf32>, vector<16xf32>, vector<16xf32>)  : i32 {
        %get3A = arith.index_cast %scan3A_2348 : i32 to index
        %get3A_2355 = arith.constant 48 : index
        %get3A_2356 = tpu.vector_load %arg7[%get3A, %get3A_2355] {strides = array<i32>} : memref<20x128xf32, #tpu.memory_space<vmem>>, vector<1x16xf32>,
        %get3A_2357 = vector.shape_cast %get3A_2356 : vector<1x16xf32> to vector<16xf32>
        %add3A_2358 = arith.constant 0 : i32
        %add3A_2359 = arith.addi %add3A_2358, %scan3A_2348 : i32
        %get3A_2360 = arith.constant 1 : i32
        %get3A_2361 = arith.index_cast %get3A_2360 : i32 to index
        %get3A_2362 = arith.index_cast %add3A_2359 : i32 to index
        %get3A_2363 = arith.constant 48 : index
        %get3A_2364 = tpu.vector_load %arg8[%get3A_2361, %get3A_2362, %get3A_2363] {strides = array<i32>} : memref<4x120x128xf32, #tpu.memory_space<vmem>>, vector<1x1x16xf32>,
        %get3A_2365 = vector.shape_cast %get3A_2364 : vector<1x1x16xf32> to vector<16xf32>
        %mul3A_2366 = arith.mulf %get3A_2365, %get3A_2357 : vector<16xf32>
        %add3A_2367 = arith.addf %scan3A_2349, %mul3A_2366 : vector<16xf32>
        %add3A_2368 = arith.constant 20 : i32
        %add3A_2369 = arith.addi %add3A_2368, %scan3A_2348 : i32
        %get3A_2370 = arith.constant 1 : i32
        %get3A_2371 = arith.index_cast %get3A_2370 : i32 to index
        %get3A_2372 = arith.index_cast %add3A_2369 : i32 to index
        %get3A_2373 = arith.constant 48 : index
        %get3A_2374 = tpu.vector_load %arg8[%get3A_2371, %get3A_2372, %get3A_2373] {strides = array<i32>} : memref<4x120x128xf32, #tpu.memory_space<vmem>>, vector<1x1x16xf32>,
        %get3A_2375 = vector.shape_cast %get3A_2374 : vector<1x1x16xf32> to vector<16xf32>
        %mul3A_2376 = arith.mulf %get3A_2375, %get3A_2357 : vector<16xf32>
        %add3A_2377 = arith.addf %scan3A_2350, %mul3A_2376 : vector<16xf32>
        %add3A_2378 = arith.constant 40 : i32
        %add3A_2379 = arith.addi %add3A_2378, %scan3A_2348 : i32
        %get3A_2380 = arith.constant 1 : i32
        %get3A_2381 = arith.index_cast %get3A_2380 : i32 to index
        %get3A_2382 = arith.index_cast %add3A_2379 : i32 to index
        %get3A_2383 = arith.constant 48 : index
        %get3A_2384 = tpu.vector_load %arg8[%get3A_2381, %get3A_2382, %get3A_2383] {strides = array<i32>} : memref<4x120x128xf32, #tpu.memory_space<vmem>>, vector<1x1x16xf32>,
        %get3A_2385 = vector.shape_cast %get3A_2384 : vector<1x1x16xf32> to vector<16xf32>
        %mul3A_2386 = arith.mulf %get3A_2385, %get3A_2357 : vector<16xf32>
        %add3A_2387 = arith.addf %scan3A_2351, %mul3A_2386 : vector<16xf32>
        %add3A_2388 = arith.constant 60 : i32
        %add3A_2389 = arith.addi %add3A_2388, %scan3A_2348 : i32
        %get3A_2390 = arith.constant 1 : i32
        %get3A_2391 = arith.index_cast %get3A_2390 : i32 to index
        %get3A_2392 = arith.index_cast %add3A_2389 : i32 to index
        %get3A_2393 = arith.constant 48 : index
        %get3A_2394 = tpu.vector_load %arg8[%get3A_2391, %get3A_2392, %get3A_2393] {strides = array<i32>} : memref<4x120x128xf32, #tpu.memory_space<vmem>>, vector<1x1x16xf32>,
        %get3A_2395 = vector.shape_cast %get3A_2394 : vector<1x1x16xf32> to vector<16xf32>
        %mul3A_2396 = arith.mulf %get3A_2395, %get3A_2357 : vector<16xf32>
        %add3A_2397 = arith.addf %scan3A_2352, %mul3A_2396 : vector<16xf32>
        %add3A_2398 = arith.constant 80 : i32
        %add3A_2399 = arith.addi %add3A_2398, %scan3A_2348 : i32
        %get3A_2400 = arith.constant 1 : i32
        %get3A_2401 = arith.index_cast %get3A_2400 : i32 to index
        %get3A_2402 = arith.index_cast %add3A_2399 : i32 to index
        %get3A_2403 = arith.constant 48 : index
        %get3A_2404 = tpu.vector_load %arg8[%get3A_2401, %get3A_2402, %get3A_2403] {strides = array<i32>} : memref<4x120x128xf32, #tpu.memory_space<vmem>>, vector<1x1x16xf32>,
        %get3A_2405 = vector.shape_cast %get3A_2404 : vector<1x1x16xf32> to vector<16xf32>
        %mul3A_2406 = arith.mulf %get3A_2405, %get3A_2357 : vector<16xf32>
        %add3A_2407 = arith.addf %scan3A_2353, %mul3A_2406 : vector<16xf32>
        %add3A_2408 = arith.constant 100 : i32
        %add3A_2409 = arith.addi %add3A_2408, %scan3A_2348 : i32
        %get3A_2410 = arith.constant 1 : i32
        %get3A_2411 = arith.index_cast %get3A_2410 : i32 to index
        %get3A_2412 = arith.index_cast %add3A_2409 : i32 to index
        %get3A_2413 = arith.constant 48 : index
        %get3A_2414 = tpu.vector_load %arg8[%get3A_2411, %get3A_2412, %get3A_2413] {strides = array<i32>} : memref<4x120x128xf32, #tpu.memory_space<vmem>>, vector<1x1x16xf32>,
        %get3A_2415 = vector.shape_cast %get3A_2414 : vector<1x1x16xf32> to vector<16xf32>
        %mul3A_2416 = arith.mulf %get3A_2415, %get3A_2357 : vector<16xf32>
        %add3A_2417 = arith.addf %scan3A_2354, %mul3A_2416 : vector<16xf32>
        scf.yield %add3A_2367, %add3A_2377, %add3A_2387, %add3A_2397, %add3A_2407, %add3A_2417 : vector<16xf32>, vector<16xf32>, vector<16xf32>, vector<16xf32>, vector<16xf32>, vector<16xf32>
      }
      %scan3A_901 = arith.constant 20 : i32
      %add3A_902 = arith.constant 0 : i32
      %add3A_903 = arith.addi %mul3A_689, %add3A_902 : i32
      %mul3A_904 = arith.constant 128 : i32
      %mul3A_905 = arith.muli %add3A_903, %mul3A_904 : i32
      %add3A_906 = arith.constant 48 : i32
      %add3A_907 = arith.addi %mul3A_905, %add3A_906 : i32
      %swap3A_908 = arith.index_cast %add3A_907 : i32 to index
      %swap3A_909 = tpu.vector_load %arg9[%swap3A_908] {strides = array<i32>} : memref<43008xf32, #tpu.memory_space<vmem>>, vector<16xf32>,
      %swap3A_910 = vector.shape_cast %swap3A_909 : vector<16xf32> to vector<16xf32>
      %swap3A_911 = vector.shape_cast %scan3A_900#0 : vector<16xf32> to vector<16xf32>
      tpu.vector_store %arg9[%swap3A_908], %swap3A_911 {strides = array<i32>} : memref<43008xf32, #tpu.memory_space<vmem>>, vector<16xf32>,
      %add3A_912 = arith.constant 1 : i32
      %add3A_913 = arith.addi %mul3A_689, %add3A_912 : i32
      %mul3A_914 = arith.constant 128 : i32
      %mul3A_915 = arith.muli %add3A_913, %mul3A_914 : i32
      %add3A_916 = arith.constant 48 : i32
      %add3A_917 = arith.addi %mul3A_915, %add3A_916 : i32
      %swap3A_918 = arith.index_cast %add3A_917 : i32 to index
      %swap3A_919 = tpu.vector_load %arg9[%swap3A_918] {strides = array<i32>} : memref<43008xf32, #tpu.memory_space<vmem>>, vector<16xf32>,
      %swap3A_920 = vector.shape_cast %swap3A_919 : vector<16xf32> to vector<16xf32>
      %swap3A_921 = vector.shape_cast %scan3A_900#1 : vector<16xf32> to vector<16xf32>
      tpu.vector_store %arg9[%swap3A_918], %swap3A_921 {strides = array<i32>} : memref<43008xf32, #tpu.memory_space<vmem>>, vector<16xf32>,
      %add3A_922 = arith.constant 2 : i32
      %add3A_923 = arith.addi %mul3A_689, %add3A_922 : i32
      %mul3A_924 = arith.constant 128 : i32
      %mul3A_925 = arith.muli %add3A_923, %mul3A_924 : i32
      %add3A_926 = arith.constant 48 : i32
      %add3A_927 = arith.addi %mul3A_925, %add3A_926 : i32
      %swap3A_928 = arith.index_cast %add3A_927 : i32 to index
      %swap3A_929 = tpu.vector_load %arg9[%swap3A_928] {strides = array<i32>} : memref<43008xf32, #tpu.memory_space<vmem>>, vector<16xf32>,
      %swap3A_930 = vector.shape_cast %swap3A_929 : vector<16xf32> to vector<16xf32>
      %swap3A_931 = vector.shape_cast %scan3A_900#2 : vector<16xf32> to vector<16xf32>
      tpu.vector_store %arg9[%swap3A_928], %swap3A_931 {strides = array<i32>} : memref<43008xf32, #tpu.memory_space<vmem>>, vector<16xf32>,
      %add3A_932 = arith.constant 3 : i32
      %add3A_933 = arith.addi %mul3A_689, %add3A_932 : i32
      %mul3A_934 = arith.constant 128 : i32
      %mul3A_935 = arith.muli %add3A_933, %mul3A_934 : i32
      %add3A_936 = arith.constant 48 : i32
      %add3A_937 = arith.addi %mul3A_935, %add3A_936 : i32
      %swap3A_938 = arith.index_cast %add3A_937 : i32 to index
      %swap3A_939 = tpu.vector_load %arg9[%swap3A_938] {strides = array<i32>} : memref<43008xf32, #tpu.memory_space<vmem>>, vector<16xf32>,
      %swap3A_940 = vector.shape_cast %swap3A_939 : vector<16xf32> to vector<16xf32>
      %swap3A_941 = vector.shape_cast %scan3A_900#3 : vector<16xf32> to vector<16xf32>
      tpu.vector_store %arg9[%swap3A_938], %swap3A_941 {strides = array<i32>} : memref<43008xf32, #tpu.memory_space<vmem>>, vector<16xf32>,
      %add3A_942 = arith.constant 4 : i32
      %add3A_943 = arith.addi %mul3A_689, %add3A_942 : i32
      %mul3A_944 = arith.constant 128 : i32
      %mul3A_945 = arith.muli %add3A_943, %mul3A_944 : i32
      %add3A_946 = arith.constant 48 : i32
      %add3A_947 = arith.addi %mul3A_945, %add3A_946 : i32
      %swap3A_948 = arith.index_cast %add3A_947 : i32 to index
      %swap3A_949 = tpu.vector_load %arg9[%swap3A_948] {strides = array<i32>} : memref<43008xf32, #tpu.memory_space<vmem>>, vector<16xf32>,
      %swap3A_950 = vector.shape_cast %swap3A_949 : vector<16xf32> to vector<16xf32>
      %swap3A_951 = vector.shape_cast %scan3A_900#4 : vector<16xf32> to vector<16xf32>
      tpu.vector_store %arg9[%swap3A_948], %swap3A_951 {strides = array<i32>} : memref<43008xf32, #tpu.memory_space<vmem>>, vector<16xf32>,
      %add3A_952 = arith.constant 5 : i32
      %add3A_953 = arith.addi %mul3A_689, %add3A_952 : i32
      %mul3A_954 = arith.constant 128 : i32
      %mul3A_955 = arith.muli %add3A_953, %mul3A_954 : i32
      %add3A_956 = arith.constant 48 : i32
      %add3A_957 = arith.addi %mul3A_955, %add3A_956 : i32
      %swap3A_958 = arith.index_cast %add3A_957 : i32 to index
      %swap3A_959 = tpu.vector_load %arg9[%swap3A_958] {strides = array<i32>} : memref<43008xf32, #tpu.memory_space<vmem>>, vector<16xf32>,
      %swap3A_960 = vector.shape_cast %swap3A_959 : vector<16xf32> to vector<16xf32>
      %swap3A_961 = vector.shape_cast %scan3A_900#5 : vector<16xf32> to vector<16xf32>
      tpu.vector_store %arg9[%swap3A_958], %swap3A_961 {strides = array<i32>} : memref<43008xf32, #tpu.memory_space<vmem>>, vector<16xf32>,
      %broadcast_in_dim3A_962 = arith.constant 0.000000e+00 : f32
      %broadcast_in_dim3A_963 = vector.broadcast %broadcast_in_dim3A_962 : f32 to vector<16xf32>
      %scan3A_964 = arith.constant 0 : i32
      %scan3A_965 = arith.constant 20 : i32
      %scan3A_966 = arith.addi %scan3A_964, %scan3A_965 : i32
      %scan3A_967 = arith.constant 1 : i32
      %scan3A_968:6 = scf.for %scan3A_2348 = %scan3A_964 to %scan3A_966 step %scan3A_967 iter_args(%scan3A_2349 = %broadcast_in_dim3A_963, %scan3A_2350 = %broadcast_in_dim3A_963, %scan3A_2351 = %broadcast_in_dim3A_963, %scan3A_2352 = %broadcast_in_dim3A_963, %scan3A_2353 = %broadcast_in_dim3A_963, %scan3A_2354 = %broadcast_in_dim3A_963) -> (vector<16xf32>, vector<16xf32>, vector<16xf32>, vector<16xf32>, vector<16xf32>, vector<16xf32>)  : i32 {
        %get3A = arith.index_cast %scan3A_2348 : i32 to index
        %get3A_2355 = arith.constant 64 : index
        %get3A_2356 = tpu.vector_load %arg7[%get3A, %get3A_2355] {strides = array<i32>} : memref<20x128xf32, #tpu.memory_space<vmem>>, vector<1x16xf32>,
        %get3A_2357 = vector.shape_cast %get3A_2356 : vector<1x16xf32> to vector<16xf32>
        %add3A_2358 = arith.constant 0 : i32
        %add3A_2359 = arith.addi %add3A_2358, %scan3A_2348 : i32
        %get3A_2360 = arith.constant 1 : i32
        %get3A_2361 = arith.index_cast %get3A_2360 : i32 to index
        %get3A_2362 = arith.index_cast %add3A_2359 : i32 to index
        %get3A_2363 = arith.constant 64 : index
        %get3A_2364 = tpu.vector_load %arg8[%get3A_2361, %get3A_2362, %get3A_2363] {strides = array<i32>} : memref<4x120x128xf32, #tpu.memory_space<vmem>>, vector<1x1x16xf32>,
        %get3A_2365 = vector.shape_cast %get3A_2364 : vector<1x1x16xf32> to vector<16xf32>
        %mul3A_2366 = arith.mulf %get3A_2365, %get3A_2357 : vector<16xf32>
        %add3A_2367 = arith.addf %scan3A_2349, %mul3A_2366 : vector<16xf32>
        %add3A_2368 = arith.constant 20 : i32
        %add3A_2369 = arith.addi %add3A_2368, %scan3A_2348 : i32
        %get3A_2370 = arith.constant 1 : i32
        %get3A_2371 = arith.index_cast %get3A_2370 : i32 to index
        %get3A_2372 = arith.index_cast %add3A_2369 : i32 to index
        %get3A_2373 = arith.constant 64 : index
        %get3A_2374 = tpu.vector_load %arg8[%get3A_2371, %get3A_2372, %get3A_2373] {strides = array<i32>} : memref<4x120x128xf32, #tpu.memory_space<vmem>>, vector<1x1x16xf32>,
        %get3A_2375 = vector.shape_cast %get3A_2374 : vector<1x1x16xf32> to vector<16xf32>
        %mul3A_2376 = arith.mulf %get3A_2375, %get3A_2357 : vector<16xf32>
        %add3A_2377 = arith.addf %scan3A_2350, %mul3A_2376 : vector<16xf32>
        %add3A_2378 = arith.constant 40 : i32
        %add3A_2379 = arith.addi %add3A_2378, %scan3A_2348 : i32
        %get3A_2380 = arith.constant 1 : i32
        %get3A_2381 = arith.index_cast %get3A_2380 : i32 to index
        %get3A_2382 = arith.index_cast %add3A_2379 : i32 to index
        %get3A_2383 = arith.constant 64 : index
        %get3A_2384 = tpu.vector_load %arg8[%get3A_2381, %get3A_2382, %get3A_2383] {strides = array<i32>} : memref<4x120x128xf32, #tpu.memory_space<vmem>>, vector<1x1x16xf32>,
        %get3A_2385 = vector.shape_cast %get3A_2384 : vector<1x1x16xf32> to vector<16xf32>
        %mul3A_2386 = arith.mulf %get3A_2385, %get3A_2357 : vector<16xf32>
        %add3A_2387 = arith.addf %scan3A_2351, %mul3A_2386 : vector<16xf32>
        %add3A_2388 = arith.constant 60 : i32
        %add3A_2389 = arith.addi %add3A_2388, %scan3A_2348 : i32
        %get3A_2390 = arith.constant 1 : i32
        %get3A_2391 = arith.index_cast %get3A_2390 : i32 to index
        %get3A_2392 = arith.index_cast %add3A_2389 : i32 to index
        %get3A_2393 = arith.constant 64 : index
        %get3A_2394 = tpu.vector_load %arg8[%get3A_2391, %get3A_2392, %get3A_2393] {strides = array<i32>} : memref<4x120x128xf32, #tpu.memory_space<vmem>>, vector<1x1x16xf32>,
        %get3A_2395 = vector.shape_cast %get3A_2394 : vector<1x1x16xf32> to vector<16xf32>
        %mul3A_2396 = arith.mulf %get3A_2395, %get3A_2357 : vector<16xf32>
        %add3A_2397 = arith.addf %scan3A_2352, %mul3A_2396 : vector<16xf32>
        %add3A_2398 = arith.constant 80 : i32
        %add3A_2399 = arith.addi %add3A_2398, %scan3A_2348 : i32
        %get3A_2400 = arith.constant 1 : i32
        %get3A_2401 = arith.index_cast %get3A_2400 : i32 to index
        %get3A_2402 = arith.index_cast %add3A_2399 : i32 to index
        %get3A_2403 = arith.constant 64 : index
        %get3A_2404 = tpu.vector_load %arg8[%get3A_2401, %get3A_2402, %get3A_2403] {strides = array<i32>} : memref<4x120x128xf32, #tpu.memory_space<vmem>>, vector<1x1x16xf32>,
        %get3A_2405 = vector.shape_cast %get3A_2404 : vector<1x1x16xf32> to vector<16xf32>
        %mul3A_2406 = arith.mulf %get3A_2405, %get3A_2357 : vector<16xf32>
        %add3A_2407 = arith.addf %scan3A_2353, %mul3A_2406 : vector<16xf32>
        %add3A_2408 = arith.constant 100 : i32
        %add3A_2409 = arith.addi %add3A_2408, %scan3A_2348 : i32
        %get3A_2410 = arith.constant 1 : i32
        %get3A_2411 = arith.index_cast %get3A_2410 : i32 to index
        %get3A_2412 = arith.index_cast %add3A_2409 : i32 to index
        %get3A_2413 = arith.constant 64 : index
        %get3A_2414 = tpu.vector_load %arg8[%get3A_2411, %get3A_2412, %get3A_2413] {strides = array<i32>} : memref<4x120x128xf32, #tpu.memory_space<vmem>>, vector<1x1x16xf32>,
        %get3A_2415 = vector.shape_cast %get3A_2414 : vector<1x1x16xf32> to vector<16xf32>
        %mul3A_2416 = arith.mulf %get3A_2415, %get3A_2357 : vector<16xf32>
        %add3A_2417 = arith.addf %scan3A_2354, %mul3A_2416 : vector<16xf32>
        scf.yield %add3A_2367, %add3A_2377, %add3A_2387, %add3A_2397, %add3A_2407, %add3A_2417 : vector<16xf32>, vector<16xf32>, vector<16xf32>, vector<16xf32>, vector<16xf32>, vector<16xf32>
      }
      %scan3A_969 = arith.constant 20 : i32
      %add3A_970 = arith.constant 0 : i32
      %add3A_971 = arith.addi %mul3A_689, %add3A_970 : i32
      %mul3A_972 = arith.constant 128 : i32
      %mul3A_973 = arith.muli %add3A_971, %mul3A_972 : i32
      %add3A_974 = arith.constant 64 : i32
      %add3A_975 = arith.addi %mul3A_973, %add3A_974 : i32
      %swap3A_976 = arith.index_cast %add3A_975 : i32 to index
      %swap3A_977 = tpu.vector_load %arg9[%swap3A_976] {strides = array<i32>} : memref<43008xf32, #tpu.memory_space<vmem>>, vector<16xf32>,
      %swap3A_978 = vector.shape_cast %swap3A_977 : vector<16xf32> to vector<16xf32>
      %swap3A_979 = vector.shape_cast %scan3A_968#0 : vector<16xf32> to vector<16xf32>
      tpu.vector_store %arg9[%swap3A_976], %swap3A_979 {strides = array<i32>} : memref<43008xf32, #tpu.memory_space<vmem>>, vector<16xf32>,
      %add3A_980 = arith.constant 1 : i32
      %add3A_981 = arith.addi %mul3A_689, %add3A_980 : i32
      %mul3A_982 = arith.constant 128 : i32
      %mul3A_983 = arith.muli %add3A_981, %mul3A_982 : i32
      %add3A_984 = arith.constant 64 : i32
      %add3A_985 = arith.addi %mul3A_983, %add3A_984 : i32
      %swap3A_986 = arith.index_cast %add3A_985 : i32 to index
      %swap3A_987 = tpu.vector_load %arg9[%swap3A_986] {strides = array<i32>} : memref<43008xf32, #tpu.memory_space<vmem>>, vector<16xf32>,
      %swap3A_988 = vector.shape_cast %swap3A_987 : vector<16xf32> to vector<16xf32>
      %swap3A_989 = vector.shape_cast %scan3A_968#1 : vector<16xf32> to vector<16xf32>
      tpu.vector_store %arg9[%swap3A_986], %swap3A_989 {strides = array<i32>} : memref<43008xf32, #tpu.memory_space<vmem>>, vector<16xf32>,
      %add3A_990 = arith.constant 2 : i32
      %add3A_991 = arith.addi %mul3A_689, %add3A_990 : i32
      %mul3A_992 = arith.constant 128 : i32
      %mul3A_993 = arith.muli %add3A_991, %mul3A_992 : i32
      %add3A_994 = arith.constant 64 : i32
      %add3A_995 = arith.addi %mul3A_993, %add3A_994 : i32
      %swap3A_996 = arith.index_cast %add3A_995 : i32 to index
      %swap3A_997 = tpu.vector_load %arg9[%swap3A_996] {strides = array<i32>} : memref<43008xf32, #tpu.memory_space<vmem>>, vector<16xf32>,
      %swap3A_998 = vector.shape_cast %swap3A_997 : vector<16xf32> to vector<16xf32>
      %swap3A_999 = vector.shape_cast %scan3A_968#2 : vector<16xf32> to vector<16xf32>
      tpu.vector_store %arg9[%swap3A_996], %swap3A_999 {strides = array<i32>} : memref<43008xf32, #tpu.memory_space<vmem>>, vector<16xf32>,
      %add3A_1000 = arith.constant 3 : i32
      %add3A_1001 = arith.addi %mul3A_689, %add3A_1000 : i32
      %mul3A_1002 = arith.constant 128 : i32
      %mul3A_1003 = arith.muli %add3A_1001, %mul3A_1002 : i32
      %add3A_1004 = arith.constant 64 : i32
      %add3A_1005 = arith.addi %mul3A_1003, %add3A_1004 : i32
      %swap3A_1006 = arith.index_cast %add3A_1005 : i32 to index
      %swap3A_1007 = tpu.vector_load %arg9[%swap3A_1006] {strides = array<i32>} : memref<43008xf32, #tpu.memory_space<vmem>>, vector<16xf32>,
      %swap3A_1008 = vector.shape_cast %swap3A_1007 : vector<16xf32> to vector<16xf32>
      %swap3A_1009 = vector.shape_cast %scan3A_968#3 : vector<16xf32> to vector<16xf32>
      tpu.vector_store %arg9[%swap3A_1006], %swap3A_1009 {strides = array<i32>} : memref<43008xf32, #tpu.memory_space<vmem>>, vector<16xf32>,
      %add3A_1010 = arith.constant 4 : i32
      %add3A_1011 = arith.addi %mul3A_689, %add3A_1010 : i32
      %mul3A_1012 = arith.constant 128 : i32
      %mul3A_1013 = arith.muli %add3A_1011, %mul3A_1012 : i32
      %add3A_1014 = arith.constant 64 : i32
      %add3A_1015 = arith.addi %mul3A_1013, %add3A_1014 : i32
      %swap3A_1016 = arith.index_cast %add3A_1015 : i32 to index
      %swap3A_1017 = tpu.vector_load %arg9[%swap3A_1016] {strides = array<i32>} : memref<43008xf32, #tpu.memory_space<vmem>>, vector<16xf32>,
      %swap3A_1018 = vector.shape_cast %swap3A_1017 : vector<16xf32> to vector<16xf32>
      %swap3A_1019 = vector.shape_cast %scan3A_968#4 : vector<16xf32> to vector<16xf32>
      tpu.vector_store %arg9[%swap3A_1016], %swap3A_1019 {strides = array<i32>} : memref<43008xf32, #tpu.memory_space<vmem>>, vector<16xf32>,
      %add3A_1020 = arith.constant 5 : i32
      %add3A_1021 = arith.addi %mul3A_689, %add3A_1020 : i32
      %mul3A_1022 = arith.constant 128 : i32
      %mul3A_1023 = arith.muli %add3A_1021, %mul3A_1022 : i32
      %add3A_1024 = arith.constant 64 : i32
      %add3A_1025 = arith.addi %mul3A_1023, %add3A_1024 : i32
      %swap3A_1026 = arith.index_cast %add3A_1025 : i32 to index
      %swap3A_1027 = tpu.vector_load %arg9[%swap3A_1026] {strides = array<i32>} : memref<43008xf32, #tpu.memory_space<vmem>>, vector<16xf32>,
      %swap3A_1028 = vector.shape_cast %swap3A_1027 : vector<16xf32> to vector<16xf32>
      %swap3A_1029 = vector.shape_cast %scan3A_968#5 : vector<16xf32> to vector<16xf32>
      tpu.vector_store %arg9[%swap3A_1026], %swap3A_1029 {strides = array<i32>} : memref<43008xf32, #tpu.memory_space<vmem>>, vector<16xf32>,
      %broadcast_in_dim3A_1030 = arith.constant 0.000000e+00 : f32
      %broadcast_in_dim3A_1031 = vector.broadcast %broadcast_in_dim3A_1030 : f32 to vector<16xf32>
      %scan3A_1032 = arith.constant 0 : i32
      %scan3A_1033 = arith.constant 20 : i32
      %scan3A_1034 = arith.addi %scan3A_1032, %scan3A_1033 : i32
      %scan3A_1035 = arith.constant 1 : i32
      %scan3A_1036:6 = scf.for %scan3A_2348 = %scan3A_1032 to %scan3A_1034 step %scan3A_1035 iter_args(%scan3A_2349 = %broadcast_in_dim3A_1031, %scan3A_2350 = %broadcast_in_dim3A_1031, %scan3A_2351 = %broadcast_in_dim3A_1031, %scan3A_2352 = %broadcast_in_dim3A_1031, %scan3A_2353 = %broadcast_in_dim3A_1031, %scan3A_2354 = %broadcast_in_dim3A_1031) -> (vector<16xf32>, vector<16xf32>, vector<16xf32>, vector<16xf32>, vector<16xf32>, vector<16xf32>)  : i32 {
        %get3A = arith.index_cast %scan3A_2348 : i32 to index
        %get3A_2355 = arith.constant 80 : index
        %get3A_2356 = tpu.vector_load %arg7[%get3A, %get3A_2355] {strides = array<i32>} : memref<20x128xf32, #tpu.memory_space<vmem>>, vector<1x16xf32>,
        %get3A_2357 = vector.shape_cast %get3A_2356 : vector<1x16xf32> to vector<16xf32>
        %add3A_2358 = arith.constant 0 : i32
        %add3A_2359 = arith.addi %add3A_2358, %scan3A_2348 : i32
        %get3A_2360 = arith.constant 1 : i32
        %get3A_2361 = arith.index_cast %get3A_2360 : i32 to index
        %get3A_2362 = arith.index_cast %add3A_2359 : i32 to index
        %get3A_2363 = arith.constant 80 : index
        %get3A_2364 = tpu.vector_load %arg8[%get3A_2361, %get3A_2362, %get3A_2363] {strides = array<i32>} : memref<4x120x128xf32, #tpu.memory_space<vmem>>, vector<1x1x16xf32>,
        %get3A_2365 = vector.shape_cast %get3A_2364 : vector<1x1x16xf32> to vector<16xf32>
        %mul3A_2366 = arith.mulf %get3A_2365, %get3A_2357 : vector<16xf32>
        %add3A_2367 = arith.addf %scan3A_2349, %mul3A_2366 : vector<16xf32>
        %add3A_2368 = arith.constant 20 : i32
        %add3A_2369 = arith.addi %add3A_2368, %scan3A_2348 : i32
        %get3A_2370 = arith.constant 1 : i32
        %get3A_2371 = arith.index_cast %get3A_2370 : i32 to index
        %get3A_2372 = arith.index_cast %add3A_2369 : i32 to index
        %get3A_2373 = arith.constant 80 : index
        %get3A_2374 = tpu.vector_load %arg8[%get3A_2371, %get3A_2372, %get3A_2373] {strides = array<i32>} : memref<4x120x128xf32, #tpu.memory_space<vmem>>, vector<1x1x16xf32>,
        %get3A_2375 = vector.shape_cast %get3A_2374 : vector<1x1x16xf32> to vector<16xf32>
        %mul3A_2376 = arith.mulf %get3A_2375, %get3A_2357 : vector<16xf32>
        %add3A_2377 = arith.addf %scan3A_2350, %mul3A_2376 : vector<16xf32>
        %add3A_2378 = arith.constant 40 : i32
        %add3A_2379 = arith.addi %add3A_2378, %scan3A_2348 : i32
        %get3A_2380 = arith.constant 1 : i32
        %get3A_2381 = arith.index_cast %get3A_2380 : i32 to index
        %get3A_2382 = arith.index_cast %add3A_2379 : i32 to index
        %get3A_2383 = arith.constant 80 : index
        %get3A_2384 = tpu.vector_load %arg8[%get3A_2381, %get3A_2382, %get3A_2383] {strides = array<i32>} : memref<4x120x128xf32, #tpu.memory_space<vmem>>, vector<1x1x16xf32>,
        %get3A_2385 = vector.shape_cast %get3A_2384 : vector<1x1x16xf32> to vector<16xf32>
        %mul3A_2386 = arith.mulf %get3A_2385, %get3A_2357 : vector<16xf32>
        %add3A_2387 = arith.addf %scan3A_2351, %mul3A_2386 : vector<16xf32>
        %add3A_2388 = arith.constant 60 : i32
        %add3A_2389 = arith.addi %add3A_2388, %scan3A_2348 : i32
        %get3A_2390 = arith.constant 1 : i32
        %get3A_2391 = arith.index_cast %get3A_2390 : i32 to index
        %get3A_2392 = arith.index_cast %add3A_2389 : i32 to index
        %get3A_2393 = arith.constant 80 : index
        %get3A_2394 = tpu.vector_load %arg8[%get3A_2391, %get3A_2392, %get3A_2393] {strides = array<i32>} : memref<4x120x128xf32, #tpu.memory_space<vmem>>, vector<1x1x16xf32>,
        %get3A_2395 = vector.shape_cast %get3A_2394 : vector<1x1x16xf32> to vector<16xf32>
        %mul3A_2396 = arith.mulf %get3A_2395, %get3A_2357 : vector<16xf32>
        %add3A_2397 = arith.addf %scan3A_2352, %mul3A_2396 : vector<16xf32>
        %add3A_2398 = arith.constant 80 : i32
        %add3A_2399 = arith.addi %add3A_2398, %scan3A_2348 : i32
        %get3A_2400 = arith.constant 1 : i32
        %get3A_2401 = arith.index_cast %get3A_2400 : i32 to index
        %get3A_2402 = arith.index_cast %add3A_2399 : i32 to index
        %get3A_2403 = arith.constant 80 : index
        %get3A_2404 = tpu.vector_load %arg8[%get3A_2401, %get3A_2402, %get3A_2403] {strides = array<i32>} : memref<4x120x128xf32, #tpu.memory_space<vmem>>, vector<1x1x16xf32>,
        %get3A_2405 = vector.shape_cast %get3A_2404 : vector<1x1x16xf32> to vector<16xf32>
        %mul3A_2406 = arith.mulf %get3A_2405, %get3A_2357 : vector<16xf32>
        %add3A_2407 = arith.addf %scan3A_2353, %mul3A_2406 : vector<16xf32>
        %add3A_2408 = arith.constant 100 : i32
        %add3A_2409 = arith.addi %add3A_2408, %scan3A_2348 : i32
        %get3A_2410 = arith.constant 1 : i32
        %get3A_2411 = arith.index_cast %get3A_2410 : i32 to index
        %get3A_2412 = arith.index_cast %add3A_2409 : i32 to index
        %get3A_2413 = arith.constant 80 : index
        %get3A_2414 = tpu.vector_load %arg8[%get3A_2411, %get3A_2412, %get3A_2413] {strides = array<i32>} : memref<4x120x128xf32, #tpu.memory_space<vmem>>, vector<1x1x16xf32>,
        %get3A_2415 = vector.shape_cast %get3A_2414 : vector<1x1x16xf32> to vector<16xf32>
        %mul3A_2416 = arith.mulf %get3A_2415, %get3A_2357 : vector<16xf32>
        %add3A_2417 = arith.addf %scan3A_2354, %mul3A_2416 : vector<16xf32>
        scf.yield %add3A_2367, %add3A_2377, %add3A_2387, %add3A_2397, %add3A_2407, %add3A_2417 : vector<16xf32>, vector<16xf32>, vector<16xf32>, vector<16xf32>, vector<16xf32>, vector<16xf32>
      }
      %scan3A_1037 = arith.constant 20 : i32
      %add3A_1038 = arith.constant 0 : i32
      %add3A_1039 = arith.addi %mul3A_689, %add3A_1038 : i32
      %mul3A_1040 = arith.constant 128 : i32
      %mul3A_1041 = arith.muli %add3A_1039, %mul3A_1040 : i32
      %add3A_1042 = arith.constant 80 : i32
      %add3A_1043 = arith.addi %mul3A_1041, %add3A_1042 : i32
      %swap3A_1044 = arith.index_cast %add3A_1043 : i32 to index
      %swap3A_1045 = tpu.vector_load %arg9[%swap3A_1044] {strides = array<i32>} : memref<43008xf32, #tpu.memory_space<vmem>>, vector<16xf32>,
      %swap3A_1046 = vector.shape_cast %swap3A_1045 : vector<16xf32> to vector<16xf32>
      %swap3A_1047 = vector.shape_cast %scan3A_1036#0 : vector<16xf32> to vector<16xf32>
      tpu.vector_store %arg9[%swap3A_1044], %swap3A_1047 {strides = array<i32>} : memref<43008xf32, #tpu.memory_space<vmem>>, vector<16xf32>,
      %add3A_1048 = arith.constant 1 : i32
      %add3A_1049 = arith.addi %mul3A_689, %add3A_1048 : i32
      %mul3A_1050 = arith.constant 128 : i32
      %mul3A_1051 = arith.muli %add3A_1049, %mul3A_1050 : i32
      %add3A_1052 = arith.constant 80 : i32
      %add3A_1053 = arith.addi %mul3A_1051, %add3A_1052 : i32
      %swap3A_1054 = arith.index_cast %add3A_1053 : i32 to index
      %swap3A_1055 = tpu.vector_load %arg9[%swap3A_1054] {strides = array<i32>} : memref<43008xf32, #tpu.memory_space<vmem>>, vector<16xf32>,
      %swap3A_1056 = vector.shape_cast %swap3A_1055 : vector<16xf32> to vector<16xf32>
      %swap3A_1057 = vector.shape_cast %scan3A_1036#1 : vector<16xf32> to vector<16xf32>
      tpu.vector_store %arg9[%swap3A_1054], %swap3A_1057 {strides = array<i32>} : memref<43008xf32, #tpu.memory_space<vmem>>, vector<16xf32>,
      %add3A_1058 = arith.constant 2 : i32
      %add3A_1059 = arith.addi %mul3A_689, %add3A_1058 : i32
      %mul3A_1060 = arith.constant 128 : i32
      %mul3A_1061 = arith.muli %add3A_1059, %mul3A_1060 : i32
      %add3A_1062 = arith.constant 80 : i32
      %add3A_1063 = arith.addi %mul3A_1061, %add3A_1062 : i32
      %swap3A_1064 = arith.index_cast %add3A_1063 : i32 to index
      %swap3A_1065 = tpu.vector_load %arg9[%swap3A_1064] {strides = array<i32>} : memref<43008xf32, #tpu.memory_space<vmem>>, vector<16xf32>,
      %swap3A_1066 = vector.shape_cast %swap3A_1065 : vector<16xf32> to vector<16xf32>
      %swap3A_1067 = vector.shape_cast %scan3A_1036#2 : vector<16xf32> to vector<16xf32>
      tpu.vector_store %arg9[%swap3A_1064], %swap3A_1067 {strides = array<i32>} : memref<43008xf32, #tpu.memory_space<vmem>>, vector<16xf32>,
      %add3A_1068 = arith.constant 3 : i32
      %add3A_1069 = arith.addi %mul3A_689, %add3A_1068 : i32
      %mul3A_1070 = arith.constant 128 : i32
      %mul3A_1071 = arith.muli %add3A_1069, %mul3A_1070 : i32
      %add3A_1072 = arith.constant 80 : i32
      %add3A_1073 = arith.addi %mul3A_1071, %add3A_1072 : i32
      %swap3A_1074 = arith.index_cast %add3A_1073 : i32 to index
      %swap3A_1075 = tpu.vector_load %arg9[%swap3A_1074] {strides = array<i32>} : memref<43008xf32, #tpu.memory_space<vmem>>, vector<16xf32>,
      %swap3A_1076 = vector.shape_cast %swap3A_1075 : vector<16xf32> to vector<16xf32>
      %swap3A_1077 = vector.shape_cast %scan3A_1036#3 : vector<16xf32> to vector<16xf32>
      tpu.vector_store %arg9[%swap3A_1074], %swap3A_1077 {strides = array<i32>} : memref<43008xf32, #tpu.memory_space<vmem>>, vector<16xf32>,
      %add3A_1078 = arith.constant 4 : i32
      %add3A_1079 = arith.addi %mul3A_689, %add3A_1078 : i32
      %mul3A_1080 = arith.constant 128 : i32
      %mul3A_1081 = arith.muli %add3A_1079, %mul3A_1080 : i32
      %add3A_1082 = arith.constant 80 : i32
      %add3A_1083 = arith.addi %mul3A_1081, %add3A_1082 : i32
      %swap3A_1084 = arith.index_cast %add3A_1083 : i32 to index
      %swap3A_1085 = tpu.vector_load %arg9[%swap3A_1084] {strides = array<i32>} : memref<43008xf32, #tpu.memory_space<vmem>>, vector<16xf32>,
      %swap3A_1086 = vector.shape_cast %swap3A_1085 : vector<16xf32> to vector<16xf32>
      %swap3A_1087 = vector.shape_cast %scan3A_1036#4 : vector<16xf32> to vector<16xf32>
      tpu.vector_store %arg9[%swap3A_1084], %swap3A_1087 {strides = array<i32>} : memref<43008xf32, #tpu.memory_space<vmem>>, vector<16xf32>,
      %add3A_1088 = arith.constant 5 : i32
      %add3A_1089 = arith.addi %mul3A_689, %add3A_1088 : i32
      %mul3A_1090 = arith.constant 128 : i32
      %mul3A_1091 = arith.muli %add3A_1089, %mul3A_1090 : i32
      %add3A_1092 = arith.constant 80 : i32
      %add3A_1093 = arith.addi %mul3A_1091, %add3A_1092 : i32
      %swap3A_1094 = arith.index_cast %add3A_1093 : i32 to index
      %swap3A_1095 = tpu.vector_load %arg9[%swap3A_1094] {strides = array<i32>} : memref<43008xf32, #tpu.memory_space<vmem>>, vector<16xf32>,
      %swap3A_1096 = vector.shape_cast %swap3A_1095 : vector<16xf32> to vector<16xf32>
      %swap3A_1097 = vector.shape_cast %scan3A_1036#5 : vector<16xf32> to vector<16xf32>
      tpu.vector_store %arg9[%swap3A_1094], %swap3A_1097 {strides = array<i32>} : memref<43008xf32, #tpu.memory_space<vmem>>, vector<16xf32>,
      %broadcast_in_dim3A_1098 = arith.constant 0.000000e+00 : f32
      %broadcast_in_dim3A_1099 = vector.broadcast %broadcast_in_dim3A_1098 : f32 to vector<16xf32>
      %scan3A_1100 = arith.constant 0 : i32
      %scan3A_1101 = arith.constant 20 : i32
      %scan3A_1102 = arith.addi %scan3A_1100, %scan3A_1101 : i32
      %scan3A_1103 = arith.constant 1 : i32
      %scan3A_1104:6 = scf.for %scan3A_2348 = %scan3A_1100 to %scan3A_1102 step %scan3A_1103 iter_args(%scan3A_2349 = %broadcast_in_dim3A_1099, %scan3A_2350 = %broadcast_in_dim3A_1099, %scan3A_2351 = %broadcast_in_dim3A_1099, %scan3A_2352 = %broadcast_in_dim3A_1099, %scan3A_2353 = %broadcast_in_dim3A_1099, %scan3A_2354 = %broadcast_in_dim3A_1099) -> (vector<16xf32>, vector<16xf32>, vector<16xf32>, vector<16xf32>, vector<16xf32>, vector<16xf32>)  : i32 {
        %get3A = arith.index_cast %scan3A_2348 : i32 to index
        %get3A_2355 = arith.constant 96 : index
        %get3A_2356 = tpu.vector_load %arg7[%get3A, %get3A_2355] {strides = array<i32>} : memref<20x128xf32, #tpu.memory_space<vmem>>, vector<1x16xf32>,
        %get3A_2357 = vector.shape_cast %get3A_2356 : vector<1x16xf32> to vector<16xf32>
        %add3A_2358 = arith.constant 0 : i32
        %add3A_2359 = arith.addi %add3A_2358, %scan3A_2348 : i32
        %get3A_2360 = arith.constant 1 : i32
        %get3A_2361 = arith.index_cast %get3A_2360 : i32 to index
        %get3A_2362 = arith.index_cast %add3A_2359 : i32 to index
        %get3A_2363 = arith.constant 96 : index
        %get3A_2364 = tpu.vector_load %arg8[%get3A_2361, %get3A_2362, %get3A_2363] {strides = array<i32>} : memref<4x120x128xf32, #tpu.memory_space<vmem>>, vector<1x1x16xf32>,
        %get3A_2365 = vector.shape_cast %get3A_2364 : vector<1x1x16xf32> to vector<16xf32>
        %mul3A_2366 = arith.mulf %get3A_2365, %get3A_2357 : vector<16xf32>
        %add3A_2367 = arith.addf %scan3A_2349, %mul3A_2366 : vector<16xf32>
        %add3A_2368 = arith.constant 20 : i32
        %add3A_2369 = arith.addi %add3A_2368, %scan3A_2348 : i32
        %get3A_2370 = arith.constant 1 : i32
        %get3A_2371 = arith.index_cast %get3A_2370 : i32 to index
        %get3A_2372 = arith.index_cast %add3A_2369 : i32 to index
        %get3A_2373 = arith.constant 96 : index
        %get3A_2374 = tpu.vector_load %arg8[%get3A_2371, %get3A_2372, %get3A_2373] {strides = array<i32>} : memref<4x120x128xf32, #tpu.memory_space<vmem>>, vector<1x1x16xf32>,
        %get3A_2375 = vector.shape_cast %get3A_2374 : vector<1x1x16xf32> to vector<16xf32>
        %mul3A_2376 = arith.mulf %get3A_2375, %get3A_2357 : vector<16xf32>
        %add3A_2377 = arith.addf %scan3A_2350, %mul3A_2376 : vector<16xf32>
        %add3A_2378 = arith.constant 40 : i32
        %add3A_2379 = arith.addi %add3A_2378, %scan3A_2348 : i32
        %get3A_2380 = arith.constant 1 : i32
        %get3A_2381 = arith.index_cast %get3A_2380 : i32 to index
        %get3A_2382 = arith.index_cast %add3A_2379 : i32 to index
        %get3A_2383 = arith.constant 96 : index
        %get3A_2384 = tpu.vector_load %arg8[%get3A_2381, %get3A_2382, %get3A_2383] {strides = array<i32>} : memref<4x120x128xf32, #tpu.memory_space<vmem>>, vector<1x1x16xf32>,
        %get3A_2385 = vector.shape_cast %get3A_2384 : vector<1x1x16xf32> to vector<16xf32>
        %mul3A_2386 = arith.mulf %get3A_2385, %get3A_2357 : vector<16xf32>
        %add3A_2387 = arith.addf %scan3A_2351, %mul3A_2386 : vector<16xf32>
        %add3A_2388 = arith.constant 60 : i32
        %add3A_2389 = arith.addi %add3A_2388, %scan3A_2348 : i32
        %get3A_2390 = arith.constant 1 : i32
        %get3A_2391 = arith.index_cast %get3A_2390 : i32 to index
        %get3A_2392 = arith.index_cast %add3A_2389 : i32 to index
        %get3A_2393 = arith.constant 96 : index
        %get3A_2394 = tpu.vector_load %arg8[%get3A_2391, %get3A_2392, %get3A_2393] {strides = array<i32>} : memref<4x120x128xf32, #tpu.memory_space<vmem>>, vector<1x1x16xf32>,
        %get3A_2395 = vector.shape_cast %get3A_2394 : vector<1x1x16xf32> to vector<16xf32>
        %mul3A_2396 = arith.mulf %get3A_2395, %get3A_2357 : vector<16xf32>
        %add3A_2397 = arith.addf %scan3A_2352, %mul3A_2396 : vector<16xf32>
        %add3A_2398 = arith.constant 80 : i32
        %add3A_2399 = arith.addi %add3A_2398, %scan3A_2348 : i32
        %get3A_2400 = arith.constant 1 : i32
        %get3A_2401 = arith.index_cast %get3A_2400 : i32 to index
        %get3A_2402 = arith.index_cast %add3A_2399 : i32 to index
        %get3A_2403 = arith.constant 96 : index
        %get3A_2404 = tpu.vector_load %arg8[%get3A_2401, %get3A_2402, %get3A_2403] {strides = array<i32>} : memref<4x120x128xf32, #tpu.memory_space<vmem>>, vector<1x1x16xf32>,
        %get3A_2405 = vector.shape_cast %get3A_2404 : vector<1x1x16xf32> to vector<16xf32>
        %mul3A_2406 = arith.mulf %get3A_2405, %get3A_2357 : vector<16xf32>
        %add3A_2407 = arith.addf %scan3A_2353, %mul3A_2406 : vector<16xf32>
        %add3A_2408 = arith.constant 100 : i32
        %add3A_2409 = arith.addi %add3A_2408, %scan3A_2348 : i32
        %get3A_2410 = arith.constant 1 : i32
        %get3A_2411 = arith.index_cast %get3A_2410 : i32 to index
        %get3A_2412 = arith.index_cast %add3A_2409 : i32 to index
        %get3A_2413 = arith.constant 96 : index
        %get3A_2414 = tpu.vector_load %arg8[%get3A_2411, %get3A_2412, %get3A_2413] {strides = array<i32>} : memref<4x120x128xf32, #tpu.memory_space<vmem>>, vector<1x1x16xf32>,
        %get3A_2415 = vector.shape_cast %get3A_2414 : vector<1x1x16xf32> to vector<16xf32>
        %mul3A_2416 = arith.mulf %get3A_2415, %get3A_2357 : vector<16xf32>
        %add3A_2417 = arith.addf %scan3A_2354, %mul3A_2416 : vector<16xf32>
        scf.yield %add3A_2367, %add3A_2377, %add3A_2387, %add3A_2397, %add3A_2407, %add3A_2417 : vector<16xf32>, vector<16xf32>, vector<16xf32>, vector<16xf32>, vector<16xf32>, vector<16xf32>
      }
      %scan3A_1105 = arith.constant 20 : i32
      %add3A_1106 = arith.constant 0 : i32
      %add3A_1107 = arith.addi %mul3A_689, %add3A_1106 : i32
      %mul3A_1108 = arith.constant 128 : i32
      %mul3A_1109 = arith.muli %add3A_1107, %mul3A_1108 : i32
      %add3A_1110 = arith.constant 96 : i32
      %add3A_1111 = arith.addi %mul3A_1109, %add3A_1110 : i32
      %swap3A_1112 = arith.index_cast %add3A_1111 : i32 to index
      %swap3A_1113 = tpu.vector_load %arg9[%swap3A_1112] {strides = array<i32>} : memref<43008xf32, #tpu.memory_space<vmem>>, vector<16xf32>,
      %swap3A_1114 = vector.shape_cast %swap3A_1113 : vector<16xf32> to vector<16xf32>
      %swap3A_1115 = vector.shape_cast %scan3A_1104#0 : vector<16xf32> to vector<16xf32>
      tpu.vector_store %arg9[%swap3A_1112], %swap3A_1115 {strides = array<i32>} : memref<43008xf32, #tpu.memory_space<vmem>>, vector<16xf32>,
      %add3A_1116 = arith.constant 1 : i32
      %add3A_1117 = arith.addi %mul3A_689, %add3A_1116 : i32
      %mul3A_1118 = arith.constant 128 : i32
      %mul3A_1119 = arith.muli %add3A_1117, %mul3A_1118 : i32
      %add3A_1120 = arith.constant 96 : i32
      %add3A_1121 = arith.addi %mul3A_1119, %add3A_1120 : i32
      %swap3A_1122 = arith.index_cast %add3A_1121 : i32 to index
      %swap3A_1123 = tpu.vector_load %arg9[%swap3A_1122] {strides = array<i32>} : memref<43008xf32, #tpu.memory_space<vmem>>, vector<16xf32>,
      %swap3A_1124 = vector.shape_cast %swap3A_1123 : vector<16xf32> to vector<16xf32>
      %swap3A_1125 = vector.shape_cast %scan3A_1104#1 : vector<16xf32> to vector<16xf32>
      tpu.vector_store %arg9[%swap3A_1122], %swap3A_1125 {strides = array<i32>} : memref<43008xf32, #tpu.memory_space<vmem>>, vector<16xf32>,
      %add3A_1126 = arith.constant 2 : i32
      %add3A_1127 = arith.addi %mul3A_689, %add3A_1126 : i32
      %mul3A_1128 = arith.constant 128 : i32
      %mul3A_1129 = arith.muli %add3A_1127, %mul3A_1128 : i32
      %add3A_1130 = arith.constant 96 : i32
      %add3A_1131 = arith.addi %mul3A_1129, %add3A_1130 : i32
      %swap3A_1132 = arith.index_cast %add3A_1131 : i32 to index
      %swap3A_1133 = tpu.vector_load %arg9[%swap3A_1132] {strides = array<i32>} : memref<43008xf32, #tpu.memory_space<vmem>>, vector<16xf32>,
      %swap3A_1134 = vector.shape_cast %swap3A_1133 : vector<16xf32> to vector<16xf32>
      %swap3A_1135 = vector.shape_cast %scan3A_1104#2 : vector<16xf32> to vector<16xf32>
      tpu.vector_store %arg9[%swap3A_1132], %swap3A_1135 {strides = array<i32>} : memref<43008xf32, #tpu.memory_space<vmem>>, vector<16xf32>,
      %add3A_1136 = arith.constant 3 : i32
      %add3A_1137 = arith.addi %mul3A_689, %add3A_1136 : i32
      %mul3A_1138 = arith.constant 128 : i32
      %mul3A_1139 = arith.muli %add3A_1137, %mul3A_1138 : i32
      %add3A_1140 = arith.constant 96 : i32
      %add3A_1141 = arith.addi %mul3A_1139, %add3A_1140 : i32
      %swap3A_1142 = arith.index_cast %add3A_1141 : i32 to index
      %swap3A_1143 = tpu.vector_load %arg9[%swap3A_1142] {strides = array<i32>} : memref<43008xf32, #tpu.memory_space<vmem>>, vector<16xf32>,
      %swap3A_1144 = vector.shape_cast %swap3A_1143 : vector<16xf32> to vector<16xf32>
      %swap3A_1145 = vector.shape_cast %scan3A_1104#3 : vector<16xf32> to vector<16xf32>
      tpu.vector_store %arg9[%swap3A_1142], %swap3A_1145 {strides = array<i32>} : memref<43008xf32, #tpu.memory_space<vmem>>, vector<16xf32>,
      %add3A_1146 = arith.constant 4 : i32
      %add3A_1147 = arith.addi %mul3A_689, %add3A_1146 : i32
      %mul3A_1148 = arith.constant 128 : i32
      %mul3A_1149 = arith.muli %add3A_1147, %mul3A_1148 : i32
      %add3A_1150 = arith.constant 96 : i32
      %add3A_1151 = arith.addi %mul3A_1149, %add3A_1150 : i32
      %swap3A_1152 = arith.index_cast %add3A_1151 : i32 to index
      %swap3A_1153 = tpu.vector_load %arg9[%swap3A_1152] {strides = array<i32>} : memref<43008xf32, #tpu.memory_space<vmem>>, vector<16xf32>,
      %swap3A_1154 = vector.shape_cast %swap3A_1153 : vector<16xf32> to vector<16xf32>
      %swap3A_1155 = vector.shape_cast %scan3A_1104#4 : vector<16xf32> to vector<16xf32>
      tpu.vector_store %arg9[%swap3A_1152], %swap3A_1155 {strides = array<i32>} : memref<43008xf32, #tpu.memory_space<vmem>>, vector<16xf32>,
      %add3A_1156 = arith.constant 5 : i32
      %add3A_1157 = arith.addi %mul3A_689, %add3A_1156 : i32
      %mul3A_1158 = arith.constant 128 : i32
      %mul3A_1159 = arith.muli %add3A_1157, %mul3A_1158 : i32
      %add3A_1160 = arith.constant 96 : i32
      %add3A_1161 = arith.addi %mul3A_1159, %add3A_1160 : i32
      %swap3A_1162 = arith.index_cast %add3A_1161 : i32 to index
      %swap3A_1163 = tpu.vector_load %arg9[%swap3A_1162] {strides = array<i32>} : memref<43008xf32, #tpu.memory_space<vmem>>, vector<16xf32>,
      %swap3A_1164 = vector.shape_cast %swap3A_1163 : vector<16xf32> to vector<16xf32>
      %swap3A_1165 = vector.shape_cast %scan3A_1104#5 : vector<16xf32> to vector<16xf32>
      tpu.vector_store %arg9[%swap3A_1162], %swap3A_1165 {strides = array<i32>} : memref<43008xf32, #tpu.memory_space<vmem>>, vector<16xf32>,
      %broadcast_in_dim3A_1166 = arith.constant 0.000000e+00 : f32
      %broadcast_in_dim3A_1167 = vector.broadcast %broadcast_in_dim3A_1166 : f32 to vector<16xf32>
      %scan3A_1168 = arith.constant 0 : i32
      %scan3A_1169 = arith.constant 20 : i32
      %scan3A_1170 = arith.addi %scan3A_1168, %scan3A_1169 : i32
      %scan3A_1171 = arith.constant 1 : i32
      %scan3A_1172:6 = scf.for %scan3A_2348 = %scan3A_1168 to %scan3A_1170 step %scan3A_1171 iter_args(%scan3A_2349 = %broadcast_in_dim3A_1167, %scan3A_2350 = %broadcast_in_dim3A_1167, %scan3A_2351 = %broadcast_in_dim3A_1167, %scan3A_2352 = %broadcast_in_dim3A_1167, %scan3A_2353 = %broadcast_in_dim3A_1167, %scan3A_2354 = %broadcast_in_dim3A_1167) -> (vector<16xf32>, vector<16xf32>, vector<16xf32>, vector<16xf32>, vector<16xf32>, vector<16xf32>)  : i32 {
        %get3A = arith.index_cast %scan3A_2348 : i32 to index
        %get3A_2355 = arith.constant 112 : index
        %get3A_2356 = tpu.vector_load %arg7[%get3A, %get3A_2355] {strides = array<i32>} : memref<20x128xf32, #tpu.memory_space<vmem>>, vector<1x16xf32>,
        %get3A_2357 = vector.shape_cast %get3A_2356 : vector<1x16xf32> to vector<16xf32>
        %add3A_2358 = arith.constant 0 : i32
        %add3A_2359 = arith.addi %add3A_2358, %scan3A_2348 : i32
        %get3A_2360 = arith.constant 1 : i32
        %get3A_2361 = arith.index_cast %get3A_2360 : i32 to index
        %get3A_2362 = arith.index_cast %add3A_2359 : i32 to index
        %get3A_2363 = arith.constant 112 : index
        %get3A_2364 = tpu.vector_load %arg8[%get3A_2361, %get3A_2362, %get3A_2363] {strides = array<i32>} : memref<4x120x128xf32, #tpu.memory_space<vmem>>, vector<1x1x16xf32>,
        %get3A_2365 = vector.shape_cast %get3A_2364 : vector<1x1x16xf32> to vector<16xf32>
        %mul3A_2366 = arith.mulf %get3A_2365, %get3A_2357 : vector<16xf32>
        %add3A_2367 = arith.addf %scan3A_2349, %mul3A_2366 : vector<16xf32>
        %add3A_2368 = arith.constant 20 : i32
        %add3A_2369 = arith.addi %add3A_2368, %scan3A_2348 : i32
        %get3A_2370 = arith.constant 1 : i32
        %get3A_2371 = arith.index_cast %get3A_2370 : i32 to index
        %get3A_2372 = arith.index_cast %add3A_2369 : i32 to index
        %get3A_2373 = arith.constant 112 : index
        %get3A_2374 = tpu.vector_load %arg8[%get3A_2371, %get3A_2372, %get3A_2373] {strides = array<i32>} : memref<4x120x128xf32, #tpu.memory_space<vmem>>, vector<1x1x16xf32>,
        %get3A_2375 = vector.shape_cast %get3A_2374 : vector<1x1x16xf32> to vector<16xf32>
        %mul3A_2376 = arith.mulf %get3A_2375, %get3A_2357 : vector<16xf32>
        %add3A_2377 = arith.addf %scan3A_2350, %mul3A_2376 : vector<16xf32>
        %add3A_2378 = arith.constant 40 : i32
        %add3A_2379 = arith.addi %add3A_2378, %scan3A_2348 : i32
        %get3A_2380 = arith.constant 1 : i32
        %get3A_2381 = arith.index_cast %get3A_2380 : i32 to index
        %get3A_2382 = arith.index_cast %add3A_2379 : i32 to index
        %get3A_2383 = arith.constant 112 : index
        %get3A_2384 = tpu.vector_load %arg8[%get3A_2381, %get3A_2382, %get3A_2383] {strides = array<i32>} : memref<4x120x128xf32, #tpu.memory_space<vmem>>, vector<1x1x16xf32>,
        %get3A_2385 = vector.shape_cast %get3A_2384 : vector<1x1x16xf32> to vector<16xf32>
        %mul3A_2386 = arith.mulf %get3A_2385, %get3A_2357 : vector<16xf32>
        %add3A_2387 = arith.addf %scan3A_2351, %mul3A_2386 : vector<16xf32>
        %add3A_2388 = arith.constant 60 : i32
        %add3A_2389 = arith.addi %add3A_2388, %scan3A_2348 : i32
        %get3A_2390 = arith.constant 1 : i32
        %get3A_2391 = arith.index_cast %get3A_2390 : i32 to index
        %get3A_2392 = arith.index_cast %add3A_2389 : i32 to index
        %get3A_2393 = arith.constant 112 : index
        %get3A_2394 = tpu.vector_load %arg8[%get3A_2391, %get3A_2392, %get3A_2393] {strides = array<i32>} : memref<4x120x128xf32, #tpu.memory_space<vmem>>, vector<1x1x16xf32>,
        %get3A_2395 = vector.shape_cast %get3A_2394 : vector<1x1x16xf32> to vector<16xf32>
        %mul3A_2396 = arith.mulf %get3A_2395, %get3A_2357 : vector<16xf32>
        %add3A_2397 = arith.addf %scan3A_2352, %mul3A_2396 : vector<16xf32>
        %add3A_2398 = arith.constant 80 : i32
        %add3A_2399 = arith.addi %add3A_2398, %scan3A_2348 : i32
        %get3A_2400 = arith.constant 1 : i32
        %get3A_2401 = arith.index_cast %get3A_2400 : i32 to index
        %get3A_2402 = arith.index_cast %add3A_2399 : i32 to index
        %get3A_2403 = arith.constant 112 : index
        %get3A_2404 = tpu.vector_load %arg8[%get3A_2401, %get3A_2402, %get3A_2403] {strides = array<i32>} : memref<4x120x128xf32, #tpu.memory_space<vmem>>, vector<1x1x16xf32>,
        %get3A_2405 = vector.shape_cast %get3A_2404 : vector<1x1x16xf32> to vector<16xf32>
        %mul3A_2406 = arith.mulf %get3A_2405, %get3A_2357 : vector<16xf32>
        %add3A_2407 = arith.addf %scan3A_2353, %mul3A_2406 : vector<16xf32>
        %add3A_2408 = arith.constant 100 : i32
        %add3A_2409 = arith.addi %add3A_2408, %scan3A_2348 : i32
        %get3A_2410 = arith.constant 1 : i32
        %get3A_2411 = arith.index_cast %get3A_2410 : i32 to index
        %get3A_2412 = arith.index_cast %add3A_2409 : i32 to index
        %get3A_2413 = arith.constant 112 : index
        %get3A_2414 = tpu.vector_load %arg8[%get3A_2411, %get3A_2412, %get3A_2413] {strides = array<i32>} : memref<4x120x128xf32, #tpu.memory_space<vmem>>, vector<1x1x16xf32>,
        %get3A_2415 = vector.shape_cast %get3A_2414 : vector<1x1x16xf32> to vector<16xf32>
        %mul3A_2416 = arith.mulf %get3A_2415, %get3A_2357 : vector<16xf32>
        %add3A_2417 = arith.addf %scan3A_2354, %mul3A_2416 : vector<16xf32>
        scf.yield %add3A_2367, %add3A_2377, %add3A_2387, %add3A_2397, %add3A_2407, %add3A_2417 : vector<16xf32>, vector<16xf32>, vector<16xf32>, vector<16xf32>, vector<16xf32>, vector<16xf32>
      }
      %scan3A_1173 = arith.constant 20 : i32
      %add3A_1174 = arith.constant 0 : i32
      %add3A_1175 = arith.addi %mul3A_689, %add3A_1174 : i32
      %mul3A_1176 = arith.constant 128 : i32
      %mul3A_1177 = arith.muli %add3A_1175, %mul3A_1176 : i32
      %add3A_1178 = arith.constant 112 : i32
      %add3A_1179 = arith.addi %mul3A_1177, %add3A_1178 : i32
      %swap3A_1180 = arith.index_cast %add3A_1179 : i32 to index
      %swap3A_1181 = tpu.vector_load %arg9[%swap3A_1180] {strides = array<i32>} : memref<43008xf32, #tpu.memory_space<vmem>>, vector<16xf32>,
      %swap3A_1182 = vector.shape_cast %swap3A_1181 : vector<16xf32> to vector<16xf32>
      %swap3A_1183 = vector.shape_cast %scan3A_1172#0 : vector<16xf32> to vector<16xf32>
      tpu.vector_store %arg9[%swap3A_1180], %swap3A_1183 {strides = array<i32>} : memref<43008xf32, #tpu.memory_space<vmem>>, vector<16xf32>,
      %add3A_1184 = arith.constant 1 : i32
      %add3A_1185 = arith.addi %mul3A_689, %add3A_1184 : i32
      %mul3A_1186 = arith.constant 128 : i32
      %mul3A_1187 = arith.muli %add3A_1185, %mul3A_1186 : i32
      %add3A_1188 = arith.constant 112 : i32
      %add3A_1189 = arith.addi %mul3A_1187, %add3A_1188 : i32
      %swap3A_1190 = arith.index_cast %add3A_1189 : i32 to index
      %swap3A_1191 = tpu.vector_load %arg9[%swap3A_1190] {strides = array<i32>} : memref<43008xf32, #tpu.memory_space<vmem>>, vector<16xf32>,
      %swap3A_1192 = vector.shape_cast %swap3A_1191 : vector<16xf32> to vector<16xf32>
      %swap3A_1193 = vector.shape_cast %scan3A_1172#1 : vector<16xf32> to vector<16xf32>
      tpu.vector_store %arg9[%swap3A_1190], %swap3A_1193 {strides = array<i32>} : memref<43008xf32, #tpu.memory_space<vmem>>, vector<16xf32>,
      %add3A_1194 = arith.constant 2 : i32
      %add3A_1195 = arith.addi %mul3A_689, %add3A_1194 : i32
      %mul3A_1196 = arith.constant 128 : i32
      %mul3A_1197 = arith.muli %add3A_1195, %mul3A_1196 : i32
      %add3A_1198 = arith.constant 112 : i32
      %add3A_1199 = arith.addi %mul3A_1197, %add3A_1198 : i32
      %swap3A_1200 = arith.index_cast %add3A_1199 : i32 to index
      %swap3A_1201 = tpu.vector_load %arg9[%swap3A_1200] {strides = array<i32>} : memref<43008xf32, #tpu.memory_space<vmem>>, vector<16xf32>,
      %swap3A_1202 = vector.shape_cast %swap3A_1201 : vector<16xf32> to vector<16xf32>
      %swap3A_1203 = vector.shape_cast %scan3A_1172#2 : vector<16xf32> to vector<16xf32>
      tpu.vector_store %arg9[%swap3A_1200], %swap3A_1203 {strides = array<i32>} : memref<43008xf32, #tpu.memory_space<vmem>>, vector<16xf32>,
      %add3A_1204 = arith.constant 3 : i32
      %add3A_1205 = arith.addi %mul3A_689, %add3A_1204 : i32
      %mul3A_1206 = arith.constant 128 : i32
      %mul3A_1207 = arith.muli %add3A_1205, %mul3A_1206 : i32
      %add3A_1208 = arith.constant 112 : i32
      %add3A_1209 = arith.addi %mul3A_1207, %add3A_1208 : i32
      %swap3A_1210 = arith.index_cast %add3A_1209 : i32 to index
      %swap3A_1211 = tpu.vector_load %arg9[%swap3A_1210] {strides = array<i32>} : memref<43008xf32, #tpu.memory_space<vmem>>, vector<16xf32>,
      %swap3A_1212 = vector.shape_cast %swap3A_1211 : vector<16xf32> to vector<16xf32>
      %swap3A_1213 = vector.shape_cast %scan3A_1172#3 : vector<16xf32> to vector<16xf32>
      tpu.vector_store %arg9[%swap3A_1210], %swap3A_1213 {strides = array<i32>} : memref<43008xf32, #tpu.memory_space<vmem>>, vector<16xf32>,
      %add3A_1214 = arith.constant 4 : i32
      %add3A_1215 = arith.addi %mul3A_689, %add3A_1214 : i32
      %mul3A_1216 = arith.constant 128 : i32
      %mul3A_1217 = arith.muli %add3A_1215, %mul3A_1216 : i32
      %add3A_1218 = arith.constant 112 : i32
      %add3A_1219 = arith.addi %mul3A_1217, %add3A_1218 : i32
      %swap3A_1220 = arith.index_cast %add3A_1219 : i32 to index
      %swap3A_1221 = tpu.vector_load %arg9[%swap3A_1220] {strides = array<i32>} : memref<43008xf32, #tpu.memory_space<vmem>>, vector<16xf32>,
      %swap3A_1222 = vector.shape_cast %swap3A_1221 : vector<16xf32> to vector<16xf32>
      %swap3A_1223 = vector.shape_cast %scan3A_1172#4 : vector<16xf32> to vector<16xf32>
      tpu.vector_store %arg9[%swap3A_1220], %swap3A_1223 {strides = array<i32>} : memref<43008xf32, #tpu.memory_space<vmem>>, vector<16xf32>,
      %add3A_1224 = arith.constant 5 : i32
      %add3A_1225 = arith.addi %mul3A_689, %add3A_1224 : i32
      %mul3A_1226 = arith.constant 128 : i32
      %mul3A_1227 = arith.muli %add3A_1225, %mul3A_1226 : i32
      %add3A_1228 = arith.constant 112 : i32
      %add3A_1229 = arith.addi %mul3A_1227, %add3A_1228 : i32
      %swap3A_1230 = arith.index_cast %add3A_1229 : i32 to index
      %swap3A_1231 = tpu.vector_load %arg9[%swap3A_1230] {strides = array<i32>} : memref<43008xf32, #tpu.memory_space<vmem>>, vector<16xf32>,
      %swap3A_1232 = vector.shape_cast %swap3A_1231 : vector<16xf32> to vector<16xf32>
      %swap3A_1233 = vector.shape_cast %scan3A_1172#5 : vector<16xf32> to vector<16xf32>
      tpu.vector_store %arg9[%swap3A_1230], %swap3A_1233 {strides = array<i32>} : memref<43008xf32, #tpu.memory_space<vmem>>, vector<16xf32>,
      %mul3A_1234 = arith.constant 4 : i32
      %mul3A_1235 = arith.muli %mul3A_1234, %scan3A_12 : i32
      %add3A_1236 = arith.constant 2 : i32
      %add3A_1237 = arith.addi %mul3A_1235, %add3A_1236 : i32
      %rem3A_1238 = arith.constant 56 : i32
      %rem3A_1239 = arith.remsi %add3A_1237, %rem3A_1238 : i32
      %mul3A_1240 = arith.constant 6 : i32
      %mul3A_1241 = arith.muli %rem3A_1239, %mul3A_1240 : i32
      %broadcast_in_dim3A_1242 = arith.constant 0.000000e+00 : f32
      %broadcast_in_dim3A_1243 = vector.broadcast %broadcast_in_dim3A_1242 : f32 to vector<16xf32>
      %scan3A_1244 = arith.constant 0 : i32
      %scan3A_1245 = arith.constant 20 : i32
      %scan3A_1246 = arith.addi %scan3A_1244, %scan3A_1245 : i32
      %scan3A_1247 = arith.constant 1 : i32
      %scan3A_1248:6 = scf.for %scan3A_2348 = %scan3A_1244 to %scan3A_1246 step %scan3A_1247 iter_args(%scan3A_2349 = %broadcast_in_dim3A_1243, %scan3A_2350 = %broadcast_in_dim3A_1243, %scan3A_2351 = %broadcast_in_dim3A_1243, %scan3A_2352 = %broadcast_in_dim3A_1243, %scan3A_2353 = %broadcast_in_dim3A_1243, %scan3A_2354 = %broadcast_in_dim3A_1243) -> (vector<16xf32>, vector<16xf32>, vector<16xf32>, vector<16xf32>, vector<16xf32>, vector<16xf32>)  : i32 {
        %get3A = arith.index_cast %scan3A_2348 : i32 to index
        %get3A_2355 = arith.constant 0 : index
        %get3A_2356 = tpu.vector_load %arg7[%get3A, %get3A_2355] {strides = array<i32>} : memref<20x128xf32, #tpu.memory_space<vmem>>, vector<1x16xf32>,
        %get3A_2357 = vector.shape_cast %get3A_2356 : vector<1x16xf32> to vector<16xf32>
        %add3A_2358 = arith.constant 0 : i32
        %add3A_2359 = arith.addi %add3A_2358, %scan3A_2348 : i32
        %get3A_2360 = arith.constant 2 : i32
        %get3A_2361 = arith.index_cast %get3A_2360 : i32 to index
        %get3A_2362 = arith.index_cast %add3A_2359 : i32 to index
        %get3A_2363 = arith.constant 0 : index
        %get3A_2364 = tpu.vector_load %arg8[%get3A_2361, %get3A_2362, %get3A_2363] {strides = array<i32>} : memref<4x120x128xf32, #tpu.memory_space<vmem>>, vector<1x1x16xf32>,
        %get3A_2365 = vector.shape_cast %get3A_2364 : vector<1x1x16xf32> to vector<16xf32>
        %mul3A_2366 = arith.mulf %get3A_2365, %get3A_2357 : vector<16xf32>
        %add3A_2367 = arith.addf %scan3A_2349, %mul3A_2366 : vector<16xf32>
        %add3A_2368 = arith.constant 20 : i32
        %add3A_2369 = arith.addi %add3A_2368, %scan3A_2348 : i32
        %get3A_2370 = arith.constant 2 : i32
        %get3A_2371 = arith.index_cast %get3A_2370 : i32 to index
        %get3A_2372 = arith.index_cast %add3A_2369 : i32 to index
        %get3A_2373 = arith.constant 0 : index
        %get3A_2374 = tpu.vector_load %arg8[%get3A_2371, %get3A_2372, %get3A_2373] {strides = array<i32>} : memref<4x120x128xf32, #tpu.memory_space<vmem>>, vector<1x1x16xf32>,
        %get3A_2375 = vector.shape_cast %get3A_2374 : vector<1x1x16xf32> to vector<16xf32>
        %mul3A_2376 = arith.mulf %get3A_2375, %get3A_2357 : vector<16xf32>
        %add3A_2377 = arith.addf %scan3A_2350, %mul3A_2376 : vector<16xf32>
        %add3A_2378 = arith.constant 40 : i32
        %add3A_2379 = arith.addi %add3A_2378, %scan3A_2348 : i32
        %get3A_2380 = arith.constant 2 : i32
        %get3A_2381 = arith.index_cast %get3A_2380 : i32 to index
        %get3A_2382 = arith.index_cast %add3A_2379 : i32 to index
        %get3A_2383 = arith.constant 0 : index
        %get3A_2384 = tpu.vector_load %arg8[%get3A_2381, %get3A_2382, %get3A_2383] {strides = array<i32>} : memref<4x120x128xf32, #tpu.memory_space<vmem>>, vector<1x1x16xf32>,
        %get3A_2385 = vector.shape_cast %get3A_2384 : vector<1x1x16xf32> to vector<16xf32>
        %mul3A_2386 = arith.mulf %get3A_2385, %get3A_2357 : vector<16xf32>
        %add3A_2387 = arith.addf %scan3A_2351, %mul3A_2386 : vector<16xf32>
        %add3A_2388 = arith.constant 60 : i32
        %add3A_2389 = arith.addi %add3A_2388, %scan3A_2348 : i32
        %get3A_2390 = arith.constant 2 : i32
        %get3A_2391 = arith.index_cast %get3A_2390 : i32 to index
        %get3A_2392 = arith.index_cast %add3A_2389 : i32 to index
        %get3A_2393 = arith.constant 0 : index
        %get3A_2394 = tpu.vector_load %arg8[%get3A_2391, %get3A_2392, %get3A_2393] {strides = array<i32>} : memref<4x120x128xf32, #tpu.memory_space<vmem>>, vector<1x1x16xf32>,
        %get3A_2395 = vector.shape_cast %get3A_2394 : vector<1x1x16xf32> to vector<16xf32>
        %mul3A_2396 = arith.mulf %get3A_2395, %get3A_2357 : vector<16xf32>
        %add3A_2397 = arith.addf %scan3A_2352, %mul3A_2396 : vector<16xf32>
        %add3A_2398 = arith.constant 80 : i32
        %add3A_2399 = arith.addi %add3A_2398, %scan3A_2348 : i32
        %get3A_2400 = arith.constant 2 : i32
        %get3A_2401 = arith.index_cast %get3A_2400 : i32 to index
        %get3A_2402 = arith.index_cast %add3A_2399 : i32 to index
        %get3A_2403 = arith.constant 0 : index
        %get3A_2404 = tpu.vector_load %arg8[%get3A_2401, %get3A_2402, %get3A_2403] {strides = array<i32>} : memref<4x120x128xf32, #tpu.memory_space<vmem>>, vector<1x1x16xf32>,
        %get3A_2405 = vector.shape_cast %get3A_2404 : vector<1x1x16xf32> to vector<16xf32>
        %mul3A_2406 = arith.mulf %get3A_2405, %get3A_2357 : vector<16xf32>
        %add3A_2407 = arith.addf %scan3A_2353, %mul3A_2406 : vector<16xf32>
        %add3A_2408 = arith.constant 100 : i32
        %add3A_2409 = arith.addi %add3A_2408, %scan3A_2348 : i32
        %get3A_2410 = arith.constant 2 : i32
        %get3A_2411 = arith.index_cast %get3A_2410 : i32 to index
        %get3A_2412 = arith.index_cast %add3A_2409 : i32 to index
        %get3A_2413 = arith.constant 0 : index
        %get3A_2414 = tpu.vector_load %arg8[%get3A_2411, %get3A_2412, %get3A_2413] {strides = array<i32>} : memref<4x120x128xf32, #tpu.memory_space<vmem>>, vector<1x1x16xf32>,
        %get3A_2415 = vector.shape_cast %get3A_2414 : vector<1x1x16xf32> to vector<16xf32>
        %mul3A_2416 = arith.mulf %get3A_2415, %get3A_2357 : vector<16xf32>
        %add3A_2417 = arith.addf %scan3A_2354, %mul3A_2416 : vector<16xf32>
        scf.yield %add3A_2367, %add3A_2377, %add3A_2387, %add3A_2397, %add3A_2407, %add3A_2417 : vector<16xf32>, vector<16xf32>, vector<16xf32>, vector<16xf32>, vector<16xf32>, vector<16xf32>
      }
      %scan3A_1249 = arith.constant 20 : i32
      %add3A_1250 = arith.constant 0 : i32
      %add3A_1251 = arith.addi %mul3A_1241, %add3A_1250 : i32
      %mul3A_1252 = arith.constant 128 : i32
      %mul3A_1253 = arith.muli %add3A_1251, %mul3A_1252 : i32
      %add3A_1254 = arith.constant 0 : i32
      %add3A_1255 = arith.addi %mul3A_1253, %add3A_1254 : i32
      %swap3A_1256 = arith.index_cast %add3A_1255 : i32 to index
      %swap3A_1257 = tpu.vector_load %arg9[%swap3A_1256] {strides = array<i32>} : memref<43008xf32, #tpu.memory_space<vmem>>, vector<16xf32>,
      %swap3A_1258 = vector.shape_cast %swap3A_1257 : vector<16xf32> to vector<16xf32>
      %swap3A_1259 = vector.shape_cast %scan3A_1248#0 : vector<16xf32> to vector<16xf32>
      tpu.vector_store %arg9[%swap3A_1256], %swap3A_1259 {strides = array<i32>} : memref<43008xf32, #tpu.memory_space<vmem>>, vector<16xf32>,
      %add3A_1260 = arith.constant 1 : i32
      %add3A_1261 = arith.addi %mul3A_1241, %add3A_1260 : i32
      %mul3A_1262 = arith.constant 128 : i32
      %mul3A_1263 = arith.muli %add3A_1261, %mul3A_1262 : i32
      %add3A_1264 = arith.constant 0 : i32
      %add3A_1265 = arith.addi %mul3A_1263, %add3A_1264 : i32
      %swap3A_1266 = arith.index_cast %add3A_1265 : i32 to index
      %swap3A_1267 = tpu.vector_load %arg9[%swap3A_1266] {strides = array<i32>} : memref<43008xf32, #tpu.memory_space<vmem>>, vector<16xf32>,
      %swap3A_1268 = vector.shape_cast %swap3A_1267 : vector<16xf32> to vector<16xf32>
      %swap3A_1269 = vector.shape_cast %scan3A_1248#1 : vector<16xf32> to vector<16xf32>
      tpu.vector_store %arg9[%swap3A_1266], %swap3A_1269 {strides = array<i32>} : memref<43008xf32, #tpu.memory_space<vmem>>, vector<16xf32>,
      %add3A_1270 = arith.constant 2 : i32
      %add3A_1271 = arith.addi %mul3A_1241, %add3A_1270 : i32
      %mul3A_1272 = arith.constant 128 : i32
      %mul3A_1273 = arith.muli %add3A_1271, %mul3A_1272 : i32
      %add3A_1274 = arith.constant 0 : i32
      %add3A_1275 = arith.addi %mul3A_1273, %add3A_1274 : i32
      %swap3A_1276 = arith.index_cast %add3A_1275 : i32 to index
      %swap3A_1277 = tpu.vector_load %arg9[%swap3A_1276] {strides = array<i32>} : memref<43008xf32, #tpu.memory_space<vmem>>, vector<16xf32>,
      %swap3A_1278 = vector.shape_cast %swap3A_1277 : vector<16xf32> to vector<16xf32>
      %swap3A_1279 = vector.shape_cast %scan3A_1248#2 : vector<16xf32> to vector<16xf32>
      tpu.vector_store %arg9[%swap3A_1276], %swap3A_1279 {strides = array<i32>} : memref<43008xf32, #tpu.memory_space<vmem>>, vector<16xf32>,
      %add3A_1280 = arith.constant 3 : i32
      %add3A_1281 = arith.addi %mul3A_1241, %add3A_1280 : i32
      %mul3A_1282 = arith.constant 128 : i32
      %mul3A_1283 = arith.muli %add3A_1281, %mul3A_1282 : i32
      %add3A_1284 = arith.constant 0 : i32
      %add3A_1285 = arith.addi %mul3A_1283, %add3A_1284 : i32
      %swap3A_1286 = arith.index_cast %add3A_1285 : i32 to index
      %swap3A_1287 = tpu.vector_load %arg9[%swap3A_1286] {strides = array<i32>} : memref<43008xf32, #tpu.memory_space<vmem>>, vector<16xf32>,
      %swap3A_1288 = vector.shape_cast %swap3A_1287 : vector<16xf32> to vector<16xf32>
      %swap3A_1289 = vector.shape_cast %scan3A_1248#3 : vector<16xf32> to vector<16xf32>
      tpu.vector_store %arg9[%swap3A_1286], %swap3A_1289 {strides = array<i32>} : memref<43008xf32, #tpu.memory_space<vmem>>, vector<16xf32>,
      %add3A_1290 = arith.constant 4 : i32
      %add3A_1291 = arith.addi %mul3A_1241, %add3A_1290 : i32
      %mul3A_1292 = arith.constant 128 : i32
      %mul3A_1293 = arith.muli %add3A_1291, %mul3A_1292 : i32
      %add3A_1294 = arith.constant 0 : i32
      %add3A_1295 = arith.addi %mul3A_1293, %add3A_1294 : i32
      %swap3A_1296 = arith.index_cast %add3A_1295 : i32 to index
      %swap3A_1297 = tpu.vector_load %arg9[%swap3A_1296] {strides = array<i32>} : memref<43008xf32, #tpu.memory_space<vmem>>, vector<16xf32>,
      %swap3A_1298 = vector.shape_cast %swap3A_1297 : vector<16xf32> to vector<16xf32>
      %swap3A_1299 = vector.shape_cast %scan3A_1248#4 : vector<16xf32> to vector<16xf32>
      tpu.vector_store %arg9[%swap3A_1296], %swap3A_1299 {strides = array<i32>} : memref<43008xf32, #tpu.memory_space<vmem>>, vector<16xf32>,
      %add3A_1300 = arith.constant 5 : i32
      %add3A_1301 = arith.addi %mul3A_1241, %add3A_1300 : i32
      %mul3A_1302 = arith.constant 128 : i32
      %mul3A_1303 = arith.muli %add3A_1301, %mul3A_1302 : i32
      %add3A_1304 = arith.constant 0 : i32
      %add3A_1305 = arith.addi %mul3A_1303, %add3A_1304 : i32
      %swap3A_1306 = arith.index_cast %add3A_1305 : i32 to index
      %swap3A_1307 = tpu.vector_load %arg9[%swap3A_1306] {strides = array<i32>} : memref<43008xf32, #tpu.memory_space<vmem>>, vector<16xf32>,
      %swap3A_1308 = vector.shape_cast %swap3A_1307 : vector<16xf32> to vector<16xf32>
      %swap3A_1309 = vector.shape_cast %scan3A_1248#5 : vector<16xf32> to vector<16xf32>
      tpu.vector_store %arg9[%swap3A_1306], %swap3A_1309 {strides = array<i32>} : memref<43008xf32, #tpu.memory_space<vmem>>, vector<16xf32>,
      %broadcast_in_dim3A_1310 = arith.constant 0.000000e+00 : f32
      %broadcast_in_dim3A_1311 = vector.broadcast %broadcast_in_dim3A_1310 : f32 to vector<16xf32>
      %scan3A_1312 = arith.constant 0 : i32
      %scan3A_1313 = arith.constant 20 : i32
      %scan3A_1314 = arith.addi %scan3A_1312, %scan3A_1313 : i32
      %scan3A_1315 = arith.constant 1 : i32
      %scan3A_1316:6 = scf.for %scan3A_2348 = %scan3A_1312 to %scan3A_1314 step %scan3A_1315 iter_args(%scan3A_2349 = %broadcast_in_dim3A_1311, %scan3A_2350 = %broadcast_in_dim3A_1311, %scan3A_2351 = %broadcast_in_dim3A_1311, %scan3A_2352 = %broadcast_in_dim3A_1311, %scan3A_2353 = %broadcast_in_dim3A_1311, %scan3A_2354 = %broadcast_in_dim3A_1311) -> (vector<16xf32>, vector<16xf32>, vector<16xf32>, vector<16xf32>, vector<16xf32>, vector<16xf32>)  : i32 {
        %get3A = arith.index_cast %scan3A_2348 : i32 to index
        %get3A_2355 = arith.constant 16 : index
        %get3A_2356 = tpu.vector_load %arg7[%get3A, %get3A_2355] {strides = array<i32>} : memref<20x128xf32, #tpu.memory_space<vmem>>, vector<1x16xf32>,
        %get3A_2357 = vector.shape_cast %get3A_2356 : vector<1x16xf32> to vector<16xf32>
        %add3A_2358 = arith.constant 0 : i32
        %add3A_2359 = arith.addi %add3A_2358, %scan3A_2348 : i32
        %get3A_2360 = arith.constant 2 : i32
        %get3A_2361 = arith.index_cast %get3A_2360 : i32 to index
        %get3A_2362 = arith.index_cast %add3A_2359 : i32 to index
        %get3A_2363 = arith.constant 16 : index
        %get3A_2364 = tpu.vector_load %arg8[%get3A_2361, %get3A_2362, %get3A_2363] {strides = array<i32>} : memref<4x120x128xf32, #tpu.memory_space<vmem>>, vector<1x1x16xf32>,
        %get3A_2365 = vector.shape_cast %get3A_2364 : vector<1x1x16xf32> to vector<16xf32>
        %mul3A_2366 = arith.mulf %get3A_2365, %get3A_2357 : vector<16xf32>
        %add3A_2367 = arith.addf %scan3A_2349, %mul3A_2366 : vector<16xf32>
        %add3A_2368 = arith.constant 20 : i32
        %add3A_2369 = arith.addi %add3A_2368, %scan3A_2348 : i32
        %get3A_2370 = arith.constant 2 : i32
        %get3A_2371 = arith.index_cast %get3A_2370 : i32 to index
        %get3A_2372 = arith.index_cast %add3A_2369 : i32 to index
        %get3A_2373 = arith.constant 16 : index
        %get3A_2374 = tpu.vector_load %arg8[%get3A_2371, %get3A_2372, %get3A_2373] {strides = array<i32>} : memref<4x120x128xf32, #tpu.memory_space<vmem>>, vector<1x1x16xf32>,
        %get3A_2375 = vector.shape_cast %get3A_2374 : vector<1x1x16xf32> to vector<16xf32>
        %mul3A_2376 = arith.mulf %get3A_2375, %get3A_2357 : vector<16xf32>
        %add3A_2377 = arith.addf %scan3A_2350, %mul3A_2376 : vector<16xf32>
        %add3A_2378 = arith.constant 40 : i32
        %add3A_2379 = arith.addi %add3A_2378, %scan3A_2348 : i32
        %get3A_2380 = arith.constant 2 : i32
        %get3A_2381 = arith.index_cast %get3A_2380 : i32 to index
        %get3A_2382 = arith.index_cast %add3A_2379 : i32 to index
        %get3A_2383 = arith.constant 16 : index
        %get3A_2384 = tpu.vector_load %arg8[%get3A_2381, %get3A_2382, %get3A_2383] {strides = array<i32>} : memref<4x120x128xf32, #tpu.memory_space<vmem>>, vector<1x1x16xf32>,
        %get3A_2385 = vector.shape_cast %get3A_2384 : vector<1x1x16xf32> to vector<16xf32>
        %mul3A_2386 = arith.mulf %get3A_2385, %get3A_2357 : vector<16xf32>
        %add3A_2387 = arith.addf %scan3A_2351, %mul3A_2386 : vector<16xf32>
        %add3A_2388 = arith.constant 60 : i32
        %add3A_2389 = arith.addi %add3A_2388, %scan3A_2348 : i32
        %get3A_2390 = arith.constant 2 : i32
        %get3A_2391 = arith.index_cast %get3A_2390 : i32 to index
        %get3A_2392 = arith.index_cast %add3A_2389 : i32 to index
        %get3A_2393 = arith.constant 16 : index
        %get3A_2394 = tpu.vector_load %arg8[%get3A_2391, %get3A_2392, %get3A_2393] {strides = array<i32>} : memref<4x120x128xf32, #tpu.memory_space<vmem>>, vector<1x1x16xf32>,
        %get3A_2395 = vector.shape_cast %get3A_2394 : vector<1x1x16xf32> to vector<16xf32>
        %mul3A_2396 = arith.mulf %get3A_2395, %get3A_2357 : vector<16xf32>
        %add3A_2397 = arith.addf %scan3A_2352, %mul3A_2396 : vector<16xf32>
        %add3A_2398 = arith.constant 80 : i32
        %add3A_2399 = arith.addi %add3A_2398, %scan3A_2348 : i32
        %get3A_2400 = arith.constant 2 : i32
        %get3A_2401 = arith.index_cast %get3A_2400 : i32 to index
        %get3A_2402 = arith.index_cast %add3A_2399 : i32 to index
        %get3A_2403 = arith.constant 16 : index
        %get3A_2404 = tpu.vector_load %arg8[%get3A_2401, %get3A_2402, %get3A_2403] {strides = array<i32>} : memref<4x120x128xf32, #tpu.memory_space<vmem>>, vector<1x1x16xf32>,
        %get3A_2405 = vector.shape_cast %get3A_2404 : vector<1x1x16xf32> to vector<16xf32>
        %mul3A_2406 = arith.mulf %get3A_2405, %get3A_2357 : vector<16xf32>
        %add3A_2407 = arith.addf %scan3A_2353, %mul3A_2406 : vector<16xf32>
        %add3A_2408 = arith.constant 100 : i32
        %add3A_2409 = arith.addi %add3A_2408, %scan3A_2348 : i32
        %get3A_2410 = arith.constant 2 : i32
        %get3A_2411 = arith.index_cast %get3A_2410 : i32 to index
        %get3A_2412 = arith.index_cast %add3A_2409 : i32 to index
        %get3A_2413 = arith.constant 16 : index
        %get3A_2414 = tpu.vector_load %arg8[%get3A_2411, %get3A_2412, %get3A_2413] {strides = array<i32>} : memref<4x120x128xf32, #tpu.memory_space<vmem>>, vector<1x1x16xf32>,
        %get3A_2415 = vector.shape_cast %get3A_2414 : vector<1x1x16xf32> to vector<16xf32>
        %mul3A_2416 = arith.mulf %get3A_2415, %get3A_2357 : vector<16xf32>
        %add3A_2417 = arith.addf %scan3A_2354, %mul3A_2416 : vector<16xf32>
        scf.yield %add3A_2367, %add3A_2377, %add3A_2387, %add3A_2397, %add3A_2407, %add3A_2417 : vector<16xf32>, vector<16xf32>, vector<16xf32>, vector<16xf32>, vector<16xf32>, vector<16xf32>
      }
      %scan3A_1317 = arith.constant 20 : i32
      %add3A_1318 = arith.constant 0 : i32
      %add3A_1319 = arith.addi %mul3A_1241, %add3A_1318 : i32
      %mul3A_1320 = arith.constant 128 : i32
      %mul3A_1321 = arith.muli %add3A_1319, %mul3A_1320 : i32
      %add3A_1322 = arith.constant 16 : i32
      %add3A_1323 = arith.addi %mul3A_1321, %add3A_1322 : i32
      %swap3A_1324 = arith.index_cast %add3A_1323 : i32 to index
      %swap3A_1325 = tpu.vector_load %arg9[%swap3A_1324] {strides = array<i32>} : memref<43008xf32, #tpu.memory_space<vmem>>, vector<16xf32>,
      %swap3A_1326 = vector.shape_cast %swap3A_1325 : vector<16xf32> to vector<16xf32>
      %swap3A_1327 = vector.shape_cast %scan3A_1316#0 : vector<16xf32> to vector<16xf32>
      tpu.vector_store %arg9[%swap3A_1324], %swap3A_1327 {strides = array<i32>} : memref<43008xf32, #tpu.memory_space<vmem>>, vector<16xf32>,
      %add3A_1328 = arith.constant 1 : i32
      %add3A_1329 = arith.addi %mul3A_1241, %add3A_1328 : i32
      %mul3A_1330 = arith.constant 128 : i32
      %mul3A_1331 = arith.muli %add3A_1329, %mul3A_1330 : i32
      %add3A_1332 = arith.constant 16 : i32
      %add3A_1333 = arith.addi %mul3A_1331, %add3A_1332 : i32
      %swap3A_1334 = arith.index_cast %add3A_1333 : i32 to index
      %swap3A_1335 = tpu.vector_load %arg9[%swap3A_1334] {strides = array<i32>} : memref<43008xf32, #tpu.memory_space<vmem>>, vector<16xf32>,
      %swap3A_1336 = vector.shape_cast %swap3A_1335 : vector<16xf32> to vector<16xf32>
      %swap3A_1337 = vector.shape_cast %scan3A_1316#1 : vector<16xf32> to vector<16xf32>
      tpu.vector_store %arg9[%swap3A_1334], %swap3A_1337 {strides = array<i32>} : memref<43008xf32, #tpu.memory_space<vmem>>, vector<16xf32>,
      %add3A_1338 = arith.constant 2 : i32
      %add3A_1339 = arith.addi %mul3A_1241, %add3A_1338 : i32
      %mul3A_1340 = arith.constant 128 : i32
      %mul3A_1341 = arith.muli %add3A_1339, %mul3A_1340 : i32
      %add3A_1342 = arith.constant 16 : i32
      %add3A_1343 = arith.addi %mul3A_1341, %add3A_1342 : i32
      %swap3A_1344 = arith.index_cast %add3A_1343 : i32 to index
      %swap3A_1345 = tpu.vector_load %arg9[%swap3A_1344] {strides = array<i32>} : memref<43008xf32, #tpu.memory_space<vmem>>, vector<16xf32>,
      %swap3A_1346 = vector.shape_cast %swap3A_1345 : vector<16xf32> to vector<16xf32>
      %swap3A_1347 = vector.shape_cast %scan3A_1316#2 : vector<16xf32> to vector<16xf32>
      tpu.vector_store %arg9[%swap3A_1344], %swap3A_1347 {strides = array<i32>} : memref<43008xf32, #tpu.memory_space<vmem>>, vector<16xf32>,
      %add3A_1348 = arith.constant 3 : i32
      %add3A_1349 = arith.addi %mul3A_1241, %add3A_1348 : i32
      %mul3A_1350 = arith.constant 128 : i32
      %mul3A_1351 = arith.muli %add3A_1349, %mul3A_1350 : i32
      %add3A_1352 = arith.constant 16 : i32
      %add3A_1353 = arith.addi %mul3A_1351, %add3A_1352 : i32
      %swap3A_1354 = arith.index_cast %add3A_1353 : i32 to index
      %swap3A_1355 = tpu.vector_load %arg9[%swap3A_1354] {strides = array<i32>} : memref<43008xf32, #tpu.memory_space<vmem>>, vector<16xf32>,
      %swap3A_1356 = vector.shape_cast %swap3A_1355 : vector<16xf32> to vector<16xf32>
      %swap3A_1357 = vector.shape_cast %scan3A_1316#3 : vector<16xf32> to vector<16xf32>
      tpu.vector_store %arg9[%swap3A_1354], %swap3A_1357 {strides = array<i32>} : memref<43008xf32, #tpu.memory_space<vmem>>, vector<16xf32>,
      %add3A_1358 = arith.constant 4 : i32
      %add3A_1359 = arith.addi %mul3A_1241, %add3A_1358 : i32
      %mul3A_1360 = arith.constant 128 : i32
      %mul3A_1361 = arith.muli %add3A_1359, %mul3A_1360 : i32
      %add3A_1362 = arith.constant 16 : i32
      %add3A_1363 = arith.addi %mul3A_1361, %add3A_1362 : i32
      %swap3A_1364 = arith.index_cast %add3A_1363 : i32 to index
      %swap3A_1365 = tpu.vector_load %arg9[%swap3A_1364] {strides = array<i32>} : memref<43008xf32, #tpu.memory_space<vmem>>, vector<16xf32>,
      %swap3A_1366 = vector.shape_cast %swap3A_1365 : vector<16xf32> to vector<16xf32>
      %swap3A_1367 = vector.shape_cast %scan3A_1316#4 : vector<16xf32> to vector<16xf32>
      tpu.vector_store %arg9[%swap3A_1364], %swap3A_1367 {strides = array<i32>} : memref<43008xf32, #tpu.memory_space<vmem>>, vector<16xf32>,
      %add3A_1368 = arith.constant 5 : i32
      %add3A_1369 = arith.addi %mul3A_1241, %add3A_1368 : i32
      %mul3A_1370 = arith.constant 128 : i32
      %mul3A_1371 = arith.muli %add3A_1369, %mul3A_1370 : i32
      %add3A_1372 = arith.constant 16 : i32
      %add3A_1373 = arith.addi %mul3A_1371, %add3A_1372 : i32
      %swap3A_1374 = arith.index_cast %add3A_1373 : i32 to index
      %swap3A_1375 = tpu.vector_load %arg9[%swap3A_1374] {strides = array<i32>} : memref<43008xf32, #tpu.memory_space<vmem>>, vector<16xf32>,
      %swap3A_1376 = vector.shape_cast %swap3A_1375 : vector<16xf32> to vector<16xf32>
      %swap3A_1377 = vector.shape_cast %scan3A_1316#5 : vector<16xf32> to vector<16xf32>
      tpu.vector_store %arg9[%swap3A_1374], %swap3A_1377 {strides = array<i32>} : memref<43008xf32, #tpu.memory_space<vmem>>, vector<16xf32>,
      %broadcast_in_dim3A_1378 = arith.constant 0.000000e+00 : f32
      %broadcast_in_dim3A_1379 = vector.broadcast %broadcast_in_dim3A_1378 : f32 to vector<16xf32>
      %scan3A_1380 = arith.constant 0 : i32
      %scan3A_1381 = arith.constant 20 : i32
      %scan3A_1382 = arith.addi %scan3A_1380, %scan3A_1381 : i32
      %scan3A_1383 = arith.constant 1 : i32
      %scan3A_1384:6 = scf.for %scan3A_2348 = %scan3A_1380 to %scan3A_1382 step %scan3A_1383 iter_args(%scan3A_2349 = %broadcast_in_dim3A_1379, %scan3A_2350 = %broadcast_in_dim3A_1379, %scan3A_2351 = %broadcast_in_dim3A_1379, %scan3A_2352 = %broadcast_in_dim3A_1379, %scan3A_2353 = %broadcast_in_dim3A_1379, %scan3A_2354 = %broadcast_in_dim3A_1379) -> (vector<16xf32>, vector<16xf32>, vector<16xf32>, vector<16xf32>, vector<16xf32>, vector<16xf32>)  : i32 {
        %get3A = arith.index_cast %scan3A_2348 : i32 to index
        %get3A_2355 = arith.constant 32 : index
        %get3A_2356 = tpu.vector_load %arg7[%get3A, %get3A_2355] {strides = array<i32>} : memref<20x128xf32, #tpu.memory_space<vmem>>, vector<1x16xf32>,
        %get3A_2357 = vector.shape_cast %get3A_2356 : vector<1x16xf32> to vector<16xf32>
        %add3A_2358 = arith.constant 0 : i32
        %add3A_2359 = arith.addi %add3A_2358, %scan3A_2348 : i32
        %get3A_2360 = arith.constant 2 : i32
        %get3A_2361 = arith.index_cast %get3A_2360 : i32 to index
        %get3A_2362 = arith.index_cast %add3A_2359 : i32 to index
        %get3A_2363 = arith.constant 32 : index
        %get3A_2364 = tpu.vector_load %arg8[%get3A_2361, %get3A_2362, %get3A_2363] {strides = array<i32>} : memref<4x120x128xf32, #tpu.memory_space<vmem>>, vector<1x1x16xf32>,
        %get3A_2365 = vector.shape_cast %get3A_2364 : vector<1x1x16xf32> to vector<16xf32>
        %mul3A_2366 = arith.mulf %get3A_2365, %get3A_2357 : vector<16xf32>
        %add3A_2367 = arith.addf %scan3A_2349, %mul3A_2366 : vector<16xf32>
        %add3A_2368 = arith.constant 20 : i32
        %add3A_2369 = arith.addi %add3A_2368, %scan3A_2348 : i32
        %get3A_2370 = arith.constant 2 : i32
        %get3A_2371 = arith.index_cast %get3A_2370 : i32 to index
        %get3A_2372 = arith.index_cast %add3A_2369 : i32 to index
        %get3A_2373 = arith.constant 32 : index
        %get3A_2374 = tpu.vector_load %arg8[%get3A_2371, %get3A_2372, %get3A_2373] {strides = array<i32>} : memref<4x120x128xf32, #tpu.memory_space<vmem>>, vector<1x1x16xf32>,
        %get3A_2375 = vector.shape_cast %get3A_2374 : vector<1x1x16xf32> to vector<16xf32>
        %mul3A_2376 = arith.mulf %get3A_2375, %get3A_2357 : vector<16xf32>
        %add3A_2377 = arith.addf %scan3A_2350, %mul3A_2376 : vector<16xf32>
        %add3A_2378 = arith.constant 40 : i32
        %add3A_2379 = arith.addi %add3A_2378, %scan3A_2348 : i32
        %get3A_2380 = arith.constant 2 : i32
        %get3A_2381 = arith.index_cast %get3A_2380 : i32 to index
        %get3A_2382 = arith.index_cast %add3A_2379 : i32 to index
        %get3A_2383 = arith.constant 32 : index
        %get3A_2384 = tpu.vector_load %arg8[%get3A_2381, %get3A_2382, %get3A_2383] {strides = array<i32>} : memref<4x120x128xf32, #tpu.memory_space<vmem>>, vector<1x1x16xf32>,
        %get3A_2385 = vector.shape_cast %get3A_2384 : vector<1x1x16xf32> to vector<16xf32>
        %mul3A_2386 = arith.mulf %get3A_2385, %get3A_2357 : vector<16xf32>
        %add3A_2387 = arith.addf %scan3A_2351, %mul3A_2386 : vector<16xf32>
        %add3A_2388 = arith.constant 60 : i32
        %add3A_2389 = arith.addi %add3A_2388, %scan3A_2348 : i32
        %get3A_2390 = arith.constant 2 : i32
        %get3A_2391 = arith.index_cast %get3A_2390 : i32 to index
        %get3A_2392 = arith.index_cast %add3A_2389 : i32 to index
        %get3A_2393 = arith.constant 32 : index
        %get3A_2394 = tpu.vector_load %arg8[%get3A_2391, %get3A_2392, %get3A_2393] {strides = array<i32>} : memref<4x120x128xf32, #tpu.memory_space<vmem>>, vector<1x1x16xf32>,
        %get3A_2395 = vector.shape_cast %get3A_2394 : vector<1x1x16xf32> to vector<16xf32>
        %mul3A_2396 = arith.mulf %get3A_2395, %get3A_2357 : vector<16xf32>
        %add3A_2397 = arith.addf %scan3A_2352, %mul3A_2396 : vector<16xf32>
        %add3A_2398 = arith.constant 80 : i32
        %add3A_2399 = arith.addi %add3A_2398, %scan3A_2348 : i32
        %get3A_2400 = arith.constant 2 : i32
        %get3A_2401 = arith.index_cast %get3A_2400 : i32 to index
        %get3A_2402 = arith.index_cast %add3A_2399 : i32 to index
        %get3A_2403 = arith.constant 32 : index
        %get3A_2404 = tpu.vector_load %arg8[%get3A_2401, %get3A_2402, %get3A_2403] {strides = array<i32>} : memref<4x120x128xf32, #tpu.memory_space<vmem>>, vector<1x1x16xf32>,
        %get3A_2405 = vector.shape_cast %get3A_2404 : vector<1x1x16xf32> to vector<16xf32>
        %mul3A_2406 = arith.mulf %get3A_2405, %get3A_2357 : vector<16xf32>
        %add3A_2407 = arith.addf %scan3A_2353, %mul3A_2406 : vector<16xf32>
        %add3A_2408 = arith.constant 100 : i32
        %add3A_2409 = arith.addi %add3A_2408, %scan3A_2348 : i32
        %get3A_2410 = arith.constant 2 : i32
        %get3A_2411 = arith.index_cast %get3A_2410 : i32 to index
        %get3A_2412 = arith.index_cast %add3A_2409 : i32 to index
        %get3A_2413 = arith.constant 32 : index
        %get3A_2414 = tpu.vector_load %arg8[%get3A_2411, %get3A_2412, %get3A_2413] {strides = array<i32>} : memref<4x120x128xf32, #tpu.memory_space<vmem>>, vector<1x1x16xf32>,
        %get3A_2415 = vector.shape_cast %get3A_2414 : vector<1x1x16xf32> to vector<16xf32>
        %mul3A_2416 = arith.mulf %get3A_2415, %get3A_2357 : vector<16xf32>
        %add3A_2417 = arith.addf %scan3A_2354, %mul3A_2416 : vector<16xf32>
        scf.yield %add3A_2367, %add3A_2377, %add3A_2387, %add3A_2397, %add3A_2407, %add3A_2417 : vector<16xf32>, vector<16xf32>, vector<16xf32>, vector<16xf32>, vector<16xf32>, vector<16xf32>
      }
      %scan3A_1385 = arith.constant 20 : i32
      %add3A_1386 = arith.constant 0 : i32
      %add3A_1387 = arith.addi %mul3A_1241, %add3A_1386 : i32
      %mul3A_1388 = arith.constant 128 : i32
      %mul3A_1389 = arith.muli %add3A_1387, %mul3A_1388 : i32
      %add3A_1390 = arith.constant 32 : i32
      %add3A_1391 = arith.addi %mul3A_1389, %add3A_1390 : i32
      %swap3A_1392 = arith.index_cast %add3A_1391 : i32 to index
      %swap3A_1393 = tpu.vector_load %arg9[%swap3A_1392] {strides = array<i32>} : memref<43008xf32, #tpu.memory_space<vmem>>, vector<16xf32>,
      %swap3A_1394 = vector.shape_cast %swap3A_1393 : vector<16xf32> to vector<16xf32>
      %swap3A_1395 = vector.shape_cast %scan3A_1384#0 : vector<16xf32> to vector<16xf32>
      tpu.vector_store %arg9[%swap3A_1392], %swap3A_1395 {strides = array<i32>} : memref<43008xf32, #tpu.memory_space<vmem>>, vector<16xf32>,
      %add3A_1396 = arith.constant 1 : i32
      %add3A_1397 = arith.addi %mul3A_1241, %add3A_1396 : i32
      %mul3A_1398 = arith.constant 128 : i32
      %mul3A_1399 = arith.muli %add3A_1397, %mul3A_1398 : i32
      %add3A_1400 = arith.constant 32 : i32
      %add3A_1401 = arith.addi %mul3A_1399, %add3A_1400 : i32
      %swap3A_1402 = arith.index_cast %add3A_1401 : i32 to index
      %swap3A_1403 = tpu.vector_load %arg9[%swap3A_1402] {strides = array<i32>} : memref<43008xf32, #tpu.memory_space<vmem>>, vector<16xf32>,
      %swap3A_1404 = vector.shape_cast %swap3A_1403 : vector<16xf32> to vector<16xf32>
      %swap3A_1405 = vector.shape_cast %scan3A_1384#1 : vector<16xf32> to vector<16xf32>
      tpu.vector_store %arg9[%swap3A_1402], %swap3A_1405 {strides = array<i32>} : memref<43008xf32, #tpu.memory_space<vmem>>, vector<16xf32>,
      %add3A_1406 = arith.constant 2 : i32
      %add3A_1407 = arith.addi %mul3A_1241, %add3A_1406 : i32
      %mul3A_1408 = arith.constant 128 : i32
      %mul3A_1409 = arith.muli %add3A_1407, %mul3A_1408 : i32
      %add3A_1410 = arith.constant 32 : i32
      %add3A_1411 = arith.addi %mul3A_1409, %add3A_1410 : i32
      %swap3A_1412 = arith.index_cast %add3A_1411 : i32 to index
      %swap3A_1413 = tpu.vector_load %arg9[%swap3A_1412] {strides = array<i32>} : memref<43008xf32, #tpu.memory_space<vmem>>, vector<16xf32>,
      %swap3A_1414 = vector.shape_cast %swap3A_1413 : vector<16xf32> to vector<16xf32>
      %swap3A_1415 = vector.shape_cast %scan3A_1384#2 : vector<16xf32> to vector<16xf32>
      tpu.vector_store %arg9[%swap3A_1412], %swap3A_1415 {strides = array<i32>} : memref<43008xf32, #tpu.memory_space<vmem>>, vector<16xf32>,
      %add3A_1416 = arith.constant 3 : i32
      %add3A_1417 = arith.addi %mul3A_1241, %add3A_1416 : i32
      %mul3A_1418 = arith.constant 128 : i32
      %mul3A_1419 = arith.muli %add3A_1417, %mul3A_1418 : i32
      %add3A_1420 = arith.constant 32 : i32
      %add3A_1421 = arith.addi %mul3A_1419, %add3A_1420 : i32
      %swap3A_1422 = arith.index_cast %add3A_1421 : i32 to index
      %swap3A_1423 = tpu.vector_load %arg9[%swap3A_1422] {strides = array<i32>} : memref<43008xf32, #tpu.memory_space<vmem>>, vector<16xf32>,
      %swap3A_1424 = vector.shape_cast %swap3A_1423 : vector<16xf32> to vector<16xf32>
      %swap3A_1425 = vector.shape_cast %scan3A_1384#3 : vector<16xf32> to vector<16xf32>
      tpu.vector_store %arg9[%swap3A_1422], %swap3A_1425 {strides = array<i32>} : memref<43008xf32, #tpu.memory_space<vmem>>, vector<16xf32>,
      %add3A_1426 = arith.constant 4 : i32
      %add3A_1427 = arith.addi %mul3A_1241, %add3A_1426 : i32
      %mul3A_1428 = arith.constant 128 : i32
      %mul3A_1429 = arith.muli %add3A_1427, %mul3A_1428 : i32
      %add3A_1430 = arith.constant 32 : i32
      %add3A_1431 = arith.addi %mul3A_1429, %add3A_1430 : i32
      %swap3A_1432 = arith.index_cast %add3A_1431 : i32 to index
      %swap3A_1433 = tpu.vector_load %arg9[%swap3A_1432] {strides = array<i32>} : memref<43008xf32, #tpu.memory_space<vmem>>, vector<16xf32>,
      %swap3A_1434 = vector.shape_cast %swap3A_1433 : vector<16xf32> to vector<16xf32>
      %swap3A_1435 = vector.shape_cast %scan3A_1384#4 : vector<16xf32> to vector<16xf32>
      tpu.vector_store %arg9[%swap3A_1432], %swap3A_1435 {strides = array<i32>} : memref<43008xf32, #tpu.memory_space<vmem>>, vector<16xf32>,
      %add3A_1436 = arith.constant 5 : i32
      %add3A_1437 = arith.addi %mul3A_1241, %add3A_1436 : i32
      %mul3A_1438 = arith.constant 128 : i32
      %mul3A_1439 = arith.muli %add3A_1437, %mul3A_1438 : i32
      %add3A_1440 = arith.constant 32 : i32
      %add3A_1441 = arith.addi %mul3A_1439, %add3A_1440 : i32
      %swap3A_1442 = arith.index_cast %add3A_1441 : i32 to index
      %swap3A_1443 = tpu.vector_load %arg9[%swap3A_1442] {strides = array<i32>} : memref<43008xf32, #tpu.memory_space<vmem>>, vector<16xf32>,
      %swap3A_1444 = vector.shape_cast %swap3A_1443 : vector<16xf32> to vector<16xf32>
      %swap3A_1445 = vector.shape_cast %scan3A_1384#5 : vector<16xf32> to vector<16xf32>
      tpu.vector_store %arg9[%swap3A_1442], %swap3A_1445 {strides = array<i32>} : memref<43008xf32, #tpu.memory_space<vmem>>, vector<16xf32>,
      %broadcast_in_dim3A_1446 = arith.constant 0.000000e+00 : f32
      %broadcast_in_dim3A_1447 = vector.broadcast %broadcast_in_dim3A_1446 : f32 to vector<16xf32>
      %scan3A_1448 = arith.constant 0 : i32
      %scan3A_1449 = arith.constant 20 : i32
      %scan3A_1450 = arith.addi %scan3A_1448, %scan3A_1449 : i32
      %scan3A_1451 = arith.constant 1 : i32
      %scan3A_1452:6 = scf.for %scan3A_2348 = %scan3A_1448 to %scan3A_1450 step %scan3A_1451 iter_args(%scan3A_2349 = %broadcast_in_dim3A_1447, %scan3A_2350 = %broadcast_in_dim3A_1447, %scan3A_2351 = %broadcast_in_dim3A_1447, %scan3A_2352 = %broadcast_in_dim3A_1447, %scan3A_2353 = %broadcast_in_dim3A_1447, %scan3A_2354 = %broadcast_in_dim3A_1447) -> (vector<16xf32>, vector<16xf32>, vector<16xf32>, vector<16xf32>, vector<16xf32>, vector<16xf32>)  : i32 {
        %get3A = arith.index_cast %scan3A_2348 : i32 to index
        %get3A_2355 = arith.constant 48 : index
        %get3A_2356 = tpu.vector_load %arg7[%get3A, %get3A_2355] {strides = array<i32>} : memref<20x128xf32, #tpu.memory_space<vmem>>, vector<1x16xf32>,
        %get3A_2357 = vector.shape_cast %get3A_2356 : vector<1x16xf32> to vector<16xf32>
        %add3A_2358 = arith.constant 0 : i32
        %add3A_2359 = arith.addi %add3A_2358, %scan3A_2348 : i32
        %get3A_2360 = arith.constant 2 : i32
        %get3A_2361 = arith.index_cast %get3A_2360 : i32 to index
        %get3A_2362 = arith.index_cast %add3A_2359 : i32 to index
        %get3A_2363 = arith.constant 48 : index
        %get3A_2364 = tpu.vector_load %arg8[%get3A_2361, %get3A_2362, %get3A_2363] {strides = array<i32>} : memref<4x120x128xf32, #tpu.memory_space<vmem>>, vector<1x1x16xf32>,
        %get3A_2365 = vector.shape_cast %get3A_2364 : vector<1x1x16xf32> to vector<16xf32>
        %mul3A_2366 = arith.mulf %get3A_2365, %get3A_2357 : vector<16xf32>
        %add3A_2367 = arith.addf %scan3A_2349, %mul3A_2366 : vector<16xf32>
        %add3A_2368 = arith.constant 20 : i32
        %add3A_2369 = arith.addi %add3A_2368, %scan3A_2348 : i32
        %get3A_2370 = arith.constant 2 : i32
        %get3A_2371 = arith.index_cast %get3A_2370 : i32 to index
        %get3A_2372 = arith.index_cast %add3A_2369 : i32 to index
        %get3A_2373 = arith.constant 48 : index
        %get3A_2374 = tpu.vector_load %arg8[%get3A_2371, %get3A_2372, %get3A_2373] {strides = array<i32>} : memref<4x120x128xf32, #tpu.memory_space<vmem>>, vector<1x1x16xf32>,
        %get3A_2375 = vector.shape_cast %get3A_2374 : vector<1x1x16xf32> to vector<16xf32>
        %mul3A_2376 = arith.mulf %get3A_2375, %get3A_2357 : vector<16xf32>
        %add3A_2377 = arith.addf %scan3A_2350, %mul3A_2376 : vector<16xf32>
        %add3A_2378 = arith.constant 40 : i32
        %add3A_2379 = arith.addi %add3A_2378, %scan3A_2348 : i32
        %get3A_2380 = arith.constant 2 : i32
        %get3A_2381 = arith.index_cast %get3A_2380 : i32 to index
        %get3A_2382 = arith.index_cast %add3A_2379 : i32 to index
        %get3A_2383 = arith.constant 48 : index
        %get3A_2384 = tpu.vector_load %arg8[%get3A_2381, %get3A_2382, %get3A_2383] {strides = array<i32>} : memref<4x120x128xf32, #tpu.memory_space<vmem>>, vector<1x1x16xf32>,
        %get3A_2385 = vector.shape_cast %get3A_2384 : vector<1x1x16xf32> to vector<16xf32>
        %mul3A_2386 = arith.mulf %get3A_2385, %get3A_2357 : vector<16xf32>
        %add3A_2387 = arith.addf %scan3A_2351, %mul3A_2386 : vector<16xf32>
        %add3A_2388 = arith.constant 60 : i32
        %add3A_2389 = arith.addi %add3A_2388, %scan3A_2348 : i32
        %get3A_2390 = arith.constant 2 : i32
        %get3A_2391 = arith.index_cast %get3A_2390 : i32 to index
        %get3A_2392 = arith.index_cast %add3A_2389 : i32 to index
        %get3A_2393 = arith.constant 48 : index
        %get3A_2394 = tpu.vector_load %arg8[%get3A_2391, %get3A_2392, %get3A_2393] {strides = array<i32>} : memref<4x120x128xf32, #tpu.memory_space<vmem>>, vector<1x1x16xf32>,
        %get3A_2395 = vector.shape_cast %get3A_2394 : vector<1x1x16xf32> to vector<16xf32>
        %mul3A_2396 = arith.mulf %get3A_2395, %get3A_2357 : vector<16xf32>
        %add3A_2397 = arith.addf %scan3A_2352, %mul3A_2396 : vector<16xf32>
        %add3A_2398 = arith.constant 80 : i32
        %add3A_2399 = arith.addi %add3A_2398, %scan3A_2348 : i32
        %get3A_2400 = arith.constant 2 : i32
        %get3A_2401 = arith.index_cast %get3A_2400 : i32 to index
        %get3A_2402 = arith.index_cast %add3A_2399 : i32 to index
        %get3A_2403 = arith.constant 48 : index
        %get3A_2404 = tpu.vector_load %arg8[%get3A_2401, %get3A_2402, %get3A_2403] {strides = array<i32>} : memref<4x120x128xf32, #tpu.memory_space<vmem>>, vector<1x1x16xf32>,
        %get3A_2405 = vector.shape_cast %get3A_2404 : vector<1x1x16xf32> to vector<16xf32>
        %mul3A_2406 = arith.mulf %get3A_2405, %get3A_2357 : vector<16xf32>
        %add3A_2407 = arith.addf %scan3A_2353, %mul3A_2406 : vector<16xf32>
        %add3A_2408 = arith.constant 100 : i32
        %add3A_2409 = arith.addi %add3A_2408, %scan3A_2348 : i32
        %get3A_2410 = arith.constant 2 : i32
        %get3A_2411 = arith.index_cast %get3A_2410 : i32 to index
        %get3A_2412 = arith.index_cast %add3A_2409 : i32 to index
        %get3A_2413 = arith.constant 48 : index
        %get3A_2414 = tpu.vector_load %arg8[%get3A_2411, %get3A_2412, %get3A_2413] {strides = array<i32>} : memref<4x120x128xf32, #tpu.memory_space<vmem>>, vector<1x1x16xf32>,
        %get3A_2415 = vector.shape_cast %get3A_2414 : vector<1x1x16xf32> to vector<16xf32>
        %mul3A_2416 = arith.mulf %get3A_2415, %get3A_2357 : vector<16xf32>
        %add3A_2417 = arith.addf %scan3A_2354, %mul3A_2416 : vector<16xf32>
        scf.yield %add3A_2367, %add3A_2377, %add3A_2387, %add3A_2397, %add3A_2407, %add3A_2417 : vector<16xf32>, vector<16xf32>, vector<16xf32>, vector<16xf32>, vector<16xf32>, vector<16xf32>
      }
      %scan3A_1453 = arith.constant 20 : i32
      %add3A_1454 = arith.constant 0 : i32
      %add3A_1455 = arith.addi %mul3A_1241, %add3A_1454 : i32
      %mul3A_1456 = arith.constant 128 : i32
      %mul3A_1457 = arith.muli %add3A_1455, %mul3A_1456 : i32
      %add3A_1458 = arith.constant 48 : i32
      %add3A_1459 = arith.addi %mul3A_1457, %add3A_1458 : i32
      %swap3A_1460 = arith.index_cast %add3A_1459 : i32 to index
      %swap3A_1461 = tpu.vector_load %arg9[%swap3A_1460] {strides = array<i32>} : memref<43008xf32, #tpu.memory_space<vmem>>, vector<16xf32>,
      %swap3A_1462 = vector.shape_cast %swap3A_1461 : vector<16xf32> to vector<16xf32>
      %swap3A_1463 = vector.shape_cast %scan3A_1452#0 : vector<16xf32> to vector<16xf32>
      tpu.vector_store %arg9[%swap3A_1460], %swap3A_1463 {strides = array<i32>} : memref<43008xf32, #tpu.memory_space<vmem>>, vector<16xf32>,
      %add3A_1464 = arith.constant 1 : i32
      %add3A_1465 = arith.addi %mul3A_1241, %add3A_1464 : i32
      %mul3A_1466 = arith.constant 128 : i32
      %mul3A_1467 = arith.muli %add3A_1465, %mul3A_1466 : i32
      %add3A_1468 = arith.constant 48 : i32
      %add3A_1469 = arith.addi %mul3A_1467, %add3A_1468 : i32
      %swap3A_1470 = arith.index_cast %add3A_1469 : i32 to index
      %swap3A_1471 = tpu.vector_load %arg9[%swap3A_1470] {strides = array<i32>} : memref<43008xf32, #tpu.memory_space<vmem>>, vector<16xf32>,
      %swap3A_1472 = vector.shape_cast %swap3A_1471 : vector<16xf32> to vector<16xf32>
      %swap3A_1473 = vector.shape_cast %scan3A_1452#1 : vector<16xf32> to vector<16xf32>
      tpu.vector_store %arg9[%swap3A_1470], %swap3A_1473 {strides = array<i32>} : memref<43008xf32, #tpu.memory_space<vmem>>, vector<16xf32>,
      %add3A_1474 = arith.constant 2 : i32
      %add3A_1475 = arith.addi %mul3A_1241, %add3A_1474 : i32
      %mul3A_1476 = arith.constant 128 : i32
      %mul3A_1477 = arith.muli %add3A_1475, %mul3A_1476 : i32
      %add3A_1478 = arith.constant 48 : i32
      %add3A_1479 = arith.addi %mul3A_1477, %add3A_1478 : i32
      %swap3A_1480 = arith.index_cast %add3A_1479 : i32 to index
      %swap3A_1481 = tpu.vector_load %arg9[%swap3A_1480] {strides = array<i32>} : memref<43008xf32, #tpu.memory_space<vmem>>, vector<16xf32>,
      %swap3A_1482 = vector.shape_cast %swap3A_1481 : vector<16xf32> to vector<16xf32>
      %swap3A_1483 = vector.shape_cast %scan3A_1452#2 : vector<16xf32> to vector<16xf32>
      tpu.vector_store %arg9[%swap3A_1480], %swap3A_1483 {strides = array<i32>} : memref<43008xf32, #tpu.memory_space<vmem>>, vector<16xf32>,
      %add3A_1484 = arith.constant 3 : i32
      %add3A_1485 = arith.addi %mul3A_1241, %add3A_1484 : i32
      %mul3A_1486 = arith.constant 128 : i32
      %mul3A_1487 = arith.muli %add3A_1485, %mul3A_1486 : i32
      %add3A_1488 = arith.constant 48 : i32
      %add3A_1489 = arith.addi %mul3A_1487, %add3A_1488 : i32
      %swap3A_1490 = arith.index_cast %add3A_1489 : i32 to index
      %swap3A_1491 = tpu.vector_load %arg9[%swap3A_1490] {strides = array<i32>} : memref<43008xf32, #tpu.memory_space<vmem>>, vector<16xf32>,
      %swap3A_1492 = vector.shape_cast %swap3A_1491 : vector<16xf32> to vector<16xf32>
      %swap3A_1493 = vector.shape_cast %scan3A_1452#3 : vector<16xf32> to vector<16xf32>
      tpu.vector_store %arg9[%swap3A_1490], %swap3A_1493 {strides = array<i32>} : memref<43008xf32, #tpu.memory_space<vmem>>, vector<16xf32>,
      %add3A_1494 = arith.constant 4 : i32
      %add3A_1495 = arith.addi %mul3A_1241, %add3A_1494 : i32
      %mul3A_1496 = arith.constant 128 : i32
      %mul3A_1497 = arith.muli %add3A_1495, %mul3A_1496 : i32
      %add3A_1498 = arith.constant 48 : i32
      %add3A_1499 = arith.addi %mul3A_1497, %add3A_1498 : i32
      %swap3A_1500 = arith.index_cast %add3A_1499 : i32 to index
      %swap3A_1501 = tpu.vector_load %arg9[%swap3A_1500] {strides = array<i32>} : memref<43008xf32, #tpu.memory_space<vmem>>, vector<16xf32>,
      %swap3A_1502 = vector.shape_cast %swap3A_1501 : vector<16xf32> to vector<16xf32>
      %swap3A_1503 = vector.shape_cast %scan3A_1452#4 : vector<16xf32> to vector<16xf32>
      tpu.vector_store %arg9[%swap3A_1500], %swap3A_1503 {strides = array<i32>} : memref<43008xf32, #tpu.memory_space<vmem>>, vector<16xf32>,
      %add3A_1504 = arith.constant 5 : i32
      %add3A_1505 = arith.addi %mul3A_1241, %add3A_1504 : i32
      %mul3A_1506 = arith.constant 128 : i32
      %mul3A_1507 = arith.muli %add3A_1505, %mul3A_1506 : i32
      %add3A_1508 = arith.constant 48 : i32
      %add3A_1509 = arith.addi %mul3A_1507, %add3A_1508 : i32
      %swap3A_1510 = arith.index_cast %add3A_1509 : i32 to index
      %swap3A_1511 = tpu.vector_load %arg9[%swap3A_1510] {strides = array<i32>} : memref<43008xf32, #tpu.memory_space<vmem>>, vector<16xf32>,
      %swap3A_1512 = vector.shape_cast %swap3A_1511 : vector<16xf32> to vector<16xf32>
      %swap3A_1513 = vector.shape_cast %scan3A_1452#5 : vector<16xf32> to vector<16xf32>
      tpu.vector_store %arg9[%swap3A_1510], %swap3A_1513 {strides = array<i32>} : memref<43008xf32, #tpu.memory_space<vmem>>, vector<16xf32>,
      %broadcast_in_dim3A_1514 = arith.constant 0.000000e+00 : f32
      %broadcast_in_dim3A_1515 = vector.broadcast %broadcast_in_dim3A_1514 : f32 to vector<16xf32>
      %scan3A_1516 = arith.constant 0 : i32
      %scan3A_1517 = arith.constant 20 : i32
      %scan3A_1518 = arith.addi %scan3A_1516, %scan3A_1517 : i32
      %scan3A_1519 = arith.constant 1 : i32
      %scan3A_1520:6 = scf.for %scan3A_2348 = %scan3A_1516 to %scan3A_1518 step %scan3A_1519 iter_args(%scan3A_2349 = %broadcast_in_dim3A_1515, %scan3A_2350 = %broadcast_in_dim3A_1515, %scan3A_2351 = %broadcast_in_dim3A_1515, %scan3A_2352 = %broadcast_in_dim3A_1515, %scan3A_2353 = %broadcast_in_dim3A_1515, %scan3A_2354 = %broadcast_in_dim3A_1515) -> (vector<16xf32>, vector<16xf32>, vector<16xf32>, vector<16xf32>, vector<16xf32>, vector<16xf32>)  : i32 {
        %get3A = arith.index_cast %scan3A_2348 : i32 to index
        %get3A_2355 = arith.constant 64 : index
        %get3A_2356 = tpu.vector_load %arg7[%get3A, %get3A_2355] {strides = array<i32>} : memref<20x128xf32, #tpu.memory_space<vmem>>, vector<1x16xf32>,
        %get3A_2357 = vector.shape_cast %get3A_2356 : vector<1x16xf32> to vector<16xf32>
        %add3A_2358 = arith.constant 0 : i32
        %add3A_2359 = arith.addi %add3A_2358, %scan3A_2348 : i32
        %get3A_2360 = arith.constant 2 : i32
        %get3A_2361 = arith.index_cast %get3A_2360 : i32 to index
        %get3A_2362 = arith.index_cast %add3A_2359 : i32 to index
        %get3A_2363 = arith.constant 64 : index
        %get3A_2364 = tpu.vector_load %arg8[%get3A_2361, %get3A_2362, %get3A_2363] {strides = array<i32>} : memref<4x120x128xf32, #tpu.memory_space<vmem>>, vector<1x1x16xf32>,
        %get3A_2365 = vector.shape_cast %get3A_2364 : vector<1x1x16xf32> to vector<16xf32>
        %mul3A_2366 = arith.mulf %get3A_2365, %get3A_2357 : vector<16xf32>
        %add3A_2367 = arith.addf %scan3A_2349, %mul3A_2366 : vector<16xf32>
        %add3A_2368 = arith.constant 20 : i32
        %add3A_2369 = arith.addi %add3A_2368, %scan3A_2348 : i32
        %get3A_2370 = arith.constant 2 : i32
        %get3A_2371 = arith.index_cast %get3A_2370 : i32 to index
        %get3A_2372 = arith.index_cast %add3A_2369 : i32 to index
        %get3A_2373 = arith.constant 64 : index
        %get3A_2374 = tpu.vector_load %arg8[%get3A_2371, %get3A_2372, %get3A_2373] {strides = array<i32>} : memref<4x120x128xf32, #tpu.memory_space<vmem>>, vector<1x1x16xf32>,
        %get3A_2375 = vector.shape_cast %get3A_2374 : vector<1x1x16xf32> to vector<16xf32>
        %mul3A_2376 = arith.mulf %get3A_2375, %get3A_2357 : vector<16xf32>
        %add3A_2377 = arith.addf %scan3A_2350, %mul3A_2376 : vector<16xf32>
        %add3A_2378 = arith.constant 40 : i32
        %add3A_2379 = arith.addi %add3A_2378, %scan3A_2348 : i32
        %get3A_2380 = arith.constant 2 : i32
        %get3A_2381 = arith.index_cast %get3A_2380 : i32 to index
        %get3A_2382 = arith.index_cast %add3A_2379 : i32 to index
        %get3A_2383 = arith.constant 64 : index
        %get3A_2384 = tpu.vector_load %arg8[%get3A_2381, %get3A_2382, %get3A_2383] {strides = array<i32>} : memref<4x120x128xf32, #tpu.memory_space<vmem>>, vector<1x1x16xf32>,
        %get3A_2385 = vector.shape_cast %get3A_2384 : vector<1x1x16xf32> to vector<16xf32>
        %mul3A_2386 = arith.mulf %get3A_2385, %get3A_2357 : vector<16xf32>
        %add3A_2387 = arith.addf %scan3A_2351, %mul3A_2386 : vector<16xf32>
        %add3A_2388 = arith.constant 60 : i32
        %add3A_2389 = arith.addi %add3A_2388, %scan3A_2348 : i32
        %get3A_2390 = arith.constant 2 : i32
        %get3A_2391 = arith.index_cast %get3A_2390 : i32 to index
        %get3A_2392 = arith.index_cast %add3A_2389 : i32 to index
        %get3A_2393 = arith.constant 64 : index
        %get3A_2394 = tpu.vector_load %arg8[%get3A_2391, %get3A_2392, %get3A_2393] {strides = array<i32>} : memref<4x120x128xf32, #tpu.memory_space<vmem>>, vector<1x1x16xf32>,
        %get3A_2395 = vector.shape_cast %get3A_2394 : vector<1x1x16xf32> to vector<16xf32>
        %mul3A_2396 = arith.mulf %get3A_2395, %get3A_2357 : vector<16xf32>
        %add3A_2397 = arith.addf %scan3A_2352, %mul3A_2396 : vector<16xf32>
        %add3A_2398 = arith.constant 80 : i32
        %add3A_2399 = arith.addi %add3A_2398, %scan3A_2348 : i32
        %get3A_2400 = arith.constant 2 : i32
        %get3A_2401 = arith.index_cast %get3A_2400 : i32 to index
        %get3A_2402 = arith.index_cast %add3A_2399 : i32 to index
        %get3A_2403 = arith.constant 64 : index
        %get3A_2404 = tpu.vector_load %arg8[%get3A_2401, %get3A_2402, %get3A_2403] {strides = array<i32>} : memref<4x120x128xf32, #tpu.memory_space<vmem>>, vector<1x1x16xf32>,
        %get3A_2405 = vector.shape_cast %get3A_2404 : vector<1x1x16xf32> to vector<16xf32>
        %mul3A_2406 = arith.mulf %get3A_2405, %get3A_2357 : vector<16xf32>
        %add3A_2407 = arith.addf %scan3A_2353, %mul3A_2406 : vector<16xf32>
        %add3A_2408 = arith.constant 100 : i32
        %add3A_2409 = arith.addi %add3A_2408, %scan3A_2348 : i32
        %get3A_2410 = arith.constant 2 : i32
        %get3A_2411 = arith.index_cast %get3A_2410 : i32 to index
        %get3A_2412 = arith.index_cast %add3A_2409 : i32 to index
        %get3A_2413 = arith.constant 64 : index
        %get3A_2414 = tpu.vector_load %arg8[%get3A_2411, %get3A_2412, %get3A_2413] {strides = array<i32>} : memref<4x120x128xf32, #tpu.memory_space<vmem>>, vector<1x1x16xf32>,
        %get3A_2415 = vector.shape_cast %get3A_2414 : vector<1x1x16xf32> to vector<16xf32>
        %mul3A_2416 = arith.mulf %get3A_2415, %get3A_2357 : vector<16xf32>
        %add3A_2417 = arith.addf %scan3A_2354, %mul3A_2416 : vector<16xf32>
        scf.yield %add3A_2367, %add3A_2377, %add3A_2387, %add3A_2397, %add3A_2407, %add3A_2417 : vector<16xf32>, vector<16xf32>, vector<16xf32>, vector<16xf32>, vector<16xf32>, vector<16xf32>
      }
      %scan3A_1521 = arith.constant 20 : i32
      %add3A_1522 = arith.constant 0 : i32
      %add3A_1523 = arith.addi %mul3A_1241, %add3A_1522 : i32
      %mul3A_1524 = arith.constant 128 : i32
      %mul3A_1525 = arith.muli %add3A_1523, %mul3A_1524 : i32
      %add3A_1526 = arith.constant 64 : i32
      %add3A_1527 = arith.addi %mul3A_1525, %add3A_1526 : i32
      %swap3A_1528 = arith.index_cast %add3A_1527 : i32 to index
      %swap3A_1529 = tpu.vector_load %arg9[%swap3A_1528] {strides = array<i32>} : memref<43008xf32, #tpu.memory_space<vmem>>, vector<16xf32>,
      %swap3A_1530 = vector.shape_cast %swap3A_1529 : vector<16xf32> to vector<16xf32>
      %swap3A_1531 = vector.shape_cast %scan3A_1520#0 : vector<16xf32> to vector<16xf32>
      tpu.vector_store %arg9[%swap3A_1528], %swap3A_1531 {strides = array<i32>} : memref<43008xf32, #tpu.memory_space<vmem>>, vector<16xf32>,
      %add3A_1532 = arith.constant 1 : i32
      %add3A_1533 = arith.addi %mul3A_1241, %add3A_1532 : i32
      %mul3A_1534 = arith.constant 128 : i32
      %mul3A_1535 = arith.muli %add3A_1533, %mul3A_1534 : i32
      %add3A_1536 = arith.constant 64 : i32
      %add3A_1537 = arith.addi %mul3A_1535, %add3A_1536 : i32
      %swap3A_1538 = arith.index_cast %add3A_1537 : i32 to index
      %swap3A_1539 = tpu.vector_load %arg9[%swap3A_1538] {strides = array<i32>} : memref<43008xf32, #tpu.memory_space<vmem>>, vector<16xf32>,
      %swap3A_1540 = vector.shape_cast %swap3A_1539 : vector<16xf32> to vector<16xf32>
      %swap3A_1541 = vector.shape_cast %scan3A_1520#1 : vector<16xf32> to vector<16xf32>
      tpu.vector_store %arg9[%swap3A_1538], %swap3A_1541 {strides = array<i32>} : memref<43008xf32, #tpu.memory_space<vmem>>, vector<16xf32>,
      %add3A_1542 = arith.constant 2 : i32
      %add3A_1543 = arith.addi %mul3A_1241, %add3A_1542 : i32
      %mul3A_1544 = arith.constant 128 : i32
      %mul3A_1545 = arith.muli %add3A_1543, %mul3A_1544 : i32
      %add3A_1546 = arith.constant 64 : i32
      %add3A_1547 = arith.addi %mul3A_1545, %add3A_1546 : i32
      %swap3A_1548 = arith.index_cast %add3A_1547 : i32 to index
      %swap3A_1549 = tpu.vector_load %arg9[%swap3A_1548] {strides = array<i32>} : memref<43008xf32, #tpu.memory_space<vmem>>, vector<16xf32>,
      %swap3A_1550 = vector.shape_cast %swap3A_1549 : vector<16xf32> to vector<16xf32>
      %swap3A_1551 = vector.shape_cast %scan3A_1520#2 : vector<16xf32> to vector<16xf32>
      tpu.vector_store %arg9[%swap3A_1548], %swap3A_1551 {strides = array<i32>} : memref<43008xf32, #tpu.memory_space<vmem>>, vector<16xf32>,
      %add3A_1552 = arith.constant 3 : i32
      %add3A_1553 = arith.addi %mul3A_1241, %add3A_1552 : i32
      %mul3A_1554 = arith.constant 128 : i32
      %mul3A_1555 = arith.muli %add3A_1553, %mul3A_1554 : i32
      %add3A_1556 = arith.constant 64 : i32
      %add3A_1557 = arith.addi %mul3A_1555, %add3A_1556 : i32
      %swap3A_1558 = arith.index_cast %add3A_1557 : i32 to index
      %swap3A_1559 = tpu.vector_load %arg9[%swap3A_1558] {strides = array<i32>} : memref<43008xf32, #tpu.memory_space<vmem>>, vector<16xf32>,
      %swap3A_1560 = vector.shape_cast %swap3A_1559 : vector<16xf32> to vector<16xf32>
      %swap3A_1561 = vector.shape_cast %scan3A_1520#3 : vector<16xf32> to vector<16xf32>
      tpu.vector_store %arg9[%swap3A_1558], %swap3A_1561 {strides = array<i32>} : memref<43008xf32, #tpu.memory_space<vmem>>, vector<16xf32>,
      %add3A_1562 = arith.constant 4 : i32
      %add3A_1563 = arith.addi %mul3A_1241, %add3A_1562 : i32
      %mul3A_1564 = arith.constant 128 : i32
      %mul3A_1565 = arith.muli %add3A_1563, %mul3A_1564 : i32
      %add3A_1566 = arith.constant 64 : i32
      %add3A_1567 = arith.addi %mul3A_1565, %add3A_1566 : i32
      %swap3A_1568 = arith.index_cast %add3A_1567 : i32 to index
      %swap3A_1569 = tpu.vector_load %arg9[%swap3A_1568] {strides = array<i32>} : memref<43008xf32, #tpu.memory_space<vmem>>, vector<16xf32>,
      %swap3A_1570 = vector.shape_cast %swap3A_1569 : vector<16xf32> to vector<16xf32>
      %swap3A_1571 = vector.shape_cast %scan3A_1520#4 : vector<16xf32> to vector<16xf32>
      tpu.vector_store %arg9[%swap3A_1568], %swap3A_1571 {strides = array<i32>} : memref<43008xf32, #tpu.memory_space<vmem>>, vector<16xf32>,
      %add3A_1572 = arith.constant 5 : i32
      %add3A_1573 = arith.addi %mul3A_1241, %add3A_1572 : i32
      %mul3A_1574 = arith.constant 128 : i32
      %mul3A_1575 = arith.muli %add3A_1573, %mul3A_1574 : i32
      %add3A_1576 = arith.constant 64 : i32
      %add3A_1577 = arith.addi %mul3A_1575, %add3A_1576 : i32
      %swap3A_1578 = arith.index_cast %add3A_1577 : i32 to index
      %swap3A_1579 = tpu.vector_load %arg9[%swap3A_1578] {strides = array<i32>} : memref<43008xf32, #tpu.memory_space<vmem>>, vector<16xf32>,
      %swap3A_1580 = vector.shape_cast %swap3A_1579 : vector<16xf32> to vector<16xf32>
      %swap3A_1581 = vector.shape_cast %scan3A_1520#5 : vector<16xf32> to vector<16xf32>
      tpu.vector_store %arg9[%swap3A_1578], %swap3A_1581 {strides = array<i32>} : memref<43008xf32, #tpu.memory_space<vmem>>, vector<16xf32>,
      %broadcast_in_dim3A_1582 = arith.constant 0.000000e+00 : f32
      %broadcast_in_dim3A_1583 = vector.broadcast %broadcast_in_dim3A_1582 : f32 to vector<16xf32>
      %scan3A_1584 = arith.constant 0 : i32
      %scan3A_1585 = arith.constant 20 : i32
      %scan3A_1586 = arith.addi %scan3A_1584, %scan3A_1585 : i32
      %scan3A_1587 = arith.constant 1 : i32
      %scan3A_1588:6 = scf.for %scan3A_2348 = %scan3A_1584 to %scan3A_1586 step %scan3A_1587 iter_args(%scan3A_2349 = %broadcast_in_dim3A_1583, %scan3A_2350 = %broadcast_in_dim3A_1583, %scan3A_2351 = %broadcast_in_dim3A_1583, %scan3A_2352 = %broadcast_in_dim3A_1583, %scan3A_2353 = %broadcast_in_dim3A_1583, %scan3A_2354 = %broadcast_in_dim3A_1583) -> (vector<16xf32>, vector<16xf32>, vector<16xf32>, vector<16xf32>, vector<16xf32>, vector<16xf32>)  : i32 {
        %get3A = arith.index_cast %scan3A_2348 : i32 to index
        %get3A_2355 = arith.constant 80 : index
        %get3A_2356 = tpu.vector_load %arg7[%get3A, %get3A_2355] {strides = array<i32>} : memref<20x128xf32, #tpu.memory_space<vmem>>, vector<1x16xf32>,
        %get3A_2357 = vector.shape_cast %get3A_2356 : vector<1x16xf32> to vector<16xf32>
        %add3A_2358 = arith.constant 0 : i32
        %add3A_2359 = arith.addi %add3A_2358, %scan3A_2348 : i32
        %get3A_2360 = arith.constant 2 : i32
        %get3A_2361 = arith.index_cast %get3A_2360 : i32 to index
        %get3A_2362 = arith.index_cast %add3A_2359 : i32 to index
        %get3A_2363 = arith.constant 80 : index
        %get3A_2364 = tpu.vector_load %arg8[%get3A_2361, %get3A_2362, %get3A_2363] {strides = array<i32>} : memref<4x120x128xf32, #tpu.memory_space<vmem>>, vector<1x1x16xf32>,
        %get3A_2365 = vector.shape_cast %get3A_2364 : vector<1x1x16xf32> to vector<16xf32>
        %mul3A_2366 = arith.mulf %get3A_2365, %get3A_2357 : vector<16xf32>
        %add3A_2367 = arith.addf %scan3A_2349, %mul3A_2366 : vector<16xf32>
        %add3A_2368 = arith.constant 20 : i32
        %add3A_2369 = arith.addi %add3A_2368, %scan3A_2348 : i32
        %get3A_2370 = arith.constant 2 : i32
        %get3A_2371 = arith.index_cast %get3A_2370 : i32 to index
        %get3A_2372 = arith.index_cast %add3A_2369 : i32 to index
        %get3A_2373 = arith.constant 80 : index
        %get3A_2374 = tpu.vector_load %arg8[%get3A_2371, %get3A_2372, %get3A_2373] {strides = array<i32>} : memref<4x120x128xf32, #tpu.memory_space<vmem>>, vector<1x1x16xf32>,
        %get3A_2375 = vector.shape_cast %get3A_2374 : vector<1x1x16xf32> to vector<16xf32>
        %mul3A_2376 = arith.mulf %get3A_2375, %get3A_2357 : vector<16xf32>
        %add3A_2377 = arith.addf %scan3A_2350, %mul3A_2376 : vector<16xf32>
        %add3A_2378 = arith.constant 40 : i32
        %add3A_2379 = arith.addi %add3A_2378, %scan3A_2348 : i32
        %get3A_2380 = arith.constant 2 : i32
        %get3A_2381 = arith.index_cast %get3A_2380 : i32 to index
        %get3A_2382 = arith.index_cast %add3A_2379 : i32 to index
        %get3A_2383 = arith.constant 80 : index
        %get3A_2384 = tpu.vector_load %arg8[%get3A_2381, %get3A_2382, %get3A_2383] {strides = array<i32>} : memref<4x120x128xf32, #tpu.memory_space<vmem>>, vector<1x1x16xf32>,
        %get3A_2385 = vector.shape_cast %get3A_2384 : vector<1x1x16xf32> to vector<16xf32>
        %mul3A_2386 = arith.mulf %get3A_2385, %get3A_2357 : vector<16xf32>
        %add3A_2387 = arith.addf %scan3A_2351, %mul3A_2386 : vector<16xf32>
        %add3A_2388 = arith.constant 60 : i32
        %add3A_2389 = arith.addi %add3A_2388, %scan3A_2348 : i32
        %get3A_2390 = arith.constant 2 : i32
        %get3A_2391 = arith.index_cast %get3A_2390 : i32 to index
        %get3A_2392 = arith.index_cast %add3A_2389 : i32 to index
        %get3A_2393 = arith.constant 80 : index
        %get3A_2394 = tpu.vector_load %arg8[%get3A_2391, %get3A_2392, %get3A_2393] {strides = array<i32>} : memref<4x120x128xf32, #tpu.memory_space<vmem>>, vector<1x1x16xf32>,
        %get3A_2395 = vector.shape_cast %get3A_2394 : vector<1x1x16xf32> to vector<16xf32>
        %mul3A_2396 = arith.mulf %get3A_2395, %get3A_2357 : vector<16xf32>
        %add3A_2397 = arith.addf %scan3A_2352, %mul3A_2396 : vector<16xf32>
        %add3A_2398 = arith.constant 80 : i32
        %add3A_2399 = arith.addi %add3A_2398, %scan3A_2348 : i32
        %get3A_2400 = arith.constant 2 : i32
        %get3A_2401 = arith.index_cast %get3A_2400 : i32 to index
        %get3A_2402 = arith.index_cast %add3A_2399 : i32 to index
        %get3A_2403 = arith.constant 80 : index
        %get3A_2404 = tpu.vector_load %arg8[%get3A_2401, %get3A_2402, %get3A_2403] {strides = array<i32>} : memref<4x120x128xf32, #tpu.memory_space<vmem>>, vector<1x1x16xf32>,
        %get3A_2405 = vector.shape_cast %get3A_2404 : vector<1x1x16xf32> to vector<16xf32>
        %mul3A_2406 = arith.mulf %get3A_2405, %get3A_2357 : vector<16xf32>
        %add3A_2407 = arith.addf %scan3A_2353, %mul3A_2406 : vector<16xf32>
        %add3A_2408 = arith.constant 100 : i32
        %add3A_2409 = arith.addi %add3A_2408, %scan3A_2348 : i32
        %get3A_2410 = arith.constant 2 : i32
        %get3A_2411 = arith.index_cast %get3A_2410 : i32 to index
        %get3A_2412 = arith.index_cast %add3A_2409 : i32 to index
        %get3A_2413 = arith.constant 80 : index
        %get3A_2414 = tpu.vector_load %arg8[%get3A_2411, %get3A_2412, %get3A_2413] {strides = array<i32>} : memref<4x120x128xf32, #tpu.memory_space<vmem>>, vector<1x1x16xf32>,
        %get3A_2415 = vector.shape_cast %get3A_2414 : vector<1x1x16xf32> to vector<16xf32>
        %mul3A_2416 = arith.mulf %get3A_2415, %get3A_2357 : vector<16xf32>
        %add3A_2417 = arith.addf %scan3A_2354, %mul3A_2416 : vector<16xf32>
        scf.yield %add3A_2367, %add3A_2377, %add3A_2387, %add3A_2397, %add3A_2407, %add3A_2417 : vector<16xf32>, vector<16xf32>, vector<16xf32>, vector<16xf32>, vector<16xf32>, vector<16xf32>
      }
      %scan3A_1589 = arith.constant 20 : i32
      %add3A_1590 = arith.constant 0 : i32
      %add3A_1591 = arith.addi %mul3A_1241, %add3A_1590 : i32
      %mul3A_1592 = arith.constant 128 : i32
      %mul3A_1593 = arith.muli %add3A_1591, %mul3A_1592 : i32
      %add3A_1594 = arith.constant 80 : i32
      %add3A_1595 = arith.addi %mul3A_1593, %add3A_1594 : i32
      %swap3A_1596 = arith.index_cast %add3A_1595 : i32 to index
      %swap3A_1597 = tpu.vector_load %arg9[%swap3A_1596] {strides = array<i32>} : memref<43008xf32, #tpu.memory_space<vmem>>, vector<16xf32>,
      %swap3A_1598 = vector.shape_cast %swap3A_1597 : vector<16xf32> to vector<16xf32>
      %swap3A_1599 = vector.shape_cast %scan3A_1588#0 : vector<16xf32> to vector<16xf32>
      tpu.vector_store %arg9[%swap3A_1596], %swap3A_1599 {strides = array<i32>} : memref<43008xf32, #tpu.memory_space<vmem>>, vector<16xf32>,
      %add3A_1600 = arith.constant 1 : i32
      %add3A_1601 = arith.addi %mul3A_1241, %add3A_1600 : i32
      %mul3A_1602 = arith.constant 128 : i32
      %mul3A_1603 = arith.muli %add3A_1601, %mul3A_1602 : i32
      %add3A_1604 = arith.constant 80 : i32
      %add3A_1605 = arith.addi %mul3A_1603, %add3A_1604 : i32
      %swap3A_1606 = arith.index_cast %add3A_1605 : i32 to index
      %swap3A_1607 = tpu.vector_load %arg9[%swap3A_1606] {strides = array<i32>} : memref<43008xf32, #tpu.memory_space<vmem>>, vector<16xf32>,
      %swap3A_1608 = vector.shape_cast %swap3A_1607 : vector<16xf32> to vector<16xf32>
      %swap3A_1609 = vector.shape_cast %scan3A_1588#1 : vector<16xf32> to vector<16xf32>
      tpu.vector_store %arg9[%swap3A_1606], %swap3A_1609 {strides = array<i32>} : memref<43008xf32, #tpu.memory_space<vmem>>, vector<16xf32>,
      %add3A_1610 = arith.constant 2 : i32
      %add3A_1611 = arith.addi %mul3A_1241, %add3A_1610 : i32
      %mul3A_1612 = arith.constant 128 : i32
      %mul3A_1613 = arith.muli %add3A_1611, %mul3A_1612 : i32
      %add3A_1614 = arith.constant 80 : i32
      %add3A_1615 = arith.addi %mul3A_1613, %add3A_1614 : i32
      %swap3A_1616 = arith.index_cast %add3A_1615 : i32 to index
      %swap3A_1617 = tpu.vector_load %arg9[%swap3A_1616] {strides = array<i32>} : memref<43008xf32, #tpu.memory_space<vmem>>, vector<16xf32>,
      %swap3A_1618 = vector.shape_cast %swap3A_1617 : vector<16xf32> to vector<16xf32>
      %swap3A_1619 = vector.shape_cast %scan3A_1588#2 : vector<16xf32> to vector<16xf32>
      tpu.vector_store %arg9[%swap3A_1616], %swap3A_1619 {strides = array<i32>} : memref<43008xf32, #tpu.memory_space<vmem>>, vector<16xf32>,
      %add3A_1620 = arith.constant 3 : i32
      %add3A_1621 = arith.addi %mul3A_1241, %add3A_1620 : i32
      %mul3A_1622 = arith.constant 128 : i32
      %mul3A_1623 = arith.muli %add3A_1621, %mul3A_1622 : i32
      %add3A_1624 = arith.constant 80 : i32
      %add3A_1625 = arith.addi %mul3A_1623, %add3A_1624 : i32
      %swap3A_1626 = arith.index_cast %add3A_1625 : i32 to index
      %swap3A_1627 = tpu.vector_load %arg9[%swap3A_1626] {strides = array<i32>} : memref<43008xf32, #tpu.memory_space<vmem>>, vector<16xf32>,
      %swap3A_1628 = vector.shape_cast %swap3A_1627 : vector<16xf32> to vector<16xf32>
      %swap3A_1629 = vector.shape_cast %scan3A_1588#3 : vector<16xf32> to vector<16xf32>
      tpu.vector_store %arg9[%swap3A_1626], %swap3A_1629 {strides = array<i32>} : memref<43008xf32, #tpu.memory_space<vmem>>, vector<16xf32>,
      %add3A_1630 = arith.constant 4 : i32
      %add3A_1631 = arith.addi %mul3A_1241, %add3A_1630 : i32
      %mul3A_1632 = arith.constant 128 : i32
      %mul3A_1633 = arith.muli %add3A_1631, %mul3A_1632 : i32
      %add3A_1634 = arith.constant 80 : i32
      %add3A_1635 = arith.addi %mul3A_1633, %add3A_1634 : i32
      %swap3A_1636 = arith.index_cast %add3A_1635 : i32 to index
      %swap3A_1637 = tpu.vector_load %arg9[%swap3A_1636] {strides = array<i32>} : memref<43008xf32, #tpu.memory_space<vmem>>, vector<16xf32>,
      %swap3A_1638 = vector.shape_cast %swap3A_1637 : vector<16xf32> to vector<16xf32>
      %swap3A_1639 = vector.shape_cast %scan3A_1588#4 : vector<16xf32> to vector<16xf32>
      tpu.vector_store %arg9[%swap3A_1636], %swap3A_1639 {strides = array<i32>} : memref<43008xf32, #tpu.memory_space<vmem>>, vector<16xf32>,
      %add3A_1640 = arith.constant 5 : i32
      %add3A_1641 = arith.addi %mul3A_1241, %add3A_1640 : i32
      %mul3A_1642 = arith.constant 128 : i32
      %mul3A_1643 = arith.muli %add3A_1641, %mul3A_1642 : i32
      %add3A_1644 = arith.constant 80 : i32
      %add3A_1645 = arith.addi %mul3A_1643, %add3A_1644 : i32
      %swap3A_1646 = arith.index_cast %add3A_1645 : i32 to index
      %swap3A_1647 = tpu.vector_load %arg9[%swap3A_1646] {strides = array<i32>} : memref<43008xf32, #tpu.memory_space<vmem>>, vector<16xf32>,
      %swap3A_1648 = vector.shape_cast %swap3A_1647 : vector<16xf32> to vector<16xf32>
      %swap3A_1649 = vector.shape_cast %scan3A_1588#5 : vector<16xf32> to vector<16xf32>
      tpu.vector_store %arg9[%swap3A_1646], %swap3A_1649 {strides = array<i32>} : memref<43008xf32, #tpu.memory_space<vmem>>, vector<16xf32>,
      %broadcast_in_dim3A_1650 = arith.constant 0.000000e+00 : f32
      %broadcast_in_dim3A_1651 = vector.broadcast %broadcast_in_dim3A_1650 : f32 to vector<16xf32>
      %scan3A_1652 = arith.constant 0 : i32
      %scan3A_1653 = arith.constant 20 : i32
      %scan3A_1654 = arith.addi %scan3A_1652, %scan3A_1653 : i32
      %scan3A_1655 = arith.constant 1 : i32
      %scan3A_1656:6 = scf.for %scan3A_2348 = %scan3A_1652 to %scan3A_1654 step %scan3A_1655 iter_args(%scan3A_2349 = %broadcast_in_dim3A_1651, %scan3A_2350 = %broadcast_in_dim3A_1651, %scan3A_2351 = %broadcast_in_dim3A_1651, %scan3A_2352 = %broadcast_in_dim3A_1651, %scan3A_2353 = %broadcast_in_dim3A_1651, %scan3A_2354 = %broadcast_in_dim3A_1651) -> (vector<16xf32>, vector<16xf32>, vector<16xf32>, vector<16xf32>, vector<16xf32>, vector<16xf32>)  : i32 {
        %get3A = arith.index_cast %scan3A_2348 : i32 to index
        %get3A_2355 = arith.constant 96 : index
        %get3A_2356 = tpu.vector_load %arg7[%get3A, %get3A_2355] {strides = array<i32>} : memref<20x128xf32, #tpu.memory_space<vmem>>, vector<1x16xf32>,
        %get3A_2357 = vector.shape_cast %get3A_2356 : vector<1x16xf32> to vector<16xf32>
        %add3A_2358 = arith.constant 0 : i32
        %add3A_2359 = arith.addi %add3A_2358, %scan3A_2348 : i32
        %get3A_2360 = arith.constant 2 : i32
        %get3A_2361 = arith.index_cast %get3A_2360 : i32 to index
        %get3A_2362 = arith.index_cast %add3A_2359 : i32 to index
        %get3A_2363 = arith.constant 96 : index
        %get3A_2364 = tpu.vector_load %arg8[%get3A_2361, %get3A_2362, %get3A_2363] {strides = array<i32>} : memref<4x120x128xf32, #tpu.memory_space<vmem>>, vector<1x1x16xf32>,
        %get3A_2365 = vector.shape_cast %get3A_2364 : vector<1x1x16xf32> to vector<16xf32>
        %mul3A_2366 = arith.mulf %get3A_2365, %get3A_2357 : vector<16xf32>
        %add3A_2367 = arith.addf %scan3A_2349, %mul3A_2366 : vector<16xf32>
        %add3A_2368 = arith.constant 20 : i32
        %add3A_2369 = arith.addi %add3A_2368, %scan3A_2348 : i32
        %get3A_2370 = arith.constant 2 : i32
        %get3A_2371 = arith.index_cast %get3A_2370 : i32 to index
        %get3A_2372 = arith.index_cast %add3A_2369 : i32 to index
        %get3A_2373 = arith.constant 96 : index
        %get3A_2374 = tpu.vector_load %arg8[%get3A_2371, %get3A_2372, %get3A_2373] {strides = array<i32>} : memref<4x120x128xf32, #tpu.memory_space<vmem>>, vector<1x1x16xf32>,
        %get3A_2375 = vector.shape_cast %get3A_2374 : vector<1x1x16xf32> to vector<16xf32>
        %mul3A_2376 = arith.mulf %get3A_2375, %get3A_2357 : vector<16xf32>
        %add3A_2377 = arith.addf %scan3A_2350, %mul3A_2376 : vector<16xf32>
        %add3A_2378 = arith.constant 40 : i32
        %add3A_2379 = arith.addi %add3A_2378, %scan3A_2348 : i32
        %get3A_2380 = arith.constant 2 : i32
        %get3A_2381 = arith.index_cast %get3A_2380 : i32 to index
        %get3A_2382 = arith.index_cast %add3A_2379 : i32 to index
        %get3A_2383 = arith.constant 96 : index
        %get3A_2384 = tpu.vector_load %arg8[%get3A_2381, %get3A_2382, %get3A_2383] {strides = array<i32>} : memref<4x120x128xf32, #tpu.memory_space<vmem>>, vector<1x1x16xf32>,
        %get3A_2385 = vector.shape_cast %get3A_2384 : vector<1x1x16xf32> to vector<16xf32>
        %mul3A_2386 = arith.mulf %get3A_2385, %get3A_2357 : vector<16xf32>
        %add3A_2387 = arith.addf %scan3A_2351, %mul3A_2386 : vector<16xf32>
        %add3A_2388 = arith.constant 60 : i32
        %add3A_2389 = arith.addi %add3A_2388, %scan3A_2348 : i32
        %get3A_2390 = arith.constant 2 : i32
        %get3A_2391 = arith.index_cast %get3A_2390 : i32 to index
        %get3A_2392 = arith.index_cast %add3A_2389 : i32 to index
        %get3A_2393 = arith.constant 96 : index
        %get3A_2394 = tpu.vector_load %arg8[%get3A_2391, %get3A_2392, %get3A_2393] {strides = array<i32>} : memref<4x120x128xf32, #tpu.memory_space<vmem>>, vector<1x1x16xf32>,
        %get3A_2395 = vector.shape_cast %get3A_2394 : vector<1x1x16xf32> to vector<16xf32>
        %mul3A_2396 = arith.mulf %get3A_2395, %get3A_2357 : vector<16xf32>
        %add3A_2397 = arith.addf %scan3A_2352, %mul3A_2396 : vector<16xf32>
        %add3A_2398 = arith.constant 80 : i32
        %add3A_2399 = arith.addi %add3A_2398, %scan3A_2348 : i32
        %get3A_2400 = arith.constant 2 : i32
        %get3A_2401 = arith.index_cast %get3A_2400 : i32 to index
        %get3A_2402 = arith.index_cast %add3A_2399 : i32 to index
        %get3A_2403 = arith.constant 96 : index
        %get3A_2404 = tpu.vector_load %arg8[%get3A_2401, %get3A_2402, %get3A_2403] {strides = array<i32>} : memref<4x120x128xf32, #tpu.memory_space<vmem>>, vector<1x1x16xf32>,
        %get3A_2405 = vector.shape_cast %get3A_2404 : vector<1x1x16xf32> to vector<16xf32>
        %mul3A_2406 = arith.mulf %get3A_2405, %get3A_2357 : vector<16xf32>
        %add3A_2407 = arith.addf %scan3A_2353, %mul3A_2406 : vector<16xf32>
        %add3A_2408 = arith.constant 100 : i32
        %add3A_2409 = arith.addi %add3A_2408, %scan3A_2348 : i32
        %get3A_2410 = arith.constant 2 : i32
        %get3A_2411 = arith.index_cast %get3A_2410 : i32 to index
        %get3A_2412 = arith.index_cast %add3A_2409 : i32 to index
        %get3A_2413 = arith.constant 96 : index
        %get3A_2414 = tpu.vector_load %arg8[%get3A_2411, %get3A_2412, %get3A_2413] {strides = array<i32>} : memref<4x120x128xf32, #tpu.memory_space<vmem>>, vector<1x1x16xf32>,
        %get3A_2415 = vector.shape_cast %get3A_2414 : vector<1x1x16xf32> to vector<16xf32>
        %mul3A_2416 = arith.mulf %get3A_2415, %get3A_2357 : vector<16xf32>
        %add3A_2417 = arith.addf %scan3A_2354, %mul3A_2416 : vector<16xf32>
        scf.yield %add3A_2367, %add3A_2377, %add3A_2387, %add3A_2397, %add3A_2407, %add3A_2417 : vector<16xf32>, vector<16xf32>, vector<16xf32>, vector<16xf32>, vector<16xf32>, vector<16xf32>
      }
      %scan3A_1657 = arith.constant 20 : i32
      %add3A_1658 = arith.constant 0 : i32
      %add3A_1659 = arith.addi %mul3A_1241, %add3A_1658 : i32
      %mul3A_1660 = arith.constant 128 : i32
      %mul3A_1661 = arith.muli %add3A_1659, %mul3A_1660 : i32
      %add3A_1662 = arith.constant 96 : i32
      %add3A_1663 = arith.addi %mul3A_1661, %add3A_1662 : i32
      %swap3A_1664 = arith.index_cast %add3A_1663 : i32 to index
      %swap3A_1665 = tpu.vector_load %arg9[%swap3A_1664] {strides = array<i32>} : memref<43008xf32, #tpu.memory_space<vmem>>, vector<16xf32>,
      %swap3A_1666 = vector.shape_cast %swap3A_1665 : vector<16xf32> to vector<16xf32>
      %swap3A_1667 = vector.shape_cast %scan3A_1656#0 : vector<16xf32> to vector<16xf32>
      tpu.vector_store %arg9[%swap3A_1664], %swap3A_1667 {strides = array<i32>} : memref<43008xf32, #tpu.memory_space<vmem>>, vector<16xf32>,
      %add3A_1668 = arith.constant 1 : i32
      %add3A_1669 = arith.addi %mul3A_1241, %add3A_1668 : i32
      %mul3A_1670 = arith.constant 128 : i32
      %mul3A_1671 = arith.muli %add3A_1669, %mul3A_1670 : i32
      %add3A_1672 = arith.constant 96 : i32
      %add3A_1673 = arith.addi %mul3A_1671, %add3A_1672 : i32
      %swap3A_1674 = arith.index_cast %add3A_1673 : i32 to index
      %swap3A_1675 = tpu.vector_load %arg9[%swap3A_1674] {strides = array<i32>} : memref<43008xf32, #tpu.memory_space<vmem>>, vector<16xf32>,
      %swap3A_1676 = vector.shape_cast %swap3A_1675 : vector<16xf32> to vector<16xf32>
      %swap3A_1677 = vector.shape_cast %scan3A_1656#1 : vector<16xf32> to vector<16xf32>
      tpu.vector_store %arg9[%swap3A_1674], %swap3A_1677 {strides = array<i32>} : memref<43008xf32, #tpu.memory_space<vmem>>, vector<16xf32>,
      %add3A_1678 = arith.constant 2 : i32
      %add3A_1679 = arith.addi %mul3A_1241, %add3A_1678 : i32
      %mul3A_1680 = arith.constant 128 : i32
      %mul3A_1681 = arith.muli %add3A_1679, %mul3A_1680 : i32
      %add3A_1682 = arith.constant 96 : i32
      %add3A_1683 = arith.addi %mul3A_1681, %add3A_1682 : i32
      %swap3A_1684 = arith.index_cast %add3A_1683 : i32 to index
      %swap3A_1685 = tpu.vector_load %arg9[%swap3A_1684] {strides = array<i32>} : memref<43008xf32, #tpu.memory_space<vmem>>, vector<16xf32>,
      %swap3A_1686 = vector.shape_cast %swap3A_1685 : vector<16xf32> to vector<16xf32>
      %swap3A_1687 = vector.shape_cast %scan3A_1656#2 : vector<16xf32> to vector<16xf32>
      tpu.vector_store %arg9[%swap3A_1684], %swap3A_1687 {strides = array<i32>} : memref<43008xf32, #tpu.memory_space<vmem>>, vector<16xf32>,
      %add3A_1688 = arith.constant 3 : i32
      %add3A_1689 = arith.addi %mul3A_1241, %add3A_1688 : i32
      %mul3A_1690 = arith.constant 128 : i32
      %mul3A_1691 = arith.muli %add3A_1689, %mul3A_1690 : i32
      %add3A_1692 = arith.constant 96 : i32
      %add3A_1693 = arith.addi %mul3A_1691, %add3A_1692 : i32
      %swap3A_1694 = arith.index_cast %add3A_1693 : i32 to index
      %swap3A_1695 = tpu.vector_load %arg9[%swap3A_1694] {strides = array<i32>} : memref<43008xf32, #tpu.memory_space<vmem>>, vector<16xf32>,
      %swap3A_1696 = vector.shape_cast %swap3A_1695 : vector<16xf32> to vector<16xf32>
      %swap3A_1697 = vector.shape_cast %scan3A_1656#3 : vector<16xf32> to vector<16xf32>
      tpu.vector_store %arg9[%swap3A_1694], %swap3A_1697 {strides = array<i32>} : memref<43008xf32, #tpu.memory_space<vmem>>, vector<16xf32>,
      %add3A_1698 = arith.constant 4 : i32
      %add3A_1699 = arith.addi %mul3A_1241, %add3A_1698 : i32
      %mul3A_1700 = arith.constant 128 : i32
      %mul3A_1701 = arith.muli %add3A_1699, %mul3A_1700 : i32
      %add3A_1702 = arith.constant 96 : i32
      %add3A_1703 = arith.addi %mul3A_1701, %add3A_1702 : i32
      %swap3A_1704 = arith.index_cast %add3A_1703 : i32 to index
      %swap3A_1705 = tpu.vector_load %arg9[%swap3A_1704] {strides = array<i32>} : memref<43008xf32, #tpu.memory_space<vmem>>, vector<16xf32>,
      %swap3A_1706 = vector.shape_cast %swap3A_1705 : vector<16xf32> to vector<16xf32>
      %swap3A_1707 = vector.shape_cast %scan3A_1656#4 : vector<16xf32> to vector<16xf32>
      tpu.vector_store %arg9[%swap3A_1704], %swap3A_1707 {strides = array<i32>} : memref<43008xf32, #tpu.memory_space<vmem>>, vector<16xf32>,
      %add3A_1708 = arith.constant 5 : i32
      %add3A_1709 = arith.addi %mul3A_1241, %add3A_1708 : i32
      %mul3A_1710 = arith.constant 128 : i32
      %mul3A_1711 = arith.muli %add3A_1709, %mul3A_1710 : i32
      %add3A_1712 = arith.constant 96 : i32
      %add3A_1713 = arith.addi %mul3A_1711, %add3A_1712 : i32
      %swap3A_1714 = arith.index_cast %add3A_1713 : i32 to index
      %swap3A_1715 = tpu.vector_load %arg9[%swap3A_1714] {strides = array<i32>} : memref<43008xf32, #tpu.memory_space<vmem>>, vector<16xf32>,
      %swap3A_1716 = vector.shape_cast %swap3A_1715 : vector<16xf32> to vector<16xf32>
      %swap3A_1717 = vector.shape_cast %scan3A_1656#5 : vector<16xf32> to vector<16xf32>
      tpu.vector_store %arg9[%swap3A_1714], %swap3A_1717 {strides = array<i32>} : memref<43008xf32, #tpu.memory_space<vmem>>, vector<16xf32>,
      %broadcast_in_dim3A_1718 = arith.constant 0.000000e+00 : f32
      %broadcast_in_dim3A_1719 = vector.broadcast %broadcast_in_dim3A_1718 : f32 to vector<16xf32>
      %scan3A_1720 = arith.constant 0 : i32
      %scan3A_1721 = arith.constant 20 : i32
      %scan3A_1722 = arith.addi %scan3A_1720, %scan3A_1721 : i32
      %scan3A_1723 = arith.constant 1 : i32
      %scan3A_1724:6 = scf.for %scan3A_2348 = %scan3A_1720 to %scan3A_1722 step %scan3A_1723 iter_args(%scan3A_2349 = %broadcast_in_dim3A_1719, %scan3A_2350 = %broadcast_in_dim3A_1719, %scan3A_2351 = %broadcast_in_dim3A_1719, %scan3A_2352 = %broadcast_in_dim3A_1719, %scan3A_2353 = %broadcast_in_dim3A_1719, %scan3A_2354 = %broadcast_in_dim3A_1719) -> (vector<16xf32>, vector<16xf32>, vector<16xf32>, vector<16xf32>, vector<16xf32>, vector<16xf32>)  : i32 {
        %get3A = arith.index_cast %scan3A_2348 : i32 to index
        %get3A_2355 = arith.constant 112 : index
        %get3A_2356 = tpu.vector_load %arg7[%get3A, %get3A_2355] {strides = array<i32>} : memref<20x128xf32, #tpu.memory_space<vmem>>, vector<1x16xf32>,
        %get3A_2357 = vector.shape_cast %get3A_2356 : vector<1x16xf32> to vector<16xf32>
        %add3A_2358 = arith.constant 0 : i32
        %add3A_2359 = arith.addi %add3A_2358, %scan3A_2348 : i32
        %get3A_2360 = arith.constant 2 : i32
        %get3A_2361 = arith.index_cast %get3A_2360 : i32 to index
        %get3A_2362 = arith.index_cast %add3A_2359 : i32 to index
        %get3A_2363 = arith.constant 112 : index
        %get3A_2364 = tpu.vector_load %arg8[%get3A_2361, %get3A_2362, %get3A_2363] {strides = array<i32>} : memref<4x120x128xf32, #tpu.memory_space<vmem>>, vector<1x1x16xf32>,
        %get3A_2365 = vector.shape_cast %get3A_2364 : vector<1x1x16xf32> to vector<16xf32>
        %mul3A_2366 = arith.mulf %get3A_2365, %get3A_2357 : vector<16xf32>
        %add3A_2367 = arith.addf %scan3A_2349, %mul3A_2366 : vector<16xf32>
        %add3A_2368 = arith.constant 20 : i32
        %add3A_2369 = arith.addi %add3A_2368, %scan3A_2348 : i32
        %get3A_2370 = arith.constant 2 : i32
        %get3A_2371 = arith.index_cast %get3A_2370 : i32 to index
        %get3A_2372 = arith.index_cast %add3A_2369 : i32 to index
        %get3A_2373 = arith.constant 112 : index
        %get3A_2374 = tpu.vector_load %arg8[%get3A_2371, %get3A_2372, %get3A_2373] {strides = array<i32>} : memref<4x120x128xf32, #tpu.memory_space<vmem>>, vector<1x1x16xf32>,
        %get3A_2375 = vector.shape_cast %get3A_2374 : vector<1x1x16xf32> to vector<16xf32>
        %mul3A_2376 = arith.mulf %get3A_2375, %get3A_2357 : vector<16xf32>
        %add3A_2377 = arith.addf %scan3A_2350, %mul3A_2376 : vector<16xf32>
        %add3A_2378 = arith.constant 40 : i32
        %add3A_2379 = arith.addi %add3A_2378, %scan3A_2348 : i32
        %get3A_2380 = arith.constant 2 : i32
        %get3A_2381 = arith.index_cast %get3A_2380 : i32 to index
        %get3A_2382 = arith.index_cast %add3A_2379 : i32 to index
        %get3A_2383 = arith.constant 112 : index
        %get3A_2384 = tpu.vector_load %arg8[%get3A_2381, %get3A_2382, %get3A_2383] {strides = array<i32>} : memref<4x120x128xf32, #tpu.memory_space<vmem>>, vector<1x1x16xf32>,
        %get3A_2385 = vector.shape_cast %get3A_2384 : vector<1x1x16xf32> to vector<16xf32>
        %mul3A_2386 = arith.mulf %get3A_2385, %get3A_2357 : vector<16xf32>
        %add3A_2387 = arith.addf %scan3A_2351, %mul3A_2386 : vector<16xf32>
        %add3A_2388 = arith.constant 60 : i32
        %add3A_2389 = arith.addi %add3A_2388, %scan3A_2348 : i32
        %get3A_2390 = arith.constant 2 : i32
        %get3A_2391 = arith.index_cast %get3A_2390 : i32 to index
        %get3A_2392 = arith.index_cast %add3A_2389 : i32 to index
        %get3A_2393 = arith.constant 112 : index
        %get3A_2394 = tpu.vector_load %arg8[%get3A_2391, %get3A_2392, %get3A_2393] {strides = array<i32>} : memref<4x120x128xf32, #tpu.memory_space<vmem>>, vector<1x1x16xf32>,
        %get3A_2395 = vector.shape_cast %get3A_2394 : vector<1x1x16xf32> to vector<16xf32>
        %mul3A_2396 = arith.mulf %get3A_2395, %get3A_2357 : vector<16xf32>
        %add3A_2397 = arith.addf %scan3A_2352, %mul3A_2396 : vector<16xf32>
        %add3A_2398 = arith.constant 80 : i32
        %add3A_2399 = arith.addi %add3A_2398, %scan3A_2348 : i32
        %get3A_2400 = arith.constant 2 : i32
        %get3A_2401 = arith.index_cast %get3A_2400 : i32 to index
        %get3A_2402 = arith.index_cast %add3A_2399 : i32 to index
        %get3A_2403 = arith.constant 112 : index
        %get3A_2404 = tpu.vector_load %arg8[%get3A_2401, %get3A_2402, %get3A_2403] {strides = array<i32>} : memref<4x120x128xf32, #tpu.memory_space<vmem>>, vector<1x1x16xf32>,
        %get3A_2405 = vector.shape_cast %get3A_2404 : vector<1x1x16xf32> to vector<16xf32>
        %mul3A_2406 = arith.mulf %get3A_2405, %get3A_2357 : vector<16xf32>
        %add3A_2407 = arith.addf %scan3A_2353, %mul3A_2406 : vector<16xf32>
        %add3A_2408 = arith.constant 100 : i32
        %add3A_2409 = arith.addi %add3A_2408, %scan3A_2348 : i32
        %get3A_2410 = arith.constant 2 : i32
        %get3A_2411 = arith.index_cast %get3A_2410 : i32 to index
        %get3A_2412 = arith.index_cast %add3A_2409 : i32 to index
        %get3A_2413 = arith.constant 112 : index
        %get3A_2414 = tpu.vector_load %arg8[%get3A_2411, %get3A_2412, %get3A_2413] {strides = array<i32>} : memref<4x120x128xf32, #tpu.memory_space<vmem>>, vector<1x1x16xf32>,
        %get3A_2415 = vector.shape_cast %get3A_2414 : vector<1x1x16xf32> to vector<16xf32>
        %mul3A_2416 = arith.mulf %get3A_2415, %get3A_2357 : vector<16xf32>
        %add3A_2417 = arith.addf %scan3A_2354, %mul3A_2416 : vector<16xf32>
        scf.yield %add3A_2367, %add3A_2377, %add3A_2387, %add3A_2397, %add3A_2407, %add3A_2417 : vector<16xf32>, vector<16xf32>, vector<16xf32>, vector<16xf32>, vector<16xf32>, vector<16xf32>
      }
      %scan3A_1725 = arith.constant 20 : i32
      %add3A_1726 = arith.constant 0 : i32
      %add3A_1727 = arith.addi %mul3A_1241, %add3A_1726 : i32
      %mul3A_1728 = arith.constant 128 : i32
      %mul3A_1729 = arith.muli %add3A_1727, %mul3A_1728 : i32
      %add3A_1730 = arith.constant 112 : i32
      %add3A_1731 = arith.addi %mul3A_1729, %add3A_1730 : i32
      %swap3A_1732 = arith.index_cast %add3A_1731 : i32 to index
      %swap3A_1733 = tpu.vector_load %arg9[%swap3A_1732] {strides = array<i32>} : memref<43008xf32, #tpu.memory_space<vmem>>, vector<16xf32>,
      %swap3A_1734 = vector.shape_cast %swap3A_1733 : vector<16xf32> to vector<16xf32>
      %swap3A_1735 = vector.shape_cast %scan3A_1724#0 : vector<16xf32> to vector<16xf32>
      tpu.vector_store %arg9[%swap3A_1732], %swap3A_1735 {strides = array<i32>} : memref<43008xf32, #tpu.memory_space<vmem>>, vector<16xf32>,
      %add3A_1736 = arith.constant 1 : i32
      %add3A_1737 = arith.addi %mul3A_1241, %add3A_1736 : i32
      %mul3A_1738 = arith.constant 128 : i32
      %mul3A_1739 = arith.muli %add3A_1737, %mul3A_1738 : i32
      %add3A_1740 = arith.constant 112 : i32
      %add3A_1741 = arith.addi %mul3A_1739, %add3A_1740 : i32
      %swap3A_1742 = arith.index_cast %add3A_1741 : i32 to index
      %swap3A_1743 = tpu.vector_load %arg9[%swap3A_1742] {strides = array<i32>} : memref<43008xf32, #tpu.memory_space<vmem>>, vector<16xf32>,
      %swap3A_1744 = vector.shape_cast %swap3A_1743 : vector<16xf32> to vector<16xf32>
      %swap3A_1745 = vector.shape_cast %scan3A_1724#1 : vector<16xf32> to vector<16xf32>
      tpu.vector_store %arg9[%swap3A_1742], %swap3A_1745 {strides = array<i32>} : memref<43008xf32, #tpu.memory_space<vmem>>, vector<16xf32>,
      %add3A_1746 = arith.constant 2 : i32
      %add3A_1747 = arith.addi %mul3A_1241, %add3A_1746 : i32
      %mul3A_1748 = arith.constant 128 : i32
      %mul3A_1749 = arith.muli %add3A_1747, %mul3A_1748 : i32
      %add3A_1750 = arith.constant 112 : i32
      %add3A_1751 = arith.addi %mul3A_1749, %add3A_1750 : i32
      %swap3A_1752 = arith.index_cast %add3A_1751 : i32 to index
      %swap3A_1753 = tpu.vector_load %arg9[%swap3A_1752] {strides = array<i32>} : memref<43008xf32, #tpu.memory_space<vmem>>, vector<16xf32>,
      %swap3A_1754 = vector.shape_cast %swap3A_1753 : vector<16xf32> to vector<16xf32>
      %swap3A_1755 = vector.shape_cast %scan3A_1724#2 : vector<16xf32> to vector<16xf32>
      tpu.vector_store %arg9[%swap3A_1752], %swap3A_1755 {strides = array<i32>} : memref<43008xf32, #tpu.memory_space<vmem>>, vector<16xf32>,
      %add3A_1756 = arith.constant 3 : i32
      %add3A_1757 = arith.addi %mul3A_1241, %add3A_1756 : i32
      %mul3A_1758 = arith.constant 128 : i32
      %mul3A_1759 = arith.muli %add3A_1757, %mul3A_1758 : i32
      %add3A_1760 = arith.constant 112 : i32
      %add3A_1761 = arith.addi %mul3A_1759, %add3A_1760 : i32
      %swap3A_1762 = arith.index_cast %add3A_1761 : i32 to index
      %swap3A_1763 = tpu.vector_load %arg9[%swap3A_1762] {strides = array<i32>} : memref<43008xf32, #tpu.memory_space<vmem>>, vector<16xf32>,
      %swap3A_1764 = vector.shape_cast %swap3A_1763 : vector<16xf32> to vector<16xf32>
      %swap3A_1765 = vector.shape_cast %scan3A_1724#3 : vector<16xf32> to vector<16xf32>
      tpu.vector_store %arg9[%swap3A_1762], %swap3A_1765 {strides = array<i32>} : memref<43008xf32, #tpu.memory_space<vmem>>, vector<16xf32>,
      %add3A_1766 = arith.constant 4 : i32
      %add3A_1767 = arith.addi %mul3A_1241, %add3A_1766 : i32
      %mul3A_1768 = arith.constant 128 : i32
      %mul3A_1769 = arith.muli %add3A_1767, %mul3A_1768 : i32
      %add3A_1770 = arith.constant 112 : i32
      %add3A_1771 = arith.addi %mul3A_1769, %add3A_1770 : i32
      %swap3A_1772 = arith.index_cast %add3A_1771 : i32 to index
      %swap3A_1773 = tpu.vector_load %arg9[%swap3A_1772] {strides = array<i32>} : memref<43008xf32, #tpu.memory_space<vmem>>, vector<16xf32>,
      %swap3A_1774 = vector.shape_cast %swap3A_1773 : vector<16xf32> to vector<16xf32>
      %swap3A_1775 = vector.shape_cast %scan3A_1724#4 : vector<16xf32> to vector<16xf32>
      tpu.vector_store %arg9[%swap3A_1772], %swap3A_1775 {strides = array<i32>} : memref<43008xf32, #tpu.memory_space<vmem>>, vector<16xf32>,
      %add3A_1776 = arith.constant 5 : i32
      %add3A_1777 = arith.addi %mul3A_1241, %add3A_1776 : i32
      %mul3A_1778 = arith.constant 128 : i32
      %mul3A_1779 = arith.muli %add3A_1777, %mul3A_1778 : i32
      %add3A_1780 = arith.constant 112 : i32
      %add3A_1781 = arith.addi %mul3A_1779, %add3A_1780 : i32
      %swap3A_1782 = arith.index_cast %add3A_1781 : i32 to index
      %swap3A_1783 = tpu.vector_load %arg9[%swap3A_1782] {strides = array<i32>} : memref<43008xf32, #tpu.memory_space<vmem>>, vector<16xf32>,
      %swap3A_1784 = vector.shape_cast %swap3A_1783 : vector<16xf32> to vector<16xf32>
      %swap3A_1785 = vector.shape_cast %scan3A_1724#5 : vector<16xf32> to vector<16xf32>
      tpu.vector_store %arg9[%swap3A_1782], %swap3A_1785 {strides = array<i32>} : memref<43008xf32, #tpu.memory_space<vmem>>, vector<16xf32>,
      %mul3A_1786 = arith.constant 4 : i32
      %mul3A_1787 = arith.muli %mul3A_1786, %scan3A_12 : i32
      %add3A_1788 = arith.constant 3 : i32
      %add3A_1789 = arith.addi %mul3A_1787, %add3A_1788 : i32
      %rem3A_1790 = arith.constant 56 : i32
      %rem3A_1791 = arith.remsi %add3A_1789, %rem3A_1790 : i32
      %mul3A_1792 = arith.constant 6 : i32
      %mul3A_1793 = arith.muli %rem3A_1791, %mul3A_1792 : i32
      %broadcast_in_dim3A_1794 = arith.constant 0.000000e+00 : f32
      %broadcast_in_dim3A_1795 = vector.broadcast %broadcast_in_dim3A_1794 : f32 to vector<16xf32>
      %scan3A_1796 = arith.constant 0 : i32
      %scan3A_1797 = arith.constant 20 : i32
      %scan3A_1798 = arith.addi %scan3A_1796, %scan3A_1797 : i32
      %scan3A_1799 = arith.constant 1 : i32
      %scan3A_1800:6 = scf.for %scan3A_2348 = %scan3A_1796 to %scan3A_1798 step %scan3A_1799 iter_args(%scan3A_2349 = %broadcast_in_dim3A_1795, %scan3A_2350 = %broadcast_in_dim3A_1795, %scan3A_2351 = %broadcast_in_dim3A_1795, %scan3A_2352 = %broadcast_in_dim3A_1795, %scan3A_2353 = %broadcast_in_dim3A_1795, %scan3A_2354 = %broadcast_in_dim3A_1795) -> (vector<16xf32>, vector<16xf32>, vector<16xf32>, vector<16xf32>, vector<16xf32>, vector<16xf32>)  : i32 {
        %get3A = arith.index_cast %scan3A_2348 : i32 to index
        %get3A_2355 = arith.constant 0 : index
        %get3A_2356 = tpu.vector_load %arg7[%get3A, %get3A_2355] {strides = array<i32>} : memref<20x128xf32, #tpu.memory_space<vmem>>, vector<1x16xf32>,
        %get3A_2357 = vector.shape_cast %get3A_2356 : vector<1x16xf32> to vector<16xf32>
        %add3A_2358 = arith.constant 0 : i32
        %add3A_2359 = arith.addi %add3A_2358, %scan3A_2348 : i32
        %get3A_2360 = arith.constant 3 : i32
        %get3A_2361 = arith.index_cast %get3A_2360 : i32 to index
        %get3A_2362 = arith.index_cast %add3A_2359 : i32 to index
        %get3A_2363 = arith.constant 0 : index
        %get3A_2364 = tpu.vector_load %arg8[%get3A_2361, %get3A_2362, %get3A_2363] {strides = array<i32>} : memref<4x120x128xf32, #tpu.memory_space<vmem>>, vector<1x1x16xf32>,
        %get3A_2365 = vector.shape_cast %get3A_2364 : vector<1x1x16xf32> to vector<16xf32>
        %mul3A_2366 = arith.mulf %get3A_2365, %get3A_2357 : vector<16xf32>
        %add3A_2367 = arith.addf %scan3A_2349, %mul3A_2366 : vector<16xf32>
        %add3A_2368 = arith.constant 20 : i32
        %add3A_2369 = arith.addi %add3A_2368, %scan3A_2348 : i32
        %get3A_2370 = arith.constant 3 : i32
        %get3A_2371 = arith.index_cast %get3A_2370 : i32 to index
        %get3A_2372 = arith.index_cast %add3A_2369 : i32 to index
        %get3A_2373 = arith.constant 0 : index
        %get3A_2374 = tpu.vector_load %arg8[%get3A_2371, %get3A_2372, %get3A_2373] {strides = array<i32>} : memref<4x120x128xf32, #tpu.memory_space<vmem>>, vector<1x1x16xf32>,
        %get3A_2375 = vector.shape_cast %get3A_2374 : vector<1x1x16xf32> to vector<16xf32>
        %mul3A_2376 = arith.mulf %get3A_2375, %get3A_2357 : vector<16xf32>
        %add3A_2377 = arith.addf %scan3A_2350, %mul3A_2376 : vector<16xf32>
        %add3A_2378 = arith.constant 40 : i32
        %add3A_2379 = arith.addi %add3A_2378, %scan3A_2348 : i32
        %get3A_2380 = arith.constant 3 : i32
        %get3A_2381 = arith.index_cast %get3A_2380 : i32 to index
        %get3A_2382 = arith.index_cast %add3A_2379 : i32 to index
        %get3A_2383 = arith.constant 0 : index
        %get3A_2384 = tpu.vector_load %arg8[%get3A_2381, %get3A_2382, %get3A_2383] {strides = array<i32>} : memref<4x120x128xf32, #tpu.memory_space<vmem>>, vector<1x1x16xf32>,
        %get3A_2385 = vector.shape_cast %get3A_2384 : vector<1x1x16xf32> to vector<16xf32>
        %mul3A_2386 = arith.mulf %get3A_2385, %get3A_2357 : vector<16xf32>
        %add3A_2387 = arith.addf %scan3A_2351, %mul3A_2386 : vector<16xf32>
        %add3A_2388 = arith.constant 60 : i32
        %add3A_2389 = arith.addi %add3A_2388, %scan3A_2348 : i32
        %get3A_2390 = arith.constant 3 : i32
        %get3A_2391 = arith.index_cast %get3A_2390 : i32 to index
        %get3A_2392 = arith.index_cast %add3A_2389 : i32 to index
        %get3A_2393 = arith.constant 0 : index
        %get3A_2394 = tpu.vector_load %arg8[%get3A_2391, %get3A_2392, %get3A_2393] {strides = array<i32>} : memref<4x120x128xf32, #tpu.memory_space<vmem>>, vector<1x1x16xf32>,
        %get3A_2395 = vector.shape_cast %get3A_2394 : vector<1x1x16xf32> to vector<16xf32>
        %mul3A_2396 = arith.mulf %get3A_2395, %get3A_2357 : vector<16xf32>
        %add3A_2397 = arith.addf %scan3A_2352, %mul3A_2396 : vector<16xf32>
        %add3A_2398 = arith.constant 80 : i32
        %add3A_2399 = arith.addi %add3A_2398, %scan3A_2348 : i32
        %get3A_2400 = arith.constant 3 : i32
        %get3A_2401 = arith.index_cast %get3A_2400 : i32 to index
        %get3A_2402 = arith.index_cast %add3A_2399 : i32 to index
        %get3A_2403 = arith.constant 0 : index
        %get3A_2404 = tpu.vector_load %arg8[%get3A_2401, %get3A_2402, %get3A_2403] {strides = array<i32>} : memref<4x120x128xf32, #tpu.memory_space<vmem>>, vector<1x1x16xf32>,
        %get3A_2405 = vector.shape_cast %get3A_2404 : vector<1x1x16xf32> to vector<16xf32>
        %mul3A_2406 = arith.mulf %get3A_2405, %get3A_2357 : vector<16xf32>
        %add3A_2407 = arith.addf %scan3A_2353, %mul3A_2406 : vector<16xf32>
        %add3A_2408 = arith.constant 100 : i32
        %add3A_2409 = arith.addi %add3A_2408, %scan3A_2348 : i32
        %get3A_2410 = arith.constant 3 : i32
        %get3A_2411 = arith.index_cast %get3A_2410 : i32 to index
        %get3A_2412 = arith.index_cast %add3A_2409 : i32 to index
        %get3A_2413 = arith.constant 0 : index
        %get3A_2414 = tpu.vector_load %arg8[%get3A_2411, %get3A_2412, %get3A_2413] {strides = array<i32>} : memref<4x120x128xf32, #tpu.memory_space<vmem>>, vector<1x1x16xf32>,
        %get3A_2415 = vector.shape_cast %get3A_2414 : vector<1x1x16xf32> to vector<16xf32>
        %mul3A_2416 = arith.mulf %get3A_2415, %get3A_2357 : vector<16xf32>
        %add3A_2417 = arith.addf %scan3A_2354, %mul3A_2416 : vector<16xf32>
        scf.yield %add3A_2367, %add3A_2377, %add3A_2387, %add3A_2397, %add3A_2407, %add3A_2417 : vector<16xf32>, vector<16xf32>, vector<16xf32>, vector<16xf32>, vector<16xf32>, vector<16xf32>
      }
      %scan3A_1801 = arith.constant 20 : i32
      %add3A_1802 = arith.constant 0 : i32
      %add3A_1803 = arith.addi %mul3A_1793, %add3A_1802 : i32
      %mul3A_1804 = arith.constant 128 : i32
      %mul3A_1805 = arith.muli %add3A_1803, %mul3A_1804 : i32
      %add3A_1806 = arith.constant 0 : i32
      %add3A_1807 = arith.addi %mul3A_1805, %add3A_1806 : i32
      %swap3A_1808 = arith.index_cast %add3A_1807 : i32 to index
      %swap3A_1809 = tpu.vector_load %arg9[%swap3A_1808] {strides = array<i32>} : memref<43008xf32, #tpu.memory_space<vmem>>, vector<16xf32>,
      %swap3A_1810 = vector.shape_cast %swap3A_1809 : vector<16xf32> to vector<16xf32>
      %swap3A_1811 = vector.shape_cast %scan3A_1800#0 : vector<16xf32> to vector<16xf32>
      tpu.vector_store %arg9[%swap3A_1808], %swap3A_1811 {strides = array<i32>} : memref<43008xf32, #tpu.memory_space<vmem>>, vector<16xf32>,
      %add3A_1812 = arith.constant 1 : i32
      %add3A_1813 = arith.addi %mul3A_1793, %add3A_1812 : i32
      %mul3A_1814 = arith.constant 128 : i32
      %mul3A_1815 = arith.muli %add3A_1813, %mul3A_1814 : i32
      %add3A_1816 = arith.constant 0 : i32
      %add3A_1817 = arith.addi %mul3A_1815, %add3A_1816 : i32
      %swap3A_1818 = arith.index_cast %add3A_1817 : i32 to index
      %swap3A_1819 = tpu.vector_load %arg9[%swap3A_1818] {strides = array<i32>} : memref<43008xf32, #tpu.memory_space<vmem>>, vector<16xf32>,
      %swap3A_1820 = vector.shape_cast %swap3A_1819 : vector<16xf32> to vector<16xf32>
      %swap3A_1821 = vector.shape_cast %scan3A_1800#1 : vector<16xf32> to vector<16xf32>
      tpu.vector_store %arg9[%swap3A_1818], %swap3A_1821 {strides = array<i32>} : memref<43008xf32, #tpu.memory_space<vmem>>, vector<16xf32>,
      %add3A_1822 = arith.constant 2 : i32
      %add3A_1823 = arith.addi %mul3A_1793, %add3A_1822 : i32
      %mul3A_1824 = arith.constant 128 : i32
      %mul3A_1825 = arith.muli %add3A_1823, %mul3A_1824 : i32
      %add3A_1826 = arith.constant 0 : i32
      %add3A_1827 = arith.addi %mul3A_1825, %add3A_1826 : i32
      %swap3A_1828 = arith.index_cast %add3A_1827 : i32 to index
      %swap3A_1829 = tpu.vector_load %arg9[%swap3A_1828] {strides = array<i32>} : memref<43008xf32, #tpu.memory_space<vmem>>, vector<16xf32>,
      %swap3A_1830 = vector.shape_cast %swap3A_1829 : vector<16xf32> to vector<16xf32>
      %swap3A_1831 = vector.shape_cast %scan3A_1800#2 : vector<16xf32> to vector<16xf32>
      tpu.vector_store %arg9[%swap3A_1828], %swap3A_1831 {strides = array<i32>} : memref<43008xf32, #tpu.memory_space<vmem>>, vector<16xf32>,
      %add3A_1832 = arith.constant 3 : i32
      %add3A_1833 = arith.addi %mul3A_1793, %add3A_1832 : i32
      %mul3A_1834 = arith.constant 128 : i32
      %mul3A_1835 = arith.muli %add3A_1833, %mul3A_1834 : i32
      %add3A_1836 = arith.constant 0 : i32
      %add3A_1837 = arith.addi %mul3A_1835, %add3A_1836 : i32
      %swap3A_1838 = arith.index_cast %add3A_1837 : i32 to index
      %swap3A_1839 = tpu.vector_load %arg9[%swap3A_1838] {strides = array<i32>} : memref<43008xf32, #tpu.memory_space<vmem>>, vector<16xf32>,
      %swap3A_1840 = vector.shape_cast %swap3A_1839 : vector<16xf32> to vector<16xf32>
      %swap3A_1841 = vector.shape_cast %scan3A_1800#3 : vector<16xf32> to vector<16xf32>
      tpu.vector_store %arg9[%swap3A_1838], %swap3A_1841 {strides = array<i32>} : memref<43008xf32, #tpu.memory_space<vmem>>, vector<16xf32>,
      %add3A_1842 = arith.constant 4 : i32
      %add3A_1843 = arith.addi %mul3A_1793, %add3A_1842 : i32
      %mul3A_1844 = arith.constant 128 : i32
      %mul3A_1845 = arith.muli %add3A_1843, %mul3A_1844 : i32
      %add3A_1846 = arith.constant 0 : i32
      %add3A_1847 = arith.addi %mul3A_1845, %add3A_1846 : i32
      %swap3A_1848 = arith.index_cast %add3A_1847 : i32 to index
      %swap3A_1849 = tpu.vector_load %arg9[%swap3A_1848] {strides = array<i32>} : memref<43008xf32, #tpu.memory_space<vmem>>, vector<16xf32>,
      %swap3A_1850 = vector.shape_cast %swap3A_1849 : vector<16xf32> to vector<16xf32>
      %swap3A_1851 = vector.shape_cast %scan3A_1800#4 : vector<16xf32> to vector<16xf32>
      tpu.vector_store %arg9[%swap3A_1848], %swap3A_1851 {strides = array<i32>} : memref<43008xf32, #tpu.memory_space<vmem>>, vector<16xf32>,
      %add3A_1852 = arith.constant 5 : i32
      %add3A_1853 = arith.addi %mul3A_1793, %add3A_1852 : i32
      %mul3A_1854 = arith.constant 128 : i32
      %mul3A_1855 = arith.muli %add3A_1853, %mul3A_1854 : i32
      %add3A_1856 = arith.constant 0 : i32
      %add3A_1857 = arith.addi %mul3A_1855, %add3A_1856 : i32
      %swap3A_1858 = arith.index_cast %add3A_1857 : i32 to index
      %swap3A_1859 = tpu.vector_load %arg9[%swap3A_1858] {strides = array<i32>} : memref<43008xf32, #tpu.memory_space<vmem>>, vector<16xf32>,
      %swap3A_1860 = vector.shape_cast %swap3A_1859 : vector<16xf32> to vector<16xf32>
      %swap3A_1861 = vector.shape_cast %scan3A_1800#5 : vector<16xf32> to vector<16xf32>
      tpu.vector_store %arg9[%swap3A_1858], %swap3A_1861 {strides = array<i32>} : memref<43008xf32, #tpu.memory_space<vmem>>, vector<16xf32>,
      %broadcast_in_dim3A_1862 = arith.constant 0.000000e+00 : f32
      %broadcast_in_dim3A_1863 = vector.broadcast %broadcast_in_dim3A_1862 : f32 to vector<16xf32>
      %scan3A_1864 = arith.constant 0 : i32
      %scan3A_1865 = arith.constant 20 : i32
      %scan3A_1866 = arith.addi %scan3A_1864, %scan3A_1865 : i32
      %scan3A_1867 = arith.constant 1 : i32
      %scan3A_1868:6 = scf.for %scan3A_2348 = %scan3A_1864 to %scan3A_1866 step %scan3A_1867 iter_args(%scan3A_2349 = %broadcast_in_dim3A_1863, %scan3A_2350 = %broadcast_in_dim3A_1863, %scan3A_2351 = %broadcast_in_dim3A_1863, %scan3A_2352 = %broadcast_in_dim3A_1863, %scan3A_2353 = %broadcast_in_dim3A_1863, %scan3A_2354 = %broadcast_in_dim3A_1863) -> (vector<16xf32>, vector<16xf32>, vector<16xf32>, vector<16xf32>, vector<16xf32>, vector<16xf32>)  : i32 {
        %get3A = arith.index_cast %scan3A_2348 : i32 to index
        %get3A_2355 = arith.constant 16 : index
        %get3A_2356 = tpu.vector_load %arg7[%get3A, %get3A_2355] {strides = array<i32>} : memref<20x128xf32, #tpu.memory_space<vmem>>, vector<1x16xf32>,
        %get3A_2357 = vector.shape_cast %get3A_2356 : vector<1x16xf32> to vector<16xf32>
        %add3A_2358 = arith.constant 0 : i32
        %add3A_2359 = arith.addi %add3A_2358, %scan3A_2348 : i32
        %get3A_2360 = arith.constant 3 : i32
        %get3A_2361 = arith.index_cast %get3A_2360 : i32 to index
        %get3A_2362 = arith.index_cast %add3A_2359 : i32 to index
        %get3A_2363 = arith.constant 16 : index
        %get3A_2364 = tpu.vector_load %arg8[%get3A_2361, %get3A_2362, %get3A_2363] {strides = array<i32>} : memref<4x120x128xf32, #tpu.memory_space<vmem>>, vector<1x1x16xf32>,
        %get3A_2365 = vector.shape_cast %get3A_2364 : vector<1x1x16xf32> to vector<16xf32>
        %mul3A_2366 = arith.mulf %get3A_2365, %get3A_2357 : vector<16xf32>
        %add3A_2367 = arith.addf %scan3A_2349, %mul3A_2366 : vector<16xf32>
        %add3A_2368 = arith.constant 20 : i32
        %add3A_2369 = arith.addi %add3A_2368, %scan3A_2348 : i32
        %get3A_2370 = arith.constant 3 : i32
        %get3A_2371 = arith.index_cast %get3A_2370 : i32 to index
        %get3A_2372 = arith.index_cast %add3A_2369 : i32 to index
        %get3A_2373 = arith.constant 16 : index
        %get3A_2374 = tpu.vector_load %arg8[%get3A_2371, %get3A_2372, %get3A_2373] {strides = array<i32>} : memref<4x120x128xf32, #tpu.memory_space<vmem>>, vector<1x1x16xf32>,
        %get3A_2375 = vector.shape_cast %get3A_2374 : vector<1x1x16xf32> to vector<16xf32>
        %mul3A_2376 = arith.mulf %get3A_2375, %get3A_2357 : vector<16xf32>
        %add3A_2377 = arith.addf %scan3A_2350, %mul3A_2376 : vector<16xf32>
        %add3A_2378 = arith.constant 40 : i32
        %add3A_2379 = arith.addi %add3A_2378, %scan3A_2348 : i32
        %get3A_2380 = arith.constant 3 : i32
        %get3A_2381 = arith.index_cast %get3A_2380 : i32 to index
        %get3A_2382 = arith.index_cast %add3A_2379 : i32 to index
        %get3A_2383 = arith.constant 16 : index
        %get3A_2384 = tpu.vector_load %arg8[%get3A_2381, %get3A_2382, %get3A_2383] {strides = array<i32>} : memref<4x120x128xf32, #tpu.memory_space<vmem>>, vector<1x1x16xf32>,
        %get3A_2385 = vector.shape_cast %get3A_2384 : vector<1x1x16xf32> to vector<16xf32>
        %mul3A_2386 = arith.mulf %get3A_2385, %get3A_2357 : vector<16xf32>
        %add3A_2387 = arith.addf %scan3A_2351, %mul3A_2386 : vector<16xf32>
        %add3A_2388 = arith.constant 60 : i32
        %add3A_2389 = arith.addi %add3A_2388, %scan3A_2348 : i32
        %get3A_2390 = arith.constant 3 : i32
        %get3A_2391 = arith.index_cast %get3A_2390 : i32 to index
        %get3A_2392 = arith.index_cast %add3A_2389 : i32 to index
        %get3A_2393 = arith.constant 16 : index
        %get3A_2394 = tpu.vector_load %arg8[%get3A_2391, %get3A_2392, %get3A_2393] {strides = array<i32>} : memref<4x120x128xf32, #tpu.memory_space<vmem>>, vector<1x1x16xf32>,
        %get3A_2395 = vector.shape_cast %get3A_2394 : vector<1x1x16xf32> to vector<16xf32>
        %mul3A_2396 = arith.mulf %get3A_2395, %get3A_2357 : vector<16xf32>
        %add3A_2397 = arith.addf %scan3A_2352, %mul3A_2396 : vector<16xf32>
        %add3A_2398 = arith.constant 80 : i32
        %add3A_2399 = arith.addi %add3A_2398, %scan3A_2348 : i32
        %get3A_2400 = arith.constant 3 : i32
        %get3A_2401 = arith.index_cast %get3A_2400 : i32 to index
        %get3A_2402 = arith.index_cast %add3A_2399 : i32 to index
        %get3A_2403 = arith.constant 16 : index
        %get3A_2404 = tpu.vector_load %arg8[%get3A_2401, %get3A_2402, %get3A_2403] {strides = array<i32>} : memref<4x120x128xf32, #tpu.memory_space<vmem>>, vector<1x1x16xf32>,
        %get3A_2405 = vector.shape_cast %get3A_2404 : vector<1x1x16xf32> to vector<16xf32>
        %mul3A_2406 = arith.mulf %get3A_2405, %get3A_2357 : vector<16xf32>
        %add3A_2407 = arith.addf %scan3A_2353, %mul3A_2406 : vector<16xf32>
        %add3A_2408 = arith.constant 100 : i32
        %add3A_2409 = arith.addi %add3A_2408, %scan3A_2348 : i32
        %get3A_2410 = arith.constant 3 : i32
        %get3A_2411 = arith.index_cast %get3A_2410 : i32 to index
        %get3A_2412 = arith.index_cast %add3A_2409 : i32 to index
        %get3A_2413 = arith.constant 16 : index
        %get3A_2414 = tpu.vector_load %arg8[%get3A_2411, %get3A_2412, %get3A_2413] {strides = array<i32>} : memref<4x120x128xf32, #tpu.memory_space<vmem>>, vector<1x1x16xf32>,
        %get3A_2415 = vector.shape_cast %get3A_2414 : vector<1x1x16xf32> to vector<16xf32>
        %mul3A_2416 = arith.mulf %get3A_2415, %get3A_2357 : vector<16xf32>
        %add3A_2417 = arith.addf %scan3A_2354, %mul3A_2416 : vector<16xf32>
        scf.yield %add3A_2367, %add3A_2377, %add3A_2387, %add3A_2397, %add3A_2407, %add3A_2417 : vector<16xf32>, vector<16xf32>, vector<16xf32>, vector<16xf32>, vector<16xf32>, vector<16xf32>
      }
      %scan3A_1869 = arith.constant 20 : i32
      %add3A_1870 = arith.constant 0 : i32
      %add3A_1871 = arith.addi %mul3A_1793, %add3A_1870 : i32
      %mul3A_1872 = arith.constant 128 : i32
      %mul3A_1873 = arith.muli %add3A_1871, %mul3A_1872 : i32
      %add3A_1874 = arith.constant 16 : i32
      %add3A_1875 = arith.addi %mul3A_1873, %add3A_1874 : i32
      %swap3A_1876 = arith.index_cast %add3A_1875 : i32 to index
      %swap3A_1877 = tpu.vector_load %arg9[%swap3A_1876] {strides = array<i32>} : memref<43008xf32, #tpu.memory_space<vmem>>, vector<16xf32>,
      %swap3A_1878 = vector.shape_cast %swap3A_1877 : vector<16xf32> to vector<16xf32>
      %swap3A_1879 = vector.shape_cast %scan3A_1868#0 : vector<16xf32> to vector<16xf32>
      tpu.vector_store %arg9[%swap3A_1876], %swap3A_1879 {strides = array<i32>} : memref<43008xf32, #tpu.memory_space<vmem>>, vector<16xf32>,
      %add3A_1880 = arith.constant 1 : i32
      %add3A_1881 = arith.addi %mul3A_1793, %add3A_1880 : i32
      %mul3A_1882 = arith.constant 128 : i32
      %mul3A_1883 = arith.muli %add3A_1881, %mul3A_1882 : i32
      %add3A_1884 = arith.constant 16 : i32
      %add3A_1885 = arith.addi %mul3A_1883, %add3A_1884 : i32
      %swap3A_1886 = arith.index_cast %add3A_1885 : i32 to index
      %swap3A_1887 = tpu.vector_load %arg9[%swap3A_1886] {strides = array<i32>} : memref<43008xf32, #tpu.memory_space<vmem>>, vector<16xf32>,
      %swap3A_1888 = vector.shape_cast %swap3A_1887 : vector<16xf32> to vector<16xf32>
      %swap3A_1889 = vector.shape_cast %scan3A_1868#1 : vector<16xf32> to vector<16xf32>
      tpu.vector_store %arg9[%swap3A_1886], %swap3A_1889 {strides = array<i32>} : memref<43008xf32, #tpu.memory_space<vmem>>, vector<16xf32>,
      %add3A_1890 = arith.constant 2 : i32
      %add3A_1891 = arith.addi %mul3A_1793, %add3A_1890 : i32
      %mul3A_1892 = arith.constant 128 : i32
      %mul3A_1893 = arith.muli %add3A_1891, %mul3A_1892 : i32
      %add3A_1894 = arith.constant 16 : i32
      %add3A_1895 = arith.addi %mul3A_1893, %add3A_1894 : i32
      %swap3A_1896 = arith.index_cast %add3A_1895 : i32 to index
      %swap3A_1897 = tpu.vector_load %arg9[%swap3A_1896] {strides = array<i32>} : memref<43008xf32, #tpu.memory_space<vmem>>, vector<16xf32>,
      %swap3A_1898 = vector.shape_cast %swap3A_1897 : vector<16xf32> to vector<16xf32>
      %swap3A_1899 = vector.shape_cast %scan3A_1868#2 : vector<16xf32> to vector<16xf32>
      tpu.vector_store %arg9[%swap3A_1896], %swap3A_1899 {strides = array<i32>} : memref<43008xf32, #tpu.memory_space<vmem>>, vector<16xf32>,
      %add3A_1900 = arith.constant 3 : i32
      %add3A_1901 = arith.addi %mul3A_1793, %add3A_1900 : i32
      %mul3A_1902 = arith.constant 128 : i32
      %mul3A_1903 = arith.muli %add3A_1901, %mul3A_1902 : i32
      %add3A_1904 = arith.constant 16 : i32
      %add3A_1905 = arith.addi %mul3A_1903, %add3A_1904 : i32
      %swap3A_1906 = arith.index_cast %add3A_1905 : i32 to index
      %swap3A_1907 = tpu.vector_load %arg9[%swap3A_1906] {strides = array<i32>} : memref<43008xf32, #tpu.memory_space<vmem>>, vector<16xf32>,
      %swap3A_1908 = vector.shape_cast %swap3A_1907 : vector<16xf32> to vector<16xf32>
      %swap3A_1909 = vector.shape_cast %scan3A_1868#3 : vector<16xf32> to vector<16xf32>
      tpu.vector_store %arg9[%swap3A_1906], %swap3A_1909 {strides = array<i32>} : memref<43008xf32, #tpu.memory_space<vmem>>, vector<16xf32>,
      %add3A_1910 = arith.constant 4 : i32
      %add3A_1911 = arith.addi %mul3A_1793, %add3A_1910 : i32
      %mul3A_1912 = arith.constant 128 : i32
      %mul3A_1913 = arith.muli %add3A_1911, %mul3A_1912 : i32
      %add3A_1914 = arith.constant 16 : i32
      %add3A_1915 = arith.addi %mul3A_1913, %add3A_1914 : i32
      %swap3A_1916 = arith.index_cast %add3A_1915 : i32 to index
      %swap3A_1917 = tpu.vector_load %arg9[%swap3A_1916] {strides = array<i32>} : memref<43008xf32, #tpu.memory_space<vmem>>, vector<16xf32>,
      %swap3A_1918 = vector.shape_cast %swap3A_1917 : vector<16xf32> to vector<16xf32>
      %swap3A_1919 = vector.shape_cast %scan3A_1868#4 : vector<16xf32> to vector<16xf32>
      tpu.vector_store %arg9[%swap3A_1916], %swap3A_1919 {strides = array<i32>} : memref<43008xf32, #tpu.memory_space<vmem>>, vector<16xf32>,
      %add3A_1920 = arith.constant 5 : i32
      %add3A_1921 = arith.addi %mul3A_1793, %add3A_1920 : i32
      %mul3A_1922 = arith.constant 128 : i32
      %mul3A_1923 = arith.muli %add3A_1921, %mul3A_1922 : i32
      %add3A_1924 = arith.constant 16 : i32
      %add3A_1925 = arith.addi %mul3A_1923, %add3A_1924 : i32
      %swap3A_1926 = arith.index_cast %add3A_1925 : i32 to index
      %swap3A_1927 = tpu.vector_load %arg9[%swap3A_1926] {strides = array<i32>} : memref<43008xf32, #tpu.memory_space<vmem>>, vector<16xf32>,
      %swap3A_1928 = vector.shape_cast %swap3A_1927 : vector<16xf32> to vector<16xf32>
      %swap3A_1929 = vector.shape_cast %scan3A_1868#5 : vector<16xf32> to vector<16xf32>
      tpu.vector_store %arg9[%swap3A_1926], %swap3A_1929 {strides = array<i32>} : memref<43008xf32, #tpu.memory_space<vmem>>, vector<16xf32>,
      %broadcast_in_dim3A_1930 = arith.constant 0.000000e+00 : f32
      %broadcast_in_dim3A_1931 = vector.broadcast %broadcast_in_dim3A_1930 : f32 to vector<16xf32>
      %scan3A_1932 = arith.constant 0 : i32
      %scan3A_1933 = arith.constant 20 : i32
      %scan3A_1934 = arith.addi %scan3A_1932, %scan3A_1933 : i32
      %scan3A_1935 = arith.constant 1 : i32
      %scan3A_1936:6 = scf.for %scan3A_2348 = %scan3A_1932 to %scan3A_1934 step %scan3A_1935 iter_args(%scan3A_2349 = %broadcast_in_dim3A_1931, %scan3A_2350 = %broadcast_in_dim3A_1931, %scan3A_2351 = %broadcast_in_dim3A_1931, %scan3A_2352 = %broadcast_in_dim3A_1931, %scan3A_2353 = %broadcast_in_dim3A_1931, %scan3A_2354 = %broadcast_in_dim3A_1931) -> (vector<16xf32>, vector<16xf32>, vector<16xf32>, vector<16xf32>, vector<16xf32>, vector<16xf32>)  : i32 {
        %get3A = arith.index_cast %scan3A_2348 : i32 to index
        %get3A_2355 = arith.constant 32 : index
        %get3A_2356 = tpu.vector_load %arg7[%get3A, %get3A_2355] {strides = array<i32>} : memref<20x128xf32, #tpu.memory_space<vmem>>, vector<1x16xf32>,
        %get3A_2357 = vector.shape_cast %get3A_2356 : vector<1x16xf32> to vector<16xf32>
        %add3A_2358 = arith.constant 0 : i32
        %add3A_2359 = arith.addi %add3A_2358, %scan3A_2348 : i32
        %get3A_2360 = arith.constant 3 : i32
        %get3A_2361 = arith.index_cast %get3A_2360 : i32 to index
        %get3A_2362 = arith.index_cast %add3A_2359 : i32 to index
        %get3A_2363 = arith.constant 32 : index
        %get3A_2364 = tpu.vector_load %arg8[%get3A_2361, %get3A_2362, %get3A_2363] {strides = array<i32>} : memref<4x120x128xf32, #tpu.memory_space<vmem>>, vector<1x1x16xf32>,
        %get3A_2365 = vector.shape_cast %get3A_2364 : vector<1x1x16xf32> to vector<16xf32>
        %mul3A_2366 = arith.mulf %get3A_2365, %get3A_2357 : vector<16xf32>
        %add3A_2367 = arith.addf %scan3A_2349, %mul3A_2366 : vector<16xf32>
        %add3A_2368 = arith.constant 20 : i32
        %add3A_2369 = arith.addi %add3A_2368, %scan3A_2348 : i32
        %get3A_2370 = arith.constant 3 : i32
        %get3A_2371 = arith.index_cast %get3A_2370 : i32 to index
        %get3A_2372 = arith.index_cast %add3A_2369 : i32 to index
        %get3A_2373 = arith.constant 32 : index
        %get3A_2374 = tpu.vector_load %arg8[%get3A_2371, %get3A_2372, %get3A_2373] {strides = array<i32>} : memref<4x120x128xf32, #tpu.memory_space<vmem>>, vector<1x1x16xf32>,
        %get3A_2375 = vector.shape_cast %get3A_2374 : vector<1x1x16xf32> to vector<16xf32>
        %mul3A_2376 = arith.mulf %get3A_2375, %get3A_2357 : vector<16xf32>
        %add3A_2377 = arith.addf %scan3A_2350, %mul3A_2376 : vector<16xf32>
        %add3A_2378 = arith.constant 40 : i32
        %add3A_2379 = arith.addi %add3A_2378, %scan3A_2348 : i32
        %get3A_2380 = arith.constant 3 : i32
        %get3A_2381 = arith.index_cast %get3A_2380 : i32 to index
        %get3A_2382 = arith.index_cast %add3A_2379 : i32 to index
        %get3A_2383 = arith.constant 32 : index
        %get3A_2384 = tpu.vector_load %arg8[%get3A_2381, %get3A_2382, %get3A_2383] {strides = array<i32>} : memref<4x120x128xf32, #tpu.memory_space<vmem>>, vector<1x1x16xf32>,
        %get3A_2385 = vector.shape_cast %get3A_2384 : vector<1x1x16xf32> to vector<16xf32>
        %mul3A_2386 = arith.mulf %get3A_2385, %get3A_2357 : vector<16xf32>
        %add3A_2387 = arith.addf %scan3A_2351, %mul3A_2386 : vector<16xf32>
        %add3A_2388 = arith.constant 60 : i32
        %add3A_2389 = arith.addi %add3A_2388, %scan3A_2348 : i32
        %get3A_2390 = arith.constant 3 : i32
        %get3A_2391 = arith.index_cast %get3A_2390 : i32 to index
        %get3A_2392 = arith.index_cast %add3A_2389 : i32 to index
        %get3A_2393 = arith.constant 32 : index
        %get3A_2394 = tpu.vector_load %arg8[%get3A_2391, %get3A_2392, %get3A_2393] {strides = array<i32>} : memref<4x120x128xf32, #tpu.memory_space<vmem>>, vector<1x1x16xf32>,
        %get3A_2395 = vector.shape_cast %get3A_2394 : vector<1x1x16xf32> to vector<16xf32>
        %mul3A_2396 = arith.mulf %get3A_2395, %get3A_2357 : vector<16xf32>
        %add3A_2397 = arith.addf %scan3A_2352, %mul3A_2396 : vector<16xf32>
        %add3A_2398 = arith.constant 80 : i32
        %add3A_2399 = arith.addi %add3A_2398, %scan3A_2348 : i32
        %get3A_2400 = arith.constant 3 : i32
        %get3A_2401 = arith.index_cast %get3A_2400 : i32 to index
        %get3A_2402 = arith.index_cast %add3A_2399 : i32 to index
        %get3A_2403 = arith.constant 32 : index
        %get3A_2404 = tpu.vector_load %arg8[%get3A_2401, %get3A_2402, %get3A_2403] {strides = array<i32>} : memref<4x120x128xf32, #tpu.memory_space<vmem>>, vector<1x1x16xf32>,
        %get3A_2405 = vector.shape_cast %get3A_2404 : vector<1x1x16xf32> to vector<16xf32>
        %mul3A_2406 = arith.mulf %get3A_2405, %get3A_2357 : vector<16xf32>
        %add3A_2407 = arith.addf %scan3A_2353, %mul3A_2406 : vector<16xf32>
        %add3A_2408 = arith.constant 100 : i32
        %add3A_2409 = arith.addi %add3A_2408, %scan3A_2348 : i32
        %get3A_2410 = arith.constant 3 : i32
        %get3A_2411 = arith.index_cast %get3A_2410 : i32 to index
        %get3A_2412 = arith.index_cast %add3A_2409 : i32 to index
        %get3A_2413 = arith.constant 32 : index
        %get3A_2414 = tpu.vector_load %arg8[%get3A_2411, %get3A_2412, %get3A_2413] {strides = array<i32>} : memref<4x120x128xf32, #tpu.memory_space<vmem>>, vector<1x1x16xf32>,
        %get3A_2415 = vector.shape_cast %get3A_2414 : vector<1x1x16xf32> to vector<16xf32>
        %mul3A_2416 = arith.mulf %get3A_2415, %get3A_2357 : vector<16xf32>
        %add3A_2417 = arith.addf %scan3A_2354, %mul3A_2416 : vector<16xf32>
        scf.yield %add3A_2367, %add3A_2377, %add3A_2387, %add3A_2397, %add3A_2407, %add3A_2417 : vector<16xf32>, vector<16xf32>, vector<16xf32>, vector<16xf32>, vector<16xf32>, vector<16xf32>
      }
      %scan3A_1937 = arith.constant 20 : i32
      %add3A_1938 = arith.constant 0 : i32
      %add3A_1939 = arith.addi %mul3A_1793, %add3A_1938 : i32
      %mul3A_1940 = arith.constant 128 : i32
      %mul3A_1941 = arith.muli %add3A_1939, %mul3A_1940 : i32
      %add3A_1942 = arith.constant 32 : i32
      %add3A_1943 = arith.addi %mul3A_1941, %add3A_1942 : i32
      %swap3A_1944 = arith.index_cast %add3A_1943 : i32 to index
      %swap3A_1945 = tpu.vector_load %arg9[%swap3A_1944] {strides = array<i32>} : memref<43008xf32, #tpu.memory_space<vmem>>, vector<16xf32>,
      %swap3A_1946 = vector.shape_cast %swap3A_1945 : vector<16xf32> to vector<16xf32>
      %swap3A_1947 = vector.shape_cast %scan3A_1936#0 : vector<16xf32> to vector<16xf32>
      tpu.vector_store %arg9[%swap3A_1944], %swap3A_1947 {strides = array<i32>} : memref<43008xf32, #tpu.memory_space<vmem>>, vector<16xf32>,
      %add3A_1948 = arith.constant 1 : i32
      %add3A_1949 = arith.addi %mul3A_1793, %add3A_1948 : i32
      %mul3A_1950 = arith.constant 128 : i32
      %mul3A_1951 = arith.muli %add3A_1949, %mul3A_1950 : i32
      %add3A_1952 = arith.constant 32 : i32
      %add3A_1953 = arith.addi %mul3A_1951, %add3A_1952 : i32
      %swap3A_1954 = arith.index_cast %add3A_1953 : i32 to index
      %swap3A_1955 = tpu.vector_load %arg9[%swap3A_1954] {strides = array<i32>} : memref<43008xf32, #tpu.memory_space<vmem>>, vector<16xf32>,
      %swap3A_1956 = vector.shape_cast %swap3A_1955 : vector<16xf32> to vector<16xf32>
      %swap3A_1957 = vector.shape_cast %scan3A_1936#1 : vector<16xf32> to vector<16xf32>
      tpu.vector_store %arg9[%swap3A_1954], %swap3A_1957 {strides = array<i32>} : memref<43008xf32, #tpu.memory_space<vmem>>, vector<16xf32>,
      %add3A_1958 = arith.constant 2 : i32
      %add3A_1959 = arith.addi %mul3A_1793, %add3A_1958 : i32
      %mul3A_1960 = arith.constant 128 : i32
      %mul3A_1961 = arith.muli %add3A_1959, %mul3A_1960 : i32
      %add3A_1962 = arith.constant 32 : i32
      %add3A_1963 = arith.addi %mul3A_1961, %add3A_1962 : i32
      %swap3A_1964 = arith.index_cast %add3A_1963 : i32 to index
      %swap3A_1965 = tpu.vector_load %arg9[%swap3A_1964] {strides = array<i32>} : memref<43008xf32, #tpu.memory_space<vmem>>, vector<16xf32>,
      %swap3A_1966 = vector.shape_cast %swap3A_1965 : vector<16xf32> to vector<16xf32>
      %swap3A_1967 = vector.shape_cast %scan3A_1936#2 : vector<16xf32> to vector<16xf32>
      tpu.vector_store %arg9[%swap3A_1964], %swap3A_1967 {strides = array<i32>} : memref<43008xf32, #tpu.memory_space<vmem>>, vector<16xf32>,
      %add3A_1968 = arith.constant 3 : i32
      %add3A_1969 = arith.addi %mul3A_1793, %add3A_1968 : i32
      %mul3A_1970 = arith.constant 128 : i32
      %mul3A_1971 = arith.muli %add3A_1969, %mul3A_1970 : i32
      %add3A_1972 = arith.constant 32 : i32
      %add3A_1973 = arith.addi %mul3A_1971, %add3A_1972 : i32
      %swap3A_1974 = arith.index_cast %add3A_1973 : i32 to index
      %swap3A_1975 = tpu.vector_load %arg9[%swap3A_1974] {strides = array<i32>} : memref<43008xf32, #tpu.memory_space<vmem>>, vector<16xf32>,
      %swap3A_1976 = vector.shape_cast %swap3A_1975 : vector<16xf32> to vector<16xf32>
      %swap3A_1977 = vector.shape_cast %scan3A_1936#3 : vector<16xf32> to vector<16xf32>
      tpu.vector_store %arg9[%swap3A_1974], %swap3A_1977 {strides = array<i32>} : memref<43008xf32, #tpu.memory_space<vmem>>, vector<16xf32>,
      %add3A_1978 = arith.constant 4 : i32
      %add3A_1979 = arith.addi %mul3A_1793, %add3A_1978 : i32
      %mul3A_1980 = arith.constant 128 : i32
      %mul3A_1981 = arith.muli %add3A_1979, %mul3A_1980 : i32
      %add3A_1982 = arith.constant 32 : i32
      %add3A_1983 = arith.addi %mul3A_1981, %add3A_1982 : i32
      %swap3A_1984 = arith.index_cast %add3A_1983 : i32 to index
      %swap3A_1985 = tpu.vector_load %arg9[%swap3A_1984] {strides = array<i32>} : memref<43008xf32, #tpu.memory_space<vmem>>, vector<16xf32>,
      %swap3A_1986 = vector.shape_cast %swap3A_1985 : vector<16xf32> to vector<16xf32>
      %swap3A_1987 = vector.shape_cast %scan3A_1936#4 : vector<16xf32> to vector<16xf32>
      tpu.vector_store %arg9[%swap3A_1984], %swap3A_1987 {strides = array<i32>} : memref<43008xf32, #tpu.memory_space<vmem>>, vector<16xf32>,
      %add3A_1988 = arith.constant 5 : i32
      %add3A_1989 = arith.addi %mul3A_1793, %add3A_1988 : i32
      %mul3A_1990 = arith.constant 128 : i32
      %mul3A_1991 = arith.muli %add3A_1989, %mul3A_1990 : i32
      %add3A_1992 = arith.constant 32 : i32
      %add3A_1993 = arith.addi %mul3A_1991, %add3A_1992 : i32
      %swap3A_1994 = arith.index_cast %add3A_1993 : i32 to index
      %swap3A_1995 = tpu.vector_load %arg9[%swap3A_1994] {strides = array<i32>} : memref<43008xf32, #tpu.memory_space<vmem>>, vector<16xf32>,
      %swap3A_1996 = vector.shape_cast %swap3A_1995 : vector<16xf32> to vector<16xf32>
      %swap3A_1997 = vector.shape_cast %scan3A_1936#5 : vector<16xf32> to vector<16xf32>
      tpu.vector_store %arg9[%swap3A_1994], %swap3A_1997 {strides = array<i32>} : memref<43008xf32, #tpu.memory_space<vmem>>, vector<16xf32>,
      %broadcast_in_dim3A_1998 = arith.constant 0.000000e+00 : f32
      %broadcast_in_dim3A_1999 = vector.broadcast %broadcast_in_dim3A_1998 : f32 to vector<16xf32>
      %scan3A_2000 = arith.constant 0 : i32
      %scan3A_2001 = arith.constant 20 : i32
      %scan3A_2002 = arith.addi %scan3A_2000, %scan3A_2001 : i32
      %scan3A_2003 = arith.constant 1 : i32
      %scan3A_2004:6 = scf.for %scan3A_2348 = %scan3A_2000 to %scan3A_2002 step %scan3A_2003 iter_args(%scan3A_2349 = %broadcast_in_dim3A_1999, %scan3A_2350 = %broadcast_in_dim3A_1999, %scan3A_2351 = %broadcast_in_dim3A_1999, %scan3A_2352 = %broadcast_in_dim3A_1999, %scan3A_2353 = %broadcast_in_dim3A_1999, %scan3A_2354 = %broadcast_in_dim3A_1999) -> (vector<16xf32>, vector<16xf32>, vector<16xf32>, vector<16xf32>, vector<16xf32>, vector<16xf32>)  : i32 {
        %get3A = arith.index_cast %scan3A_2348 : i32 to index
        %get3A_2355 = arith.constant 48 : index
        %get3A_2356 = tpu.vector_load %arg7[%get3A, %get3A_2355] {strides = array<i32>} : memref<20x128xf32, #tpu.memory_space<vmem>>, vector<1x16xf32>,
        %get3A_2357 = vector.shape_cast %get3A_2356 : vector<1x16xf32> to vector<16xf32>
        %add3A_2358 = arith.constant 0 : i32
        %add3A_2359 = arith.addi %add3A_2358, %scan3A_2348 : i32
        %get3A_2360 = arith.constant 3 : i32
        %get3A_2361 = arith.index_cast %get3A_2360 : i32 to index
        %get3A_2362 = arith.index_cast %add3A_2359 : i32 to index
        %get3A_2363 = arith.constant 48 : index
        %get3A_2364 = tpu.vector_load %arg8[%get3A_2361, %get3A_2362, %get3A_2363] {strides = array<i32>} : memref<4x120x128xf32, #tpu.memory_space<vmem>>, vector<1x1x16xf32>,
        %get3A_2365 = vector.shape_cast %get3A_2364 : vector<1x1x16xf32> to vector<16xf32>
        %mul3A_2366 = arith.mulf %get3A_2365, %get3A_2357 : vector<16xf32>
        %add3A_2367 = arith.addf %scan3A_2349, %mul3A_2366 : vector<16xf32>
        %add3A_2368 = arith.constant 20 : i32
        %add3A_2369 = arith.addi %add3A_2368, %scan3A_2348 : i32
        %get3A_2370 = arith.constant 3 : i32
        %get3A_2371 = arith.index_cast %get3A_2370 : i32 to index
        %get3A_2372 = arith.index_cast %add3A_2369 : i32 to index
        %get3A_2373 = arith.constant 48 : index
        %get3A_2374 = tpu.vector_load %arg8[%get3A_2371, %get3A_2372, %get3A_2373] {strides = array<i32>} : memref<4x120x128xf32, #tpu.memory_space<vmem>>, vector<1x1x16xf32>,
        %get3A_2375 = vector.shape_cast %get3A_2374 : vector<1x1x16xf32> to vector<16xf32>
        %mul3A_2376 = arith.mulf %get3A_2375, %get3A_2357 : vector<16xf32>
        %add3A_2377 = arith.addf %scan3A_2350, %mul3A_2376 : vector<16xf32>
        %add3A_2378 = arith.constant 40 : i32
        %add3A_2379 = arith.addi %add3A_2378, %scan3A_2348 : i32
        %get3A_2380 = arith.constant 3 : i32
        %get3A_2381 = arith.index_cast %get3A_2380 : i32 to index
        %get3A_2382 = arith.index_cast %add3A_2379 : i32 to index
        %get3A_2383 = arith.constant 48 : index
        %get3A_2384 = tpu.vector_load %arg8[%get3A_2381, %get3A_2382, %get3A_2383] {strides = array<i32>} : memref<4x120x128xf32, #tpu.memory_space<vmem>>, vector<1x1x16xf32>,
        %get3A_2385 = vector.shape_cast %get3A_2384 : vector<1x1x16xf32> to vector<16xf32>
        %mul3A_2386 = arith.mulf %get3A_2385, %get3A_2357 : vector<16xf32>
        %add3A_2387 = arith.addf %scan3A_2351, %mul3A_2386 : vector<16xf32>
        %add3A_2388 = arith.constant 60 : i32
        %add3A_2389 = arith.addi %add3A_2388, %scan3A_2348 : i32
        %get3A_2390 = arith.constant 3 : i32
        %get3A_2391 = arith.index_cast %get3A_2390 : i32 to index
        %get3A_2392 = arith.index_cast %add3A_2389 : i32 to index
        %get3A_2393 = arith.constant 48 : index
        %get3A_2394 = tpu.vector_load %arg8[%get3A_2391, %get3A_2392, %get3A_2393] {strides = array<i32>} : memref<4x120x128xf32, #tpu.memory_space<vmem>>, vector<1x1x16xf32>,
        %get3A_2395 = vector.shape_cast %get3A_2394 : vector<1x1x16xf32> to vector<16xf32>
        %mul3A_2396 = arith.mulf %get3A_2395, %get3A_2357 : vector<16xf32>
        %add3A_2397 = arith.addf %scan3A_2352, %mul3A_2396 : vector<16xf32>
        %add3A_2398 = arith.constant 80 : i32
        %add3A_2399 = arith.addi %add3A_2398, %scan3A_2348 : i32
        %get3A_2400 = arith.constant 3 : i32
        %get3A_2401 = arith.index_cast %get3A_2400 : i32 to index
        %get3A_2402 = arith.index_cast %add3A_2399 : i32 to index
        %get3A_2403 = arith.constant 48 : index
        %get3A_2404 = tpu.vector_load %arg8[%get3A_2401, %get3A_2402, %get3A_2403] {strides = array<i32>} : memref<4x120x128xf32, #tpu.memory_space<vmem>>, vector<1x1x16xf32>,
        %get3A_2405 = vector.shape_cast %get3A_2404 : vector<1x1x16xf32> to vector<16xf32>
        %mul3A_2406 = arith.mulf %get3A_2405, %get3A_2357 : vector<16xf32>
        %add3A_2407 = arith.addf %scan3A_2353, %mul3A_2406 : vector<16xf32>
        %add3A_2408 = arith.constant 100 : i32
        %add3A_2409 = arith.addi %add3A_2408, %scan3A_2348 : i32
        %get3A_2410 = arith.constant 3 : i32
        %get3A_2411 = arith.index_cast %get3A_2410 : i32 to index
        %get3A_2412 = arith.index_cast %add3A_2409 : i32 to index
        %get3A_2413 = arith.constant 48 : index
        %get3A_2414 = tpu.vector_load %arg8[%get3A_2411, %get3A_2412, %get3A_2413] {strides = array<i32>} : memref<4x120x128xf32, #tpu.memory_space<vmem>>, vector<1x1x16xf32>,
        %get3A_2415 = vector.shape_cast %get3A_2414 : vector<1x1x16xf32> to vector<16xf32>
        %mul3A_2416 = arith.mulf %get3A_2415, %get3A_2357 : vector<16xf32>
        %add3A_2417 = arith.addf %scan3A_2354, %mul3A_2416 : vector<16xf32>
        scf.yield %add3A_2367, %add3A_2377, %add3A_2387, %add3A_2397, %add3A_2407, %add3A_2417 : vector<16xf32>, vector<16xf32>, vector<16xf32>, vector<16xf32>, vector<16xf32>, vector<16xf32>
      }
      %scan3A_2005 = arith.constant 20 : i32
      %add3A_2006 = arith.constant 0 : i32
      %add3A_2007 = arith.addi %mul3A_1793, %add3A_2006 : i32
      %mul3A_2008 = arith.constant 128 : i32
      %mul3A_2009 = arith.muli %add3A_2007, %mul3A_2008 : i32
      %add3A_2010 = arith.constant 48 : i32
      %add3A_2011 = arith.addi %mul3A_2009, %add3A_2010 : i32
      %swap3A_2012 = arith.index_cast %add3A_2011 : i32 to index
      %swap3A_2013 = tpu.vector_load %arg9[%swap3A_2012] {strides = array<i32>} : memref<43008xf32, #tpu.memory_space<vmem>>, vector<16xf32>,
      %swap3A_2014 = vector.shape_cast %swap3A_2013 : vector<16xf32> to vector<16xf32>
      %swap3A_2015 = vector.shape_cast %scan3A_2004#0 : vector<16xf32> to vector<16xf32>
      tpu.vector_store %arg9[%swap3A_2012], %swap3A_2015 {strides = array<i32>} : memref<43008xf32, #tpu.memory_space<vmem>>, vector<16xf32>,
      %add3A_2016 = arith.constant 1 : i32
      %add3A_2017 = arith.addi %mul3A_1793, %add3A_2016 : i32
      %mul3A_2018 = arith.constant 128 : i32
      %mul3A_2019 = arith.muli %add3A_2017, %mul3A_2018 : i32
      %add3A_2020 = arith.constant 48 : i32
      %add3A_2021 = arith.addi %mul3A_2019, %add3A_2020 : i32
      %swap3A_2022 = arith.index_cast %add3A_2021 : i32 to index
      %swap3A_2023 = tpu.vector_load %arg9[%swap3A_2022] {strides = array<i32>} : memref<43008xf32, #tpu.memory_space<vmem>>, vector<16xf32>,
      %swap3A_2024 = vector.shape_cast %swap3A_2023 : vector<16xf32> to vector<16xf32>
      %swap3A_2025 = vector.shape_cast %scan3A_2004#1 : vector<16xf32> to vector<16xf32>
      tpu.vector_store %arg9[%swap3A_2022], %swap3A_2025 {strides = array<i32>} : memref<43008xf32, #tpu.memory_space<vmem>>, vector<16xf32>,
      %add3A_2026 = arith.constant 2 : i32
      %add3A_2027 = arith.addi %mul3A_1793, %add3A_2026 : i32
      %mul3A_2028 = arith.constant 128 : i32
      %mul3A_2029 = arith.muli %add3A_2027, %mul3A_2028 : i32
      %add3A_2030 = arith.constant 48 : i32
      %add3A_2031 = arith.addi %mul3A_2029, %add3A_2030 : i32
      %swap3A_2032 = arith.index_cast %add3A_2031 : i32 to index
      %swap3A_2033 = tpu.vector_load %arg9[%swap3A_2032] {strides = array<i32>} : memref<43008xf32, #tpu.memory_space<vmem>>, vector<16xf32>,
      %swap3A_2034 = vector.shape_cast %swap3A_2033 : vector<16xf32> to vector<16xf32>
      %swap3A_2035 = vector.shape_cast %scan3A_2004#2 : vector<16xf32> to vector<16xf32>
      tpu.vector_store %arg9[%swap3A_2032], %swap3A_2035 {strides = array<i32>} : memref<43008xf32, #tpu.memory_space<vmem>>, vector<16xf32>,
      %add3A_2036 = arith.constant 3 : i32
      %add3A_2037 = arith.addi %mul3A_1793, %add3A_2036 : i32
      %mul3A_2038 = arith.constant 128 : i32
      %mul3A_2039 = arith.muli %add3A_2037, %mul3A_2038 : i32
      %add3A_2040 = arith.constant 48 : i32
      %add3A_2041 = arith.addi %mul3A_2039, %add3A_2040 : i32
      %swap3A_2042 = arith.index_cast %add3A_2041 : i32 to index
      %swap3A_2043 = tpu.vector_load %arg9[%swap3A_2042] {strides = array<i32>} : memref<43008xf32, #tpu.memory_space<vmem>>, vector<16xf32>,
      %swap3A_2044 = vector.shape_cast %swap3A_2043 : vector<16xf32> to vector<16xf32>
      %swap3A_2045 = vector.shape_cast %scan3A_2004#3 : vector<16xf32> to vector<16xf32>
      tpu.vector_store %arg9[%swap3A_2042], %swap3A_2045 {strides = array<i32>} : memref<43008xf32, #tpu.memory_space<vmem>>, vector<16xf32>,
      %add3A_2046 = arith.constant 4 : i32
      %add3A_2047 = arith.addi %mul3A_1793, %add3A_2046 : i32
      %mul3A_2048 = arith.constant 128 : i32
      %mul3A_2049 = arith.muli %add3A_2047, %mul3A_2048 : i32
      %add3A_2050 = arith.constant 48 : i32
      %add3A_2051 = arith.addi %mul3A_2049, %add3A_2050 : i32
      %swap3A_2052 = arith.index_cast %add3A_2051 : i32 to index
      %swap3A_2053 = tpu.vector_load %arg9[%swap3A_2052] {strides = array<i32>} : memref<43008xf32, #tpu.memory_space<vmem>>, vector<16xf32>,
      %swap3A_2054 = vector.shape_cast %swap3A_2053 : vector<16xf32> to vector<16xf32>
      %swap3A_2055 = vector.shape_cast %scan3A_2004#4 : vector<16xf32> to vector<16xf32>
      tpu.vector_store %arg9[%swap3A_2052], %swap3A_2055 {strides = array<i32>} : memref<43008xf32, #tpu.memory_space<vmem>>, vector<16xf32>,
      %add3A_2056 = arith.constant 5 : i32
      %add3A_2057 = arith.addi %mul3A_1793, %add3A_2056 : i32
      %mul3A_2058 = arith.constant 128 : i32
      %mul3A_2059 = arith.muli %add3A_2057, %mul3A_2058 : i32
      %add3A_2060 = arith.constant 48 : i32
      %add3A_2061 = arith.addi %mul3A_2059, %add3A_2060 : i32
      %swap3A_2062 = arith.index_cast %add3A_2061 : i32 to index
      %swap3A_2063 = tpu.vector_load %arg9[%swap3A_2062] {strides = array<i32>} : memref<43008xf32, #tpu.memory_space<vmem>>, vector<16xf32>,
      %swap3A_2064 = vector.shape_cast %swap3A_2063 : vector<16xf32> to vector<16xf32>
      %swap3A_2065 = vector.shape_cast %scan3A_2004#5 : vector<16xf32> to vector<16xf32>
      tpu.vector_store %arg9[%swap3A_2062], %swap3A_2065 {strides = array<i32>} : memref<43008xf32, #tpu.memory_space<vmem>>, vector<16xf32>,
      %broadcast_in_dim3A_2066 = arith.constant 0.000000e+00 : f32
      %broadcast_in_dim3A_2067 = vector.broadcast %broadcast_in_dim3A_2066 : f32 to vector<16xf32>
      %scan3A_2068 = arith.constant 0 : i32
      %scan3A_2069 = arith.constant 20 : i32
      %scan3A_2070 = arith.addi %scan3A_2068, %scan3A_2069 : i32
      %scan3A_2071 = arith.constant 1 : i32
      %scan3A_2072:6 = scf.for %scan3A_2348 = %scan3A_2068 to %scan3A_2070 step %scan3A_2071 iter_args(%scan3A_2349 = %broadcast_in_dim3A_2067, %scan3A_2350 = %broadcast_in_dim3A_2067, %scan3A_2351 = %broadcast_in_dim3A_2067, %scan3A_2352 = %broadcast_in_dim3A_2067, %scan3A_2353 = %broadcast_in_dim3A_2067, %scan3A_2354 = %broadcast_in_dim3A_2067) -> (vector<16xf32>, vector<16xf32>, vector<16xf32>, vector<16xf32>, vector<16xf32>, vector<16xf32>)  : i32 {
        %get3A = arith.index_cast %scan3A_2348 : i32 to index
        %get3A_2355 = arith.constant 64 : index
        %get3A_2356 = tpu.vector_load %arg7[%get3A, %get3A_2355] {strides = array<i32>} : memref<20x128xf32, #tpu.memory_space<vmem>>, vector<1x16xf32>,
        %get3A_2357 = vector.shape_cast %get3A_2356 : vector<1x16xf32> to vector<16xf32>
        %add3A_2358 = arith.constant 0 : i32
        %add3A_2359 = arith.addi %add3A_2358, %scan3A_2348 : i32
        %get3A_2360 = arith.constant 3 : i32
        %get3A_2361 = arith.index_cast %get3A_2360 : i32 to index
        %get3A_2362 = arith.index_cast %add3A_2359 : i32 to index
        %get3A_2363 = arith.constant 64 : index
        %get3A_2364 = tpu.vector_load %arg8[%get3A_2361, %get3A_2362, %get3A_2363] {strides = array<i32>} : memref<4x120x128xf32, #tpu.memory_space<vmem>>, vector<1x1x16xf32>,
        %get3A_2365 = vector.shape_cast %get3A_2364 : vector<1x1x16xf32> to vector<16xf32>
        %mul3A_2366 = arith.mulf %get3A_2365, %get3A_2357 : vector<16xf32>
        %add3A_2367 = arith.addf %scan3A_2349, %mul3A_2366 : vector<16xf32>
        %add3A_2368 = arith.constant 20 : i32
        %add3A_2369 = arith.addi %add3A_2368, %scan3A_2348 : i32
        %get3A_2370 = arith.constant 3 : i32
        %get3A_2371 = arith.index_cast %get3A_2370 : i32 to index
        %get3A_2372 = arith.index_cast %add3A_2369 : i32 to index
        %get3A_2373 = arith.constant 64 : index
        %get3A_2374 = tpu.vector_load %arg8[%get3A_2371, %get3A_2372, %get3A_2373] {strides = array<i32>} : memref<4x120x128xf32, #tpu.memory_space<vmem>>, vector<1x1x16xf32>,
        %get3A_2375 = vector.shape_cast %get3A_2374 : vector<1x1x16xf32> to vector<16xf32>
        %mul3A_2376 = arith.mulf %get3A_2375, %get3A_2357 : vector<16xf32>
        %add3A_2377 = arith.addf %scan3A_2350, %mul3A_2376 : vector<16xf32>
        %add3A_2378 = arith.constant 40 : i32
        %add3A_2379 = arith.addi %add3A_2378, %scan3A_2348 : i32
        %get3A_2380 = arith.constant 3 : i32
        %get3A_2381 = arith.index_cast %get3A_2380 : i32 to index
        %get3A_2382 = arith.index_cast %add3A_2379 : i32 to index
        %get3A_2383 = arith.constant 64 : index
        %get3A_2384 = tpu.vector_load %arg8[%get3A_2381, %get3A_2382, %get3A_2383] {strides = array<i32>} : memref<4x120x128xf32, #tpu.memory_space<vmem>>, vector<1x1x16xf32>,
        %get3A_2385 = vector.shape_cast %get3A_2384 : vector<1x1x16xf32> to vector<16xf32>
        %mul3A_2386 = arith.mulf %get3A_2385, %get3A_2357 : vector<16xf32>
        %add3A_2387 = arith.addf %scan3A_2351, %mul3A_2386 : vector<16xf32>
        %add3A_2388 = arith.constant 60 : i32
        %add3A_2389 = arith.addi %add3A_2388, %scan3A_2348 : i32
        %get3A_2390 = arith.constant 3 : i32
        %get3A_2391 = arith.index_cast %get3A_2390 : i32 to index
        %get3A_2392 = arith.index_cast %add3A_2389 : i32 to index
        %get3A_2393 = arith.constant 64 : index
        %get3A_2394 = tpu.vector_load %arg8[%get3A_2391, %get3A_2392, %get3A_2393] {strides = array<i32>} : memref<4x120x128xf32, #tpu.memory_space<vmem>>, vector<1x1x16xf32>,
        %get3A_2395 = vector.shape_cast %get3A_2394 : vector<1x1x16xf32> to vector<16xf32>
        %mul3A_2396 = arith.mulf %get3A_2395, %get3A_2357 : vector<16xf32>
        %add3A_2397 = arith.addf %scan3A_2352, %mul3A_2396 : vector<16xf32>
        %add3A_2398 = arith.constant 80 : i32
        %add3A_2399 = arith.addi %add3A_2398, %scan3A_2348 : i32
        %get3A_2400 = arith.constant 3 : i32
        %get3A_2401 = arith.index_cast %get3A_2400 : i32 to index
        %get3A_2402 = arith.index_cast %add3A_2399 : i32 to index
        %get3A_2403 = arith.constant 64 : index
        %get3A_2404 = tpu.vector_load %arg8[%get3A_2401, %get3A_2402, %get3A_2403] {strides = array<i32>} : memref<4x120x128xf32, #tpu.memory_space<vmem>>, vector<1x1x16xf32>,
        %get3A_2405 = vector.shape_cast %get3A_2404 : vector<1x1x16xf32> to vector<16xf32>
        %mul3A_2406 = arith.mulf %get3A_2405, %get3A_2357 : vector<16xf32>
        %add3A_2407 = arith.addf %scan3A_2353, %mul3A_2406 : vector<16xf32>
        %add3A_2408 = arith.constant 100 : i32
        %add3A_2409 = arith.addi %add3A_2408, %scan3A_2348 : i32
        %get3A_2410 = arith.constant 3 : i32
        %get3A_2411 = arith.index_cast %get3A_2410 : i32 to index
        %get3A_2412 = arith.index_cast %add3A_2409 : i32 to index
        %get3A_2413 = arith.constant 64 : index
        %get3A_2414 = tpu.vector_load %arg8[%get3A_2411, %get3A_2412, %get3A_2413] {strides = array<i32>} : memref<4x120x128xf32, #tpu.memory_space<vmem>>, vector<1x1x16xf32>,
        %get3A_2415 = vector.shape_cast %get3A_2414 : vector<1x1x16xf32> to vector<16xf32>
        %mul3A_2416 = arith.mulf %get3A_2415, %get3A_2357 : vector<16xf32>
        %add3A_2417 = arith.addf %scan3A_2354, %mul3A_2416 : vector<16xf32>
        scf.yield %add3A_2367, %add3A_2377, %add3A_2387, %add3A_2397, %add3A_2407, %add3A_2417 : vector<16xf32>, vector<16xf32>, vector<16xf32>, vector<16xf32>, vector<16xf32>, vector<16xf32>
      }
      %scan3A_2073 = arith.constant 20 : i32
      %add3A_2074 = arith.constant 0 : i32
      %add3A_2075 = arith.addi %mul3A_1793, %add3A_2074 : i32
      %mul3A_2076 = arith.constant 128 : i32
      %mul3A_2077 = arith.muli %add3A_2075, %mul3A_2076 : i32
      %add3A_2078 = arith.constant 64 : i32
      %add3A_2079 = arith.addi %mul3A_2077, %add3A_2078 : i32
      %swap3A_2080 = arith.index_cast %add3A_2079 : i32 to index
      %swap3A_2081 = tpu.vector_load %arg9[%swap3A_2080] {strides = array<i32>} : memref<43008xf32, #tpu.memory_space<vmem>>, vector<16xf32>,
      %swap3A_2082 = vector.shape_cast %swap3A_2081 : vector<16xf32> to vector<16xf32>
      %swap3A_2083 = vector.shape_cast %scan3A_2072#0 : vector<16xf32> to vector<16xf32>
      tpu.vector_store %arg9[%swap3A_2080], %swap3A_2083 {strides = array<i32>} : memref<43008xf32, #tpu.memory_space<vmem>>, vector<16xf32>,
      %add3A_2084 = arith.constant 1 : i32
      %add3A_2085 = arith.addi %mul3A_1793, %add3A_2084 : i32
      %mul3A_2086 = arith.constant 128 : i32
      %mul3A_2087 = arith.muli %add3A_2085, %mul3A_2086 : i32
      %add3A_2088 = arith.constant 64 : i32
      %add3A_2089 = arith.addi %mul3A_2087, %add3A_2088 : i32
      %swap3A_2090 = arith.index_cast %add3A_2089 : i32 to index
      %swap3A_2091 = tpu.vector_load %arg9[%swap3A_2090] {strides = array<i32>} : memref<43008xf32, #tpu.memory_space<vmem>>, vector<16xf32>,
      %swap3A_2092 = vector.shape_cast %swap3A_2091 : vector<16xf32> to vector<16xf32>
      %swap3A_2093 = vector.shape_cast %scan3A_2072#1 : vector<16xf32> to vector<16xf32>
      tpu.vector_store %arg9[%swap3A_2090], %swap3A_2093 {strides = array<i32>} : memref<43008xf32, #tpu.memory_space<vmem>>, vector<16xf32>,
      %add3A_2094 = arith.constant 2 : i32
      %add3A_2095 = arith.addi %mul3A_1793, %add3A_2094 : i32
      %mul3A_2096 = arith.constant 128 : i32
      %mul3A_2097 = arith.muli %add3A_2095, %mul3A_2096 : i32
      %add3A_2098 = arith.constant 64 : i32
      %add3A_2099 = arith.addi %mul3A_2097, %add3A_2098 : i32
      %swap3A_2100 = arith.index_cast %add3A_2099 : i32 to index
      %swap3A_2101 = tpu.vector_load %arg9[%swap3A_2100] {strides = array<i32>} : memref<43008xf32, #tpu.memory_space<vmem>>, vector<16xf32>,
      %swap3A_2102 = vector.shape_cast %swap3A_2101 : vector<16xf32> to vector<16xf32>
      %swap3A_2103 = vector.shape_cast %scan3A_2072#2 : vector<16xf32> to vector<16xf32>
      tpu.vector_store %arg9[%swap3A_2100], %swap3A_2103 {strides = array<i32>} : memref<43008xf32, #tpu.memory_space<vmem>>, vector<16xf32>,
      %add3A_2104 = arith.constant 3 : i32
      %add3A_2105 = arith.addi %mul3A_1793, %add3A_2104 : i32
      %mul3A_2106 = arith.constant 128 : i32
      %mul3A_2107 = arith.muli %add3A_2105, %mul3A_2106 : i32
      %add3A_2108 = arith.constant 64 : i32
      %add3A_2109 = arith.addi %mul3A_2107, %add3A_2108 : i32
      %swap3A_2110 = arith.index_cast %add3A_2109 : i32 to index
      %swap3A_2111 = tpu.vector_load %arg9[%swap3A_2110] {strides = array<i32>} : memref<43008xf32, #tpu.memory_space<vmem>>, vector<16xf32>,
      %swap3A_2112 = vector.shape_cast %swap3A_2111 : vector<16xf32> to vector<16xf32>
      %swap3A_2113 = vector.shape_cast %scan3A_2072#3 : vector<16xf32> to vector<16xf32>
      tpu.vector_store %arg9[%swap3A_2110], %swap3A_2113 {strides = array<i32>} : memref<43008xf32, #tpu.memory_space<vmem>>, vector<16xf32>,
      %add3A_2114 = arith.constant 4 : i32
      %add3A_2115 = arith.addi %mul3A_1793, %add3A_2114 : i32
      %mul3A_2116 = arith.constant 128 : i32
      %mul3A_2117 = arith.muli %add3A_2115, %mul3A_2116 : i32
      %add3A_2118 = arith.constant 64 : i32
      %add3A_2119 = arith.addi %mul3A_2117, %add3A_2118 : i32
      %swap3A_2120 = arith.index_cast %add3A_2119 : i32 to index
      %swap3A_2121 = tpu.vector_load %arg9[%swap3A_2120] {strides = array<i32>} : memref<43008xf32, #tpu.memory_space<vmem>>, vector<16xf32>,
      %swap3A_2122 = vector.shape_cast %swap3A_2121 : vector<16xf32> to vector<16xf32>
      %swap3A_2123 = vector.shape_cast %scan3A_2072#4 : vector<16xf32> to vector<16xf32>
      tpu.vector_store %arg9[%swap3A_2120], %swap3A_2123 {strides = array<i32>} : memref<43008xf32, #tpu.memory_space<vmem>>, vector<16xf32>,
      %add3A_2124 = arith.constant 5 : i32
      %add3A_2125 = arith.addi %mul3A_1793, %add3A_2124 : i32
      %mul3A_2126 = arith.constant 128 : i32
      %mul3A_2127 = arith.muli %add3A_2125, %mul3A_2126 : i32
      %add3A_2128 = arith.constant 64 : i32
      %add3A_2129 = arith.addi %mul3A_2127, %add3A_2128 : i32
      %swap3A_2130 = arith.index_cast %add3A_2129 : i32 to index
      %swap3A_2131 = tpu.vector_load %arg9[%swap3A_2130] {strides = array<i32>} : memref<43008xf32, #tpu.memory_space<vmem>>, vector<16xf32>,
      %swap3A_2132 = vector.shape_cast %swap3A_2131 : vector<16xf32> to vector<16xf32>
      %swap3A_2133 = vector.shape_cast %scan3A_2072#5 : vector<16xf32> to vector<16xf32>
      tpu.vector_store %arg9[%swap3A_2130], %swap3A_2133 {strides = array<i32>} : memref<43008xf32, #tpu.memory_space<vmem>>, vector<16xf32>,
      %broadcast_in_dim3A_2134 = arith.constant 0.000000e+00 : f32
      %broadcast_in_dim3A_2135 = vector.broadcast %broadcast_in_dim3A_2134 : f32 to vector<16xf32>
      %scan3A_2136 = arith.constant 0 : i32
      %scan3A_2137 = arith.constant 20 : i32
      %scan3A_2138 = arith.addi %scan3A_2136, %scan3A_2137 : i32
      %scan3A_2139 = arith.constant 1 : i32
      %scan3A_2140:6 = scf.for %scan3A_2348 = %scan3A_2136 to %scan3A_2138 step %scan3A_2139 iter_args(%scan3A_2349 = %broadcast_in_dim3A_2135, %scan3A_2350 = %broadcast_in_dim3A_2135, %scan3A_2351 = %broadcast_in_dim3A_2135, %scan3A_2352 = %broadcast_in_dim3A_2135, %scan3A_2353 = %broadcast_in_dim3A_2135, %scan3A_2354 = %broadcast_in_dim3A_2135) -> (vector<16xf32>, vector<16xf32>, vector<16xf32>, vector<16xf32>, vector<16xf32>, vector<16xf32>)  : i32 {
        %get3A = arith.index_cast %scan3A_2348 : i32 to index
        %get3A_2355 = arith.constant 80 : index
        %get3A_2356 = tpu.vector_load %arg7[%get3A, %get3A_2355] {strides = array<i32>} : memref<20x128xf32, #tpu.memory_space<vmem>>, vector<1x16xf32>,
        %get3A_2357 = vector.shape_cast %get3A_2356 : vector<1x16xf32> to vector<16xf32>
        %add3A_2358 = arith.constant 0 : i32
        %add3A_2359 = arith.addi %add3A_2358, %scan3A_2348 : i32
        %get3A_2360 = arith.constant 3 : i32
        %get3A_2361 = arith.index_cast %get3A_2360 : i32 to index
        %get3A_2362 = arith.index_cast %add3A_2359 : i32 to index
        %get3A_2363 = arith.constant 80 : index
        %get3A_2364 = tpu.vector_load %arg8[%get3A_2361, %get3A_2362, %get3A_2363] {strides = array<i32>} : memref<4x120x128xf32, #tpu.memory_space<vmem>>, vector<1x1x16xf32>,
        %get3A_2365 = vector.shape_cast %get3A_2364 : vector<1x1x16xf32> to vector<16xf32>
        %mul3A_2366 = arith.mulf %get3A_2365, %get3A_2357 : vector<16xf32>
        %add3A_2367 = arith.addf %scan3A_2349, %mul3A_2366 : vector<16xf32>
        %add3A_2368 = arith.constant 20 : i32
        %add3A_2369 = arith.addi %add3A_2368, %scan3A_2348 : i32
        %get3A_2370 = arith.constant 3 : i32
        %get3A_2371 = arith.index_cast %get3A_2370 : i32 to index
        %get3A_2372 = arith.index_cast %add3A_2369 : i32 to index
        %get3A_2373 = arith.constant 80 : index
        %get3A_2374 = tpu.vector_load %arg8[%get3A_2371, %get3A_2372, %get3A_2373] {strides = array<i32>} : memref<4x120x128xf32, #tpu.memory_space<vmem>>, vector<1x1x16xf32>,
        %get3A_2375 = vector.shape_cast %get3A_2374 : vector<1x1x16xf32> to vector<16xf32>
        %mul3A_2376 = arith.mulf %get3A_2375, %get3A_2357 : vector<16xf32>
        %add3A_2377 = arith.addf %scan3A_2350, %mul3A_2376 : vector<16xf32>
        %add3A_2378 = arith.constant 40 : i32
        %add3A_2379 = arith.addi %add3A_2378, %scan3A_2348 : i32
        %get3A_2380 = arith.constant 3 : i32
        %get3A_2381 = arith.index_cast %get3A_2380 : i32 to index
        %get3A_2382 = arith.index_cast %add3A_2379 : i32 to index
        %get3A_2383 = arith.constant 80 : index
        %get3A_2384 = tpu.vector_load %arg8[%get3A_2381, %get3A_2382, %get3A_2383] {strides = array<i32>} : memref<4x120x128xf32, #tpu.memory_space<vmem>>, vector<1x1x16xf32>,
        %get3A_2385 = vector.shape_cast %get3A_2384 : vector<1x1x16xf32> to vector<16xf32>
        %mul3A_2386 = arith.mulf %get3A_2385, %get3A_2357 : vector<16xf32>
        %add3A_2387 = arith.addf %scan3A_2351, %mul3A_2386 : vector<16xf32>
        %add3A_2388 = arith.constant 60 : i32
        %add3A_2389 = arith.addi %add3A_2388, %scan3A_2348 : i32
        %get3A_2390 = arith.constant 3 : i32
        %get3A_2391 = arith.index_cast %get3A_2390 : i32 to index
        %get3A_2392 = arith.index_cast %add3A_2389 : i32 to index
        %get3A_2393 = arith.constant 80 : index
        %get3A_2394 = tpu.vector_load %arg8[%get3A_2391, %get3A_2392, %get3A_2393] {strides = array<i32>} : memref<4x120x128xf32, #tpu.memory_space<vmem>>, vector<1x1x16xf32>,
        %get3A_2395 = vector.shape_cast %get3A_2394 : vector<1x1x16xf32> to vector<16xf32>
        %mul3A_2396 = arith.mulf %get3A_2395, %get3A_2357 : vector<16xf32>
        %add3A_2397 = arith.addf %scan3A_2352, %mul3A_2396 : vector<16xf32>
        %add3A_2398 = arith.constant 80 : i32
        %add3A_2399 = arith.addi %add3A_2398, %scan3A_2348 : i32
        %get3A_2400 = arith.constant 3 : i32
        %get3A_2401 = arith.index_cast %get3A_2400 : i32 to index
        %get3A_2402 = arith.index_cast %add3A_2399 : i32 to index
        %get3A_2403 = arith.constant 80 : index
        %get3A_2404 = tpu.vector_load %arg8[%get3A_2401, %get3A_2402, %get3A_2403] {strides = array<i32>} : memref<4x120x128xf32, #tpu.memory_space<vmem>>, vector<1x1x16xf32>,
        %get3A_2405 = vector.shape_cast %get3A_2404 : vector<1x1x16xf32> to vector<16xf32>
        %mul3A_2406 = arith.mulf %get3A_2405, %get3A_2357 : vector<16xf32>
        %add3A_2407 = arith.addf %scan3A_2353, %mul3A_2406 : vector<16xf32>
        %add3A_2408 = arith.constant 100 : i32
        %add3A_2409 = arith.addi %add3A_2408, %scan3A_2348 : i32
        %get3A_2410 = arith.constant 3 : i32
        %get3A_2411 = arith.index_cast %get3A_2410 : i32 to index
        %get3A_2412 = arith.index_cast %add3A_2409 : i32 to index
        %get3A_2413 = arith.constant 80 : index
        %get3A_2414 = tpu.vector_load %arg8[%get3A_2411, %get3A_2412, %get3A_2413] {strides = array<i32>} : memref<4x120x128xf32, #tpu.memory_space<vmem>>, vector<1x1x16xf32>,
        %get3A_2415 = vector.shape_cast %get3A_2414 : vector<1x1x16xf32> to vector<16xf32>
        %mul3A_2416 = arith.mulf %get3A_2415, %get3A_2357 : vector<16xf32>
        %add3A_2417 = arith.addf %scan3A_2354, %mul3A_2416 : vector<16xf32>
        scf.yield %add3A_2367, %add3A_2377, %add3A_2387, %add3A_2397, %add3A_2407, %add3A_2417 : vector<16xf32>, vector<16xf32>, vector<16xf32>, vector<16xf32>, vector<16xf32>, vector<16xf32>
      }
      %scan3A_2141 = arith.constant 20 : i32
      %add3A_2142 = arith.constant 0 : i32
      %add3A_2143 = arith.addi %mul3A_1793, %add3A_2142 : i32
      %mul3A_2144 = arith.constant 128 : i32
      %mul3A_2145 = arith.muli %add3A_2143, %mul3A_2144 : i32
      %add3A_2146 = arith.constant 80 : i32
      %add3A_2147 = arith.addi %mul3A_2145, %add3A_2146 : i32
      %swap3A_2148 = arith.index_cast %add3A_2147 : i32 to index
      %swap3A_2149 = tpu.vector_load %arg9[%swap3A_2148] {strides = array<i32>} : memref<43008xf32, #tpu.memory_space<vmem>>, vector<16xf32>,
      %swap3A_2150 = vector.shape_cast %swap3A_2149 : vector<16xf32> to vector<16xf32>
      %swap3A_2151 = vector.shape_cast %scan3A_2140#0 : vector<16xf32> to vector<16xf32>
      tpu.vector_store %arg9[%swap3A_2148], %swap3A_2151 {strides = array<i32>} : memref<43008xf32, #tpu.memory_space<vmem>>, vector<16xf32>,
      %add3A_2152 = arith.constant 1 : i32
      %add3A_2153 = arith.addi %mul3A_1793, %add3A_2152 : i32
      %mul3A_2154 = arith.constant 128 : i32
      %mul3A_2155 = arith.muli %add3A_2153, %mul3A_2154 : i32
      %add3A_2156 = arith.constant 80 : i32
      %add3A_2157 = arith.addi %mul3A_2155, %add3A_2156 : i32
      %swap3A_2158 = arith.index_cast %add3A_2157 : i32 to index
      %swap3A_2159 = tpu.vector_load %arg9[%swap3A_2158] {strides = array<i32>} : memref<43008xf32, #tpu.memory_space<vmem>>, vector<16xf32>,
      %swap3A_2160 = vector.shape_cast %swap3A_2159 : vector<16xf32> to vector<16xf32>
      %swap3A_2161 = vector.shape_cast %scan3A_2140#1 : vector<16xf32> to vector<16xf32>
      tpu.vector_store %arg9[%swap3A_2158], %swap3A_2161 {strides = array<i32>} : memref<43008xf32, #tpu.memory_space<vmem>>, vector<16xf32>,
      %add3A_2162 = arith.constant 2 : i32
      %add3A_2163 = arith.addi %mul3A_1793, %add3A_2162 : i32
      %mul3A_2164 = arith.constant 128 : i32
      %mul3A_2165 = arith.muli %add3A_2163, %mul3A_2164 : i32
      %add3A_2166 = arith.constant 80 : i32
      %add3A_2167 = arith.addi %mul3A_2165, %add3A_2166 : i32
      %swap3A_2168 = arith.index_cast %add3A_2167 : i32 to index
      %swap3A_2169 = tpu.vector_load %arg9[%swap3A_2168] {strides = array<i32>} : memref<43008xf32, #tpu.memory_space<vmem>>, vector<16xf32>,
      %swap3A_2170 = vector.shape_cast %swap3A_2169 : vector<16xf32> to vector<16xf32>
      %swap3A_2171 = vector.shape_cast %scan3A_2140#2 : vector<16xf32> to vector<16xf32>
      tpu.vector_store %arg9[%swap3A_2168], %swap3A_2171 {strides = array<i32>} : memref<43008xf32, #tpu.memory_space<vmem>>, vector<16xf32>,
      %add3A_2172 = arith.constant 3 : i32
      %add3A_2173 = arith.addi %mul3A_1793, %add3A_2172 : i32
      %mul3A_2174 = arith.constant 128 : i32
      %mul3A_2175 = arith.muli %add3A_2173, %mul3A_2174 : i32
      %add3A_2176 = arith.constant 80 : i32
      %add3A_2177 = arith.addi %mul3A_2175, %add3A_2176 : i32
      %swap3A_2178 = arith.index_cast %add3A_2177 : i32 to index
      %swap3A_2179 = tpu.vector_load %arg9[%swap3A_2178] {strides = array<i32>} : memref<43008xf32, #tpu.memory_space<vmem>>, vector<16xf32>,
      %swap3A_2180 = vector.shape_cast %swap3A_2179 : vector<16xf32> to vector<16xf32>
      %swap3A_2181 = vector.shape_cast %scan3A_2140#3 : vector<16xf32> to vector<16xf32>
      tpu.vector_store %arg9[%swap3A_2178], %swap3A_2181 {strides = array<i32>} : memref<43008xf32, #tpu.memory_space<vmem>>, vector<16xf32>,
      %add3A_2182 = arith.constant 4 : i32
      %add3A_2183 = arith.addi %mul3A_1793, %add3A_2182 : i32
      %mul3A_2184 = arith.constant 128 : i32
      %mul3A_2185 = arith.muli %add3A_2183, %mul3A_2184 : i32
      %add3A_2186 = arith.constant 80 : i32
      %add3A_2187 = arith.addi %mul3A_2185, %add3A_2186 : i32
      %swap3A_2188 = arith.index_cast %add3A_2187 : i32 to index
      %swap3A_2189 = tpu.vector_load %arg9[%swap3A_2188] {strides = array<i32>} : memref<43008xf32, #tpu.memory_space<vmem>>, vector<16xf32>,
      %swap3A_2190 = vector.shape_cast %swap3A_2189 : vector<16xf32> to vector<16xf32>
      %swap3A_2191 = vector.shape_cast %scan3A_2140#4 : vector<16xf32> to vector<16xf32>
      tpu.vector_store %arg9[%swap3A_2188], %swap3A_2191 {strides = array<i32>} : memref<43008xf32, #tpu.memory_space<vmem>>, vector<16xf32>,
      %add3A_2192 = arith.constant 5 : i32
      %add3A_2193 = arith.addi %mul3A_1793, %add3A_2192 : i32
      %mul3A_2194 = arith.constant 128 : i32
      %mul3A_2195 = arith.muli %add3A_2193, %mul3A_2194 : i32
      %add3A_2196 = arith.constant 80 : i32
      %add3A_2197 = arith.addi %mul3A_2195, %add3A_2196 : i32
      %swap3A_2198 = arith.index_cast %add3A_2197 : i32 to index
      %swap3A_2199 = tpu.vector_load %arg9[%swap3A_2198] {strides = array<i32>} : memref<43008xf32, #tpu.memory_space<vmem>>, vector<16xf32>,
      %swap3A_2200 = vector.shape_cast %swap3A_2199 : vector<16xf32> to vector<16xf32>
      %swap3A_2201 = vector.shape_cast %scan3A_2140#5 : vector<16xf32> to vector<16xf32>
      tpu.vector_store %arg9[%swap3A_2198], %swap3A_2201 {strides = array<i32>} : memref<43008xf32, #tpu.memory_space<vmem>>, vector<16xf32>,
      %broadcast_in_dim3A_2202 = arith.constant 0.000000e+00 : f32
      %broadcast_in_dim3A_2203 = vector.broadcast %broadcast_in_dim3A_2202 : f32 to vector<16xf32>
      %scan3A_2204 = arith.constant 0 : i32
      %scan3A_2205 = arith.constant 20 : i32
      %scan3A_2206 = arith.addi %scan3A_2204, %scan3A_2205 : i32
      %scan3A_2207 = arith.constant 1 : i32
      %scan3A_2208:6 = scf.for %scan3A_2348 = %scan3A_2204 to %scan3A_2206 step %scan3A_2207 iter_args(%scan3A_2349 = %broadcast_in_dim3A_2203, %scan3A_2350 = %broadcast_in_dim3A_2203, %scan3A_2351 = %broadcast_in_dim3A_2203, %scan3A_2352 = %broadcast_in_dim3A_2203, %scan3A_2353 = %broadcast_in_dim3A_2203, %scan3A_2354 = %broadcast_in_dim3A_2203) -> (vector<16xf32>, vector<16xf32>, vector<16xf32>, vector<16xf32>, vector<16xf32>, vector<16xf32>)  : i32 {
        %get3A = arith.index_cast %scan3A_2348 : i32 to index
        %get3A_2355 = arith.constant 96 : index
        %get3A_2356 = tpu.vector_load %arg7[%get3A, %get3A_2355] {strides = array<i32>} : memref<20x128xf32, #tpu.memory_space<vmem>>, vector<1x16xf32>,
        %get3A_2357 = vector.shape_cast %get3A_2356 : vector<1x16xf32> to vector<16xf32>
        %add3A_2358 = arith.constant 0 : i32
        %add3A_2359 = arith.addi %add3A_2358, %scan3A_2348 : i32
        %get3A_2360 = arith.constant 3 : i32
        %get3A_2361 = arith.index_cast %get3A_2360 : i32 to index
        %get3A_2362 = arith.index_cast %add3A_2359 : i32 to index
        %get3A_2363 = arith.constant 96 : index
        %get3A_2364 = tpu.vector_load %arg8[%get3A_2361, %get3A_2362, %get3A_2363] {strides = array<i32>} : memref<4x120x128xf32, #tpu.memory_space<vmem>>, vector<1x1x16xf32>,
        %get3A_2365 = vector.shape_cast %get3A_2364 : vector<1x1x16xf32> to vector<16xf32>
        %mul3A_2366 = arith.mulf %get3A_2365, %get3A_2357 : vector<16xf32>
        %add3A_2367 = arith.addf %scan3A_2349, %mul3A_2366 : vector<16xf32>
        %add3A_2368 = arith.constant 20 : i32
        %add3A_2369 = arith.addi %add3A_2368, %scan3A_2348 : i32
        %get3A_2370 = arith.constant 3 : i32
        %get3A_2371 = arith.index_cast %get3A_2370 : i32 to index
        %get3A_2372 = arith.index_cast %add3A_2369 : i32 to index
        %get3A_2373 = arith.constant 96 : index
        %get3A_2374 = tpu.vector_load %arg8[%get3A_2371, %get3A_2372, %get3A_2373] {strides = array<i32>} : memref<4x120x128xf32, #tpu.memory_space<vmem>>, vector<1x1x16xf32>,
        %get3A_2375 = vector.shape_cast %get3A_2374 : vector<1x1x16xf32> to vector<16xf32>
        %mul3A_2376 = arith.mulf %get3A_2375, %get3A_2357 : vector<16xf32>
        %add3A_2377 = arith.addf %scan3A_2350, %mul3A_2376 : vector<16xf32>
        %add3A_2378 = arith.constant 40 : i32
        %add3A_2379 = arith.addi %add3A_2378, %scan3A_2348 : i32
        %get3A_2380 = arith.constant 3 : i32
        %get3A_2381 = arith.index_cast %get3A_2380 : i32 to index
        %get3A_2382 = arith.index_cast %add3A_2379 : i32 to index
        %get3A_2383 = arith.constant 96 : index
        %get3A_2384 = tpu.vector_load %arg8[%get3A_2381, %get3A_2382, %get3A_2383] {strides = array<i32>} : memref<4x120x128xf32, #tpu.memory_space<vmem>>, vector<1x1x16xf32>,
        %get3A_2385 = vector.shape_cast %get3A_2384 : vector<1x1x16xf32> to vector<16xf32>
        %mul3A_2386 = arith.mulf %get3A_2385, %get3A_2357 : vector<16xf32>
        %add3A_2387 = arith.addf %scan3A_2351, %mul3A_2386 : vector<16xf32>
        %add3A_2388 = arith.constant 60 : i32
        %add3A_2389 = arith.addi %add3A_2388, %scan3A_2348 : i32
        %get3A_2390 = arith.constant 3 : i32
        %get3A_2391 = arith.index_cast %get3A_2390 : i32 to index
        %get3A_2392 = arith.index_cast %add3A_2389 : i32 to index
        %get3A_2393 = arith.constant 96 : index
        %get3A_2394 = tpu.vector_load %arg8[%get3A_2391, %get3A_2392, %get3A_2393] {strides = array<i32>} : memref<4x120x128xf32, #tpu.memory_space<vmem>>, vector<1x1x16xf32>,
        %get3A_2395 = vector.shape_cast %get3A_2394 : vector<1x1x16xf32> to vector<16xf32>
        %mul3A_2396 = arith.mulf %get3A_2395, %get3A_2357 : vector<16xf32>
        %add3A_2397 = arith.addf %scan3A_2352, %mul3A_2396 : vector<16xf32>
        %add3A_2398 = arith.constant 80 : i32
        %add3A_2399 = arith.addi %add3A_2398, %scan3A_2348 : i32
        %get3A_2400 = arith.constant 3 : i32
        %get3A_2401 = arith.index_cast %get3A_2400 : i32 to index
        %get3A_2402 = arith.index_cast %add3A_2399 : i32 to index
        %get3A_2403 = arith.constant 96 : index
        %get3A_2404 = tpu.vector_load %arg8[%get3A_2401, %get3A_2402, %get3A_2403] {strides = array<i32>} : memref<4x120x128xf32, #tpu.memory_space<vmem>>, vector<1x1x16xf32>,
        %get3A_2405 = vector.shape_cast %get3A_2404 : vector<1x1x16xf32> to vector<16xf32>
        %mul3A_2406 = arith.mulf %get3A_2405, %get3A_2357 : vector<16xf32>
        %add3A_2407 = arith.addf %scan3A_2353, %mul3A_2406 : vector<16xf32>
        %add3A_2408 = arith.constant 100 : i32
        %add3A_2409 = arith.addi %add3A_2408, %scan3A_2348 : i32
        %get3A_2410 = arith.constant 3 : i32
        %get3A_2411 = arith.index_cast %get3A_2410 : i32 to index
        %get3A_2412 = arith.index_cast %add3A_2409 : i32 to index
        %get3A_2413 = arith.constant 96 : index
        %get3A_2414 = tpu.vector_load %arg8[%get3A_2411, %get3A_2412, %get3A_2413] {strides = array<i32>} : memref<4x120x128xf32, #tpu.memory_space<vmem>>, vector<1x1x16xf32>,
        %get3A_2415 = vector.shape_cast %get3A_2414 : vector<1x1x16xf32> to vector<16xf32>
        %mul3A_2416 = arith.mulf %get3A_2415, %get3A_2357 : vector<16xf32>
        %add3A_2417 = arith.addf %scan3A_2354, %mul3A_2416 : vector<16xf32>
        scf.yield %add3A_2367, %add3A_2377, %add3A_2387, %add3A_2397, %add3A_2407, %add3A_2417 : vector<16xf32>, vector<16xf32>, vector<16xf32>, vector<16xf32>, vector<16xf32>, vector<16xf32>
      }
      %scan3A_2209 = arith.constant 20 : i32
      %add3A_2210 = arith.constant 0 : i32
      %add3A_2211 = arith.addi %mul3A_1793, %add3A_2210 : i32
      %mul3A_2212 = arith.constant 128 : i32
      %mul3A_2213 = arith.muli %add3A_2211, %mul3A_2212 : i32
      %add3A_2214 = arith.constant 96 : i32
      %add3A_2215 = arith.addi %mul3A_2213, %add3A_2214 : i32
      %swap3A_2216 = arith.index_cast %add3A_2215 : i32 to index
      %swap3A_2217 = tpu.vector_load %arg9[%swap3A_2216] {strides = array<i32>} : memref<43008xf32, #tpu.memory_space<vmem>>, vector<16xf32>,
      %swap3A_2218 = vector.shape_cast %swap3A_2217 : vector<16xf32> to vector<16xf32>
      %swap3A_2219 = vector.shape_cast %scan3A_2208#0 : vector<16xf32> to vector<16xf32>
      tpu.vector_store %arg9[%swap3A_2216], %swap3A_2219 {strides = array<i32>} : memref<43008xf32, #tpu.memory_space<vmem>>, vector<16xf32>,
      %add3A_2220 = arith.constant 1 : i32
      %add3A_2221 = arith.addi %mul3A_1793, %add3A_2220 : i32
      %mul3A_2222 = arith.constant 128 : i32
      %mul3A_2223 = arith.muli %add3A_2221, %mul3A_2222 : i32
      %add3A_2224 = arith.constant 96 : i32
      %add3A_2225 = arith.addi %mul3A_2223, %add3A_2224 : i32
      %swap3A_2226 = arith.index_cast %add3A_2225 : i32 to index
      %swap3A_2227 = tpu.vector_load %arg9[%swap3A_2226] {strides = array<i32>} : memref<43008xf32, #tpu.memory_space<vmem>>, vector<16xf32>,
      %swap3A_2228 = vector.shape_cast %swap3A_2227 : vector<16xf32> to vector<16xf32>
      %swap3A_2229 = vector.shape_cast %scan3A_2208#1 : vector<16xf32> to vector<16xf32>
      tpu.vector_store %arg9[%swap3A_2226], %swap3A_2229 {strides = array<i32>} : memref<43008xf32, #tpu.memory_space<vmem>>, vector<16xf32>,
      %add3A_2230 = arith.constant 2 : i32
      %add3A_2231 = arith.addi %mul3A_1793, %add3A_2230 : i32
      %mul3A_2232 = arith.constant 128 : i32
      %mul3A_2233 = arith.muli %add3A_2231, %mul3A_2232 : i32
      %add3A_2234 = arith.constant 96 : i32
      %add3A_2235 = arith.addi %mul3A_2233, %add3A_2234 : i32
      %swap3A_2236 = arith.index_cast %add3A_2235 : i32 to index
      %swap3A_2237 = tpu.vector_load %arg9[%swap3A_2236] {strides = array<i32>} : memref<43008xf32, #tpu.memory_space<vmem>>, vector<16xf32>,
      %swap3A_2238 = vector.shape_cast %swap3A_2237 : vector<16xf32> to vector<16xf32>
      %swap3A_2239 = vector.shape_cast %scan3A_2208#2 : vector<16xf32> to vector<16xf32>
      tpu.vector_store %arg9[%swap3A_2236], %swap3A_2239 {strides = array<i32>} : memref<43008xf32, #tpu.memory_space<vmem>>, vector<16xf32>,
      %add3A_2240 = arith.constant 3 : i32
      %add3A_2241 = arith.addi %mul3A_1793, %add3A_2240 : i32
      %mul3A_2242 = arith.constant 128 : i32
      %mul3A_2243 = arith.muli %add3A_2241, %mul3A_2242 : i32
      %add3A_2244 = arith.constant 96 : i32
      %add3A_2245 = arith.addi %mul3A_2243, %add3A_2244 : i32
      %swap3A_2246 = arith.index_cast %add3A_2245 : i32 to index
      %swap3A_2247 = tpu.vector_load %arg9[%swap3A_2246] {strides = array<i32>} : memref<43008xf32, #tpu.memory_space<vmem>>, vector<16xf32>,
      %swap3A_2248 = vector.shape_cast %swap3A_2247 : vector<16xf32> to vector<16xf32>
      %swap3A_2249 = vector.shape_cast %scan3A_2208#3 : vector<16xf32> to vector<16xf32>
      tpu.vector_store %arg9[%swap3A_2246], %swap3A_2249 {strides = array<i32>} : memref<43008xf32, #tpu.memory_space<vmem>>, vector<16xf32>,
      %add3A_2250 = arith.constant 4 : i32
      %add3A_2251 = arith.addi %mul3A_1793, %add3A_2250 : i32
      %mul3A_2252 = arith.constant 128 : i32
      %mul3A_2253 = arith.muli %add3A_2251, %mul3A_2252 : i32
      %add3A_2254 = arith.constant 96 : i32
      %add3A_2255 = arith.addi %mul3A_2253, %add3A_2254 : i32
      %swap3A_2256 = arith.index_cast %add3A_2255 : i32 to index
      %swap3A_2257 = tpu.vector_load %arg9[%swap3A_2256] {strides = array<i32>} : memref<43008xf32, #tpu.memory_space<vmem>>, vector<16xf32>,
      %swap3A_2258 = vector.shape_cast %swap3A_2257 : vector<16xf32> to vector<16xf32>
      %swap3A_2259 = vector.shape_cast %scan3A_2208#4 : vector<16xf32> to vector<16xf32>
      tpu.vector_store %arg9[%swap3A_2256], %swap3A_2259 {strides = array<i32>} : memref<43008xf32, #tpu.memory_space<vmem>>, vector<16xf32>,
      %add3A_2260 = arith.constant 5 : i32
      %add3A_2261 = arith.addi %mul3A_1793, %add3A_2260 : i32
      %mul3A_2262 = arith.constant 128 : i32
      %mul3A_2263 = arith.muli %add3A_2261, %mul3A_2262 : i32
      %add3A_2264 = arith.constant 96 : i32
      %add3A_2265 = arith.addi %mul3A_2263, %add3A_2264 : i32
      %swap3A_2266 = arith.index_cast %add3A_2265 : i32 to index
      %swap3A_2267 = tpu.vector_load %arg9[%swap3A_2266] {strides = array<i32>} : memref<43008xf32, #tpu.memory_space<vmem>>, vector<16xf32>,
      %swap3A_2268 = vector.shape_cast %swap3A_2267 : vector<16xf32> to vector<16xf32>
      %swap3A_2269 = vector.shape_cast %scan3A_2208#5 : vector<16xf32> to vector<16xf32>
      tpu.vector_store %arg9[%swap3A_2266], %swap3A_2269 {strides = array<i32>} : memref<43008xf32, #tpu.memory_space<vmem>>, vector<16xf32>,
      %broadcast_in_dim3A_2270 = arith.constant 0.000000e+00 : f32
      %broadcast_in_dim3A_2271 = vector.broadcast %broadcast_in_dim3A_2270 : f32 to vector<16xf32>
      %scan3A_2272 = arith.constant 0 : i32
      %scan3A_2273 = arith.constant 20 : i32
      %scan3A_2274 = arith.addi %scan3A_2272, %scan3A_2273 : i32
      %scan3A_2275 = arith.constant 1 : i32
      %scan3A_2276:6 = scf.for %scan3A_2348 = %scan3A_2272 to %scan3A_2274 step %scan3A_2275 iter_args(%scan3A_2349 = %broadcast_in_dim3A_2271, %scan3A_2350 = %broadcast_in_dim3A_2271, %scan3A_2351 = %broadcast_in_dim3A_2271, %scan3A_2352 = %broadcast_in_dim3A_2271, %scan3A_2353 = %broadcast_in_dim3A_2271, %scan3A_2354 = %broadcast_in_dim3A_2271) -> (vector<16xf32>, vector<16xf32>, vector<16xf32>, vector<16xf32>, vector<16xf32>, vector<16xf32>)  : i32 {
        %get3A = arith.index_cast %scan3A_2348 : i32 to index
        %get3A_2355 = arith.constant 112 : index
        %get3A_2356 = tpu.vector_load %arg7[%get3A, %get3A_2355] {strides = array<i32>} : memref<20x128xf32, #tpu.memory_space<vmem>>, vector<1x16xf32>,
        %get3A_2357 = vector.shape_cast %get3A_2356 : vector<1x16xf32> to vector<16xf32>
        %add3A_2358 = arith.constant 0 : i32
        %add3A_2359 = arith.addi %add3A_2358, %scan3A_2348 : i32
        %get3A_2360 = arith.constant 3 : i32
        %get3A_2361 = arith.index_cast %get3A_2360 : i32 to index
        %get3A_2362 = arith.index_cast %add3A_2359 : i32 to index
        %get3A_2363 = arith.constant 112 : index
        %get3A_2364 = tpu.vector_load %arg8[%get3A_2361, %get3A_2362, %get3A_2363] {strides = array<i32>} : memref<4x120x128xf32, #tpu.memory_space<vmem>>, vector<1x1x16xf32>,
        %get3A_2365 = vector.shape_cast %get3A_2364 : vector<1x1x16xf32> to vector<16xf32>
        %mul3A_2366 = arith.mulf %get3A_2365, %get3A_2357 : vector<16xf32>
        %add3A_2367 = arith.addf %scan3A_2349, %mul3A_2366 : vector<16xf32>
        %add3A_2368 = arith.constant 20 : i32
        %add3A_2369 = arith.addi %add3A_2368, %scan3A_2348 : i32
        %get3A_2370 = arith.constant 3 : i32
        %get3A_2371 = arith.index_cast %get3A_2370 : i32 to index
        %get3A_2372 = arith.index_cast %add3A_2369 : i32 to index
        %get3A_2373 = arith.constant 112 : index
        %get3A_2374 = tpu.vector_load %arg8[%get3A_2371, %get3A_2372, %get3A_2373] {strides = array<i32>} : memref<4x120x128xf32, #tpu.memory_space<vmem>>, vector<1x1x16xf32>,
        %get3A_2375 = vector.shape_cast %get3A_2374 : vector<1x1x16xf32> to vector<16xf32>
        %mul3A_2376 = arith.mulf %get3A_2375, %get3A_2357 : vector<16xf32>
        %add3A_2377 = arith.addf %scan3A_2350, %mul3A_2376 : vector<16xf32>
        %add3A_2378 = arith.constant 40 : i32
        %add3A_2379 = arith.addi %add3A_2378, %scan3A_2348 : i32
        %get3A_2380 = arith.constant 3 : i32
        %get3A_2381 = arith.index_cast %get3A_2380 : i32 to index
        %get3A_2382 = arith.index_cast %add3A_2379 : i32 to index
        %get3A_2383 = arith.constant 112 : index
        %get3A_2384 = tpu.vector_load %arg8[%get3A_2381, %get3A_2382, %get3A_2383] {strides = array<i32>} : memref<4x120x128xf32, #tpu.memory_space<vmem>>, vector<1x1x16xf32>,
        %get3A_2385 = vector.shape_cast %get3A_2384 : vector<1x1x16xf32> to vector<16xf32>
        %mul3A_2386 = arith.mulf %get3A_2385, %get3A_2357 : vector<16xf32>
        %add3A_2387 = arith.addf %scan3A_2351, %mul3A_2386 : vector<16xf32>
        %add3A_2388 = arith.constant 60 : i32
        %add3A_2389 = arith.addi %add3A_2388, %scan3A_2348 : i32
        %get3A_2390 = arith.constant 3 : i32
        %get3A_2391 = arith.index_cast %get3A_2390 : i32 to index
        %get3A_2392 = arith.index_cast %add3A_2389 : i32 to index
        %get3A_2393 = arith.constant 112 : index
        %get3A_2394 = tpu.vector_load %arg8[%get3A_2391, %get3A_2392, %get3A_2393] {strides = array<i32>} : memref<4x120x128xf32, #tpu.memory_space<vmem>>, vector<1x1x16xf32>,
        %get3A_2395 = vector.shape_cast %get3A_2394 : vector<1x1x16xf32> to vector<16xf32>
        %mul3A_2396 = arith.mulf %get3A_2395, %get3A_2357 : vector<16xf32>
        %add3A_2397 = arith.addf %scan3A_2352, %mul3A_2396 : vector<16xf32>
        %add3A_2398 = arith.constant 80 : i32
        %add3A_2399 = arith.addi %add3A_2398, %scan3A_2348 : i32
        %get3A_2400 = arith.constant 3 : i32
        %get3A_2401 = arith.index_cast %get3A_2400 : i32 to index
        %get3A_2402 = arith.index_cast %add3A_2399 : i32 to index
        %get3A_2403 = arith.constant 112 : index
        %get3A_2404 = tpu.vector_load %arg8[%get3A_2401, %get3A_2402, %get3A_2403] {strides = array<i32>} : memref<4x120x128xf32, #tpu.memory_space<vmem>>, vector<1x1x16xf32>,
        %get3A_2405 = vector.shape_cast %get3A_2404 : vector<1x1x16xf32> to vector<16xf32>
        %mul3A_2406 = arith.mulf %get3A_2405, %get3A_2357 : vector<16xf32>
        %add3A_2407 = arith.addf %scan3A_2353, %mul3A_2406 : vector<16xf32>
        %add3A_2408 = arith.constant 100 : i32
        %add3A_2409 = arith.addi %add3A_2408, %scan3A_2348 : i32
        %get3A_2410 = arith.constant 3 : i32
        %get3A_2411 = arith.index_cast %get3A_2410 : i32 to index
        %get3A_2412 = arith.index_cast %add3A_2409 : i32 to index
        %get3A_2413 = arith.constant 112 : index
        %get3A_2414 = tpu.vector_load %arg8[%get3A_2411, %get3A_2412, %get3A_2413] {strides = array<i32>} : memref<4x120x128xf32, #tpu.memory_space<vmem>>, vector<1x1x16xf32>,
        %get3A_2415 = vector.shape_cast %get3A_2414 : vector<1x1x16xf32> to vector<16xf32>
        %mul3A_2416 = arith.mulf %get3A_2415, %get3A_2357 : vector<16xf32>
        %add3A_2417 = arith.addf %scan3A_2354, %mul3A_2416 : vector<16xf32>
        scf.yield %add3A_2367, %add3A_2377, %add3A_2387, %add3A_2397, %add3A_2407, %add3A_2417 : vector<16xf32>, vector<16xf32>, vector<16xf32>, vector<16xf32>, vector<16xf32>, vector<16xf32>
      }
      %scan3A_2277 = arith.constant 20 : i32
      %add3A_2278 = arith.constant 0 : i32
      %add3A_2279 = arith.addi %mul3A_1793, %add3A_2278 : i32
      %mul3A_2280 = arith.constant 128 : i32
      %mul3A_2281 = arith.muli %add3A_2279, %mul3A_2280 : i32
      %add3A_2282 = arith.constant 112 : i32
      %add3A_2283 = arith.addi %mul3A_2281, %add3A_2282 : i32
      %swap3A_2284 = arith.index_cast %add3A_2283 : i32 to index
      %swap3A_2285 = tpu.vector_load %arg9[%swap3A_2284] {strides = array<i32>} : memref<43008xf32, #tpu.memory_space<vmem>>, vector<16xf32>,
      %swap3A_2286 = vector.shape_cast %swap3A_2285 : vector<16xf32> to vector<16xf32>
      %swap3A_2287 = vector.shape_cast %scan3A_2276#0 : vector<16xf32> to vector<16xf32>
      tpu.vector_store %arg9[%swap3A_2284], %swap3A_2287 {strides = array<i32>} : memref<43008xf32, #tpu.memory_space<vmem>>, vector<16xf32>,
      %add3A_2288 = arith.constant 1 : i32
      %add3A_2289 = arith.addi %mul3A_1793, %add3A_2288 : i32
      %mul3A_2290 = arith.constant 128 : i32
      %mul3A_2291 = arith.muli %add3A_2289, %mul3A_2290 : i32
      %add3A_2292 = arith.constant 112 : i32
      %add3A_2293 = arith.addi %mul3A_2291, %add3A_2292 : i32
      %swap3A_2294 = arith.index_cast %add3A_2293 : i32 to index
      %swap3A_2295 = tpu.vector_load %arg9[%swap3A_2294] {strides = array<i32>} : memref<43008xf32, #tpu.memory_space<vmem>>, vector<16xf32>,
      %swap3A_2296 = vector.shape_cast %swap3A_2295 : vector<16xf32> to vector<16xf32>
      %swap3A_2297 = vector.shape_cast %scan3A_2276#1 : vector<16xf32> to vector<16xf32>
      tpu.vector_store %arg9[%swap3A_2294], %swap3A_2297 {strides = array<i32>} : memref<43008xf32, #tpu.memory_space<vmem>>, vector<16xf32>,
      %add3A_2298 = arith.constant 2 : i32
      %add3A_2299 = arith.addi %mul3A_1793, %add3A_2298 : i32
      %mul3A_2300 = arith.constant 128 : i32
      %mul3A_2301 = arith.muli %add3A_2299, %mul3A_2300 : i32
      %add3A_2302 = arith.constant 112 : i32
      %add3A_2303 = arith.addi %mul3A_2301, %add3A_2302 : i32
      %swap3A_2304 = arith.index_cast %add3A_2303 : i32 to index
      %swap3A_2305 = tpu.vector_load %arg9[%swap3A_2304] {strides = array<i32>} : memref<43008xf32, #tpu.memory_space<vmem>>, vector<16xf32>,
      %swap3A_2306 = vector.shape_cast %swap3A_2305 : vector<16xf32> to vector<16xf32>
      %swap3A_2307 = vector.shape_cast %scan3A_2276#2 : vector<16xf32> to vector<16xf32>
      tpu.vector_store %arg9[%swap3A_2304], %swap3A_2307 {strides = array<i32>} : memref<43008xf32, #tpu.memory_space<vmem>>, vector<16xf32>,
      %add3A_2308 = arith.constant 3 : i32
      %add3A_2309 = arith.addi %mul3A_1793, %add3A_2308 : i32
      %mul3A_2310 = arith.constant 128 : i32
      %mul3A_2311 = arith.muli %add3A_2309, %mul3A_2310 : i32
      %add3A_2312 = arith.constant 112 : i32
      %add3A_2313 = arith.addi %mul3A_2311, %add3A_2312 : i32
      %swap3A_2314 = arith.index_cast %add3A_2313 : i32 to index
      %swap3A_2315 = tpu.vector_load %arg9[%swap3A_2314] {strides = array<i32>} : memref<43008xf32, #tpu.memory_space<vmem>>, vector<16xf32>,
      %swap3A_2316 = vector.shape_cast %swap3A_2315 : vector<16xf32> to vector<16xf32>
      %swap3A_2317 = vector.shape_cast %scan3A_2276#3 : vector<16xf32> to vector<16xf32>
      tpu.vector_store %arg9[%swap3A_2314], %swap3A_2317 {strides = array<i32>} : memref<43008xf32, #tpu.memory_space<vmem>>, vector<16xf32>,
      %add3A_2318 = arith.constant 4 : i32
      %add3A_2319 = arith.addi %mul3A_1793, %add3A_2318 : i32
      %mul3A_2320 = arith.constant 128 : i32
      %mul3A_2321 = arith.muli %add3A_2319, %mul3A_2320 : i32
      %add3A_2322 = arith.constant 112 : i32
      %add3A_2323 = arith.addi %mul3A_2321, %add3A_2322 : i32
      %swap3A_2324 = arith.index_cast %add3A_2323 : i32 to index
      %swap3A_2325 = tpu.vector_load %arg9[%swap3A_2324] {strides = array<i32>} : memref<43008xf32, #tpu.memory_space<vmem>>, vector<16xf32>,
      %swap3A_2326 = vector.shape_cast %swap3A_2325 : vector<16xf32> to vector<16xf32>
      %swap3A_2327 = vector.shape_cast %scan3A_2276#4 : vector<16xf32> to vector<16xf32>
      tpu.vector_store %arg9[%swap3A_2324], %swap3A_2327 {strides = array<i32>} : memref<43008xf32, #tpu.memory_space<vmem>>, vector<16xf32>,
      %add3A_2328 = arith.constant 5 : i32
      %add3A_2329 = arith.addi %mul3A_1793, %add3A_2328 : i32
      %mul3A_2330 = arith.constant 128 : i32
      %mul3A_2331 = arith.muli %add3A_2329, %mul3A_2330 : i32
      %add3A_2332 = arith.constant 112 : i32
      %add3A_2333 = arith.addi %mul3A_2331, %add3A_2332 : i32
      %swap3A_2334 = arith.index_cast %add3A_2333 : i32 to index
      %swap3A_2335 = tpu.vector_load %arg9[%swap3A_2334] {strides = array<i32>} : memref<43008xf32, #tpu.memory_space<vmem>>, vector<16xf32>,
      %swap3A_2336 = vector.shape_cast %swap3A_2335 : vector<16xf32> to vector<16xf32>
      %swap3A_2337 = vector.shape_cast %scan3A_2276#5 : vector<16xf32> to vector<16xf32>
      tpu.vector_store %arg9[%swap3A_2334], %swap3A_2337 {strides = array<i32>} : memref<43008xf32, #tpu.memory_space<vmem>>, vector<16xf32>,
      %eq3A_2338 = arith.constant 55 : i32
      %eq3A_2339 = arith.cmpi eq, %add3A_1789, %eq3A_2338 : i32
      %convert_element_type3A_2340 = arith.extui %eq3A_2339 : i1 to i32
      %cond3A_2341 = arith.constant 0 : i32
      %cond3A_2342 = arith.cmpi ne, %convert_element_type3A_2340, %cond3A_2341 : i32
      scf.if %cond3A_2342 {
        %dma_start3A_2348 = tpu.memref_slice %arg5[%mul3A_6] : memref<2752512xf32, #tpu.memory_space<hbm>> -> memref<43008xf32, #tpu.memory_space<hbm>>
        %dma_start3A_2349 = tpu.memref_slice %arg5[%mul3A_6] : memref<2752512xf32, #tpu.memory_space<hbm>> -> memref<43008xf32, #tpu.memory_space<hbm>>
        tpu.enqueue_dma source(%arg9 : memref<43008xf32, #tpu.memory_space<vmem>>) target(%dma_start3A_2349 : memref<43008xf32, #tpu.memory_space<hbm>>) target_semaphore(%arg14 : memref<!tpu.dma_semaphore, #tpu.memory_space<semaphore_mem>>)
      } else {
      }
      %eq3A_2343 = arith.constant 111 : i32
      %eq3A_2344 = arith.cmpi eq, %add3A_1789, %eq3A_2343 : i32
      %convert_element_type3A_2345 = arith.extui %eq3A_2344 : i1 to i32
      %cond3A_2346 = arith.constant 0 : i32
      %cond3A_2347 = arith.cmpi ne, %convert_element_type3A_2345, %cond3A_2346 : i32
      scf.if %cond3A_2347 {
        %add3A_2348 = arith.constant 43008 : i32
        %add3A_2349 = arith.addi %mul3A_6, %add3A_2348 : i32
        "tpu.region"() ({
          %run_scoped3A = tpu.sem_alloc : memref<!tpu.dma_semaphore, #tpu.memory_space<semaphore_mem>>
          %dma_start3A_2350 = tpu.memref_slice %arg5[%add3A_2349] : memref<2752512xf32, #tpu.memory_space<hbm>> -> memref<43008xf32, #tpu.memory_space<hbm>>
          %dma_start3A_2351 = tpu.memref_slice %arg5[%add3A_2349] : memref<2752512xf32, #tpu.memory_space<hbm>> -> memref<43008xf32, #tpu.memory_space<hbm>>
          tpu.enqueue_dma source(%arg9 : memref<43008xf32, #tpu.memory_space<vmem>>) target(%dma_start3A_2351 : memref<43008xf32, #tpu.memory_space<hbm>>) target_semaphore(%run_scoped3A : memref<!tpu.dma_semaphore, #tpu.memory_space<semaphore_mem>>)
          %dma_wait3A_2352 = tpu.memref_slice %arg5[%add3A_2349] : memref<2752512xf32, #tpu.memory_space<hbm>> -> memref<43008xf32, #tpu.memory_space<hbm>>
          %dma_wait3A_2353 = tpu.memref_slice %arg5[%add3A_2349] : memref<2752512xf32, #tpu.memory_space<hbm>> -> memref<43008xf32, #tpu.memory_space<hbm>>
          tpu.wait_dma2 semaphore(%run_scoped3A : memref<!tpu.dma_semaphore, #tpu.memory_space<semaphore_mem>>) src(%arg9 : memref<43008xf32, #tpu.memory_space<vmem>>) dst(%dma_wait3A_2353 : memref<43008xf32, #tpu.memory_space<hbm>>)
          tpu.yield
        }) : () -> ()
      } else {
      }
    }
    %scan3A_11 = arith.constant 28 : i32
    return
  }
}

</mosaic_0001>

<sc_bundles>
// kernel: _run.3.cloned.1.call-start
scs
__scs_entry_jumppad:
0x0: {  	(pc) =	sbr.rel $0x88, $3  }
0x1: {  	(tag) =	ssettag $0x0;
	lr =	simm.s32 $0x1  }
0x2: {  	[smem:$0x3F9E] =	sst lr;
	_ =	strace $0xD0000000  }
0x3: {  	_ = 	snop  }
0x4: {  	_ = 	snop  }
0x5: {  	_ = 	snop  }
0x6: {  	_ = 	snop  }
0x7: {  	_ = 	snop  }
__scs_overlays_trampoline_lowered:
0x8: {  	[smem:$0x3FAD] =	sst s0  }
0x9: {  	[smem:$0x3FAE] =	sst s1  }
0xa: {  	[smem:$0x3FAF] =	sst s2  }
0xb: {  	[smem:$0x3FB0] =	sst s3  }
0xc: {  	[smem:$0x3FB1] =	sst s4  }
0xd: {  	[smem:$0x3FB2] =	sst s5  }
0xe: {  	[smem:$0x3FB3] =	sst s6  }
0xf: {  	[smem:$0x3FB4] =	sst s7  }
0x10: {  	[smem:$0x3FB5] =	sst s8  }
0x11: {  	[smem:$0x3FB6] =	sst s9;
	s0 =	simm.s32 @!p0 $0x0  }
0x12: {  	s1 =	sld [smem:$0x3F9C];
	s0 =	simm.s32 @p0 $0x1  }
0x13: {  	[smem:$0x3FB7] =	sst s0;
	s0 =	simm.s32 @!p1 $0x0  }
0x14: {  	s2 =	sld [smem:$0x3F9B];
	s0 =	simm.s32 @p1 $0x1  }
0x15: {  	[smem:$0x3FB8] =	sst s0;
	s0 =	simm.s32 @!p2 $0x0  }
0x16: {  	s3 =	sld [smem:$0x3FDB];
	s0 =	simm.s32 @p2 $0x1  }
0x17: {  	s4 =	simm.s32 $0x1BF5;
	[smem:$0x3FBA] =	sst s0  }
0x18: {  	s0 =	sld [smem:$0x3F9D];
	_ =	swait.ge [sflag:s4], $0x0  }
0x19: {  	s7 =	sld [smem:$0x3F9E]  }
0x1a: {  	s8 =	sadd.s32 $0xFFFFE003, lr  }
0x1b: {  	s9 =	sadd.s32 $0xFFFFFEF7, lr;
	s5 =	simm.s32 $0xFFFFFFFF;
	p2 =	slt.u32 s8, $0xFFFFF086  }
0x1c: {  	p1 =	slt.u32 s9, $0xF7A;
	s5 =	simm.s32 @!p2 $0x0  }
0x1d: {  	s5 =	simm.s32 @p1 $0x1;
	p0 =	seq.s32 s7, s2  }
0x1e: {  	s7 =	smul.u32 @!p0 $0xF7A, s2;
	p2 =	seq.s32 @!p0 s5, $0x0  }
0x1f: {  	s9 =	smul.u32 $0xF7A, s1;
	s8 =	simm.s32 @!p0 $0x1BF5;
	p2 =	por !p2, p0  }
0x20: {  	[sflag:s8] =	ssyncset.s32 @!p0 $0xFFFFF086;
	s6 =	sadd.s32 @!p0 s3, s7;
	s7 =	simm.s32 @!p0 $0x108  }
0x21: {  	s3 =	sadd.s32 s3, s9;
	s6 =	sadd.s32 @!p0 $0x88, s6;
	s7 =	simm.s32 @p2 $0x1082  }
0x22: {  	[simem:s7], [sflag:s8] =	dma.local @!p0 [hbm:s6], $0xF7A  }
0x23: {  	s9 =	sor.u32 $0xD0000000, s2;
	s6 =	simm.s32 $0x108;
	_ =	swait.ge @!p0 [sflag:s8], $0x0  }
0x24: {  	s3 =	sadd.s32 $0x88, s3;
	s6 =	simm.s32 @!p1 $0x1082;
	[sflag:s4] =	ssyncset.s32 $0xFFFFF086  }
0x25: {  	[simem:s6], [sflag:s4] =	dma.local [hbm:s3], $0xF7A  }
0x26: {  	[smem:$0x3F9E] =	sst s1;
	(tag) =	ssettag s2;
	_ =	strace s9  }
0x27: {  	s1 =	sld [smem:$0x3FAE]  }
0x28: {  	s2 =	sld [smem:$0x3FAF]  }
0x29: {  	s4 =	sld [smem:$0x3FB1]  }
0x2a: {  	p0 =	seq.s32 s5, $0x0;
	s5 =	sld [smem:$0x3FB2]  }
0x2b: {  	s6 =	sld [smem:$0x3FB3]  }
0x2c: {  	s7 =	sld [smem:$0x3FB4]  }
0x2d: {  	s3 =	simm.s32 $0x108;
	s8 =	sld [smem:$0x3FB5]  }
0x2e: {  	s3 =	simm.s32 @!p0 $0x1082;
	s9 =	sld [smem:$0x3FB6]  }
0x2f: {  	lr =	sadd.s32 s0, s3;
	s0 =	sld [smem:$0x3FAD]  }
0x30: {  	s3 =	sld [smem:$0x3FB0]  }
0x31: {  	[smem:$0x3FB9] =	sst s10  }
0x32: {  	s10 =	sld [smem:$0x3FB7];
	_ =	sdelay $0x3  }
0x33: {  	p0 =	seq.s32 s10, $0x1;
	s10 =	sld [smem:$0x3FB9];
	_ =	sdelay $0x3  }
0x34: {  	[smem:$0x3FB9] =	sst s10  }
0x35: {  	s10 =	sld [smem:$0x3FB8];
	_ =	sdelay $0x3  }
0x36: {  	p1 =	seq.s32 s10, $0x1;
	s10 =	sld [smem:$0x3FB9];
	_ =	sdelay $0x3  }
0x37: {  	[smem:$0x3FB9] =	sst s10  }
0x38: {  	s10 =	sld [smem:$0x3FBA]  }
0x39: {  	_ = 	snop;
	(pc) =	sbr.ind lr, $3  }
0x3a: {  	_ = 	snop  }
0x3b: {  	_ = 	snop  }
0x3c: {  	p2 =	seq.s32 s10, $0x1;
	s10 =	sld [smem:$0x3FB9]  }
0x3d: {  	_ =	shalt  }
0x3e: {  	_ =	shalt  }
0x3f: {  	_ =	shalt  }
0x40: {  	_ =	shalt  }
0x41: {  	_ =	shalt  }
0x42: {  	_ =	shalt  }
0x43: {  	_ =	shalt  }
0x44: {  	_ =	shalt  }
0x45: {  	_ =	shalt  }
0x46: {  	_ =	shalt  }
0x47: {  	_ =	shalt  }
0x48: {  	_ =	shalt  }
0x49: {  	_ =	shalt  }
0x4a: {  	_ =	shalt  }
0x4b: {  	_ =	shalt  }
0x4c: {  	_ =	shalt  }
0x4d: {  	_ =	shalt  }
0x4e: {  	_ =	shalt  }
0x4f: {  	_ =	shalt  }
0x50: {  	_ =	shalt  }
0x51: {  	_ =	shalt  }
0x52: {  	_ =	shalt  }
0x53: {  	_ =	shalt  }
0x54: {  	_ =	shalt  }
0x55: {  	_ =	shalt  }
0x56: {  	_ =	shalt  }
0x57: {  	_ =	shalt  }
0x58: {  	_ =	shalt  }
0x59: {  	_ =	shalt  }
0x5a: {  	_ =	shalt  }
0x5b: {  	_ =	shalt  }
0x5c: {  	_ =	shalt  }
0x5d: {  	_ =	shalt  }
0x5e: {  	_ =	shalt  }
0x5f: {  	_ =	shalt  }
0x60: {  	_ =	shalt  }
0x61: {  	_ =	shalt  }
0x62: {  	_ =	shalt  }
0x63: {  	_ =	shalt  }
0x64: {  	_ =	shalt  }
0x65: {  	_ =	shalt  }
0x66: {  	_ =	shalt  }
0x67: {  	_ =	shalt  }
0x68: {  	_ =	shalt  }
0x69: {  	_ =	shalt  }
0x6a: {  	_ =	shalt  }
0x6b: {  	_ =	shalt  }
0x6c: {  	_ =	shalt  }
0x6d: {  	_ =	shalt  }
0x6e: {  	_ =	shalt  }
0x6f: {  	_ =	shalt  }
0x70: {  	_ =	shalt  }
0x71: {  	_ =	shalt  }
0x72: {  	_ =	shalt  }
0x73: {  	_ =	shalt  }
0x74: {  	_ =	shalt  }
0x75: {  	_ =	shalt  }
0x76: {  	_ =	shalt  }
0x77: {  	_ =	shalt  }
0x78: {  	_ =	shalt  }
0x79: {  	_ =	shalt  }
0x7a: {  	_ =	shalt  }
0x7b: {  	_ =	shalt  }
0x7c: {  	_ =	shalt  }
0x7d: {  	_ =	shalt  }
0x7e: {  	_ =	shalt  }
0x7f: {  	_ =	shalt  }
0x80: {  	_ =	shalt  }
0x81: {  	_ =	shalt  }
0x82: {  	_ =	shalt  }
0x83: {  	_ =	shalt  }
0x84: {  	_ =	shalt  }
0x85: {  	_ =	shalt  }
0x86: {  	_ =	shalt  }
0x87: {  	_ =	shalt  }
.Lfunc_end0:
.L_simem_size_0:
called_computation_lowered:
.L_overlay_start_0:
0x88: {  	s2 =	sld [smem:$0x3FD9]  }
0x89: {  	s3 =	sld [smem:$0x3FFE];
	_ =	sdelay $0x1  }
0x8a: {  	s1 =	srdreg.scid  }
0x8b: {  	s0 =	sand.u32 $0x1, s1  }
0x8c: {  	s18 =	sshll.u32 s0, $0xA;
	s2 =	sadd.s32 s3, s2  }
0x8d: {  	s2 =	sadd.s32 s2, s18  }
0x8e: {  	[smem:$0x3FC5] =	sst s2  }
0x8f: {  	_ = 	snop  }
0x90: {  	s2 =	sld [smem:$0x3FC9]  }
0x91: {  	s19 =	sld [smem:$0x3FC8]  }
0x92: {  	s4 =	sld [smem:$0x3FC7]  }
0x93: {  	s5 =	sld [smem:$0x3FD0];
	(tm) =	ssettm $0x1  }
0x94: {  	s6 =	sld [smem:$0x3FFB];
	_ =	sdelay $0x3  }
0x95: {  	_ =	strace s6  }
0x96: {  	s6 =	sld [smem:$0x3FFC];
	_ =	sdelay $0x3  }
0x97: {  	_ =	strace s6  }
0x98: {  	s6 =	sld [smem:$0x3FFD];
	_ =	sdelay $0x3  }
0x99: {  	_ =	strace s6  }
0x9a: {  	_ =	strace $0x8FFFFFFF  }
0x9b: {  	s20 =	sld [smem:$0x3FDB];
	_ =	sdelay $0x1  }
0x9c: {  	s7 =	simm.s32 $_scs_section_size  }
0x9d: {  	s8 =	simm.s32 $_size__tile_overlayer_lowered;
	s9 =	simm.s32 $_tile_overlayer_lowered  }
0x9e: {  	s23 =	simm.s32 $0x1BFF;
	s22 =	sshll.u32 s9, $0x1;
	s6 =	sadd.s32 s7, s20  }
0x9f: {  	s10 =	simm.s32 $0x0;
	s21 =	sshll.u32 s8, $0x1;
	s8 =	sadd.s32 s22, s6  }
0xa0: {  	[timem:s10], [sflag:s23] =	dma.local [hbm:s8], s21  }
0xa1: {  	_ =	swait.ge [sflag:s23], s21  }
0xa2: {  	s7 =	ssub.s32 $0x0, s21;
	[sflag:s23] =	ssyncset.done $0x0  }
0xa3: {  	[sflag:s23] =	ssyncadd.s32 s7;
	_ =	sdelay $0x1  }
0xa4: {  	s24 =	simm.s32 $0x1B8B  }
0xa5: {  	_ =	swait.ge [sflag:s24], $0x1  }
0xa6: {  	[sflag:s24] =	ssyncset.done $0x0  }
0xa7: {  	s25 =	simm.s32 $0x1B8E;
	[sflag:s24] =	ssyncadd.s32 $0xFFFFFFFF  }
0xa8: {  	s26 =	simm.s32 $execute0_lowered;
	[smem:$0x3FD2] =	sst s25  }
0xa9: {  	s7 =	sshll.u32 s26, $0x1;
	_ =	strace $0x80000046;
	[dreg:$0x1] =	wrdreg $0xFFFFFFFF  }
0xaa: {  	s28 =	simm.s32 $_size_execute0_lowered;
	s6 =	sadd.s32 s6, s7;
	[dreg:$0x0] =	wrdreg $0x0  }
0xab: {  	s7 =	sshll.u32 s28, $0x1;
	[dreg:$0x2] =	wrdreg s6  }
0xac: {  	[dreg:$0x3] =	wrdreg s7  }
0xad: {  	[dreg:$0x4] =	wrdreg $0xC0  }
0xae: {  	_ =	task [dreg:s10], $0x5FFFF  }
0xaf: {  	[dreg:$0x1] =	wrdreg $0xFFFFFFFF  }
0xb0: {  	[dreg:$0x0] =	wrdreg $0x60  }
0xb1: {  	[dreg:$0x2] =	wrdreg s2  }
0xb2: {  	[dreg:$0x3] =	wrdreg s19  }
0xb3: {  	[dreg:$0x4] =	wrdreg s4  }
0xb4: {  	[dreg:$0x5] =	wrdreg s5  }
0xb5: {  	[dreg:$0x6] =	wrdreg $0x9  }
0xb6: {  	_ =	task.clear_ibuf [dreg:s10], $0x7FFFF;
	_ =	strace $0x90000046  }
0xb7: {  	s29 =	simm.s32 $0x9;
	_ =	strace $0x80000048  }
0xb8: {  	_ =	swait.ge [sflag:s29], $0x1  }
0xb9: {  	[sflag:s29] =	ssyncadd.s32 $0xFFFFFFFF  }
0xba: {  	_ =	strace $0x90000048  }
0xbb: {  	_ =	sfence  }
0xbc: {  	s30 =	sld [smem:$0x0];
	_ =	sdelay $0x2  }
0xbd: {  	s31 =	sshll.u32 s1, $0xD;
	s1 =	sshrl.u32 s1, $0x2  }
0xbe: {  	s3 =	sand.u32 $0x4000, s31;
	s1 =	sadd.s32 s1, s30  }
0xbf: {  	s0 =	sor.u32 s3, s0;
	s1 =	sshll.u32 s1, $0x11  }
0xc0: {  	s0 =	sor.u32 s1, s0  }
0xc1: {  	s0 =	sadd.s32 $0x8F2B, s0  }
0xc2: {  	[sflag:s0] =	ssyncadd.remote.s32 $0x1  }
0xc3: {  	_ =	sfence.sel $0xFFFF  }
0xc4: {  	[dreg:$0x0] =	wrdreg $0xFFFFFFFF;
	(pc) =	sbr.abs _section_cstart, $3  }
0xc5: {  	[dreg:$0x1] =	wrdreg $0xFFFFFFFF  }
0xc6: {  	_ =	task.clear_ibuf [dreg:s10], $0x2FFFF;
	_ =	strace $0x9FFFFFFF  }
0xc7: {  	(tm) =	ssettm $0x7FFFFFFF  }
tec
execute0_lowered:
.L_overlay_start_1:
0x0: {  	(tag) =	ssettag $0x1  }
0x1: {  	s5 =	rddreg [dreg:$0x0]  }
0x2: {  	s1 =	rddreg [dreg:$0x1]  }
0x3: {  	s2 =	srdreg.scid;
	s3 =	rddreg [dreg:$0x2]  }
0x4: {  	s0 =	stileid.u32;
	s7 =	rddreg [dreg:$0x3]  }
0x5: {  	s4 =	simm.s32 $0x0;
	s11 =	simm.s32 $0x78;
	s12 =	simm.s32 $0x4080  }
0x6: {  	s13 =	simm.s32 $0x7C80;
	s14 =	simm.s32 $0xB880;
	s15 =	simm.s32 $0xF480  }
0x7: {  	s16 =	simm.s32 $0x1;
	s17 =	simm.s32 $0x2;
	s18 =	simm.s32 $0x3  }
0x8: {  	s19 =	simm.s32 $0x4;
	s6 =	sand.u32 $0x1, s2;
	s31 =	sshll.u32 s0, $0x1  }
0x9: {  	s20 =	simm.s32 $0x13080;
	s21 =	simm.s32 $0x0;
	s8 =	sor.u32 s6, s31  }
0xa: {  	s2 =	rddreg [dreg:$0x4];
	s6 =	ssub.s32 $0x2, s6;
	s9 =	smul.u32 $0x15000, s8  }
0xb: {  	[smem:$0x7FF] =	sst s4;
	s8 =	smul.u32 $0x690, s8;
	s10 =	sshrl.u32 s6, $0x1  }
0xc: {  	_ =	strace $0x80000047;
	s10 =	ssub.s32 s6, s10;
	s9 =	sshrl.u32 s9, $0x3  }
0xd: {  	s5 =	sadd.s32 s5, s8;
	s8 =	smax.u32 s10, $0x1;
	s6 =	sadd.s32 s7, s9  }
0xe: {  	s10 =	simm.s32 $0x3480;
	s9 =	simm.s32 $0x6;
	s7 =	sadd.s32 $0x1500, s6  }
.LBB2_1:
0xf: {  	[tilespmem:s4], [sflag:$0x6] =	stream.linear.gather [hbm4b:s5+s4], $0x3480, $0x38;
	[tilespmem:$0x1D880] =	vst v63  }
0x10: {  	_ =	swait.ge [sflag:s9], $0x3480  }
0x11: {  	[sflag:s9] =	ssyncset.done $0x0  }
.Ltmp0:
0x12: {  	[sflag:s9] =	ssyncadd.s32 $0xFFFFCB80;
	(pc) =	sbr.rel .LBB2_2-.Ltmp0, $4  }
0x13: {  	[tilespmem:s10], [sflag:$0x6] =	stream.linear.gather [hbm4b:s1+s4], $0xA00, $0x38;
	[tilespmem:$0x1D880] =	vst v63  }
0x14: {  	_ =	swait.ge [sflag:s9], $0xA00  }
0x15: {  	[sflag:s9] =	ssyncset.done $0x0  }
0x16: {  	s22 =	simm.s32 $0x0;
	[sflag:s9] =	ssyncadd.s32 $0xFFFFF600  }
.LBB2_70:
0x17: {  	[hbm4b:s6+s4] =	stream.linear.scatter [tilespmem:s20], [sflag:$0x5], $0xA800, $0x38;
	[tilespmem:$0x1D880] =	vst v63  }
.LBB2_71:
0x18: {  	s22 =	sadd.s32 $0x1, s22  }
.LBB2_2:
0x19: {  	s23 =	smul.u32 $0x780, s22;
	s26 =	sshll.u32 s22, $0x2  }
0x1a: {  	s25 =	sor.u32 $0x1, s26  }
0x1b: {  	s23 =	sshra.s32 s23, $0x2;
	s24 =	smul.u32 $0x1E0, s25  }
0x1c: {  	[tilespmem:s12], [sflag:$0x1] =	stream.indirect.gather [hbm4b:s3+s11], $0x80, s23, s11, $0xb8;
	[tilespmem:$0x1D880] =	vst v63  }
0x1d: {  	s31 =	sshra.s32 s24, $0x2;
	s24 =	sor.u32 $0x2, s26  }
0x1e: {  	s23 =	sshllo.u32 s22, $0x2;
	s28 =	smul.u32 $0x1E0, s24  }
0x1f: {  	[tilespmem:s13], [sflag:$0x2] =	stream.indirect.gather [hbm4b:s3+s11], $0x80, s31, s11, $0xb8;
	[tilespmem:$0x1D880] =	vst v63  }
0x20: {  	s29 =	smul.u32 $0x1E0, s23;
	s28 =	sshra.s32 s28, $0x2  }
0x21: {  	[tilespmem:s14], [sflag:$0x3] =	stream.indirect.gather [hbm4b:s3+s11], $0x80, s28, s11, $0xb8;
	[tilespmem:$0x1D880] =	vst v63  }
0x22: {  	s28 =	sshra.s32 s29, $0x2  }
0x23: {  	[tilespmem:s15], [sflag:$0x4] =	stream.indirect.gather [hbm4b:s3+s11], $0x80, s28, s11, $0xb8;
	[tilespmem:$0x1D880] =	vst v63  }
0x24: {  	_ =	swait.ge [sflag:s16], $0x3C00  }
0x25: {  	[sflag:s16] =	ssyncset.done $0x0  }
0x26: {  	[sflag:s16] =	ssyncadd.s32 $0xFFFFC400  }
0x27: {  	_ =	swait.ge [sflag:s17], $0x3C00  }
0x28: {  	[sflag:s17] =	ssyncset.done $0x0  }
0x29: {  	[sflag:s17] =	ssyncadd.s32 $0xFFFFC400  }
0x2a: {  	_ =	swait.ge [sflag:s18], $0x3C00  }
0x2b: {  	[sflag:s18] =	ssyncset.done $0x0  }
0x2c: {  	[sflag:s18] =	ssyncadd.s32 $0xFFFFC400  }
0x2d: {  	_ =	swait.ge [sflag:s19], $0x3C00  }
0x2e: {  	p0 =	sne.s32 s22, $0xE;
	[sflag:s19] =	ssyncset.done $0x0  }
0x2f: {  	s28 =	simm.s32 @!p0 $0x5;
	[sflag:s19] =	ssyncadd.s32 $0xFFFFC400  }
0x30: {  	_ =	swait.ge @!p0 [sflag:s28], $0xA800  }
0x31: {  	[sflag:s28] =	ssyncset.done @!p0 $0x0  }
0x32: {  	s29 =	simm.s32 $0x0;
	[sflag:s28] =	ssyncadd.s32 @!p0 $0xFFFF5800  }
0x33: {  	v1 =	vld [tilespmem:s29+$0x3480]  }
0x34: {  	v2 =	vld [tilespmem:s29+$0x7280]  }
0x35: {  	v3 =	vld [tilespmem:s29+$0x4080]  }
0x36: {  	v12 =	vld [tilespmem:s29+$0x4A80]  }
0x37: {  	v11 =	vld [tilespmem:s29+$0x5480]  }
0x38: {  	v0 =	vimm.f32 $0.0e+00;
	v9 =	vimm.f32 $0.0e+00;
	v5 =	vld [tilespmem:s29+$0x5E80]  }
0x39: {  	v10 =	vimm.f32 $0.0e+00;
	v8 =	vimm.f32 $0.0e+00;
	s28 =	simm.s32 $0x80;
	v6 =	vld [tilespmem:s29+$0x6880];
	v7 =	vmul.f32 v2, v1  }
0x3a: {  	v4 =	vimm.f32 $0.0e+00;
	s29 =	simm.s32 $0x400;
	v13 =	vmul.f32 v3, v1;
	v2 =	vld [tilespmem:s28+$0x3480];
	v3 =	vimm.f32 $0.0e+00  }
.LBB2_3:
0x3b: {  	p0 =	sne.s32 s29, $0x2600;
	v14 =	vld [tilespmem:s28+$0x7280];
	v15 =	vmul.f32 v12, v1;
	v0 =	vadd.f32 v7, v0  }
0x3c: {  	v16 =	vld [tilespmem:s28+$0x4080];
	v9 =	vadd.f32 v13, v9;
	v7 =	vmul.f32 v11, v1  }
.Ltmp1:
0x3d: {  	v12 =	vld [tilespmem:s28+$0x4A80];
	v10 =	vadd.f32 v15, v10;
	v13 =	vmul.f32 v5, v1;
	(pc) =	sbr.rel @p0 .LBB2_3-.Ltmp1, $4  }
0x3e: {  	v11 =	vld [tilespmem:s28+$0x5480];
	v8 =	vadd.f32 v7, v8;
	v15 =	vmul.f32 v6, v1  }
0x3f: {  	v5 =	vld [tilespmem:s28+$0x5E80];
	v4 =	vadd.f32 v13, v4;
	v1 =	vmov v2  }
0x40: {  	v6 =	vld [tilespmem:s28+$0x6880];
	s28 =	sshra.s32 s29, $0x2;
	v7 =	vmul.f32 v14, v1;
	v3 =	vadd.f32 v15, v3  }
0x41: {  	s29 =	sadd.s32 $0x200, s29;
	v2 =	vld [tilespmem:s28+$0x3480];
	v13 =	vmul.f32 v16, v1  }
0x42: {  	v14 =	vld [tilespmem:s28+$0x4080]  }
0x43: {  	v15 =	vld [tilespmem:s28+$0x4A80]  }
0x44: {  	v16 =	vld [tilespmem:s28+$0x5480]  }
0x45: {  	v12 =	vmul.f32 v12, v1;
	v17 =	vld [tilespmem:s28+$0x5E80]  }
0x46: {  	v18 =	vld [tilespmem:s28+$0x6880];
	s29 =	sadd.s32 $0xFFFFFFC8, s26;
	p0 =	slt.u32 s22, $0xE;
	v11 =	vmul.f32 v11, v1  }
0x47: {  	v9 =	vadd.f32 v13, v9;
	s29 =	smov.u32 @p0 s26;
	v10 =	vadd.f32 v12, v10;
	v12 =	vld [tilespmem:s28+$0x7280];
	v13 =	vmul.f32 v14, v2  }
0x48: {  	v5 =	vmul.f32 v5, v1;
	s26 =	smul.u32 $0xC00, s29;
	v8 =	vadd.f32 v11, v8;
	v11 =	vmul.f32 v15, v2  }
0x49: {  	v1 =	vmul.f32 v6, v1;
	v6 =	vadd.f32 v13, v9;
	v9 =	vmul.f32 v16, v2  }
0x4a: {  	v4 =	vadd.f32 v5, v4;
	s26 =	sshra.s32 s26, $0x2;
	v5 =	vadd.f32 v11, v10;
	v10 =	vmul.f32 v17, v2  }
0x4b: {  	v1 =	vadd.f32 v1, v3;
	v3 =	vadd.f32 v9, v8;
	v8 =	vmul.f32 v18, v2;
	[tilespmem:s26+$0x13080] =	vst v6  }
0x4c: {  	v0 =	vadd.f32 v7, v0;
	v2 =	vmul.f32 v12, v2;
	v4 =	vadd.f32 v10, v4;
	[tilespmem:s26+$0x13100] =	vst v5  }
0x4d: {  	v1 =	vadd.f32 v8, v1;
	[tilespmem:s26+$0x13180] =	vst v3  }
0x4e: {  	v0 =	vadd.f32 v2, v0;
	[tilespmem:s26+$0x13200] =	vst v4  }
0x4f: {  	[tilespmem:s26+$0x13280] =	vst v1  }
0x50: {  	s29 =	simm.s32 $0x0;
	[tilespmem:s26+$0x13300] =	vst v0  }
0x51: {  	v1 =	vld [tilespmem:s29+$0x3490]  }
0x52: {  	v2 =	vld [tilespmem:s29+$0x7290]  }
0x53: {  	v3 =	vld [tilespmem:s29+$0x4090]  }
0x54: {  	v12 =	vld [tilespmem:s29+$0x4A90]  }
0x55: {  	v11 =	vld [tilespmem:s29+$0x5490]  }
0x56: {  	v9 =	vimm.f32 $0.0e+00;
	v10 =	vimm.f32 $0.0e+00;
	v5 =	vld [tilespmem:s29+$0x5E90]  }
0x57: {  	s28 =	simm.s32 $0x80;
	v8 =	vimm.f32 $0.0e+00;
	v4 =	vimm.f32 $0.0e+00;
	v6 =	vld [tilespmem:s29+$0x6890];
	v7 =	vmul.f32 v2, v1  }
0x58: {  	v0 =	vimm.f32 $0.0e+00;
	s29 =	simm.s32 $0x400;
	v13 =	vmul.f32 v3, v1;
	v2 =	vld [tilespmem:s28+$0x3490];
	v3 =	vimm.f32 $0.0e+00  }
.LBB2_5:
0x59: {  	p0 =	sne.s32 s29, $0x2600;
	v14 =	vld [tilespmem:s28+$0x7290];
	v15 =	vmul.f32 v12, v1;
	v0 =	vadd.f32 v7, v0  }
0x5a: {  	v16 =	vld [tilespmem:s28+$0x4090];
	v8 =	vadd.f32 v13, v8;
	v7 =	vmul.f32 v11, v1  }
.Ltmp2:
0x5b: {  	v12 =	vld [tilespmem:s28+$0x4A90];
	v9 =	vadd.f32 v15, v9;
	v13 =	vmul.f32 v5, v1;
	(pc) =	sbr.rel @p0 .LBB2_5-.Ltmp2, $4  }
0x5c: {  	v11 =	vld [tilespmem:s28+$0x5490];
	v10 =	vadd.f32 v7, v10;
	v15 =	vmul.f32 v6, v1  }
0x5d: {  	v5 =	vld [tilespmem:s28+$0x5E90];
	v4 =	vadd.f32 v13, v4;
	v1 =	vmov v2  }
0x5e: {  	v6 =	vld [tilespmem:s28+$0x6890];
	s28 =	sshra.s32 s29, $0x2;
	v7 =	vmul.f32 v14, v1;
	v3 =	vadd.f32 v15, v3  }
0x5f: {  	s29 =	sadd.s32 $0x200, s29;
	v2 =	vld [tilespmem:s28+$0x3490];
	v13 =	vmul.f32 v16, v1  }
0x60: {  	v14 =	vld [tilespmem:s28+$0x4090]  }
0x61: {  	v15 =	vld [tilespmem:s28+$0x4A90]  }
0x62: {  	v16 =	vld [tilespmem:s28+$0x5490]  }
0x63: {  	v12 =	vmul.f32 v12, v1;
	v17 =	vld [tilespmem:s28+$0x5E90]  }
0x64: {  	v18 =	vld [tilespmem:s28+$0x6890];
	v11 =	vmul.f32 v11, v1  }
0x65: {  	v8 =	vadd.f32 v13, v8;
	v9 =	vadd.f32 v12, v9;
	v12 =	vld [tilespmem:s28+$0x7290];
	v13 =	vmul.f32 v14, v2  }
0x66: {  	v5 =	vmul.f32 v5, v1;
	v10 =	vadd.f32 v11, v10;
	v11 =	vmul.f32 v15, v2  }
0x67: {  	v1 =	vmul.f32 v6, v1;
	v6 =	vadd.f32 v13, v8;
	v8 =	vmul.f32 v16, v2  }
0x68: {  	v4 =	vadd.f32 v5, v4;
	v5 =	vadd.f32 v11, v9;
	v9 =	vmul.f32 v17, v2  }
0x69: {  	v1 =	vadd.f32 v1, v3;
	v3 =	vadd.f32 v8, v10;
	v8 =	vmul.f32 v18, v2;
	[tilespmem:s26+$0x13090] =	vst v6  }
0x6a: {  	v0 =	vadd.f32 v7, v0;
	v2 =	vmul.f32 v12, v2;
	v4 =	vadd.f32 v9, v4;
	[tilespmem:s26+$0x13110] =	vst v5  }
0x6b: {  	v1 =	vadd.f32 v8, v1;
	[tilespmem:s26+$0x13190] =	vst v3  }
0x6c: {  	v0 =	vadd.f32 v2, v0;
	[tilespmem:s26+$0x13210] =	vst v4  }
0x6d: {  	[tilespmem:s26+$0x13290] =	vst v1  }
0x6e: {  	s29 =	simm.s32 $0x0;
	[tilespmem:s26+$0x13310] =	vst v0  }
0x6f: {  	v1 =	vld [tilespmem:s29+$0x34A0]  }
0x70: {  	v2 =	vld [tilespmem:s29+$0x72A0]  }
0x71: {  	v3 =	vld [tilespmem:s29+$0x40A0]  }
0x72: {  	v12 =	vld [tilespmem:s29+$0x4AA0]  }
0x73: {  	v11 =	vld [tilespmem:s29+$0x54A0]  }
0x74: {  	v9 =	vimm.f32 $0.0e+00;
	v10 =	vimm.f32 $0.0e+00;
	v5 =	vld [tilespmem:s29+$0x5EA0]  }
0x75: {  	s28 =	simm.s32 $0x80;
	v8 =	vimm.f32 $0.0e+00;
	v4 =	vimm.f32 $0.0e+00;
	v6 =	vld [tilespmem:s29+$0x68A0];
	v7 =	vmul.f32 v2, v1  }
0x76: {  	v0 =	vimm.f32 $0.0e+00;
	s29 =	simm.s32 $0x400;
	v13 =	vmul.f32 v3, v1;
	v2 =	vld [tilespmem:s28+$0x34A0];
	v3 =	vimm.f32 $0.0e+00  }
.LBB2_7:
0x77: {  	p0 =	sne.s32 s29, $0x2600;
	v14 =	vld [tilespmem:s28+$0x72A0];
	v15 =	vmul.f32 v12, v1;
	v0 =	vadd.f32 v7, v0  }
0x78: {  	v16 =	vld [tilespmem:s28+$0x40A0];
	v8 =	vadd.f32 v13, v8;
	v7 =	vmul.f32 v11, v1  }
.Ltmp3:
0x79: {  	v12 =	vld [tilespmem:s28+$0x4AA0];
	v9 =	vadd.f32 v15, v9;
	v13 =	vmul.f32 v5, v1;
	(pc) =	sbr.rel @p0 .LBB2_7-.Ltmp3, $4  }
0x7a: {  	v11 =	vld [tilespmem:s28+$0x54A0];
	v10 =	vadd.f32 v7, v10;
	v15 =	vmul.f32 v6, v1  }
0x7b: {  	v5 =	vld [tilespmem:s28+$0x5EA0];
	v4 =	vadd.f32 v13, v4;
	v1 =	vmov v2  }
0x7c: {  	v6 =	vld [tilespmem:s28+$0x68A0];
	s28 =	sshra.s32 s29, $0x2;
	v7 =	vmul.f32 v14, v1;
	v3 =	vadd.f32 v15, v3  }
0x7d: {  	s29 =	sadd.s32 $0x200, s29;
	v2 =	vld [tilespmem:s28+$0x34A0];
	v13 =	vmul.f32 v16, v1  }
0x7e: {  	v14 =	vld [tilespmem:s28+$0x40A0]  }
0x7f: {  	v15 =	vld [tilespmem:s28+$0x4AA0]  }
0x80: {  	v16 =	vld [tilespmem:s28+$0x54A0]  }
0x81: {  	v12 =	vmul.f32 v12, v1;
	v17 =	vld [tilespmem:s28+$0x5EA0]  }
0x82: {  	v18 =	vld [tilespmem:s28+$0x68A0];
	v11 =	vmul.f32 v11, v1  }
0x83: {  	v8 =	vadd.f32 v13, v8;
	v9 =	vadd.f32 v12, v9;
	v12 =	vld [tilespmem:s28+$0x72A0];
	v13 =	vmul.f32 v14, v2  }
0x84: {  	v5 =	vmul.f32 v5, v1;
	v10 =	vadd.f32 v11, v10;
	v11 =	vmul.f32 v15, v2  }
0x85: {  	v1 =	vmul.f32 v6, v1;
	v6 =	vadd.f32 v13, v8;
	v8 =	vmul.f32 v16, v2  }
0x86: {  	v4 =	vadd.f32 v5, v4;
	v5 =	vadd.f32 v11, v9;
	v9 =	vmul.f32 v17, v2  }
0x87: {  	v1 =	vadd.f32 v1, v3;
	v3 =	vadd.f32 v8, v10;
	v8 =	vmul.f32 v18, v2;
	[tilespmem:s26+$0x130A0] =	vst v6  }
0x88: {  	v0 =	vadd.f32 v7, v0;
	v2 =	vmul.f32 v12, v2;
	v4 =	vadd.f32 v9, v4;
	[tilespmem:s26+$0x13120] =	vst v5  }
0x89: {  	v1 =	vadd.f32 v8, v1;
	[tilespmem:s26+$0x131A0] =	vst v3  }
0x8a: {  	v0 =	vadd.f32 v2, v0;
	[tilespmem:s26+$0x13220] =	vst v4  }
0x8b: {  	[tilespmem:s26+$0x132A0] =	vst v1  }
0x8c: {  	s29 =	simm.s32 $0x0;
	[tilespmem:s26+$0x13320] =	vst v0  }
0x8d: {  	v1 =	vld [tilespmem:s29+$0x34B0]  }
0x8e: {  	v2 =	vld [tilespmem:s29+$0x72B0]  }
0x8f: {  	v3 =	vld [tilespmem:s29+$0x40B0]  }
0x90: {  	v12 =	vld [tilespmem:s29+$0x4AB0]  }
0x91: {  	v11 =	vld [tilespmem:s29+$0x54B0]  }
0x92: {  	v9 =	vimm.f32 $0.0e+00;
	v10 =	vimm.f32 $0.0e+00;
	v5 =	vld [tilespmem:s29+$0x5EB0]  }
0x93: {  	s28 =	simm.s32 $0x80;
	v8 =	vimm.f32 $0.0e+00;
	v4 =	vimm.f32 $0.0e+00;
	v6 =	vld [tilespmem:s29+$0x68B0];
	v7 =	vmul.f32 v2, v1  }
0x94: {  	v0 =	vimm.f32 $0.0e+00;
	s29 =	simm.s32 $0x400;
	v13 =	vmul.f32 v3, v1;
	v2 =	vld [tilespmem:s28+$0x34B0];
	v3 =	vimm.f32 $0.0e+00  }
.LBB2_9:
0x95: {  	p0 =	sne.s32 s29, $0x2600;
	v14 =	vld [tilespmem:s28+$0x72B0];
	v15 =	vmul.f32 v12, v1;
	v0 =	vadd.f32 v7, v0  }
0x96: {  	v16 =	vld [tilespmem:s28+$0x40B0];
	v8 =	vadd.f32 v13, v8;
	v7 =	vmul.f32 v11, v1  }
.Ltmp4:
0x97: {  	v12 =	vld [tilespmem:s28+$0x4AB0];
	v9 =	vadd.f32 v15, v9;
	v13 =	vmul.f32 v5, v1;
	(pc) =	sbr.rel @p0 .LBB2_9-.Ltmp4, $4  }
0x98: {  	v11 =	vld [tilespmem:s28+$0x54B0];
	v10 =	vadd.f32 v7, v10;
	v15 =	vmul.f32 v6, v1  }
0x99: {  	v5 =	vld [tilespmem:s28+$0x5EB0];
	v4 =	vadd.f32 v13, v4;
	v1 =	vmov v2  }
0x9a: {  	v6 =	vld [tilespmem:s28+$0x68B0];
	s28 =	sshra.s32 s29, $0x2;
	v7 =	vmul.f32 v14, v1;
	v3 =	vadd.f32 v15, v3  }
0x9b: {  	s29 =	sadd.s32 $0x200, s29;
	v2 =	vld [tilespmem:s28+$0x34B0];
	v13 =	vmul.f32 v16, v1  }
0x9c: {  	v14 =	vld [tilespmem:s28+$0x40B0]  }
0x9d: {  	v15 =	vld [tilespmem:s28+$0x4AB0]  }
0x9e: {  	v16 =	vld [tilespmem:s28+$0x54B0]  }
0x9f: {  	v12 =	vmul.f32 v12, v1;
	v17 =	vld [tilespmem:s28+$0x5EB0]  }
0xa0: {  	v18 =	vld [tilespmem:s28+$0x68B0];
	v11 =	vmul.f32 v11, v1  }
0xa1: {  	v8 =	vadd.f32 v13, v8;
	v9 =	vadd.f32 v12, v9;
	v12 =	vld [tilespmem:s28+$0x72B0];
	v13 =	vmul.f32 v14, v2  }
0xa2: {  	v5 =	vmul.f32 v5, v1;
	v10 =	vadd.f32 v11, v10;
	v11 =	vmul.f32 v15, v2  }
0xa3: {  	v1 =	vmul.f32 v6, v1;
	v6 =	vadd.f32 v13, v8;
	v8 =	vmul.f32 v16, v2  }
0xa4: {  	v4 =	vadd.f32 v5, v4;
	v5 =	vadd.f32 v11, v9;
	v9 =	vmul.f32 v17, v2  }
0xa5: {  	v1 =	vadd.f32 v1, v3;
	v3 =	vadd.f32 v8, v10;
	v8 =	vmul.f32 v18, v2;
	[tilespmem:s26+$0x130B0] =	vst v6  }
0xa6: {  	v0 =	vadd.f32 v7, v0;
	v2 =	vmul.f32 v12, v2;
	v4 =	vadd.f32 v9, v4;
	[tilespmem:s26+$0x13130] =	vst v5  }
0xa7: {  	v1 =	vadd.f32 v8, v1;
	[tilespmem:s26+$0x131B0] =	vst v3  }
0xa8: {  	v0 =	vadd.f32 v2, v0;
	[tilespmem:s26+$0x13230] =	vst v4  }
0xa9: {  	[tilespmem:s26+$0x132B0] =	vst v1  }
0xaa: {  	s29 =	simm.s32 $0x0;
	[tilespmem:s26+$0x13330] =	vst v0  }
0xab: {  	v1 =	vld [tilespmem:s29+$0x34C0]  }
0xac: {  	v2 =	vld [tilespmem:s29+$0x72C0]  }
0xad: {  	v3 =	vld [tilespmem:s29+$0x40C0]  }
0xae: {  	v12 =	vld [tilespmem:s29+$0x4AC0]  }
0xaf: {  	v11 =	vld [tilespmem:s29+$0x54C0]  }
0xb0: {  	v9 =	vimm.f32 $0.0e+00;
	v10 =	vimm.f32 $0.0e+00;
	v5 =	vld [tilespmem:s29+$0x5EC0]  }
0xb1: {  	s28 =	simm.s32 $0x80;
	v8 =	vimm.f32 $0.0e+00;
	v4 =	vimm.f32 $0.0e+00;
	v6 =	vld [tilespmem:s29+$0x68C0];
	v7 =	vmul.f32 v2, v1  }
0xb2: {  	v0 =	vimm.f32 $0.0e+00;
	s29 =	simm.s32 $0x400;
	v13 =	vmul.f32 v3, v1;
	v2 =	vld [tilespmem:s28+$0x34C0];
	v3 =	vimm.f32 $0.0e+00  }
.LBB2_11:
0xb3: {  	p0 =	sne.s32 s29, $0x2600;
	v14 =	vld [tilespmem:s28+$0x72C0];
	v15 =	vmul.f32 v12, v1;
	v0 =	vadd.f32 v7, v0  }
0xb4: {  	v16 =	vld [tilespmem:s28+$0x40C0];
	v8 =	vadd.f32 v13, v8;
	v7 =	vmul.f32 v11, v1  }
.Ltmp5:
0xb5: {  	v12 =	vld [tilespmem:s28+$0x4AC0];
	v9 =	vadd.f32 v15, v9;
	v13 =	vmul.f32 v5, v1;
	(pc) =	sbr.rel @p0 .LBB2_11-.Ltmp5, $4  }
0xb6: {  	v11 =	vld [tilespmem:s28+$0x54C0];
	v10 =	vadd.f32 v7, v10;
	v15 =	vmul.f32 v6, v1  }
0xb7: {  	v5 =	vld [tilespmem:s28+$0x5EC0];
	v4 =	vadd.f32 v13, v4;
	v1 =	vmov v2  }
0xb8: {  	v6 =	vld [tilespmem:s28+$0x68C0];
	s28 =	sshra.s32 s29, $0x2;
	v7 =	vmul.f32 v14, v1;
	v3 =	vadd.f32 v15, v3  }
0xb9: {  	s29 =	sadd.s32 $0x200, s29;
	v2 =	vld [tilespmem:s28+$0x34C0];
	v13 =	vmul.f32 v16, v1  }
0xba: {  	v14 =	vld [tilespmem:s28+$0x40C0]  }
0xbb: {  	v15 =	vld [tilespmem:s28+$0x4AC0]  }
0xbc: {  	v16 =	vld [tilespmem:s28+$0x54C0]  }
0xbd: {  	v12 =	vmul.f32 v12, v1;
	v17 =	vld [tilespmem:s28+$0x5EC0]  }
0xbe: {  	v18 =	vld [tilespmem:s28+$0x68C0];
	v11 =	vmul.f32 v11, v1  }
0xbf: {  	v8 =	vadd.f32 v13, v8;
	v9 =	vadd.f32 v12, v9;
	v12 =	vld [tilespmem:s28+$0x72C0];
	v13 =	vmul.f32 v14, v2  }
0xc0: {  	v5 =	vmul.f32 v5, v1;
	v10 =	vadd.f32 v11, v10;
	v11 =	vmul.f32 v15, v2  }
0xc1: {  	v1 =	vmul.f32 v6, v1;
	v6 =	vadd.f32 v13, v8;
	v8 =	vmul.f32 v16, v2  }
0xc2: {  	v4 =	vadd.f32 v5, v4;
	v5 =	vadd.f32 v11, v9;
	v9 =	vmul.f32 v17, v2  }
0xc3: {  	v1 =	vadd.f32 v1, v3;
	v3 =	vadd.f32 v8, v10;
	v8 =	vmul.f32 v18, v2;
	[tilespmem:s26+$0x130C0] =	vst v6  }
0xc4: {  	v0 =	vadd.f32 v7, v0;
	v2 =	vmul.f32 v12, v2;
	v4 =	vadd.f32 v9, v4;
	[tilespmem:s26+$0x13140] =	vst v5  }
0xc5: {  	v1 =	vadd.f32 v8, v1;
	[tilespmem:s26+$0x131C0] =	vst v3  }
0xc6: {  	v0 =	vadd.f32 v2, v0;
	[tilespmem:s26+$0x13240] =	vst v4  }
0xc7: {  	[tilespmem:s26+$0x132C0] =	vst v1  }
0xc8: {  	s29 =	simm.s32 $0x0;
	[tilespmem:s26+$0x13340] =	vst v0  }
0xc9: {  	v1 =	vld [tilespmem:s29+$0x34D0]  }
0xca: {  	v2 =	vld [tilespmem:s29+$0x72D0]  }
0xcb: {  	v3 =	vld [tilespmem:s29+$0x40D0]  }
0xcc: {  	v12 =	vld [tilespmem:s29+$0x4AD0]  }
0xcd: {  	v11 =	vld [tilespmem:s29+$0x54D0]  }
0xce: {  	v9 =	vimm.f32 $0.0e+00;
	v10 =	vimm.f32 $0.0e+00;
	v5 =	vld [tilespmem:s29+$0x5ED0]  }
0xcf: {  	s28 =	simm.s32 $0x80;
	v8 =	vimm.f32 $0.0e+00;
	v4 =	vimm.f32 $0.0e+00;
	v6 =	vld [tilespmem:s29+$0x68D0];
	v7 =	vmul.f32 v2, v1  }
0xd0: {  	v0 =	vimm.f32 $0.0e+00;
	s29 =	simm.s32 $0x400;
	v13 =	vmul.f32 v3, v1;
	v2 =	vld [tilespmem:s28+$0x34D0];
	v3 =	vimm.f32 $0.0e+00  }
.LBB2_13:
0xd1: {  	p0 =	sne.s32 s29, $0x2600;
	v14 =	vld [tilespmem:s28+$0x72D0];
	v15 =	vmul.f32 v12, v1;
	v0 =	vadd.f32 v7, v0  }
0xd2: {  	v16 =	vld [tilespmem:s28+$0x40D0];
	v8 =	vadd.f32 v13, v8;
	v7 =	vmul.f32 v11, v1  }
.Ltmp6:
0xd3: {  	v12 =	vld [tilespmem:s28+$0x4AD0];
	v9 =	vadd.f32 v15, v9;
	v13 =	vmul.f32 v5, v1;
	(pc) =	sbr.rel @p0 .LBB2_13-.Ltmp6, $4  }
0xd4: {  	v11 =	vld [tilespmem:s28+$0x54D0];
	v10 =	vadd.f32 v7, v10;
	v15 =	vmul.f32 v6, v1  }
0xd5: {  	v5 =	vld [tilespmem:s28+$0x5ED0];
	v4 =	vadd.f32 v13, v4;
	v1 =	vmov v2  }
0xd6: {  	v6 =	vld [tilespmem:s28+$0x68D0];
	s28 =	sshra.s32 s29, $0x2;
	v7 =	vmul.f32 v14, v1;
	v3 =	vadd.f32 v15, v3  }
0xd7: {  	s29 =	sadd.s32 $0x200, s29;
	v2 =	vld [tilespmem:s28+$0x34D0];
	v13 =	vmul.f32 v16, v1  }
0xd8: {  	v14 =	vld [tilespmem:s28+$0x40D0]  }
0xd9: {  	v15 =	vld [tilespmem:s28+$0x4AD0]  }
0xda: {  	v16 =	vld [tilespmem:s28+$0x54D0]  }
0xdb: {  	v12 =	vmul.f32 v12, v1;
	v17 =	vld [tilespmem:s28+$0x5ED0]  }
0xdc: {  	v18 =	vld [tilespmem:s28+$0x68D0];
	v11 =	vmul.f32 v11, v1  }
0xdd: {  	v8 =	vadd.f32 v13, v8;
	v9 =	vadd.f32 v12, v9;
	v12 =	vld [tilespmem:s28+$0x72D0];
	v13 =	vmul.f32 v14, v2  }
0xde: {  	v5 =	vmul.f32 v5, v1;
	v10 =	vadd.f32 v11, v10;
	v11 =	vmul.f32 v15, v2  }
0xdf: {  	v1 =	vmul.f32 v6, v1;
	v6 =	vadd.f32 v13, v8;
	v8 =	vmul.f32 v16, v2  }
0xe0: {  	v4 =	vadd.f32 v5, v4;
	v5 =	vadd.f32 v11, v9;
	v9 =	vmul.f32 v17, v2  }
0xe1: {  	v1 =	vadd.f32 v1, v3;
	v3 =	vadd.f32 v8, v10;
	v8 =	vmul.f32 v18, v2;
	[tilespmem:s26+$0x130D0] =	vst v6  }
0xe2: {  	v0 =	vadd.f32 v7, v0;
	v2 =	vmul.f32 v12, v2;
	v4 =	vadd.f32 v9, v4;
	[tilespmem:s26+$0x13150] =	vst v5  }
0xe3: {  	v1 =	vadd.f32 v8, v1;
	[tilespmem:s26+$0x131D0] =	vst v3  }
0xe4: {  	v0 =	vadd.f32 v2, v0;
	[tilespmem:s26+$0x13250] =	vst v4  }
0xe5: {  	[tilespmem:s26+$0x132D0] =	vst v1  }
0xe6: {  	s29 =	simm.s32 $0x0;
	[tilespmem:s26+$0x13350] =	vst v0  }
0xe7: {  	v1 =	vld [tilespmem:s29+$0x34E0]  }
0xe8: {  	v2 =	vld [tilespmem:s29+$0x72E0]  }
0xe9: {  	v3 =	vld [tilespmem:s29+$0x40E0]  }
0xea: {  	v12 =	vld [tilespmem:s29+$0x4AE0]  }
0xeb: {  	v11 =	vld [tilespmem:s29+$0x54E0]  }
0xec: {  	v9 =	vimm.f32 $0.0e+00;
	v10 =	vimm.f32 $0.0e+00;
	v5 =	vld [tilespmem:s29+$0x5EE0]  }
0xed: {  	s28 =	simm.s32 $0x80;
	v8 =	vimm.f32 $0.0e+00;
	v4 =	vimm.f32 $0.0e+00;
	v6 =	vld [tilespmem:s29+$0x68E0];
	v7 =	vmul.f32 v2, v1  }
0xee: {  	v0 =	vimm.f32 $0.0e+00;
	s29 =	simm.s32 $0x400;
	v13 =	vmul.f32 v3, v1;
	v2 =	vld [tilespmem:s28+$0x34E0];
	v3 =	vimm.f32 $0.0e+00  }
.LBB2_15:
0xef: {  	p0 =	sne.s32 s29, $0x2600;
	v14 =	vld [tilespmem:s28+$0x72E0];
	v15 =	vmul.f32 v12, v1;
	v0 =	vadd.f32 v7, v0  }
0xf0: {  	v16 =	vld [tilespmem:s28+$0x40E0];
	v8 =	vadd.f32 v13, v8;
	v7 =	vmul.f32 v11, v1  }
.Ltmp7:
0xf1: {  	v12 =	vld [tilespmem:s28+$0x4AE0];
	v9 =	vadd.f32 v15, v9;
	v13 =	vmul.f32 v5, v1;
	(pc) =	sbr.rel @p0 .LBB2_15-.Ltmp7, $4  }
0xf2: {  	v11 =	vld [tilespmem:s28+$0x54E0];
	v10 =	vadd.f32 v7, v10;
	v15 =	vmul.f32 v6, v1  }
0xf3: {  	v5 =	vld [tilespmem:s28+$0x5EE0];
	v4 =	vadd.f32 v13, v4;
	v1 =	vmov v2  }
0xf4: {  	v6 =	vld [tilespmem:s28+$0x68E0];
	s28 =	sshra.s32 s29, $0x2;
	v7 =	vmul.f32 v14, v1;
	v3 =	vadd.f32 v15, v3  }
0xf5: {  	s29 =	sadd.s32 $0x200, s29;
	v2 =	vld [tilespmem:s28+$0x34E0];
	v13 =	vmul.f32 v16, v1  }
0xf6: {  	v14 =	vld [tilespmem:s28+$0x40E0]  }
0xf7: {  	v15 =	vld [tilespmem:s28+$0x4AE0]  }
0xf8: {  	v16 =	vld [tilespmem:s28+$0x54E0]  }
0xf9: {  	v12 =	vmul.f32 v12, v1;
	v17 =	vld [tilespmem:s28+$0x5EE0]  }
0xfa: {  	v18 =	vld [tilespmem:s28+$0x68E0];
	v11 =	vmul.f32 v11, v1  }
0xfb: {  	v8 =	vadd.f32 v13, v8;
	v9 =	vadd.f32 v12, v9;
	v12 =	vld [tilespmem:s28+$0x72E0];
	v13 =	vmul.f32 v14, v2  }
0xfc: {  	v5 =	vmul.f32 v5, v1;
	v10 =	vadd.f32 v11, v10;
	v11 =	vmul.f32 v15, v2  }
0xfd: {  	v1 =	vmul.f32 v6, v1;
	v6 =	vadd.f32 v13, v8;
	v8 =	vmul.f32 v16, v2  }
0xfe: {  	v4 =	vadd.f32 v5, v4;
	v5 =	vadd.f32 v11, v9;
	v9 =	vmul.f32 v17, v2  }
0xff: {  	v1 =	vadd.f32 v1, v3;
	v3 =	vadd.f32 v8, v10;
	v8 =	vmul.f32 v18, v2;
	[tilespmem:s26+$0x130E0] =	vst v6  }
0x100: {  	v0 =	vadd.f32 v7, v0;
	v2 =	vmul.f32 v12, v2;
	v4 =	vadd.f32 v9, v4;
	[tilespmem:s26+$0x13160] =	vst v5  }
0x101: {  	v1 =	vadd.f32 v8, v1;
	[tilespmem:s26+$0x131E0] =	vst v3  }
0x102: {  	v0 =	vadd.f32 v2, v0;
	[tilespmem:s26+$0x13260] =	vst v4  }
0x103: {  	[tilespmem:s26+$0x132E0] =	vst v1  }
0x104: {  	s29 =	simm.s32 $0x0;
	[tilespmem:s26+$0x13360] =	vst v0  }
0x105: {  	v1 =	vld [tilespmem:s29+$0x34F0]  }
0x106: {  	v2 =	vld [tilespmem:s29+$0x72F0]  }
0x107: {  	v3 =	vld [tilespmem:s29+$0x40F0]  }
0x108: {  	v12 =	vld [tilespmem:s29+$0x4AF0]  }
0x109: {  	v11 =	vld [tilespmem:s29+$0x54F0]  }
0x10a: {  	v9 =	vimm.f32 $0.0e+00;
	v10 =	vimm.f32 $0.0e+00;
	v5 =	vld [tilespmem:s29+$0x5EF0]  }
0x10b: {  	s28 =	simm.s32 $0x80;
	v8 =	vimm.f32 $0.0e+00;
	v4 =	vimm.f32 $0.0e+00;
	v6 =	vld [tilespmem:s29+$0x68F0];
	v7 =	vmul.f32 v2, v1  }
0x10c: {  	v0 =	vimm.f32 $0.0e+00;
	s29 =	simm.s32 $0x400;
	v13 =	vmul.f32 v3, v1;
	v2 =	vld [tilespmem:s28+$0x34F0];
	v3 =	vimm.f32 $0.0e+00  }
.LBB2_17:
0x10d: {  	p0 =	sne.s32 s29, $0x2600;
	v14 =	vld [tilespmem:s28+$0x72F0];
	v15 =	vmul.f32 v12, v1;
	v0 =	vadd.f32 v7, v0  }
0x10e: {  	v16 =	vld [tilespmem:s28+$0x40F0];
	v8 =	vadd.f32 v13, v8;
	v7 =	vmul.f32 v11, v1  }
.Ltmp8:
0x10f: {  	v12 =	vld [tilespmem:s28+$0x4AF0];
	v9 =	vadd.f32 v15, v9;
	v13 =	vmul.f32 v5, v1;
	(pc) =	sbr.rel @p0 .LBB2_17-.Ltmp8, $4  }
0x110: {  	v11 =	vld [tilespmem:s28+$0x54F0];
	v10 =	vadd.f32 v7, v10;
	v15 =	vmul.f32 v6, v1  }
0x111: {  	v5 =	vld [tilespmem:s28+$0x5EF0];
	v4 =	vadd.f32 v13, v4;
	v1 =	vmov v2  }
0x112: {  	v6 =	vld [tilespmem:s28+$0x68F0];
	s28 =	sshra.s32 s29, $0x2;
	v7 =	vmul.f32 v14, v1;
	v3 =	vadd.f32 v15, v3  }
0x113: {  	s29 =	sadd.s32 $0x200, s29;
	v2 =	vld [tilespmem:s28+$0x34F0];
	v13 =	vmul.f32 v16, v1  }
0x114: {  	v14 =	vld [tilespmem:s28+$0x40F0]  }
0x115: {  	v15 =	vld [tilespmem:s28+$0x4AF0]  }
0x116: {  	v16 =	vld [tilespmem:s28+$0x54F0]  }
0x117: {  	v12 =	vmul.f32 v12, v1;
	v17 =	vld [tilespmem:s28+$0x5EF0]  }
0x118: {  	v18 =	vld [tilespmem:s28+$0x68F0];
	v11 =	vmul.f32 v11, v1  }
0x119: {  	v8 =	vadd.f32 v13, v8;
	v9 =	vadd.f32 v12, v9;
	v12 =	vld [tilespmem:s28+$0x72F0];
	v13 =	vmul.f32 v14, v2  }
0x11a: {  	v5 =	vmul.f32 v5, v1;
	v10 =	vadd.f32 v11, v10;
	v11 =	vmul.f32 v15, v2  }
0x11b: {  	v1 =	vmul.f32 v6, v1;
	v6 =	vadd.f32 v13, v8;
	v8 =	vmul.f32 v16, v2  }
0x11c: {  	v4 =	vadd.f32 v5, v4;
	v5 =	vadd.f32 v11, v9;
	v9 =	vmul.f32 v17, v2  }
0x11d: {  	v1 =	vadd.f32 v1, v3;
	v3 =	vadd.f32 v8, v10;
	v8 =	vmul.f32 v18, v2;
	[tilespmem:s26+$0x130F0] =	vst v6  }
0x11e: {  	v0 =	vadd.f32 v7, v0;
	v2 =	vmul.f32 v12, v2;
	v4 =	vadd.f32 v9, v4;
	[tilespmem:s26+$0x13170] =	vst v5  }
0x11f: {  	v1 =	vadd.f32 v8, v1;
	[tilespmem:s26+$0x131F0] =	vst v3  }
0x120: {  	v0 =	vadd.f32 v2, v0;
	[tilespmem:s26+$0x13270] =	vst v4  }
0x121: {  	[tilespmem:s26+$0x132F0] =	vst v1  }
0x122: {  	s28 =	simm.s32 $0x0;
	[tilespmem:s26+$0x13370] =	vst v0  }
0x123: {  	v1 =	vld [tilespmem:s28+$0x3480]  }
0x124: {  	v2 =	vld [tilespmem:s28+$0xAE80]  }
0x125: {  	v3 =	vld [tilespmem:s28+$0x7C80]  }
0x126: {  	v12 =	vld [tilespmem:s28+$0x8680]  }
0x127: {  	v11 =	vld [tilespmem:s28+$0x9080]  }
0x128: {  	v9 =	vimm.f32 $0.0e+00;
	v10 =	vimm.f32 $0.0e+00;
	v5 =	vld [tilespmem:s28+$0x9A80]  }
0x129: {  	v8 =	vimm.f32 $0.0e+00;
	v4 =	vimm.f32 $0.0e+00;
	s26 =	simm.s32 $0x80;
	v6 =	vld [tilespmem:s28+$0xA480];
	v7 =	vmul.f32 v2, v1  }
0x12a: {  	v0 =	vimm.f32 $0.0e+00;
	s28 =	simm.s32 $0x400;
	v13 =	vmul.f32 v3, v1;
	v2 =	vld [tilespmem:s26+$0x3480];
	v3 =	vimm.f32 $0.0e+00  }
.LBB2_19:
0x12b: {  	p0 =	sne.s32 s28, $0x2600;
	v14 =	vld [tilespmem:s26+$0xAE80];
	v15 =	vmul.f32 v12, v1;
	v0 =	vadd.f32 v7, v0  }
0x12c: {  	v16 =	vld [tilespmem:s26+$0x7C80];
	v9 =	vadd.f32 v13, v9;
	v7 =	vmul.f32 v11, v1  }
.Ltmp9:
0x12d: {  	v12 =	vld [tilespmem:s26+$0x8680];
	v10 =	vadd.f32 v15, v10;
	v13 =	vmul.f32 v5, v1;
	(pc) =	sbr.rel @p0 .LBB2_19-.Ltmp9, $4  }
0x12e: {  	v11 =	vld [tilespmem:s26+$0x9080];
	v8 =	vadd.f32 v7, v8;
	v15 =	vmul.f32 v6, v1  }
0x12f: {  	v5 =	vld [tilespmem:s26+$0x9A80];
	v4 =	vadd.f32 v13, v4;
	v1 =	vmov v2  }
0x130: {  	v6 =	vld [tilespmem:s26+$0xA480];
	s26 =	sshra.s32 s28, $0x2;
	v7 =	vmul.f32 v14, v1;
	v3 =	vadd.f32 v15, v3  }
0x131: {  	s28 =	sadd.s32 $0x200, s28;
	v2 =	vld [tilespmem:s26+$0x3480];
	v13 =	vmul.f32 v16, v1  }
0x132: {  	v14 =	vld [tilespmem:s26+$0x7C80];
	s28 =	smulhi.u32 $0x92492493, s25  }
0x133: {  	v15 =	vld [tilespmem:s26+$0x8680]  }
0x134: {  	v16 =	vld [tilespmem:s26+$0x9080];
	s28 =	sshrl.u32 s28, $0x5  }
0x135: {  	v12 =	vmul.f32 v12, v1;
	v17 =	vld [tilespmem:s26+$0x9A80];
	s28 =	smul.u32 $0x38, s28  }
0x136: {  	v18 =	vld [tilespmem:s26+$0xA480];
	v11 =	vmul.f32 v11, v1  }
0x137: {  	v9 =	vadd.f32 v13, v9;
	v10 =	vadd.f32 v12, v10;
	v12 =	vld [tilespmem:s26+$0xAE80];
	v13 =	vmul.f32 v14, v2;
	s31 =	ssub.s32 s25, s28  }
0x138: {  	v5 =	vmul.f32 v5, v1;
	v8 =	vadd.f32 v11, v8;
	v11 =	vmul.f32 v15, v2;
	s25 =	smul.u32 $0xC00, s31  }
0x139: {  	v1 =	vmul.f32 v6, v1;
	v6 =	vadd.f32 v13, v9;
	v9 =	vmul.f32 v16, v2  }
0x13a: {  	v4 =	vadd.f32 v5, v4;
	v5 =	vadd.f32 v11, v10;
	v10 =	vmul.f32 v17, v2;
	s25 =	sshrl.u32 s25, $0x2  }
0x13b: {  	v1 =	vadd.f32 v1, v3;
	v3 =	vadd.f32 v9, v8;
	v8 =	vmul.f32 v18, v2;
	[tilespmem:s25+$0x13080] =	vst v6  }
0x13c: {  	v0 =	vadd.f32 v7, v0;
	v2 =	vmul.f32 v12, v2;
	v4 =	vadd.f32 v10, v4;
	[tilespmem:s25+$0x13100] =	vst v5  }
0x13d: {  	v1 =	vadd.f32 v8, v1;
	[tilespmem:s25+$0x13180] =	vst v3  }
0x13e: {  	v0 =	vadd.f32 v2, v0;
	[tilespmem:s25+$0x13200] =	vst v4  }
0x13f: {  	[tilespmem:s25+$0x13280] =	vst v1  }
0x140: {  	s28 =	simm.s32 $0x0;
	[tilespmem:s25+$0x13300] =	vst v0  }
0x141: {  	v1 =	vld [tilespmem:s28+$0x3490]  }
0x142: {  	v2 =	vld [tilespmem:s28+$0xAE90]  }
0x143: {  	v3 =	vld [tilespmem:s28+$0x7C90]  }
0x144: {  	v12 =	vld [tilespmem:s28+$0x8690]  }
0x145: {  	v11 =	vld [tilespmem:s28+$0x9090]  }
0x146: {  	v9 =	vimm.f32 $0.0e+00;
	v10 =	vimm.f32 $0.0e+00;
	v5 =	vld [tilespmem:s28+$0x9A90]  }
0x147: {  	s26 =	simm.s32 $0x80;
	v8 =	vimm.f32 $0.0e+00;
	v4 =	vimm.f32 $0.0e+00;
	v6 =	vld [tilespmem:s28+$0xA490];
	v7 =	vmul.f32 v2, v1  }
0x148: {  	v0 =	vimm.f32 $0.0e+00;
	s28 =	simm.s32 $0x400;
	v13 =	vmul.f32 v3, v1;
	v2 =	vld [tilespmem:s26+$0x3490];
	v3 =	vimm.f32 $0.0e+00  }
.LBB2_21:
0x149: {  	p0 =	sne.s32 s28, $0x2600;
	v14 =	vld [tilespmem:s26+$0xAE90];
	v15 =	vmul.f32 v12, v1;
	v0 =	vadd.f32 v7, v0  }
0x14a: {  	v16 =	vld [tilespmem:s26+$0x7C90];
	v8 =	vadd.f32 v13, v8;
	v7 =	vmul.f32 v11, v1  }
.Ltmp10:
0x14b: {  	v12 =	vld [tilespmem:s26+$0x8690];
	v9 =	vadd.f32 v15, v9;
	v13 =	vmul.f32 v5, v1;
	(pc) =	sbr.rel @p0 .LBB2_21-.Ltmp10, $4  }
0x14c: {  	v11 =	vld [tilespmem:s26+$0x9090];
	v10 =	vadd.f32 v7, v10;
	v15 =	vmul.f32 v6, v1  }
0x14d: {  	v5 =	vld [tilespmem:s26+$0x9A90];
	v4 =	vadd.f32 v13, v4;
	v1 =	vmov v2  }
0x14e: {  	v6 =	vld [tilespmem:s26+$0xA490];
	s26 =	sshra.s32 s28, $0x2;
	v7 =	vmul.f32 v14, v1;
	v3 =	vadd.f32 v15, v3  }
0x14f: {  	s28 =	sadd.s32 $0x200, s28;
	v2 =	vld [tilespmem:s26+$0x3490];
	v13 =	vmul.f32 v16, v1  }
0x150: {  	v14 =	vld [tilespmem:s26+$0x7C90]  }
0x151: {  	v15 =	vld [tilespmem:s26+$0x8690]  }
0x152: {  	v16 =	vld [tilespmem:s26+$0x9090]  }
0x153: {  	v12 =	vmul.f32 v12, v1;
	v17 =	vld [tilespmem:s26+$0x9A90]  }
0x154: {  	v18 =	vld [tilespmem:s26+$0xA490];
	v11 =	vmul.f32 v11, v1  }
0x155: {  	v8 =	vadd.f32 v13, v8;
	v9 =	vadd.f32 v12, v9;
	v12 =	vld [tilespmem:s26+$0xAE90];
	v13 =	vmul.f32 v14, v2  }
0x156: {  	v5 =	vmul.f32 v5, v1;
	v10 =	vadd.f32 v11, v10;
	v11 =	vmul.f32 v15, v2  }
0x157: {  	v1 =	vmul.f32 v6, v1;
	v6 =	vadd.f32 v13, v8;
	v8 =	vmul.f32 v16, v2  }
0x158: {  	v4 =	vadd.f32 v5, v4;
	v5 =	vadd.f32 v11, v9;
	v9 =	vmul.f32 v17, v2  }
0x159: {  	v1 =	vadd.f32 v1, v3;
	v3 =	vadd.f32 v8, v10;
	v8 =	vmul.f32 v18, v2;
	[tilespmem:s25+$0x13090] =	vst v6  }
0x15a: {  	v0 =	vadd.f32 v7, v0;
	v2 =	vmul.f32 v12, v2;
	v4 =	vadd.f32 v9, v4;
	[tilespmem:s25+$0x13110] =	vst v5  }
0x15b: {  	v1 =	vadd.f32 v8, v1;
	[tilespmem:s25+$0x13190] =	vst v3  }
0x15c: {  	v0 =	vadd.f32 v2, v0;
	[tilespmem:s25+$0x13210] =	vst v4  }
0x15d: {  	[tilespmem:s25+$0x13290] =	vst v1  }
0x15e: {  	s28 =	simm.s32 $0x0;
	[tilespmem:s25+$0x13310] =	vst v0  }
0x15f: {  	v1 =	vld [tilespmem:s28+$0x34A0]  }
0x160: {  	v2 =	vld [tilespmem:s28+$0xAEA0]  }
0x161: {  	v3 =	vld [tilespmem:s28+$0x7CA0]  }
0x162: {  	v12 =	vld [tilespmem:s28+$0x86A0]  }
0x163: {  	v11 =	vld [tilespmem:s28+$0x90A0]  }
0x164: {  	v9 =	vimm.f32 $0.0e+00;
	v10 =	vimm.f32 $0.0e+00;
	v5 =	vld [tilespmem:s28+$0x9AA0]  }
0x165: {  	s26 =	simm.s32 $0x80;
	v8 =	vimm.f32 $0.0e+00;
	v4 =	vimm.f32 $0.0e+00;
	v6 =	vld [tilespmem:s28+$0xA4A0];
	v7 =	vmul.f32 v2, v1  }
0x166: {  	v0 =	vimm.f32 $0.0e+00;
	s28 =	simm.s32 $0x400;
	v13 =	vmul.f32 v3, v1;
	v2 =	vld [tilespmem:s26+$0x34A0];
	v3 =	vimm.f32 $0.0e+00  }
.LBB2_23:
0x167: {  	p0 =	sne.s32 s28, $0x2600;
	v14 =	vld [tilespmem:s26+$0xAEA0];
	v15 =	vmul.f32 v12, v1;
	v0 =	vadd.f32 v7, v0  }
0x168: {  	v16 =	vld [tilespmem:s26+$0x7CA0];
	v8 =	vadd.f32 v13, v8;
	v7 =	vmul.f32 v11, v1  }
.Ltmp11:
0x169: {  	v12 =	vld [tilespmem:s26+$0x86A0];
	v9 =	vadd.f32 v15, v9;
	v13 =	vmul.f32 v5, v1;
	(pc) =	sbr.rel @p0 .LBB2_23-.Ltmp11, $4  }
0x16a: {  	v11 =	vld [tilespmem:s26+$0x90A0];
	v10 =	vadd.f32 v7, v10;
	v15 =	vmul.f32 v6, v1  }
0x16b: {  	v5 =	vld [tilespmem:s26+$0x9AA0];
	v4 =	vadd.f32 v13, v4;
	v1 =	vmov v2  }
0x16c: {  	v6 =	vld [tilespmem:s26+$0xA4A0];
	s26 =	sshra.s32 s28, $0x2;
	v7 =	vmul.f32 v14, v1;
	v3 =	vadd.f32 v15, v3  }
0x16d: {  	s28 =	sadd.s32 $0x200, s28;
	v2 =	vld [tilespmem:s26+$0x34A0];
	v13 =	vmul.f32 v16, v1  }
0x16e: {  	v14 =	vld [tilespmem:s26+$0x7CA0]  }
0x16f: {  	v15 =	vld [tilespmem:s26+$0x86A0]  }
0x170: {  	v16 =	vld [tilespmem:s26+$0x90A0]  }
0x171: {  	v12 =	vmul.f32 v12, v1;
	v17 =	vld [tilespmem:s26+$0x9AA0]  }
0x172: {  	v18 =	vld [tilespmem:s26+$0xA4A0];
	v11 =	vmul.f32 v11, v1  }
0x173: {  	v8 =	vadd.f32 v13, v8;
	v9 =	vadd.f32 v12, v9;
	v12 =	vld [tilespmem:s26+$0xAEA0];
	v13 =	vmul.f32 v14, v2  }
0x174: {  	v5 =	vmul.f32 v5, v1;
	v10 =	vadd.f32 v11, v10;
	v11 =	vmul.f32 v15, v2  }
0x175: {  	v1 =	vmul.f32 v6, v1;
	v6 =	vadd.f32 v13, v8;
	v8 =	vmul.f32 v16, v2  }
0x176: {  	v4 =	vadd.f32 v5, v4;
	v5 =	vadd.f32 v11, v9;
	v9 =	vmul.f32 v17, v2  }
0x177: {  	v1 =	vadd.f32 v1, v3;
	v3 =	vadd.f32 v8, v10;
	v8 =	vmul.f32 v18, v2;
	[tilespmem:s25+$0x130A0] =	vst v6  }
0x178: {  	v0 =	vadd.f32 v7, v0;
	v2 =	vmul.f32 v12, v2;
	v4 =	vadd.f32 v9, v4;
	[tilespmem:s25+$0x13120] =	vst v5  }
0x179: {  	v1 =	vadd.f32 v8, v1;
	[tilespmem:s25+$0x131A0] =	vst v3  }
0x17a: {  	v0 =	vadd.f32 v2, v0;
	[tilespmem:s25+$0x13220] =	vst v4  }
0x17b: {  	[tilespmem:s25+$0x132A0] =	vst v1  }
0x17c: {  	s28 =	simm.s32 $0x0;
	[tilespmem:s25+$0x13320] =	vst v0  }
0x17d: {  	v1 =	vld [tilespmem:s28+$0x34B0]  }
0x17e: {  	v2 =	vld [tilespmem:s28+$0xAEB0]  }
0x17f: {  	v3 =	vld [tilespmem:s28+$0x7CB0]  }
0x180: {  	v12 =	vld [tilespmem:s28+$0x86B0]  }
0x181: {  	v11 =	vld [tilespmem:s28+$0x90B0]  }
0x182: {  	v9 =	vimm.f32 $0.0e+00;
	v10 =	vimm.f32 $0.0e+00;
	v5 =	vld [tilespmem:s28+$0x9AB0]  }
0x183: {  	s26 =	simm.s32 $0x80;
	v8 =	vimm.f32 $0.0e+00;
	v4 =	vimm.f32 $0.0e+00;
	v6 =	vld [tilespmem:s28+$0xA4B0];
	v7 =	vmul.f32 v2, v1  }
0x184: {  	v0 =	vimm.f32 $0.0e+00;
	s28 =	simm.s32 $0x400;
	v13 =	vmul.f32 v3, v1;
	v2 =	vld [tilespmem:s26+$0x34B0];
	v3 =	vimm.f32 $0.0e+00  }
.LBB2_25:
0x185: {  	p0 =	sne.s32 s28, $0x2600;
	v14 =	vld [tilespmem:s26+$0xAEB0];
	v15 =	vmul.f32 v12, v1;
	v0 =	vadd.f32 v7, v0  }
0x186: {  	v16 =	vld [tilespmem:s26+$0x7CB0];
	v8 =	vadd.f32 v13, v8;
	v7 =	vmul.f32 v11, v1  }
.Ltmp12:
0x187: {  	v12 =	vld [tilespmem:s26+$0x86B0];
	v9 =	vadd.f32 v15, v9;
	v13 =	vmul.f32 v5, v1;
	(pc) =	sbr.rel @p0 .LBB2_25-.Ltmp12, $4  }
0x188: {  	v11 =	vld [tilespmem:s26+$0x90B0];
	v10 =	vadd.f32 v7, v10;
	v15 =	vmul.f32 v6, v1  }
0x189: {  	v5 =	vld [tilespmem:s26+$0x9AB0];
	v4 =	vadd.f32 v13, v4;
	v1 =	vmov v2  }
0x18a: {  	v6 =	vld [tilespmem:s26+$0xA4B0];
	s26 =	sshra.s32 s28, $0x2;
	v7 =	vmul.f32 v14, v1;
	v3 =	vadd.f32 v15, v3  }
0x18b: {  	s28 =	sadd.s32 $0x200, s28;
	v2 =	vld [tilespmem:s26+$0x34B0];
	v13 =	vmul.f32 v16, v1  }
0x18c: {  	v14 =	vld [tilespmem:s26+$0x7CB0]  }
0x18d: {  	v15 =	vld [tilespmem:s26+$0x86B0]  }
0x18e: {  	v16 =	vld [tilespmem:s26+$0x90B0]  }
0x18f: {  	v12 =	vmul.f32 v12, v1;
	v17 =	vld [tilespmem:s26+$0x9AB0]  }
0x190: {  	v18 =	vld [tilespmem:s26+$0xA4B0];
	v11 =	vmul.f32 v11, v1  }
0x191: {  	v8 =	vadd.f32 v13, v8;
	v9 =	vadd.f32 v12, v9;
	v12 =	vld [tilespmem:s26+$0xAEB0];
	v13 =	vmul.f32 v14, v2  }
0x192: {  	v5 =	vmul.f32 v5, v1;
	v10 =	vadd.f32 v11, v10;
	v11 =	vmul.f32 v15, v2  }
0x193: {  	v1 =	vmul.f32 v6, v1;
	v6 =	vadd.f32 v13, v8;
	v8 =	vmul.f32 v16, v2  }
0x194: {  	v4 =	vadd.f32 v5, v4;
	v5 =	vadd.f32 v11, v9;
	v9 =	vmul.f32 v17, v2  }
0x195: {  	v1 =	vadd.f32 v1, v3;
	v3 =	vadd.f32 v8, v10;
	v8 =	vmul.f32 v18, v2;
	[tilespmem:s25+$0x130B0] =	vst v6  }
0x196: {  	v0 =	vadd.f32 v7, v0;
	v2 =	vmul.f32 v12, v2;
	v4 =	vadd.f32 v9, v4;
	[tilespmem:s25+$0x13130] =	vst v5  }
0x197: {  	v1 =	vadd.f32 v8, v1;
	[tilespmem:s25+$0x131B0] =	vst v3  }
0x198: {  	v0 =	vadd.f32 v2, v0;
	[tilespmem:s25+$0x13230] =	vst v4  }
0x199: {  	[tilespmem:s25+$0x132B0] =	vst v1  }
0x19a: {  	s28 =	simm.s32 $0x0;
	[tilespmem:s25+$0x13330] =	vst v0  }
0x19b: {  	v1 =	vld [tilespmem:s28+$0x34C0]  }
0x19c: {  	v2 =	vld [tilespmem:s28+$0xAEC0]  }
0x19d: {  	v3 =	vld [tilespmem:s28+$0x7CC0]  }
0x19e: {  	v12 =	vld [tilespmem:s28+$0x86C0]  }
0x19f: {  	v11 =	vld [tilespmem:s28+$0x90C0]  }
0x1a0: {  	v9 =	vimm.f32 $0.0e+00;
	v10 =	vimm.f32 $0.0e+00;
	v5 =	vld [tilespmem:s28+$0x9AC0]  }
0x1a1: {  	s26 =	simm.s32 $0x80;
	v8 =	vimm.f32 $0.0e+00;
	v4 =	vimm.f32 $0.0e+00;
	v6 =	vld [tilespmem:s28+$0xA4C0];
	v7 =	vmul.f32 v2, v1  }
0x1a2: {  	v0 =	vimm.f32 $0.0e+00;
	s28 =	simm.s32 $0x400;
	v13 =	vmul.f32 v3, v1;
	v2 =	vld [tilespmem:s26+$0x34C0];
	v3 =	vimm.f32 $0.0e+00  }
.LBB2_27:
0x1a3: {  	p0 =	sne.s32 s28, $0x2600;
	v14 =	vld [tilespmem:s26+$0xAEC0];
	v15 =	vmul.f32 v12, v1;
	v0 =	vadd.f32 v7, v0  }
0x1a4: {  	v16 =	vld [tilespmem:s26+$0x7CC0];
	v8 =	vadd.f32 v13, v8;
	v7 =	vmul.f32 v11, v1  }
.Ltmp13:
0x1a5: {  	v12 =	vld [tilespmem:s26+$0x86C0];
	v9 =	vadd.f32 v15, v9;
	v13 =	vmul.f32 v5, v1;
	(pc) =	sbr.rel @p0 .LBB2_27-.Ltmp13, $4  }
0x1a6: {  	v11 =	vld [tilespmem:s26+$0x90C0];
	v10 =	vadd.f32 v7, v10;
	v15 =	vmul.f32 v6, v1  }
0x1a7: {  	v5 =	vld [tilespmem:s26+$0x9AC0];
	v4 =	vadd.f32 v13, v4;
	v1 =	vmov v2  }
0x1a8: {  	v6 =	vld [tilespmem:s26+$0xA4C0];
	s26 =	sshra.s32 s28, $0x2;
	v7 =	vmul.f32 v14, v1;
	v3 =	vadd.f32 v15, v3  }
0x1a9: {  	s28 =	sadd.s32 $0x200, s28;
	v2 =	vld [tilespmem:s26+$0x34C0];
	v13 =	vmul.f32 v16, v1  }
0x1aa: {  	v14 =	vld [tilespmem:s26+$0x7CC0]  }
0x1ab: {  	v15 =	vld [tilespmem:s26+$0x86C0]  }
0x1ac: {  	v16 =	vld [tilespmem:s26+$0x90C0]  }
0x1ad: {  	v12 =	vmul.f32 v12, v1;
	v17 =	vld [tilespmem:s26+$0x9AC0]  }
0x1ae: {  	v18 =	vld [tilespmem:s26+$0xA4C0];
	v11 =	vmul.f32 v11, v1  }
0x1af: {  	v8 =	vadd.f32 v13, v8;
	v9 =	vadd.f32 v12, v9;
	v12 =	vld [tilespmem:s26+$0xAEC0];
	v13 =	vmul.f32 v14, v2  }
0x1b0: {  	v5 =	vmul.f32 v5, v1;
	v10 =	vadd.f32 v11, v10;
	v11 =	vmul.f32 v15, v2  }
0x1b1: {  	v1 =	vmul.f32 v6, v1;
	v6 =	vadd.f32 v13, v8;
	v8 =	vmul.f32 v16, v2  }
0x1b2: {  	v4 =	vadd.f32 v5, v4;
	v5 =	vadd.f32 v11, v9;
	v9 =	vmul.f32 v17, v2  }
0x1b3: {  	v1 =	vadd.f32 v1, v3;
	v3 =	vadd.f32 v8, v10;
	v8 =	vmul.f32 v18, v2;
	[tilespmem:s25+$0x130C0] =	vst v6  }
0x1b4: {  	v0 =	vadd.f32 v7, v0;
	v2 =	vmul.f32 v12, v2;
	v4 =	vadd.f32 v9, v4;
	[tilespmem:s25+$0x13140] =	vst v5  }
0x1b5: {  	v1 =	vadd.f32 v8, v1;
	[tilespmem:s25+$0x131C0] =	vst v3  }
0x1b6: {  	v0 =	vadd.f32 v2, v0;
	[tilespmem:s25+$0x13240] =	vst v4  }
0x1b7: {  	[tilespmem:s25+$0x132C0] =	vst v1  }
0x1b8: {  	s28 =	simm.s32 $0x0;
	[tilespmem:s25+$0x13340] =	vst v0  }
0x1b9: {  	v1 =	vld [tilespmem:s28+$0x34D0]  }
0x1ba: {  	v2 =	vld [tilespmem:s28+$0xAED0]  }
0x1bb: {  	v3 =	vld [tilespmem:s28+$0x7CD0]  }
0x1bc: {  	v12 =	vld [tilespmem:s28+$0x86D0]  }
0x1bd: {  	v11 =	vld [tilespmem:s28+$0x90D0]  }
0x1be: {  	v9 =	vimm.f32 $0.0e+00;
	v10 =	vimm.f32 $0.0e+00;
	v5 =	vld [tilespmem:s28+$0x9AD0]  }
0x1bf: {  	s26 =	simm.s32 $0x80;
	v8 =	vimm.f32 $0.0e+00;
	v4 =	vimm.f32 $0.0e+00;
	v6 =	vld [tilespmem:s28+$0xA4D0];
	v7 =	vmul.f32 v2, v1  }
0x1c0: {  	v0 =	vimm.f32 $0.0e+00;
	s28 =	simm.s32 $0x400;
	v13 =	vmul.f32 v3, v1;
	v2 =	vld [tilespmem:s26+$0x34D0];
	v3 =	vimm.f32 $0.0e+00  }
.LBB2_29:
0x1c1: {  	p0 =	sne.s32 s28, $0x2600;
	v14 =	vld [tilespmem:s26+$0xAED0];
	v15 =	vmul.f32 v12, v1;
	v0 =	vadd.f32 v7, v0  }
0x1c2: {  	v16 =	vld [tilespmem:s26+$0x7CD0];
	v8 =	vadd.f32 v13, v8;
	v7 =	vmul.f32 v11, v1  }
.Ltmp14:
0x1c3: {  	v12 =	vld [tilespmem:s26+$0x86D0];
	v9 =	vadd.f32 v15, v9;
	v13 =	vmul.f32 v5, v1;
	(pc) =	sbr.rel @p0 .LBB2_29-.Ltmp14, $4  }
0x1c4: {  	v11 =	vld [tilespmem:s26+$0x90D0];
	v10 =	vadd.f32 v7, v10;
	v15 =	vmul.f32 v6, v1  }
0x1c5: {  	v5 =	vld [tilespmem:s26+$0x9AD0];
	v4 =	vadd.f32 v13, v4;
	v1 =	vmov v2  }
0x1c6: {  	v6 =	vld [tilespmem:s26+$0xA4D0];
	s26 =	sshra.s32 s28, $0x2;
	v7 =	vmul.f32 v14, v1;
	v3 =	vadd.f32 v15, v3  }
0x1c7: {  	s28 =	sadd.s32 $0x200, s28;
	v2 =	vld [tilespmem:s26+$0x34D0];
	v13 =	vmul.f32 v16, v1  }
0x1c8: {  	v14 =	vld [tilespmem:s26+$0x7CD0]  }
0x1c9: {  	v15 =	vld [tilespmem:s26+$0x86D0]  }
0x1ca: {  	v16 =	vld [tilespmem:s26+$0x90D0]  }
0x1cb: {  	v12 =	vmul.f32 v12, v1;
	v17 =	vld [tilespmem:s26+$0x9AD0]  }
0x1cc: {  	v18 =	vld [tilespmem:s26+$0xA4D0];
	v11 =	vmul.f32 v11, v1  }
0x1cd: {  	v8 =	vadd.f32 v13, v8;
	v9 =	vadd.f32 v12, v9;
	v12 =	vld [tilespmem:s26+$0xAED0];
	v13 =	vmul.f32 v14, v2  }
0x1ce: {  	v5 =	vmul.f32 v5, v1;
	v10 =	vadd.f32 v11, v10;
	v11 =	vmul.f32 v15, v2  }
0x1cf: {  	v1 =	vmul.f32 v6, v1;
	v6 =	vadd.f32 v13, v8;
	v8 =	vmul.f32 v16, v2  }
0x1d0: {  	v4 =	vadd.f32 v5, v4;
	v5 =	vadd.f32 v11, v9;
	v9 =	vmul.f32 v17, v2  }
0x1d1: {  	v1 =	vadd.f32 v1, v3;
	v3 =	vadd.f32 v8, v10;
	v8 =	vmul.f32 v18, v2;
	[tilespmem:s25+$0x130D0] =	vst v6  }
0x1d2: {  	v0 =	vadd.f32 v7, v0;
	v2 =	vmul.f32 v12, v2;
	v4 =	vadd.f32 v9, v4;
	[tilespmem:s25+$0x13150] =	vst v5  }
0x1d3: {  	v1 =	vadd.f32 v8, v1;
	[tilespmem:s25+$0x131D0] =	vst v3  }
0x1d4: {  	v0 =	vadd.f32 v2, v0;
	[tilespmem:s25+$0x13250] =	vst v4  }
0x1d5: {  	[tilespmem:s25+$0x132D0] =	vst v1  }
0x1d6: {  	s28 =	simm.s32 $0x0;
	[tilespmem:s25+$0x13350] =	vst v0  }
0x1d7: {  	v1 =	vld [tilespmem:s28+$0x34E0]  }
0x1d8: {  	v2 =	vld [tilespmem:s28+$0xAEE0]  }
0x1d9: {  	v3 =	vld [tilespmem:s28+$0x7CE0]  }
0x1da: {  	v12 =	vld [tilespmem:s28+$0x86E0]  }
0x1db: {  	v11 =	vld [tilespmem:s28+$0x90E0]  }
0x1dc: {  	v9 =	vimm.f32 $0.0e+00;
	v10 =	vimm.f32 $0.0e+00;
	v5 =	vld [tilespmem:s28+$0x9AE0]  }
0x1dd: {  	s26 =	simm.s32 $0x80;
	v8 =	vimm.f32 $0.0e+00;
	v4 =	vimm.f32 $0.0e+00;
	v6 =	vld [tilespmem:s28+$0xA4E0];
	v7 =	vmul.f32 v2, v1  }
0x1de: {  	v0 =	vimm.f32 $0.0e+00;
	s28 =	simm.s32 $0x400;
	v13 =	vmul.f32 v3, v1;
	v2 =	vld [tilespmem:s26+$0x34E0];
	v3 =	vimm.f32 $0.0e+00  }
.LBB2_31:
0x1df: {  	p0 =	sne.s32 s28, $0x2600;
	v14 =	vld [tilespmem:s26+$0xAEE0];
	v15 =	vmul.f32 v12, v1;
	v0 =	vadd.f32 v7, v0  }
0x1e0: {  	v16 =	vld [tilespmem:s26+$0x7CE0];
	v8 =	vadd.f32 v13, v8;
	v7 =	vmul.f32 v11, v1  }
.Ltmp15:
0x1e1: {  	v12 =	vld [tilespmem:s26+$0x86E0];
	v9 =	vadd.f32 v15, v9;
	v13 =	vmul.f32 v5, v1;
	(pc) =	sbr.rel @p0 .LBB2_31-.Ltmp15, $4  }
0x1e2: {  	v11 =	vld [tilespmem:s26+$0x90E0];
	v10 =	vadd.f32 v7, v10;
	v15 =	vmul.f32 v6, v1  }
0x1e3: {  	v5 =	vld [tilespmem:s26+$0x9AE0];
	v4 =	vadd.f32 v13, v4;
	v1 =	vmov v2  }
0x1e4: {  	v6 =	vld [tilespmem:s26+$0xA4E0];
	s26 =	sshra.s32 s28, $0x2;
	v7 =	vmul.f32 v14, v1;
	v3 =	vadd.f32 v15, v3  }
0x1e5: {  	s28 =	sadd.s32 $0x200, s28;
	v2 =	vld [tilespmem:s26+$0x34E0];
	v13 =	vmul.f32 v16, v1  }
0x1e6: {  	v14 =	vld [tilespmem:s26+$0x7CE0]  }
0x1e7: {  	v15 =	vld [tilespmem:s26+$0x86E0]  }
0x1e8: {  	v16 =	vld [tilespmem:s26+$0x90E0]  }
0x1e9: {  	v12 =	vmul.f32 v12, v1;
	v17 =	vld [tilespmem:s26+$0x9AE0]  }
0x1ea: {  	v18 =	vld [tilespmem:s26+$0xA4E0];
	v11 =	vmul.f32 v11, v1  }
0x1eb: {  	v8 =	vadd.f32 v13, v8;
	v9 =	vadd.f32 v12, v9;
	v12 =	vld [tilespmem:s26+$0xAEE0];
	v13 =	vmul.f32 v14, v2  }
0x1ec: {  	v5 =	vmul.f32 v5, v1;
	v10 =	vadd.f32 v11, v10;
	v11 =	vmul.f32 v15, v2  }
0x1ed: {  	v1 =	vmul.f32 v6, v1;
	v6 =	vadd.f32 v13, v8;
	v8 =	vmul.f32 v16, v2  }
0x1ee: {  	v4 =	vadd.f32 v5, v4;
	v5 =	vadd.f32 v11, v9;
	v9 =	vmul.f32 v17, v2  }
0x1ef: {  	v1 =	vadd.f32 v1, v3;
	v3 =	vadd.f32 v8, v10;
	v8 =	vmul.f32 v18, v2;
	[tilespmem:s25+$0x130E0] =	vst v6  }
0x1f0: {  	v0 =	vadd.f32 v7, v0;
	v2 =	vmul.f32 v12, v2;
	v4 =	vadd.f32 v9, v4;
	[tilespmem:s25+$0x13160] =	vst v5  }
0x1f1: {  	v1 =	vadd.f32 v8, v1;
	[tilespmem:s25+$0x131E0] =	vst v3  }
0x1f2: {  	v0 =	vadd.f32 v2, v0;
	[tilespmem:s25+$0x13260] =	vst v4  }
0x1f3: {  	[tilespmem:s25+$0x132E0] =	vst v1  }
0x1f4: {  	s28 =	simm.s32 $0x0;
	[tilespmem:s25+$0x13360] =	vst v0  }
0x1f5: {  	v1 =	vld [tilespmem:s28+$0x34F0]  }
0x1f6: {  	v2 =	vld [tilespmem:s28+$0xAEF0]  }
0x1f7: {  	v3 =	vld [tilespmem:s28+$0x7CF0]  }
0x1f8: {  	v12 =	vld [tilespmem:s28+$0x86F0]  }
0x1f9: {  	v11 =	vld [tilespmem:s28+$0x90F0]  }
0x1fa: {  	v9 =	vimm.f32 $0.0e+00;
	v10 =	vimm.f32 $0.0e+00;
	v5 =	vld [tilespmem:s28+$0x9AF0]  }
0x1fb: {  	s26 =	simm.s32 $0x80;
	v8 =	vimm.f32 $0.0e+00;
	v4 =	vimm.f32 $0.0e+00;
	v6 =	vld [tilespmem:s28+$0xA4F0];
	v7 =	vmul.f32 v2, v1  }
0x1fc: {  	v0 =	vimm.f32 $0.0e+00;
	s28 =	simm.s32 $0x400;
	v13 =	vmul.f32 v3, v1;
	v2 =	vld [tilespmem:s26+$0x34F0];
	v3 =	vimm.f32 $0.0e+00  }
.LBB2_33:
0x1fd: {  	p0 =	sne.s32 s28, $0x2600;
	v14 =	vld [tilespmem:s26+$0xAEF0];
	v15 =	vmul.f32 v12, v1;
	v0 =	vadd.f32 v7, v0  }
0x1fe: {  	v16 =	vld [tilespmem:s26+$0x7CF0];
	v8 =	vadd.f32 v13, v8;
	v7 =	vmul.f32 v11, v1  }
.Ltmp16:
0x1ff: {  	v12 =	vld [tilespmem:s26+$0x86F0];
	v9 =	vadd.f32 v15, v9;
	v13 =	vmul.f32 v5, v1;
	(pc) =	sbr.rel @p0 .LBB2_33-.Ltmp16, $4  }
0x200: {  	v11 =	vld [tilespmem:s26+$0x90F0];
	v10 =	vadd.f32 v7, v10;
	v15 =	vmul.f32 v6, v1  }
0x201: {  	v5 =	vld [tilespmem:s26+$0x9AF0];
	v4 =	vadd.f32 v13, v4;
	v1 =	vmov v2  }
0x202: {  	v6 =	vld [tilespmem:s26+$0xA4F0];
	s26 =	sshra.s32 s28, $0x2;
	v7 =	vmul.f32 v14, v1;
	v3 =	vadd.f32 v15, v3  }
0x203: {  	s28 =	sadd.s32 $0x200, s28;
	v2 =	vld [tilespmem:s26+$0x34F0];
	v13 =	vmul.f32 v16, v1  }
0x204: {  	v14 =	vld [tilespmem:s26+$0x7CF0]  }
0x205: {  	v15 =	vld [tilespmem:s26+$0x86F0]  }
0x206: {  	v16 =	vld [tilespmem:s26+$0x90F0]  }
0x207: {  	v12 =	vmul.f32 v12, v1;
	v17 =	vld [tilespmem:s26+$0x9AF0]  }
0x208: {  	v18 =	vld [tilespmem:s26+$0xA4F0];
	v11 =	vmul.f32 v11, v1  }
0x209: {  	v8 =	vadd.f32 v13, v8;
	v9 =	vadd.f32 v12, v9;
	v12 =	vld [tilespmem:s26+$0xAEF0];
	v13 =	vmul.f32 v14, v2  }
0x20a: {  	v5 =	vmul.f32 v5, v1;
	v10 =	vadd.f32 v11, v10;
	v11 =	vmul.f32 v15, v2  }
0x20b: {  	v1 =	vmul.f32 v6, v1;
	v6 =	vadd.f32 v13, v8;
	v8 =	vmul.f32 v16, v2  }
0x20c: {  	v4 =	vadd.f32 v5, v4;
	v5 =	vadd.f32 v11, v9;
	v9 =	vmul.f32 v17, v2  }
0x20d: {  	v1 =	vadd.f32 v1, v3;
	v3 =	vadd.f32 v8, v10;
	v8 =	vmul.f32 v18, v2;
	[tilespmem:s25+$0x130F0] =	vst v6  }
0x20e: {  	v0 =	vadd.f32 v7, v0;
	v2 =	vmul.f32 v12, v2;
	v4 =	vadd.f32 v9, v4;
	[tilespmem:s25+$0x13170] =	vst v5  }
0x20f: {  	v1 =	vadd.f32 v8, v1;
	[tilespmem:s25+$0x131F0] =	vst v3  }
0x210: {  	v0 =	vadd.f32 v2, v0;
	[tilespmem:s25+$0x13270] =	vst v4  }
0x211: {  	[tilespmem:s25+$0x132F0] =	vst v1  }
0x212: {  	s31 =	simm.s32 $0x0;
	[tilespmem:s25+$0x13370] =	vst v0  }
0x213: {  	v1 =	vld [tilespmem:s31+$0x3480]  }
0x214: {  	v2 =	vld [tilespmem:s31+$0xEA80]  }
0x215: {  	v3 =	vld [tilespmem:s31+$0xB880]  }
0x216: {  	v12 =	vld [tilespmem:s31+$0xC280]  }
0x217: {  	v11 =	vld [tilespmem:s31+$0xCC80]  }
0x218: {  	v9 =	vimm.f32 $0.0e+00;
	v10 =	vimm.f32 $0.0e+00;
	v5 =	vld [tilespmem:s31+$0xD680]  }
0x219: {  	v8 =	vimm.f32 $0.0e+00;
	v4 =	vimm.f32 $0.0e+00;
	s25 =	simm.s32 $0x80;
	v6 =	vld [tilespmem:s31+$0xE080];
	v7 =	vmul.f32 v2, v1  }
0x21a: {  	s26 =	simm.s32 $0x400;
	v0 =	vimm.f32 $0.0e+00;
	v13 =	vmul.f32 v3, v1;
	v2 =	vld [tilespmem:s25+$0x3480];
	v3 =	vimm.f32 $0.0e+00  }
.LBB2_35:
0x21b: {  	p0 =	sne.s32 s26, $0x2600;
	v14 =	vld [tilespmem:s25+$0xEA80];
	v15 =	vmul.f32 v12, v1;
	v0 =	vadd.f32 v7, v0  }
0x21c: {  	v16 =	vld [tilespmem:s25+$0xB880];
	v9 =	vadd.f32 v13, v9;
	v7 =	vmul.f32 v11, v1  }
.Ltmp17:
0x21d: {  	v12 =	vld [tilespmem:s25+$0xC280];
	v10 =	vadd.f32 v15, v10;
	v13 =	vmul.f32 v5, v1;
	(pc) =	sbr.rel @p0 .LBB2_35-.Ltmp17, $4  }
0x21e: {  	v11 =	vld [tilespmem:s25+$0xCC80];
	v8 =	vadd.f32 v7, v8;
	v15 =	vmul.f32 v6, v1  }
0x21f: {  	v5 =	vld [tilespmem:s25+$0xD680];
	v4 =	vadd.f32 v13, v4;
	v1 =	vmov v2  }
0x220: {  	v6 =	vld [tilespmem:s25+$0xE080];
	s25 =	sshra.s32 s26, $0x2;
	v7 =	vmul.f32 v14, v1;
	v3 =	vadd.f32 v15, v3  }
0x221: {  	s26 =	sadd.s32 $0x200, s26;
	v2 =	vld [tilespmem:s25+$0x3480];
	v13 =	vmul.f32 v16, v1  }
0x222: {  	v14 =	vld [tilespmem:s25+$0xB880];
	s26 =	smulhi.u32 $0x92492493, s24  }
0x223: {  	v15 =	vld [tilespmem:s25+$0xC280]  }
0x224: {  	v16 =	vld [tilespmem:s25+$0xCC80];
	s26 =	sshrl.u32 s26, $0x5  }
0x225: {  	v12 =	vmul.f32 v12, v1;
	v17 =	vld [tilespmem:s25+$0xD680];
	s26 =	smul.u32 $0x38, s26  }
0x226: {  	v18 =	vld [tilespmem:s25+$0xE080];
	v11 =	vmul.f32 v11, v1  }
0x227: {  	v9 =	vadd.f32 v13, v9;
	v10 =	vadd.f32 v12, v10;
	v12 =	vld [tilespmem:s25+$0xEA80];
	v13 =	vmul.f32 v14, v2;
	s30 =	ssub.s32 s24, s26  }
0x228: {  	v5 =	vmul.f32 v5, v1;
	v8 =	vadd.f32 v11, v8;
	v11 =	vmul.f32 v15, v2;
	s24 =	smul.u32 $0xC00, s30  }
0x229: {  	v1 =	vmul.f32 v6, v1;
	v6 =	vadd.f32 v13, v9;
	v9 =	vmul.f32 v16, v2  }
0x22a: {  	v4 =	vadd.f32 v5, v4;
	v5 =	vadd.f32 v11, v10;
	v10 =	vmul.f32 v17, v2;
	s24 =	sshrl.u32 s24, $0x2  }
0x22b: {  	v1 =	vadd.f32 v1, v3;
	v3 =	vadd.f32 v9, v8;
	v8 =	vmul.f32 v18, v2;
	[tilespmem:s24+$0x13080] =	vst v6  }
0x22c: {  	v0 =	vadd.f32 v7, v0;
	v2 =	vmul.f32 v12, v2;
	v4 =	vadd.f32 v10, v4;
	[tilespmem:s24+$0x13100] =	vst v5  }
0x22d: {  	v1 =	vadd.f32 v8, v1;
	[tilespmem:s24+$0x13180] =	vst v3  }
0x22e: {  	v0 =	vadd.f32 v2, v0;
	[tilespmem:s24+$0x13200] =	vst v4  }
0x22f: {  	[tilespmem:s24+$0x13280] =	vst v1  }
0x230: {  	s31 =	simm.s32 $0x0;
	[tilespmem:s24+$0x13300] =	vst v0  }
0x231: {  	v1 =	vld [tilespmem:s31+$0x3490]  }
0x232: {  	v2 =	vld [tilespmem:s31+$0xEA90]  }
0x233: {  	v3 =	vld [tilespmem:s31+$0xB890]  }
0x234: {  	v12 =	vld [tilespmem:s31+$0xC290]  }
0x235: {  	v11 =	vld [tilespmem:s31+$0xCC90]  }
0x236: {  	v9 =	vimm.f32 $0.0e+00;
	v10 =	vimm.f32 $0.0e+00;
	v5 =	vld [tilespmem:s31+$0xD690]  }
0x237: {  	s25 =	simm.s32 $0x80;
	v8 =	vimm.f32 $0.0e+00;
	v4 =	vimm.f32 $0.0e+00;
	v6 =	vld [tilespmem:s31+$0xE090];
	v7 =	vmul.f32 v2, v1  }
0x238: {  	s26 =	simm.s32 $0x400;
	v0 =	vimm.f32 $0.0e+00;
	v13 =	vmul.f32 v3, v1;
	v2 =	vld [tilespmem:s25+$0x3490];
	v3 =	vimm.f32 $0.0e+00  }
.LBB2_37:
0x239: {  	p0 =	sne.s32 s26, $0x2600;
	v14 =	vld [tilespmem:s25+$0xEA90];
	v15 =	vmul.f32 v12, v1;
	v0 =	vadd.f32 v7, v0  }
0x23a: {  	v16 =	vld [tilespmem:s25+$0xB890];
	v8 =	vadd.f32 v13, v8;
	v7 =	vmul.f32 v11, v1  }
.Ltmp18:
0x23b: {  	v12 =	vld [tilespmem:s25+$0xC290];
	v9 =	vadd.f32 v15, v9;
	v13 =	vmul.f32 v5, v1;
	(pc) =	sbr.rel @p0 .LBB2_37-.Ltmp18, $4  }
0x23c: {  	v11 =	vld [tilespmem:s25+$0xCC90];
	v10 =	vadd.f32 v7, v10;
	v15 =	vmul.f32 v6, v1  }
0x23d: {  	v5 =	vld [tilespmem:s25+$0xD690];
	v4 =	vadd.f32 v13, v4;
	v1 =	vmov v2  }
0x23e: {  	v6 =	vld [tilespmem:s25+$0xE090];
	s25 =	sshra.s32 s26, $0x2;
	v7 =	vmul.f32 v14, v1;
	v3 =	vadd.f32 v15, v3  }
0x23f: {  	s26 =	sadd.s32 $0x200, s26;
	v2 =	vld [tilespmem:s25+$0x3490];
	v13 =	vmul.f32 v16, v1  }
0x240: {  	v14 =	vld [tilespmem:s25+$0xB890]  }
0x241: {  	v15 =	vld [tilespmem:s25+$0xC290]  }
0x242: {  	v16 =	vld [tilespmem:s25+$0xCC90]  }
0x243: {  	v12 =	vmul.f32 v12, v1;
	v17 =	vld [tilespmem:s25+$0xD690]  }
0x244: {  	v18 =	vld [tilespmem:s25+$0xE090];
	v11 =	vmul.f32 v11, v1  }
0x245: {  	v8 =	vadd.f32 v13, v8;
	v9 =	vadd.f32 v12, v9;
	v12 =	vld [tilespmem:s25+$0xEA90];
	v13 =	vmul.f32 v14, v2  }
0x246: {  	v5 =	vmul.f32 v5, v1;
	v10 =	vadd.f32 v11, v10;
	v11 =	vmul.f32 v15, v2  }
0x247: {  	v1 =	vmul.f32 v6, v1;
	v6 =	vadd.f32 v13, v8;
	v8 =	vmul.f32 v16, v2  }
0x248: {  	v4 =	vadd.f32 v5, v4;
	v5 =	vadd.f32 v11, v9;
	v9 =	vmul.f32 v17, v2  }
0x249: {  	v1 =	vadd.f32 v1, v3;
	v3 =	vadd.f32 v8, v10;
	v8 =	vmul.f32 v18, v2;
	[tilespmem:s24+$0x13090] =	vst v6  }
0x24a: {  	v0 =	vadd.f32 v7, v0;
	v2 =	vmul.f32 v12, v2;
	v4 =	vadd.f32 v9, v4;
	[tilespmem:s24+$0x13110] =	vst v5  }
0x24b: {  	v1 =	vadd.f32 v8, v1;
	[tilespmem:s24+$0x13190] =	vst v3  }
0x24c: {  	v0 =	vadd.f32 v2, v0;
	[tilespmem:s24+$0x13210] =	vst v4  }
0x24d: {  	[tilespmem:s24+$0x13290] =	vst v1  }
0x24e: {  	s26 =	simm.s32 $0x0;
	[tilespmem:s24+$0x13310] =	vst v0  }
0x24f: {  	v1 =	vld [tilespmem:s26+$0x34A0]  }
0x250: {  	v2 =	vld [tilespmem:s26+$0xEAA0]  }
0x251: {  	v3 =	vld [tilespmem:s26+$0xB8A0]  }
0x252: {  	v12 =	vld [tilespmem:s26+$0xC2A0]  }
0x253: {  	v11 =	vld [tilespmem:s26+$0xCCA0]  }
0x254: {  	v9 =	vimm.f32 $0.0e+00;
	v10 =	vimm.f32 $0.0e+00;
	v5 =	vld [tilespmem:s26+$0xD6A0]  }
0x255: {  	s25 =	simm.s32 $0x80;
	v8 =	vimm.f32 $0.0e+00;
	v4 =	vimm.f32 $0.0e+00;
	v6 =	vld [tilespmem:s26+$0xE0A0];
	v7 =	vmul.f32 v2, v1  }
0x256: {  	v0 =	vimm.f32 $0.0e+00;
	s26 =	simm.s32 $0x400;
	v13 =	vmul.f32 v3, v1;
	v2 =	vld [tilespmem:s25+$0x34A0];
	v3 =	vimm.f32 $0.0e+00  }
.LBB2_39:
0x257: {  	p0 =	sne.s32 s26, $0x2600;
	v14 =	vld [tilespmem:s25+$0xEAA0];
	v15 =	vmul.f32 v12, v1;
	v0 =	vadd.f32 v7, v0  }
0x258: {  	v16 =	vld [tilespmem:s25+$0xB8A0];
	v8 =	vadd.f32 v13, v8;
	v7 =	vmul.f32 v11, v1  }
.Ltmp19:
0x259: {  	v12 =	vld [tilespmem:s25+$0xC2A0];
	v9 =	vadd.f32 v15, v9;
	v13 =	vmul.f32 v5, v1;
	(pc) =	sbr.rel @p0 .LBB2_39-.Ltmp19, $4  }
0x25a: {  	v11 =	vld [tilespmem:s25+$0xCCA0];
	v10 =	vadd.f32 v7, v10;
	v15 =	vmul.f32 v6, v1  }
0x25b: {  	v5 =	vld [tilespmem:s25+$0xD6A0];
	v4 =	vadd.f32 v13, v4;
	v1 =	vmov v2  }
0x25c: {  	v6 =	vld [tilespmem:s25+$0xE0A0];
	s25 =	sshra.s32 s26, $0x2;
	v7 =	vmul.f32 v14, v1;
	v3 =	vadd.f32 v15, v3  }
0x25d: {  	s26 =	sadd.s32 $0x200, s26;
	v2 =	vld [tilespmem:s25+$0x34A0];
	v13 =	vmul.f32 v16, v1  }
0x25e: {  	v14 =	vld [tilespmem:s25+$0xB8A0]  }
0x25f: {  	v15 =	vld [tilespmem:s25+$0xC2A0]  }
0x260: {  	v16 =	vld [tilespmem:s25+$0xCCA0]  }
0x261: {  	v12 =	vmul.f32 v12, v1;
	v17 =	vld [tilespmem:s25+$0xD6A0]  }
0x262: {  	v18 =	vld [tilespmem:s25+$0xE0A0];
	v11 =	vmul.f32 v11, v1  }
0x263: {  	v8 =	vadd.f32 v13, v8;
	v9 =	vadd.f32 v12, v9;
	v12 =	vld [tilespmem:s25+$0xEAA0];
	v13 =	vmul.f32 v14, v2  }
0x264: {  	v5 =	vmul.f32 v5, v1;
	v10 =	vadd.f32 v11, v10;
	v11 =	vmul.f32 v15, v2  }
0x265: {  	v1 =	vmul.f32 v6, v1;
	v6 =	vadd.f32 v13, v8;
	v8 =	vmul.f32 v16, v2  }
0x266: {  	v4 =	vadd.f32 v5, v4;
	v5 =	vadd.f32 v11, v9;
	v9 =	vmul.f32 v17, v2  }
0x267: {  	v1 =	vadd.f32 v1, v3;
	v3 =	vadd.f32 v8, v10;
	v8 =	vmul.f32 v18, v2;
	[tilespmem:s24+$0x130A0] =	vst v6  }
0x268: {  	v0 =	vadd.f32 v7, v0;
	v2 =	vmul.f32 v12, v2;
	v4 =	vadd.f32 v9, v4;
	[tilespmem:s24+$0x13120] =	vst v5  }
0x269: {  	v1 =	vadd.f32 v8, v1;
	[tilespmem:s24+$0x131A0] =	vst v3  }
0x26a: {  	v0 =	vadd.f32 v2, v0;
	[tilespmem:s24+$0x13220] =	vst v4  }
0x26b: {  	[tilespmem:s24+$0x132A0] =	vst v1  }
0x26c: {  	s26 =	simm.s32 $0x0;
	[tilespmem:s24+$0x13320] =	vst v0  }
0x26d: {  	v1 =	vld [tilespmem:s26+$0x34B0]  }
0x26e: {  	v2 =	vld [tilespmem:s26+$0xEAB0]  }
0x26f: {  	v3 =	vld [tilespmem:s26+$0xB8B0]  }
0x270: {  	v12 =	vld [tilespmem:s26+$0xC2B0]  }
0x271: {  	v11 =	vld [tilespmem:s26+$0xCCB0]  }
0x272: {  	v9 =	vimm.f32 $0.0e+00;
	v10 =	vimm.f32 $0.0e+00;
	v5 =	vld [tilespmem:s26+$0xD6B0]  }
0x273: {  	s25 =	simm.s32 $0x80;
	v8 =	vimm.f32 $0.0e+00;
	v4 =	vimm.f32 $0.0e+00;
	v6 =	vld [tilespmem:s26+$0xE0B0];
	v7 =	vmul.f32 v2, v1  }
0x274: {  	v0 =	vimm.f32 $0.0e+00;
	s26 =	simm.s32 $0x400;
	v13 =	vmul.f32 v3, v1;
	v2 =	vld [tilespmem:s25+$0x34B0];
	v3 =	vimm.f32 $0.0e+00  }
.LBB2_41:
0x275: {  	p0 =	sne.s32 s26, $0x2600;
	v14 =	vld [tilespmem:s25+$0xEAB0];
	v15 =	vmul.f32 v12, v1;
	v0 =	vadd.f32 v7, v0  }
0x276: {  	v16 =	vld [tilespmem:s25+$0xB8B0];
	v8 =	vadd.f32 v13, v8;
	v7 =	vmul.f32 v11, v1  }
.Ltmp20:
0x277: {  	v12 =	vld [tilespmem:s25+$0xC2B0];
	v9 =	vadd.f32 v15, v9;
	v13 =	vmul.f32 v5, v1;
	(pc) =	sbr.rel @p0 .LBB2_41-.Ltmp20, $4  }
0x278: {  	v11 =	vld [tilespmem:s25+$0xCCB0];
	v10 =	vadd.f32 v7, v10;
	v15 =	vmul.f32 v6, v1  }
0x279: {  	v5 =	vld [tilespmem:s25+$0xD6B0];
	v4 =	vadd.f32 v13, v4;
	v1 =	vmov v2  }
0x27a: {  	v6 =	vld [tilespmem:s25+$0xE0B0];
	s25 =	sshra.s32 s26, $0x2;
	v7 =	vmul.f32 v14, v1;
	v3 =	vadd.f32 v15, v3  }
0x27b: {  	s26 =	sadd.s32 $0x200, s26;
	v2 =	vld [tilespmem:s25+$0x34B0];
	v13 =	vmul.f32 v16, v1  }
0x27c: {  	v14 =	vld [tilespmem:s25+$0xB8B0]  }
0x27d: {  	v15 =	vld [tilespmem:s25+$0xC2B0]  }
0x27e: {  	v16 =	vld [tilespmem:s25+$0xCCB0]  }
0x27f: {  	v12 =	vmul.f32 v12, v1;
	v17 =	vld [tilespmem:s25+$0xD6B0]  }
0x280: {  	v18 =	vld [tilespmem:s25+$0xE0B0];
	v11 =	vmul.f32 v11, v1  }
0x281: {  	v8 =	vadd.f32 v13, v8;
	v9 =	vadd.f32 v12, v9;
	v12 =	vld [tilespmem:s25+$0xEAB0];
	v13 =	vmul.f32 v14, v2  }
0x282: {  	v5 =	vmul.f32 v5, v1;
	v10 =	vadd.f32 v11, v10;
	v11 =	vmul.f32 v15, v2  }
0x283: {  	v1 =	vmul.f32 v6, v1;
	v6 =	vadd.f32 v13, v8;
	v8 =	vmul.f32 v16, v2  }
0x284: {  	v4 =	vadd.f32 v5, v4;
	v5 =	vadd.f32 v11, v9;
	v9 =	vmul.f32 v17, v2  }
0x285: {  	v1 =	vadd.f32 v1, v3;
	v3 =	vadd.f32 v8, v10;
	v8 =	vmul.f32 v18, v2;
	[tilespmem:s24+$0x130B0] =	vst v6  }
0x286: {  	v0 =	vadd.f32 v7, v0;
	v2 =	vmul.f32 v12, v2;
	v4 =	vadd.f32 v9, v4;
	[tilespmem:s24+$0x13130] =	vst v5  }
0x287: {  	v1 =	vadd.f32 v8, v1;
	[tilespmem:s24+$0x131B0] =	vst v3  }
0x288: {  	v0 =	vadd.f32 v2, v0;
	[tilespmem:s24+$0x13230] =	vst v4  }
0x289: {  	[tilespmem:s24+$0x132B0] =	vst v1  }
0x28a: {  	s26 =	simm.s32 $0x0;
	[tilespmem:s24+$0x13330] =	vst v0  }
0x28b: {  	v1 =	vld [tilespmem:s26+$0x34C0]  }
0x28c: {  	v2 =	vld [tilespmem:s26+$0xEAC0]  }
0x28d: {  	v3 =	vld [tilespmem:s26+$0xB8C0]  }
0x28e: {  	v12 =	vld [tilespmem:s26+$0xC2C0]  }
0x28f: {  	v11 =	vld [tilespmem:s26+$0xCCC0]  }
0x290: {  	v9 =	vimm.f32 $0.0e+00;
	v10 =	vimm.f32 $0.0e+00;
	v5 =	vld [tilespmem:s26+$0xD6C0]  }
0x291: {  	s25 =	simm.s32 $0x80;
	v8 =	vimm.f32 $0.0e+00;
	v4 =	vimm.f32 $0.0e+00;
	v6 =	vld [tilespmem:s26+$0xE0C0];
	v7 =	vmul.f32 v2, v1  }
0x292: {  	v0 =	vimm.f32 $0.0e+00;
	s26 =	simm.s32 $0x400;
	v13 =	vmul.f32 v3, v1;
	v2 =	vld [tilespmem:s25+$0x34C0];
	v3 =	vimm.f32 $0.0e+00  }
.LBB2_43:
0x293: {  	p0 =	sne.s32 s26, $0x2600;
	v14 =	vld [tilespmem:s25+$0xEAC0];
	v15 =	vmul.f32 v12, v1;
	v0 =	vadd.f32 v7, v0  }
0x294: {  	v16 =	vld [tilespmem:s25+$0xB8C0];
	v8 =	vadd.f32 v13, v8;
	v7 =	vmul.f32 v11, v1  }
.Ltmp21:
0x295: {  	v12 =	vld [tilespmem:s25+$0xC2C0];
	v9 =	vadd.f32 v15, v9;
	v13 =	vmul.f32 v5, v1;
	(pc) =	sbr.rel @p0 .LBB2_43-.Ltmp21, $4  }
0x296: {  	v11 =	vld [tilespmem:s25+$0xCCC0];
	v10 =	vadd.f32 v7, v10;
	v15 =	vmul.f32 v6, v1  }
0x297: {  	v5 =	vld [tilespmem:s25+$0xD6C0];
	v4 =	vadd.f32 v13, v4;
	v1 =	vmov v2  }
0x298: {  	v6 =	vld [tilespmem:s25+$0xE0C0];
	s25 =	sshra.s32 s26, $0x2;
	v7 =	vmul.f32 v14, v1;
	v3 =	vadd.f32 v15, v3  }
0x299: {  	s26 =	sadd.s32 $0x200, s26;
	v2 =	vld [tilespmem:s25+$0x34C0];
	v13 =	vmul.f32 v16, v1  }
0x29a: {  	v14 =	vld [tilespmem:s25+$0xB8C0]  }
0x29b: {  	v15 =	vld [tilespmem:s25+$0xC2C0]  }
0x29c: {  	v16 =	vld [tilespmem:s25+$0xCCC0]  }
0x29d: {  	v12 =	vmul.f32 v12, v1;
	v17 =	vld [tilespmem:s25+$0xD6C0]  }
0x29e: {  	v18 =	vld [tilespmem:s25+$0xE0C0];
	v11 =	vmul.f32 v11, v1  }
0x29f: {  	v8 =	vadd.f32 v13, v8;
	v9 =	vadd.f32 v12, v9;
	v12 =	vld [tilespmem:s25+$0xEAC0];
	v13 =	vmul.f32 v14, v2  }
0x2a0: {  	v5 =	vmul.f32 v5, v1;
	v10 =	vadd.f32 v11, v10;
	v11 =	vmul.f32 v15, v2  }
0x2a1: {  	v1 =	vmul.f32 v6, v1;
	v6 =	vadd.f32 v13, v8;
	v8 =	vmul.f32 v16, v2  }
0x2a2: {  	v4 =	vadd.f32 v5, v4;
	v5 =	vadd.f32 v11, v9;
	v9 =	vmul.f32 v17, v2  }
0x2a3: {  	v1 =	vadd.f32 v1, v3;
	v3 =	vadd.f32 v8, v10;
	v8 =	vmul.f32 v18, v2;
	[tilespmem:s24+$0x130C0] =	vst v6  }
0x2a4: {  	v0 =	vadd.f32 v7, v0;
	v2 =	vmul.f32 v12, v2;
	v4 =	vadd.f32 v9, v4;
	[tilespmem:s24+$0x13140] =	vst v5  }
0x2a5: {  	v1 =	vadd.f32 v8, v1;
	[tilespmem:s24+$0x131C0] =	vst v3  }
0x2a6: {  	v0 =	vadd.f32 v2, v0;
	[tilespmem:s24+$0x13240] =	vst v4  }
0x2a7: {  	[tilespmem:s24+$0x132C0] =	vst v1  }
0x2a8: {  	s26 =	simm.s32 $0x0;
	[tilespmem:s24+$0x13340] =	vst v0  }
0x2a9: {  	v1 =	vld [tilespmem:s26+$0x34D0]  }
0x2aa: {  	v2 =	vld [tilespmem:s26+$0xEAD0]  }
0x2ab: {  	v3 =	vld [tilespmem:s26+$0xB8D0]  }
0x2ac: {  	v12 =	vld [tilespmem:s26+$0xC2D0]  }
0x2ad: {  	v11 =	vld [tilespmem:s26+$0xCCD0]  }
0x2ae: {  	v9 =	vimm.f32 $0.0e+00;
	v10 =	vimm.f32 $0.0e+00;
	v5 =	vld [tilespmem:s26+$0xD6D0]  }
0x2af: {  	s25 =	simm.s32 $0x80;
	v8 =	vimm.f32 $0.0e+00;
	v4 =	vimm.f32 $0.0e+00;
	v6 =	vld [tilespmem:s26+$0xE0D0];
	v7 =	vmul.f32 v2, v1  }
0x2b0: {  	v0 =	vimm.f32 $0.0e+00;
	s26 =	simm.s32 $0x400;
	v13 =	vmul.f32 v3, v1;
	v2 =	vld [tilespmem:s25+$0x34D0];
	v3 =	vimm.f32 $0.0e+00  }
.LBB2_45:
0x2b1: {  	p0 =	sne.s32 s26, $0x2600;
	v14 =	vld [tilespmem:s25+$0xEAD0];
	v15 =	vmul.f32 v12, v1;
	v0 =	vadd.f32 v7, v0  }
0x2b2: {  	v16 =	vld [tilespmem:s25+$0xB8D0];
	v8 =	vadd.f32 v13, v8;
	v7 =	vmul.f32 v11, v1  }
.Ltmp22:
0x2b3: {  	v12 =	vld [tilespmem:s25+$0xC2D0];
	v9 =	vadd.f32 v15, v9;
	v13 =	vmul.f32 v5, v1;
	(pc) =	sbr.rel @p0 .LBB2_45-.Ltmp22, $4  }
0x2b4: {  	v11 =	vld [tilespmem:s25+$0xCCD0];
	v10 =	vadd.f32 v7, v10;
	v15 =	vmul.f32 v6, v1  }
0x2b5: {  	v5 =	vld [tilespmem:s25+$0xD6D0];
	v4 =	vadd.f32 v13, v4;
	v1 =	vmov v2  }
0x2b6: {  	v6 =	vld [tilespmem:s25+$0xE0D0];
	s25 =	sshra.s32 s26, $0x2;
	v7 =	vmul.f32 v14, v1;
	v3 =	vadd.f32 v15, v3  }
0x2b7: {  	s26 =	sadd.s32 $0x200, s26;
	v2 =	vld [tilespmem:s25+$0x34D0];
	v13 =	vmul.f32 v16, v1  }
0x2b8: {  	v14 =	vld [tilespmem:s25+$0xB8D0]  }
0x2b9: {  	v15 =	vld [tilespmem:s25+$0xC2D0]  }
0x2ba: {  	v16 =	vld [tilespmem:s25+$0xCCD0]  }
0x2bb: {  	v12 =	vmul.f32 v12, v1;
	v17 =	vld [tilespmem:s25+$0xD6D0]  }
0x2bc: {  	v18 =	vld [tilespmem:s25+$0xE0D0];
	v11 =	vmul.f32 v11, v1  }
0x2bd: {  	v8 =	vadd.f32 v13, v8;
	v9 =	vadd.f32 v12, v9;
	v12 =	vld [tilespmem:s25+$0xEAD0];
	v13 =	vmul.f32 v14, v2  }
0x2be: {  	v5 =	vmul.f32 v5, v1;
	v10 =	vadd.f32 v11, v10;
	v11 =	vmul.f32 v15, v2  }
0x2bf: {  	v1 =	vmul.f32 v6, v1;
	v6 =	vadd.f32 v13, v8;
	v8 =	vmul.f32 v16, v2  }
0x2c0: {  	v4 =	vadd.f32 v5, v4;
	v5 =	vadd.f32 v11, v9;
	v9 =	vmul.f32 v17, v2  }
0x2c1: {  	v1 =	vadd.f32 v1, v3;
	v3 =	vadd.f32 v8, v10;
	v8 =	vmul.f32 v18, v2;
	[tilespmem:s24+$0x130D0] =	vst v6  }
0x2c2: {  	v0 =	vadd.f32 v7, v0;
	v2 =	vmul.f32 v12, v2;
	v4 =	vadd.f32 v9, v4;
	[tilespmem:s24+$0x13150] =	vst v5  }
0x2c3: {  	v1 =	vadd.f32 v8, v1;
	[tilespmem:s24+$0x131D0] =	vst v3  }
0x2c4: {  	v0 =	vadd.f32 v2, v0;
	[tilespmem:s24+$0x13250] =	vst v4  }
0x2c5: {  	[tilespmem:s24+$0x132D0] =	vst v1  }
0x2c6: {  	s26 =	simm.s32 $0x0;
	[tilespmem:s24+$0x13350] =	vst v0  }
0x2c7: {  	v1 =	vld [tilespmem:s26+$0x34E0]  }
0x2c8: {  	v2 =	vld [tilespmem:s26+$0xEAE0]  }
0x2c9: {  	v3 =	vld [tilespmem:s26+$0xB8E0]  }
0x2ca: {  	v12 =	vld [tilespmem:s26+$0xC2E0]  }
0x2cb: {  	v11 =	vld [tilespmem:s26+$0xCCE0]  }
0x2cc: {  	v9 =	vimm.f32 $0.0e+00;
	v10 =	vimm.f32 $0.0e+00;
	v5 =	vld [tilespmem:s26+$0xD6E0]  }
0x2cd: {  	s25 =	simm.s32 $0x80;
	v8 =	vimm.f32 $0.0e+00;
	v4 =	vimm.f32 $0.0e+00;
	v6 =	vld [tilespmem:s26+$0xE0E0];
	v7 =	vmul.f32 v2, v1  }
0x2ce: {  	v0 =	vimm.f32 $0.0e+00;
	s26 =	simm.s32 $0x400;
	v13 =	vmul.f32 v3, v1;
	v2 =	vld [tilespmem:s25+$0x34E0];
	v3 =	vimm.f32 $0.0e+00  }
.LBB2_47:
0x2cf: {  	p0 =	sne.s32 s26, $0x2600;
	v14 =	vld [tilespmem:s25+$0xEAE0];
	v15 =	vmul.f32 v12, v1;
	v0 =	vadd.f32 v7, v0  }
0x2d0: {  	v16 =	vld [tilespmem:s25+$0xB8E0];
	v8 =	vadd.f32 v13, v8;
	v7 =	vmul.f32 v11, v1  }
.Ltmp23:
0x2d1: {  	v12 =	vld [tilespmem:s25+$0xC2E0];
	v9 =	vadd.f32 v15, v9;
	v13 =	vmul.f32 v5, v1;
	(pc) =	sbr.rel @p0 .LBB2_47-.Ltmp23, $4  }
0x2d2: {  	v11 =	vld [tilespmem:s25+$0xCCE0];
	v10 =	vadd.f32 v7, v10;
	v15 =	vmul.f32 v6, v1  }
0x2d3: {  	v5 =	vld [tilespmem:s25+$0xD6E0];
	v4 =	vadd.f32 v13, v4;
	v1 =	vmov v2  }
0x2d4: {  	v6 =	vld [tilespmem:s25+$0xE0E0];
	s25 =	sshra.s32 s26, $0x2;
	v7 =	vmul.f32 v14, v1;
	v3 =	vadd.f32 v15, v3  }
0x2d5: {  	s26 =	sadd.s32 $0x200, s26;
	v2 =	vld [tilespmem:s25+$0x34E0];
	v13 =	vmul.f32 v16, v1  }
0x2d6: {  	v14 =	vld [tilespmem:s25+$0xB8E0]  }
0x2d7: {  	v15 =	vld [tilespmem:s25+$0xC2E0]  }
0x2d8: {  	v16 =	vld [tilespmem:s25+$0xCCE0]  }
0x2d9: {  	v12 =	vmul.f32 v12, v1;
	v17 =	vld [tilespmem:s25+$0xD6E0]  }
0x2da: {  	v18 =	vld [tilespmem:s25+$0xE0E0];
	v11 =	vmul.f32 v11, v1  }
0x2db: {  	v8 =	vadd.f32 v13, v8;
	v9 =	vadd.f32 v12, v9;
	v12 =	vld [tilespmem:s25+$0xEAE0];
	v13 =	vmul.f32 v14, v2  }
0x2dc: {  	v5 =	vmul.f32 v5, v1;
	v10 =	vadd.f32 v11, v10;
	v11 =	vmul.f32 v15, v2  }
0x2dd: {  	v1 =	vmul.f32 v6, v1;
	v6 =	vadd.f32 v13, v8;
	v8 =	vmul.f32 v16, v2  }
0x2de: {  	v4 =	vadd.f32 v5, v4;
	v5 =	vadd.f32 v11, v9;
	v9 =	vmul.f32 v17, v2  }
0x2df: {  	v1 =	vadd.f32 v1, v3;
	v3 =	vadd.f32 v8, v10;
	v8 =	vmul.f32 v18, v2;
	[tilespmem:s24+$0x130E0] =	vst v6  }
0x2e0: {  	v0 =	vadd.f32 v7, v0;
	v2 =	vmul.f32 v12, v2;
	v4 =	vadd.f32 v9, v4;
	[tilespmem:s24+$0x13160] =	vst v5  }
0x2e1: {  	v1 =	vadd.f32 v8, v1;
	[tilespmem:s24+$0x131E0] =	vst v3  }
0x2e2: {  	v0 =	vadd.f32 v2, v0;
	[tilespmem:s24+$0x13260] =	vst v4  }
0x2e3: {  	[tilespmem:s24+$0x132E0] =	vst v1  }
0x2e4: {  	s26 =	simm.s32 $0x0;
	[tilespmem:s24+$0x13360] =	vst v0  }
0x2e5: {  	v1 =	vld [tilespmem:s26+$0x34F0]  }
0x2e6: {  	v2 =	vld [tilespmem:s26+$0xEAF0]  }
0x2e7: {  	v3 =	vld [tilespmem:s26+$0xB8F0]  }
0x2e8: {  	v12 =	vld [tilespmem:s26+$0xC2F0]  }
0x2e9: {  	v11 =	vld [tilespmem:s26+$0xCCF0]  }
0x2ea: {  	v9 =	vimm.f32 $0.0e+00;
	v10 =	vimm.f32 $0.0e+00;
	v5 =	vld [tilespmem:s26+$0xD6F0]  }
0x2eb: {  	s25 =	simm.s32 $0x80;
	v8 =	vimm.f32 $0.0e+00;
	v4 =	vimm.f32 $0.0e+00;
	v6 =	vld [tilespmem:s26+$0xE0F0];
	v7 =	vmul.f32 v2, v1  }
0x2ec: {  	v0 =	vimm.f32 $0.0e+00;
	s26 =	simm.s32 $0x400;
	v13 =	vmul.f32 v3, v1;
	v2 =	vld [tilespmem:s25+$0x34F0];
	v3 =	vimm.f32 $0.0e+00  }
.LBB2_49:
0x2ed: {  	p0 =	sne.s32 s26, $0x2600;
	v14 =	vld [tilespmem:s25+$0xEAF0];
	v15 =	vmul.f32 v12, v1;
	v0 =	vadd.f32 v7, v0  }
0x2ee: {  	v16 =	vld [tilespmem:s25+$0xB8F0];
	v8 =	vadd.f32 v13, v8;
	v7 =	vmul.f32 v11, v1  }
.Ltmp24:
0x2ef: {  	v12 =	vld [tilespmem:s25+$0xC2F0];
	v9 =	vadd.f32 v15, v9;
	v13 =	vmul.f32 v5, v1;
	(pc) =	sbr.rel @p0 .LBB2_49-.Ltmp24, $4  }
0x2f0: {  	v11 =	vld [tilespmem:s25+$0xCCF0];
	v10 =	vadd.f32 v7, v10;
	v15 =	vmul.f32 v6, v1  }
0x2f1: {  	v5 =	vld [tilespmem:s25+$0xD6F0];
	v4 =	vadd.f32 v13, v4;
	v1 =	vmov v2  }
0x2f2: {  	v6 =	vld [tilespmem:s25+$0xE0F0];
	s25 =	sshra.s32 s26, $0x2;
	v7 =	vmul.f32 v14, v1;
	v3 =	vadd.f32 v15, v3  }
0x2f3: {  	s26 =	sadd.s32 $0x200, s26;
	v2 =	vld [tilespmem:s25+$0x34F0];
	v13 =	vmul.f32 v16, v1  }
0x2f4: {  	v14 =	vld [tilespmem:s25+$0xB8F0]  }
0x2f5: {  	v15 =	vld [tilespmem:s25+$0xC2F0]  }
0x2f6: {  	v16 =	vld [tilespmem:s25+$0xCCF0]  }
0x2f7: {  	v12 =	vmul.f32 v12, v1;
	v17 =	vld [tilespmem:s25+$0xD6F0]  }
0x2f8: {  	v18 =	vld [tilespmem:s25+$0xE0F0];
	v11 =	vmul.f32 v11, v1  }
0x2f9: {  	v8 =	vadd.f32 v13, v8;
	v9 =	vadd.f32 v12, v9;
	v12 =	vld [tilespmem:s25+$0xEAF0];
	v13 =	vmul.f32 v14, v2  }
0x2fa: {  	v5 =	vmul.f32 v5, v1;
	v10 =	vadd.f32 v11, v10;
	v11 =	vmul.f32 v15, v2  }
0x2fb: {  	v1 =	vmul.f32 v6, v1;
	v6 =	vadd.f32 v13, v8;
	v8 =	vmul.f32 v16, v2  }
0x2fc: {  	v4 =	vadd.f32 v5, v4;
	v5 =	vadd.f32 v11, v9;
	v9 =	vmul.f32 v17, v2  }
0x2fd: {  	v1 =	vadd.f32 v1, v3;
	v3 =	vadd.f32 v8, v10;
	v8 =	vmul.f32 v18, v2;
	[tilespmem:s24+$0x130F0] =	vst v6  }
0x2fe: {  	v0 =	vadd.f32 v7, v0;
	v2 =	vmul.f32 v12, v2;
	v4 =	vadd.f32 v9, v4;
	[tilespmem:s24+$0x13170] =	vst v5  }
0x2ff: {  	v1 =	vadd.f32 v8, v1;
	[tilespmem:s24+$0x131F0] =	vst v3  }
0x300: {  	v0 =	vadd.f32 v2, v0;
	[tilespmem:s24+$0x13270] =	vst v4  }
0x301: {  	[tilespmem:s24+$0x132F0] =	vst v1  }
0x302: {  	s31 =	simm.s32 $0x0;
	[tilespmem:s24+$0x13370] =	vst v0  }
0x303: {  	v1 =	vld [tilespmem:s31+$0x3480]  }
0x304: {  	v2 =	vld [tilespmem:s31+$0x12680]  }
0x305: {  	v3 =	vld [tilespmem:s31+$0xF480]  }
0x306: {  	v12 =	vld [tilespmem:s31+$0xFE80]  }
0x307: {  	v11 =	vld [tilespmem:s31+$0x10880]  }
0x308: {  	v9 =	vimm.f32 $0.0e+00;
	v10 =	vimm.f32 $0.0e+00;
	v5 =	vld [tilespmem:s31+$0x11280]  }
0x309: {  	v8 =	vimm.f32 $0.0e+00;
	v4 =	vimm.f32 $0.0e+00;
	s24 =	simm.s32 $0x80;
	v6 =	vld [tilespmem:s31+$0x11C80];
	v7 =	vmul.f32 v2, v1  }
0x30a: {  	s25 =	simm.s32 $0x400;
	v0 =	vimm.f32 $0.0e+00;
	v13 =	vmul.f32 v3, v1;
	v2 =	vld [tilespmem:s24+$0x3480];
	v3 =	vimm.f32 $0.0e+00  }
.LBB2_51:
0x30b: {  	p0 =	sne.s32 s25, $0x2600;
	v14 =	vld [tilespmem:s24+$0x12680];
	v15 =	vmul.f32 v12, v1;
	v0 =	vadd.f32 v7, v0  }
0x30c: {  	v16 =	vld [tilespmem:s24+$0xF480];
	v9 =	vadd.f32 v13, v9;
	v7 =	vmul.f32 v11, v1  }
.Ltmp25:
0x30d: {  	v12 =	vld [tilespmem:s24+$0xFE80];
	v10 =	vadd.f32 v15, v10;
	v13 =	vmul.f32 v5, v1;
	(pc) =	sbr.rel @p0 .LBB2_51-.Ltmp25, $4  }
0x30e: {  	v11 =	vld [tilespmem:s24+$0x10880];
	v8 =	vadd.f32 v7, v8;
	v15 =	vmul.f32 v6, v1  }
0x30f: {  	v5 =	vld [tilespmem:s24+$0x11280];
	v4 =	vadd.f32 v13, v4;
	v1 =	vmov v2  }
0x310: {  	v6 =	vld [tilespmem:s24+$0x11C80];
	s24 =	sshra.s32 s25, $0x2;
	v7 =	vmul.f32 v14, v1;
	v3 =	vadd.f32 v15, v3  }
0x311: {  	s25 =	sadd.s32 $0x200, s25;
	v2 =	vld [tilespmem:s24+$0x3480];
	v13 =	vmul.f32 v16, v1  }
0x312: {  	v14 =	vld [tilespmem:s24+$0xF480];
	s25 =	smulhi.u32 $0x92492493, s23  }
0x313: {  	v15 =	vld [tilespmem:s24+$0xFE80]  }
0x314: {  	v16 =	vld [tilespmem:s24+$0x10880];
	s25 =	sshrl.u32 s25, $0x5  }
0x315: {  	v12 =	vmul.f32 v12, v1;
	v17 =	vld [tilespmem:s24+$0x11280];
	s25 =	smul.u32 $0x38, s25  }
0x316: {  	v18 =	vld [tilespmem:s24+$0x11C80];
	v11 =	vmul.f32 v11, v1  }
0x317: {  	v9 =	vadd.f32 v13, v9;
	v10 =	vadd.f32 v12, v10;
	v12 =	vld [tilespmem:s24+$0x12680];
	v13 =	vmul.f32 v14, v2;
	s30 =	ssub.s32 s23, s25  }
0x318: {  	v5 =	vmul.f32 v5, v1;
	v8 =	vadd.f32 v11, v8;
	v11 =	vmul.f32 v15, v2;
	s23 =	smul.u32 $0xC00, s30  }
0x319: {  	v1 =	vmul.f32 v6, v1;
	v6 =	vadd.f32 v13, v9;
	v9 =	vmul.f32 v16, v2  }
0x31a: {  	v4 =	vadd.f32 v5, v4;
	v5 =	vadd.f32 v11, v10;
	v10 =	vmul.f32 v17, v2;
	s23 =	sshrl.u32 s23, $0x2  }
0x31b: {  	v1 =	vadd.f32 v1, v3;
	v3 =	vadd.f32 v9, v8;
	v8 =	vmul.f32 v18, v2;
	[tilespmem:s23+$0x13080] =	vst v6  }
0x31c: {  	v0 =	vadd.f32 v7, v0;
	v2 =	vmul.f32 v12, v2;
	v4 =	vadd.f32 v10, v4;
	[tilespmem:s23+$0x13100] =	vst v5  }
0x31d: {  	v1 =	vadd.f32 v8, v1;
	[tilespmem:s23+$0x13180] =	vst v3  }
0x31e: {  	v0 =	vadd.f32 v2, v0;
	[tilespmem:s23+$0x13200] =	vst v4  }
0x31f: {  	[tilespmem:s23+$0x13280] =	vst v1  }
0x320: {  	s31 =	simm.s32 $0x0;
	[tilespmem:s23+$0x13300] =	vst v0  }
0x321: {  	v1 =	vld [tilespmem:s31+$0x3490]  }
0x322: {  	v2 =	vld [tilespmem:s31+$0x12690]  }
0x323: {  	v3 =	vld [tilespmem:s31+$0xF490]  }
0x324: {  	v12 =	vld [tilespmem:s31+$0xFE90]  }
0x325: {  	v11 =	vld [tilespmem:s31+$0x10890]  }
0x326: {  	v9 =	vimm.f32 $0.0e+00;
	v10 =	vimm.f32 $0.0e+00;
	v5 =	vld [tilespmem:s31+$0x11290]  }
0x327: {  	s24 =	simm.s32 $0x80;
	v8 =	vimm.f32 $0.0e+00;
	v4 =	vimm.f32 $0.0e+00;
	v6 =	vld [tilespmem:s31+$0x11C90];
	v7 =	vmul.f32 v2, v1  }
0x328: {  	s25 =	simm.s32 $0x400;
	v0 =	vimm.f32 $0.0e+00;
	v13 =	vmul.f32 v3, v1;
	v2 =	vld [tilespmem:s24+$0x3490];
	v3 =	vimm.f32 $0.0e+00  }
.LBB2_53:
0x329: {  	p0 =	sne.s32 s25, $0x2600;
	v14 =	vld [tilespmem:s24+$0x12690];
	v15 =	vmul.f32 v12, v1;
	v0 =	vadd.f32 v7, v0  }
0x32a: {  	v16 =	vld [tilespmem:s24+$0xF490];
	v8 =	vadd.f32 v13, v8;
	v7 =	vmul.f32 v11, v1  }
.Ltmp26:
0x32b: {  	v12 =	vld [tilespmem:s24+$0xFE90];
	v9 =	vadd.f32 v15, v9;
	v13 =	vmul.f32 v5, v1;
	(pc) =	sbr.rel @p0 .LBB2_53-.Ltmp26, $4  }
0x32c: {  	v11 =	vld [tilespmem:s24+$0x10890];
	v10 =	vadd.f32 v7, v10;
	v15 =	vmul.f32 v6, v1  }
0x32d: {  	v5 =	vld [tilespmem:s24+$0x11290];
	v4 =	vadd.f32 v13, v4;
	v1 =	vmov v2  }
0x32e: {  	v6 =	vld [tilespmem:s24+$0x11C90];
	s24 =	sshra.s32 s25, $0x2;
	v7 =	vmul.f32 v14, v1;
	v3 =	vadd.f32 v15, v3  }
0x32f: {  	s25 =	sadd.s32 $0x200, s25;
	v2 =	vld [tilespmem:s24+$0x3490];
	v13 =	vmul.f32 v16, v1  }
0x330: {  	v14 =	vld [tilespmem:s24+$0xF490]  }
0x331: {  	v15 =	vld [tilespmem:s24+$0xFE90]  }
0x332: {  	v16 =	vld [tilespmem:s24+$0x10890]  }
0x333: {  	v12 =	vmul.f32 v12, v1;
	v17 =	vld [tilespmem:s24+$0x11290]  }
0x334: {  	v18 =	vld [tilespmem:s24+$0x11C90];
	v11 =	vmul.f32 v11, v1  }
0x335: {  	v8 =	vadd.f32 v13, v8;
	v9 =	vadd.f32 v12, v9;
	v12 =	vld [tilespmem:s24+$0x12690];
	v13 =	vmul.f32 v14, v2  }
0x336: {  	v5 =	vmul.f32 v5, v1;
	v10 =	vadd.f32 v11, v10;
	v11 =	vmul.f32 v15, v2  }
0x337: {  	v1 =	vmul.f32 v6, v1;
	v6 =	vadd.f32 v13, v8;
	v8 =	vmul.f32 v16, v2  }
0x338: {  	v4 =	vadd.f32 v5, v4;
	v5 =	vadd.f32 v11, v9;
	v9 =	vmul.f32 v17, v2  }
0x339: {  	v1 =	vadd.f32 v1, v3;
	v3 =	vadd.f32 v8, v10;
	v8 =	vmul.f32 v18, v2;
	[tilespmem:s23+$0x13090] =	vst v6  }
0x33a: {  	v0 =	vadd.f32 v7, v0;
	v2 =	vmul.f32 v12, v2;
	v4 =	vadd.f32 v9, v4;
	[tilespmem:s23+$0x13110] =	vst v5  }
0x33b: {  	v1 =	vadd.f32 v8, v1;
	[tilespmem:s23+$0x13190] =	vst v3  }
0x33c: {  	v0 =	vadd.f32 v2, v0;
	[tilespmem:s23+$0x13210] =	vst v4  }
0x33d: {  	[tilespmem:s23+$0x13290] =	vst v1  }
0x33e: {  	s25 =	simm.s32 $0x0;
	[tilespmem:s23+$0x13310] =	vst v0  }
0x33f: {  	v1 =	vld [tilespmem:s25+$0x34A0]  }
0x340: {  	v2 =	vld [tilespmem:s25+$0x126A0]  }
0x341: {  	v3 =	vld [tilespmem:s25+$0xF4A0]  }
0x342: {  	v12 =	vld [tilespmem:s25+$0xFEA0]  }
0x343: {  	v11 =	vld [tilespmem:s25+$0x108A0]  }
0x344: {  	v9 =	vimm.f32 $0.0e+00;
	v10 =	vimm.f32 $0.0e+00;
	v5 =	vld [tilespmem:s25+$0x112A0]  }
0x345: {  	s24 =	simm.s32 $0x80;
	v8 =	vimm.f32 $0.0e+00;
	v4 =	vimm.f32 $0.0e+00;
	v6 =	vld [tilespmem:s25+$0x11CA0];
	v7 =	vmul.f32 v2, v1  }
0x346: {  	v0 =	vimm.f32 $0.0e+00;
	s25 =	simm.s32 $0x400;
	v13 =	vmul.f32 v3, v1;
	v2 =	vld [tilespmem:s24+$0x34A0];
	v3 =	vimm.f32 $0.0e+00  }
.LBB2_55:
0x347: {  	p0 =	sne.s32 s25, $0x2600;
	v14 =	vld [tilespmem:s24+$0x126A0];
	v15 =	vmul.f32 v12, v1;
	v0 =	vadd.f32 v7, v0  }
0x348: {  	v16 =	vld [tilespmem:s24+$0xF4A0];
	v8 =	vadd.f32 v13, v8;
	v7 =	vmul.f32 v11, v1  }
.Ltmp27:
0x349: {  	v12 =	vld [tilespmem:s24+$0xFEA0];
	v9 =	vadd.f32 v15, v9;
	v13 =	vmul.f32 v5, v1;
	(pc) =	sbr.rel @p0 .LBB2_55-.Ltmp27, $4  }
0x34a: {  	v11 =	vld [tilespmem:s24+$0x108A0];
	v10 =	vadd.f32 v7, v10;
	v15 =	vmul.f32 v6, v1  }
0x34b: {  	v5 =	vld [tilespmem:s24+$0x112A0];
	v4 =	vadd.f32 v13, v4;
	v1 =	vmov v2  }
0x34c: {  	v6 =	vld [tilespmem:s24+$0x11CA0];
	s24 =	sshra.s32 s25, $0x2;
	v7 =	vmul.f32 v14, v1;
	v3 =	vadd.f32 v15, v3  }
0x34d: {  	s25 =	sadd.s32 $0x200, s25;
	v2 =	vld [tilespmem:s24+$0x34A0];
	v13 =	vmul.f32 v16, v1  }
0x34e: {  	v14 =	vld [tilespmem:s24+$0xF4A0]  }
0x34f: {  	v15 =	vld [tilespmem:s24+$0xFEA0]  }
0x350: {  	v16 =	vld [tilespmem:s24+$0x108A0]  }
0x351: {  	v12 =	vmul.f32 v12, v1;
	v17 =	vld [tilespmem:s24+$0x112A0]  }
0x352: {  	v18 =	vld [tilespmem:s24+$0x11CA0];
	v11 =	vmul.f32 v11, v1  }
0x353: {  	v8 =	vadd.f32 v13, v8;
	v9 =	vadd.f32 v12, v9;
	v12 =	vld [tilespmem:s24+$0x126A0];
	v13 =	vmul.f32 v14, v2  }
0x354: {  	v5 =	vmul.f32 v5, v1;
	v10 =	vadd.f32 v11, v10;
	v11 =	vmul.f32 v15, v2  }
0x355: {  	v1 =	vmul.f32 v6, v1;
	v6 =	vadd.f32 v13, v8;
	v8 =	vmul.f32 v16, v2  }
0x356: {  	v4 =	vadd.f32 v5, v4;
	v5 =	vadd.f32 v11, v9;
	v9 =	vmul.f32 v17, v2  }
0x357: {  	v1 =	vadd.f32 v1, v3;
	v3 =	vadd.f32 v8, v10;
	v8 =	vmul.f32 v18, v2;
	[tilespmem:s23+$0x130A0] =	vst v6  }
0x358: {  	v0 =	vadd.f32 v7, v0;
	v2 =	vmul.f32 v12, v2;
	v4 =	vadd.f32 v9, v4;
	[tilespmem:s23+$0x13120] =	vst v5  }
0x359: {  	v1 =	vadd.f32 v8, v1;
	[tilespmem:s23+$0x131A0] =	vst v3  }
0x35a: {  	v0 =	vadd.f32 v2, v0;
	[tilespmem:s23+$0x13220] =	vst v4  }
0x35b: {  	[tilespmem:s23+$0x132A0] =	vst v1  }
0x35c: {  	s25 =	simm.s32 $0x0;
	[tilespmem:s23+$0x13320] =	vst v0  }
0x35d: {  	v1 =	vld [tilespmem:s25+$0x34B0]  }
0x35e: {  	v2 =	vld [tilespmem:s25+$0x126B0]  }
0x35f: {  	v3 =	vld [tilespmem:s25+$0xF4B0]  }
0x360: {  	v12 =	vld [tilespmem:s25+$0xFEB0]  }
0x361: {  	v11 =	vld [tilespmem:s25+$0x108B0]  }
0x362: {  	v9 =	vimm.f32 $0.0e+00;
	v10 =	vimm.f32 $0.0e+00;
	v5 =	vld [tilespmem:s25+$0x112B0]  }
0x363: {  	s24 =	simm.s32 $0x80;
	v8 =	vimm.f32 $0.0e+00;
	v4 =	vimm.f32 $0.0e+00;
	v6 =	vld [tilespmem:s25+$0x11CB0];
	v7 =	vmul.f32 v2, v1  }
0x364: {  	v0 =	vimm.f32 $0.0e+00;
	s25 =	simm.s32 $0x400;
	v13 =	vmul.f32 v3, v1;
	v2 =	vld [tilespmem:s24+$0x34B0];
	v3 =	vimm.f32 $0.0e+00  }
.LBB2_57:
0x365: {  	p0 =	sne.s32 s25, $0x2600;
	v14 =	vld [tilespmem:s24+$0x126B0];
	v15 =	vmul.f32 v12, v1;
	v0 =	vadd.f32 v7, v0  }
0x366: {  	v16 =	vld [tilespmem:s24+$0xF4B0];
	v8 =	vadd.f32 v13, v8;
	v7 =	vmul.f32 v11, v1  }
.Ltmp28:
0x367: {  	v12 =	vld [tilespmem:s24+$0xFEB0];
	v9 =	vadd.f32 v15, v9;
	v13 =	vmul.f32 v5, v1;
	(pc) =	sbr.rel @p0 .LBB2_57-.Ltmp28, $4  }
0x368: {  	v11 =	vld [tilespmem:s24+$0x108B0];
	v10 =	vadd.f32 v7, v10;
	v15 =	vmul.f32 v6, v1  }
0x369: {  	v5 =	vld [tilespmem:s24+$0x112B0];
	v4 =	vadd.f32 v13, v4;
	v1 =	vmov v2  }
0x36a: {  	v6 =	vld [tilespmem:s24+$0x11CB0];
	s24 =	sshra.s32 s25, $0x2;
	v7 =	vmul.f32 v14, v1;
	v3 =	vadd.f32 v15, v3  }
0x36b: {  	s25 =	sadd.s32 $0x200, s25;
	v2 =	vld [tilespmem:s24+$0x34B0];
	v13 =	vmul.f32 v16, v1  }
0x36c: {  	v14 =	vld [tilespmem:s24+$0xF4B0]  }
0x36d: {  	v15 =	vld [tilespmem:s24+$0xFEB0]  }
0x36e: {  	v16 =	vld [tilespmem:s24+$0x108B0]  }
0x36f: {  	v12 =	vmul.f32 v12, v1;
	v17 =	vld [tilespmem:s24+$0x112B0]  }
0x370: {  	v18 =	vld [tilespmem:s24+$0x11CB0];
	v11 =	vmul.f32 v11, v1  }
0x371: {  	v8 =	vadd.f32 v13, v8;
	v9 =	vadd.f32 v12, v9;
	v12 =	vld [tilespmem:s24+$0x126B0];
	v13 =	vmul.f32 v14, v2  }
0x372: {  	v5 =	vmul.f32 v5, v1;
	v10 =	vadd.f32 v11, v10;
	v11 =	vmul.f32 v15, v2  }
0x373: {  	v1 =	vmul.f32 v6, v1;
	v6 =	vadd.f32 v13, v8;
	v8 =	vmul.f32 v16, v2  }
0x374: {  	v4 =	vadd.f32 v5, v4;
	v5 =	vadd.f32 v11, v9;
	v9 =	vmul.f32 v17, v2  }
0x375: {  	v1 =	vadd.f32 v1, v3;
	v3 =	vadd.f32 v8, v10;
	v8 =	vmul.f32 v18, v2;
	[tilespmem:s23+$0x130B0] =	vst v6  }
0x376: {  	v0 =	vadd.f32 v7, v0;
	v2 =	vmul.f32 v12, v2;
	v4 =	vadd.f32 v9, v4;
	[tilespmem:s23+$0x13130] =	vst v5  }
0x377: {  	v1 =	vadd.f32 v8, v1;
	[tilespmem:s23+$0x131B0] =	vst v3  }
0x378: {  	v0 =	vadd.f32 v2, v0;
	[tilespmem:s23+$0x13230] =	vst v4  }
0x379: {  	[tilespmem:s23+$0x132B0] =	vst v1  }
0x37a: {  	s25 =	simm.s32 $0x0;
	[tilespmem:s23+$0x13330] =	vst v0  }
0x37b: {  	v1 =	vld [tilespmem:s25+$0x34C0]  }
0x37c: {  	v2 =	vld [tilespmem:s25+$0x126C0]  }
0x37d: {  	v3 =	vld [tilespmem:s25+$0xF4C0]  }
0x37e: {  	v12 =	vld [tilespmem:s25+$0xFEC0]  }
0x37f: {  	v11 =	vld [tilespmem:s25+$0x108C0]  }
0x380: {  	v9 =	vimm.f32 $0.0e+00;
	v10 =	vimm.f32 $0.0e+00;
	v5 =	vld [tilespmem:s25+$0x112C0]  }
0x381: {  	s24 =	simm.s32 $0x80;
	v8 =	vimm.f32 $0.0e+00;
	v4 =	vimm.f32 $0.0e+00;
	v6 =	vld [tilespmem:s25+$0x11CC0];
	v7 =	vmul.f32 v2, v1  }
0x382: {  	v0 =	vimm.f32 $0.0e+00;
	s25 =	simm.s32 $0x400;
	v13 =	vmul.f32 v3, v1;
	v2 =	vld [tilespmem:s24+$0x34C0];
	v3 =	vimm.f32 $0.0e+00  }
.LBB2_59:
0x383: {  	p0 =	sne.s32 s25, $0x2600;
	v14 =	vld [tilespmem:s24+$0x126C0];
	v15 =	vmul.f32 v12, v1;
	v0 =	vadd.f32 v7, v0  }
0x384: {  	v16 =	vld [tilespmem:s24+$0xF4C0];
	v8 =	vadd.f32 v13, v8;
	v7 =	vmul.f32 v11, v1  }
.Ltmp29:
0x385: {  	v12 =	vld [tilespmem:s24+$0xFEC0];
	v9 =	vadd.f32 v15, v9;
	v13 =	vmul.f32 v5, v1;
	(pc) =	sbr.rel @p0 .LBB2_59-.Ltmp29, $4  }
0x386: {  	v11 =	vld [tilespmem:s24+$0x108C0];
	v10 =	vadd.f32 v7, v10;
	v15 =	vmul.f32 v6, v1  }
0x387: {  	v5 =	vld [tilespmem:s24+$0x112C0];
	v4 =	vadd.f32 v13, v4;
	v1 =	vmov v2  }
0x388: {  	v6 =	vld [tilespmem:s24+$0x11CC0];
	s24 =	sshra.s32 s25, $0x2;
	v7 =	vmul.f32 v14, v1;
	v3 =	vadd.f32 v15, v3  }
0x389: {  	s25 =	sadd.s32 $0x200, s25;
	v2 =	vld [tilespmem:s24+$0x34C0];
	v13 =	vmul.f32 v16, v1  }
0x38a: {  	v14 =	vld [tilespmem:s24+$0xF4C0]  }
0x38b: {  	v15 =	vld [tilespmem:s24+$0xFEC0]  }
0x38c: {  	v16 =	vld [tilespmem:s24+$0x108C0]  }
0x38d: {  	v12 =	vmul.f32 v12, v1;
	v17 =	vld [tilespmem:s24+$0x112C0]  }
0x38e: {  	v18 =	vld [tilespmem:s24+$0x11CC0];
	v11 =	vmul.f32 v11, v1  }
0x38f: {  	v8 =	vadd.f32 v13, v8;
	v9 =	vadd.f32 v12, v9;
	v12 =	vld [tilespmem:s24+$0x126C0];
	v13 =	vmul.f32 v14, v2  }
0x390: {  	v5 =	vmul.f32 v5, v1;
	v10 =	vadd.f32 v11, v10;
	v11 =	vmul.f32 v15, v2  }
0x391: {  	v1 =	vmul.f32 v6, v1;
	v6 =	vadd.f32 v13, v8;
	v8 =	vmul.f32 v16, v2  }
0x392: {  	v4 =	vadd.f32 v5, v4;
	v5 =	vadd.f32 v11, v9;
	v9 =	vmul.f32 v17, v2  }
0x393: {  	v1 =	vadd.f32 v1, v3;
	v3 =	vadd.f32 v8, v10;
	v8 =	vmul.f32 v18, v2;
	[tilespmem:s23+$0x130C0] =	vst v6  }
0x394: {  	v0 =	vadd.f32 v7, v0;
	v2 =	vmul.f32 v12, v2;
	v4 =	vadd.f32 v9, v4;
	[tilespmem:s23+$0x13140] =	vst v5  }
0x395: {  	v1 =	vadd.f32 v8, v1;
	[tilespmem:s23+$0x131C0] =	vst v3  }
0x396: {  	v0 =	vadd.f32 v2, v0;
	[tilespmem:s23+$0x13240] =	vst v4  }
0x397: {  	[tilespmem:s23+$0x132C0] =	vst v1  }
0x398: {  	s25 =	simm.s32 $0x0;
	[tilespmem:s23+$0x13340] =	vst v0  }
0x399: {  	v1 =	vld [tilespmem:s25+$0x34D0]  }
0x39a: {  	v2 =	vld [tilespmem:s25+$0x126D0]  }
0x39b: {  	v3 =	vld [tilespmem:s25+$0xF4D0]  }
0x39c: {  	v12 =	vld [tilespmem:s25+$0xFED0]  }
0x39d: {  	v11 =	vld [tilespmem:s25+$0x108D0]  }
0x39e: {  	v9 =	vimm.f32 $0.0e+00;
	v10 =	vimm.f32 $0.0e+00;
	v5 =	vld [tilespmem:s25+$0x112D0]  }
0x39f: {  	s24 =	simm.s32 $0x80;
	v8 =	vimm.f32 $0.0e+00;
	v4 =	vimm.f32 $0.0e+00;
	v6 =	vld [tilespmem:s25+$0x11CD0];
	v7 =	vmul.f32 v2, v1  }
0x3a0: {  	v0 =	vimm.f32 $0.0e+00;
	s25 =	simm.s32 $0x400;
	v13 =	vmul.f32 v3, v1;
	v2 =	vld [tilespmem:s24+$0x34D0];
	v3 =	vimm.f32 $0.0e+00  }
.LBB2_61:
0x3a1: {  	p0 =	sne.s32 s25, $0x2600;
	v14 =	vld [tilespmem:s24+$0x126D0];
	v15 =	vmul.f32 v12, v1;
	v0 =	vadd.f32 v7, v0  }
0x3a2: {  	v16 =	vld [tilespmem:s24+$0xF4D0];
	v8 =	vadd.f32 v13, v8;
	v7 =	vmul.f32 v11, v1  }
.Ltmp30:
0x3a3: {  	v12 =	vld [tilespmem:s24+$0xFED0];
	v9 =	vadd.f32 v15, v9;
	v13 =	vmul.f32 v5, v1;
	(pc) =	sbr.rel @p0 .LBB2_61-.Ltmp30, $4  }
0x3a4: {  	v11 =	vld [tilespmem:s24+$0x108D0];
	v10 =	vadd.f32 v7, v10;
	v15 =	vmul.f32 v6, v1  }
0x3a5: {  	v5 =	vld [tilespmem:s24+$0x112D0];
	v4 =	vadd.f32 v13, v4;
	v1 =	vmov v2  }
0x3a6: {  	v6 =	vld [tilespmem:s24+$0x11CD0];
	s24 =	sshra.s32 s25, $0x2;
	v7 =	vmul.f32 v14, v1;
	v3 =	vadd.f32 v15, v3  }
0x3a7: {  	s25 =	sadd.s32 $0x200, s25;
	v2 =	vld [tilespmem:s24+$0x34D0];
	v13 =	vmul.f32 v16, v1  }
0x3a8: {  	v14 =	vld [tilespmem:s24+$0xF4D0]  }
0x3a9: {  	v15 =	vld [tilespmem:s24+$0xFED0]  }
0x3aa: {  	v16 =	vld [tilespmem:s24+$0x108D0]  }
0x3ab: {  	v12 =	vmul.f32 v12, v1;
	v17 =	vld [tilespmem:s24+$0x112D0]  }
0x3ac: {  	v18 =	vld [tilespmem:s24+$0x11CD0];
	v11 =	vmul.f32 v11, v1  }
0x3ad: {  	v8 =	vadd.f32 v13, v8;
	v9 =	vadd.f32 v12, v9;
	v12 =	vld [tilespmem:s24+$0x126D0];
	v13 =	vmul.f32 v14, v2  }
0x3ae: {  	v5 =	vmul.f32 v5, v1;
	v10 =	vadd.f32 v11, v10;
	v11 =	vmul.f32 v15, v2  }
0x3af: {  	v1 =	vmul.f32 v6, v1;
	v6 =	vadd.f32 v13, v8;
	v8 =	vmul.f32 v16, v2  }
0x3b0: {  	v4 =	vadd.f32 v5, v4;
	v5 =	vadd.f32 v11, v9;
	v9 =	vmul.f32 v17, v2  }
0x3b1: {  	v1 =	vadd.f32 v1, v3;
	v3 =	vadd.f32 v8, v10;
	v8 =	vmul.f32 v18, v2;
	[tilespmem:s23+$0x130D0] =	vst v6  }
0x3b2: {  	v0 =	vadd.f32 v7, v0;
	v2 =	vmul.f32 v12, v2;
	v4 =	vadd.f32 v9, v4;
	[tilespmem:s23+$0x13150] =	vst v5  }
0x3b3: {  	v1 =	vadd.f32 v8, v1;
	[tilespmem:s23+$0x131D0] =	vst v3  }
0x3b4: {  	v0 =	vadd.f32 v2, v0;
	[tilespmem:s23+$0x13250] =	vst v4  }
0x3b5: {  	[tilespmem:s23+$0x132D0] =	vst v1  }
0x3b6: {  	s25 =	simm.s32 $0x0;
	[tilespmem:s23+$0x13350] =	vst v0  }
0x3b7: {  	v1 =	vld [tilespmem:s25+$0x34E0]  }
0x3b8: {  	v2 =	vld [tilespmem:s25+$0x126E0]  }
0x3b9: {  	v3 =	vld [tilespmem:s25+$0xF4E0]  }
0x3ba: {  	v12 =	vld [tilespmem:s25+$0xFEE0]  }
0x3bb: {  	v11 =	vld [tilespmem:s25+$0x108E0]  }
0x3bc: {  	v9 =	vimm.f32 $0.0e+00;
	v10 =	vimm.f32 $0.0e+00;
	v5 =	vld [tilespmem:s25+$0x112E0]  }
0x3bd: {  	s24 =	simm.s32 $0x80;
	v8 =	vimm.f32 $0.0e+00;
	v4 =	vimm.f32 $0.0e+00;
	v6 =	vld [tilespmem:s25+$0x11CE0];
	v7 =	vmul.f32 v2, v1  }
0x3be: {  	v0 =	vimm.f32 $0.0e+00;
	s25 =	simm.s32 $0x400;
	v13 =	vmul.f32 v3, v1;
	v2 =	vld [tilespmem:s24+$0x34E0];
	v3 =	vimm.f32 $0.0e+00  }
.LBB2_63:
0x3bf: {  	p0 =	sne.s32 s25, $0x2600;
	v14 =	vld [tilespmem:s24+$0x126E0];
	v15 =	vmul.f32 v12, v1;
	v0 =	vadd.f32 v7, v0  }
0x3c0: {  	v16 =	vld [tilespmem:s24+$0xF4E0];
	v8 =	vadd.f32 v13, v8;
	v7 =	vmul.f32 v11, v1  }
.Ltmp31:
0x3c1: {  	v12 =	vld [tilespmem:s24+$0xFEE0];
	v9 =	vadd.f32 v15, v9;
	v13 =	vmul.f32 v5, v1;
	(pc) =	sbr.rel @p0 .LBB2_63-.Ltmp31, $4  }
0x3c2: {  	v11 =	vld [tilespmem:s24+$0x108E0];
	v10 =	vadd.f32 v7, v10;
	v15 =	vmul.f32 v6, v1  }
0x3c3: {  	v5 =	vld [tilespmem:s24+$0x112E0];
	v4 =	vadd.f32 v13, v4;
	v1 =	vmov v2  }
0x3c4: {  	v6 =	vld [tilespmem:s24+$0x11CE0];
	s24 =	sshra.s32 s25, $0x2;
	v7 =	vmul.f32 v14, v1;
	v3 =	vadd.f32 v15, v3  }
0x3c5: {  	s25 =	sadd.s32 $0x200, s25;
	v2 =	vld [tilespmem:s24+$0x34E0];
	v13 =	vmul.f32 v16, v1  }
0x3c6: {  	v14 =	vld [tilespmem:s24+$0xF4E0]  }
0x3c7: {  	v15 =	vld [tilespmem:s24+$0xFEE0]  }
0x3c8: {  	v16 =	vld [tilespmem:s24+$0x108E0]  }
0x3c9: {  	v12 =	vmul.f32 v12, v1;
	v17 =	vld [tilespmem:s24+$0x112E0]  }
0x3ca: {  	v18 =	vld [tilespmem:s24+$0x11CE0];
	v11 =	vmul.f32 v11, v1  }
0x3cb: {  	v8 =	vadd.f32 v13, v8;
	v9 =	vadd.f32 v12, v9;
	v12 =	vld [tilespmem:s24+$0x126E0];
	v13 =	vmul.f32 v14, v2  }
0x3cc: {  	v5 =	vmul.f32 v5, v1;
	v10 =	vadd.f32 v11, v10;
	v11 =	vmul.f32 v15, v2  }
0x3cd: {  	v1 =	vmul.f32 v6, v1;
	v6 =	vadd.f32 v13, v8;
	v8 =	vmul.f32 v16, v2  }
0x3ce: {  	v4 =	vadd.f32 v5, v4;
	v5 =	vadd.f32 v11, v9;
	v9 =	vmul.f32 v17, v2  }
0x3cf: {  	v1 =	vadd.f32 v1, v3;
	v3 =	vadd.f32 v8, v10;
	v8 =	vmul.f32 v18, v2;
	[tilespmem:s23+$0x130E0] =	vst v6  }
0x3d0: {  	v0 =	vadd.f32 v7, v0;
	v2 =	vmul.f32 v12, v2;
	v4 =	vadd.f32 v9, v4;
	[tilespmem:s23+$0x13160] =	vst v5  }
0x3d1: {  	v1 =	vadd.f32 v8, v1;
	[tilespmem:s23+$0x131E0] =	vst v3  }
0x3d2: {  	v0 =	vadd.f32 v2, v0;
	[tilespmem:s23+$0x13260] =	vst v4  }
0x3d3: {  	[tilespmem:s23+$0x132E0] =	vst v1  }
0x3d4: {  	s25 =	simm.s32 $0x0;
	[tilespmem:s23+$0x13360] =	vst v0  }
0x3d5: {  	v1 =	vld [tilespmem:s25+$0x34F0]  }
0x3d6: {  	v2 =	vld [tilespmem:s25+$0x126F0]  }
0x3d7: {  	v3 =	vld [tilespmem:s25+$0xF4F0]  }
0x3d8: {  	v12 =	vld [tilespmem:s25+$0xFEF0]  }
0x3d9: {  	v11 =	vld [tilespmem:s25+$0x108F0]  }
0x3da: {  	v9 =	vimm.f32 $0.0e+00;
	v10 =	vimm.f32 $0.0e+00;
	v5 =	vld [tilespmem:s25+$0x112F0]  }
0x3db: {  	s24 =	simm.s32 $0x80;
	v8 =	vimm.f32 $0.0e+00;
	v4 =	vimm.f32 $0.0e+00;
	v6 =	vld [tilespmem:s25+$0x11CF0];
	v7 =	vmul.f32 v2, v1  }
0x3dc: {  	v0 =	vimm.f32 $0.0e+00;
	s25 =	simm.s32 $0x400;
	v13 =	vmul.f32 v3, v1;
	v2 =	vld [tilespmem:s24+$0x34F0];
	v3 =	vimm.f32 $0.0e+00  }
.LBB2_65:
0x3dd: {  	p0 =	sne.s32 s25, $0x2600;
	v14 =	vld [tilespmem:s24+$0x126F0];
	v15 =	vmul.f32 v12, v1;
	v0 =	vadd.f32 v7, v0  }
0x3de: {  	v16 =	vld [tilespmem:s24+$0xF4F0];
	v8 =	vadd.f32 v13, v8;
	v7 =	vmul.f32 v11, v1  }
.Ltmp32:
0x3df: {  	v12 =	vld [tilespmem:s24+$0xFEF0];
	v9 =	vadd.f32 v15, v9;
	v13 =	vmul.f32 v5, v1;
	(pc) =	sbr.rel @p0 .LBB2_65-.Ltmp32, $4  }
0x3e0: {  	v11 =	vld [tilespmem:s24+$0x108F0];
	v10 =	vadd.f32 v7, v10;
	v15 =	vmul.f32 v6, v1  }
0x3e1: {  	v5 =	vld [tilespmem:s24+$0x112F0];
	v4 =	vadd.f32 v13, v4;
	v1 =	vmov v2  }
0x3e2: {  	v6 =	vld [tilespmem:s24+$0x11CF0];
	s24 =	sshra.s32 s25, $0x2;
	v7 =	vmul.f32 v14, v1;
	v3 =	vadd.f32 v15, v3  }
0x3e3: {  	s25 =	sadd.s32 $0x200, s25;
	v2 =	vld [tilespmem:s24+$0x34F0];
	v13 =	vmul.f32 v16, v1  }
0x3e4: {  	v14 =	vld [tilespmem:s24+$0xF4F0]  }
0x3e5: {  	v15 =	vld [tilespmem:s24+$0xFEF0]  }
0x3e6: {  	v16 =	vld [tilespmem:s24+$0x108F0]  }
0x3e7: {  	v12 =	vmul.f32 v12, v1;
	v17 =	vld [tilespmem:s24+$0x112F0]  }
0x3e8: {  	v18 =	vld [tilespmem:s24+$0x11CF0];
	v11 =	vmul.f32 v11, v1  }
0x3e9: {  	v53 =	vld [tilespmem:s24+$0x126F0];
	v8 =	vadd.f32 v13, v8;
	v9 =	vadd.f32 v12, v9;
	v54 =	vmul.f32 v14, v2  }
0x3ea: {  	v5 =	vmul.f32 v5, v1;
	v10 =	vadd.f32 v11, v10;
	v55 =	vmul.f32 v15, v2  }
0x3eb: {  	v56 =	vmul.f32 v6, v1;
	v58 =	vmul.f32 v16, v2;
	v57 =	vadd.f32 v54, v8  }
0x3ec: {  	v4 =	vadd.f32 v5, v4;
	v60 =	vmul.f32 v17, v2;
	v59 =	vadd.f32 v55, v9  }
0x3ed: {  	p0 =	seq.s32 s22, $0xD;
	v1 =	vadd.f32 v56, v3;
	v62 =	vmul.f32 v18, v2;
	v61 =	vadd.f32 v58, v10;
	[tilespmem:s23+$0x130F0] =	vst v57  }
.Ltmp33:
0x3ee: {  	v0 =	vadd.f32 v7, v0;
	v63 =	vmul.f32 v53, v2;
	v4 =	vadd.f32 v60, v4;
	[tilespmem:s23+$0x13170] =	vst v59;
	(pc) =	sbr.rel @p0 .LBB2_70-.Ltmp33, $4  }
0x3ef: {  	v1 =	vadd.f32 v62, v1;
	[tilespmem:s23+$0x131F0] =	vst v61  }
0x3f0: {  	v0 =	vadd.f32 v63, v0;
	[tilespmem:s23+$0x13270] =	vst v4  }
0x3f1: {  	[tilespmem:s23+$0x132F0] =	vst v1  }
0x3f2: {  	[tilespmem:s23+$0x13370] =	vst v0  }
0x3f3: {  	p0 =	seq.s32 s22, $0x1B  }
.Ltmp34:
0x3f4: {  	_ = 	snop;
	(pc) =	sbr.rel @!p0 .LBB2_71-.Ltmp34, $1  }
0x3f5: {  	_ =	sdelay $0x3  }
0x3f6: {  	s21 =	sadd.s32 $0x1, s21  }
0x3f7: {  	p0 =	sne.s32 s21, s8  }
.Ltmp35:
0x3f8: {  	_ = 	snop;
	(pc) =	sbr.rel @p0 .LBB2_1-.Ltmp35, $4  }
0x3f9: {  	[hbm4b:s7+s4] =	stream.linear.scatter [tilespmem:s20], [sflag:$0x6], $0xA800, $0x38;
	[tilespmem:$0x1D880] =	vst v63  }
0x3fa: {  	_ =	swait.ge [sflag:s9], $0xA800  }
0x3fb: {  	[sflag:s9] =	ssyncset.done $0x0  }
0x3fc: {  	[sflag:s9] =	ssyncadd.s32 $0xFFFF5800  }
0x3fd: {  	_ =	sfence.sel $0x180000  }
0x3fe: {  	[bflag:$0x0] =	sbarrier.arrive $0xFFFF  }
0x3ff: {  	p0 =	sne.s32 s0, $0x0;
	_ =	strace $0x90000047  }
0x400: {  	s0 =	sadd.s32 @!p0 $0x100000, s2;
	[bflag:$0x2] =	sbarrier.arrive $0xFFFF  }
0x401: {  	[sflag:s0] =	ssyncadd.tile.s32 @!p0 $0x1;
	_ =	shalt  }
.Lfunc_end2:
_tile_overlayer_lowered:
.L_overlay_start_2:
0x402: {  	(tag) =	ssettag $0x2  }
0x403: {  	s0 =	rddreg [dreg:$0x0];
	s2 =	stileid.u32  }
0x404: {  	s1 =	rddreg [dreg:$0x1];
	p0 =	sne.s32 s2, $0x0  }
0x405: {  	s3 =	rddreg [dreg:$0x2];
	[bflag:$0x3] =	sbarrier.arrive $0xFFFF;
	s2 =	simm.s32 @!p0 $0x1C06  }
0x406: {  	[timem:s3], [sflag:s2] =	dma.local @!p0 [hbm:s0], s1  }
0x407: {  	s0 =	simm.s32 @!p0 $0x6  }
0x408: {  	_ =	swait.ge @!p0 [sflag:s0], s1  }
0x409: {  	s1 =	ssub.s32 @!p0 $0x0, s1;
	[sflag:s0] =	ssyncset.done @!p0 $0x0  }
0x40a: {  	[sflag:s0] =	ssyncadd.s32 @!p0 s1  }
0x40b: {  	[bflag:$0x3] =	sbarrier.arrive $0xFFFF  }
0x40c: {  	_ =	shalt  }

</sc_bundles>
